<compile_context>
chip_gen: v7x
topology: tpu7x:2x2x1
jax: 0.10.2.dev20260603
libtpu: 0.0.44.dev20260713+nightly
codegen_flags: <defaults>
</compile_context>

<pallas_src>
import functools

import jax
import jax.numpy as jnp
from jax import lax
from jax.experimental import pallas as pl
from jax.experimental.pallas import tpu as pltpu
from jax.experimental.pallas import tpu_sc as plsc

N = 10000
E = 320000
D_IN = 128
D_HID = 16
N_CLS = 40

NC = 2
NS = 16
NW = NC * NS
CH = 128
NCH = E // CH
KT = NCH // NW
KREM = NCH - KT * NW
NPAD = 10240
ROWS = NPAD // NS
NB = 8
NGRP = KT // NB
NTAIL = KT - NGRP * NB

_MESH = plsc.VectorSubcoreMesh(core_axis_name="c", subcore_axis_name="s")
_SC_PARAMS = pltpu.CompilerParams(use_tc_tiling_on_sc=False)



@functools.partial(
    pl.kernel,
    out_type=jax.ShapeDtypeStruct((NC, NPAD), jnp.float32),
    mesh=_MESH,
    compiler_params=_SC_PARAMS,
    scratch_types=[
        pltpu.VMEM((KT, CH), jnp.int32),
        pltpu.VMEM((1, CH), jnp.int32),
        pltpu.VMEM((CH,), jnp.float32),
        pltpu.VMEM_SHARED((NPAD,), jnp.float32),
    ] + [pltpu.SemaphoreType.DMA] * NB,
)
def _deg_kernel(edge_hbm, zeros_hbm, ones_hbm, out_hbm,
                idx_v, xidx_v, ones_v, deg_sh, *sems):
    cid = lax.axis_index("c")
    sid = lax.axis_index("s")
    g = sid * NC + cid
    pltpu.sync_copy(zeros_hbm.at[pl.ds(sid * ROWS, ROWS)],
                    deg_sh.at[pl.ds(sid * ROWS, ROWS)])
    pltpu.sync_copy(ones_hbm, ones_v)
    pltpu.sync_copy(edge_hbm.at[1, pl.ds(g * KT, KT)], idx_v)

    @pl.when(g < KREM)
    def _():
        pltpu.sync_copy(edge_hbm.at[1, pl.ds(NW * KT + g, 1)], xidx_v)

    plsc.subcore_barrier()

    def body(gi, carry):
        base = gi * NB
        cps = [pltpu.async_copy(ones_v, deg_sh.at[idx_v.at[base + b]],
                                sems[b], add=True)
               for b in range(NB)]
        for cp in cps:
            cp.wait()
        return carry

    lax.fori_loop(0, NGRP, body, 0)
    tcps = [pltpu.async_copy(ones_v, deg_sh.at[idx_v.at[NGRP * NB + b]],
                             sems[b], add=True)
            for b in range(NTAIL)]
    for cp in tcps:
        cp.wait()

    @pl.when(g < KREM)
    def _():
        pltpu.async_copy(ones_v, deg_sh.at[xidx_v.at[0]],
                         sems[0], add=True).wait()

    plsc.subcore_barrier()
    pltpu.sync_copy(deg_sh.at[pl.ds(sid * ROWS, ROWS)],
                    out_hbm.at[cid, pl.ds(sid * ROWS, ROWS)])


def _make_agg_kernel(D):

    @functools.partial(
        pl.kernel,
        out_type=jax.ShapeDtypeStruct((NC, NPAD, D), jnp.float32),
        mesh=_MESH,
        compiler_params=_SC_PARAMS,
        scratch_types=[
            pltpu.VMEM((KT, CH), jnp.int32),
            pltpu.VMEM((KT, CH), jnp.int32),
            pltpu.VMEM((1, CH), jnp.int32),
            pltpu.VMEM((1, CH), jnp.int32),
            pltpu.VMEM_SHARED((NPAD, D), jnp.float32),
            pltpu.VMEM_SHARED((N, D), jnp.float32),
        ] + [pltpu.VMEM((CH, D), jnp.float32)] * NB
          + [pltpu.SemaphoreType.DMA] * (2 * NB),
    )
    def agg(edge_hbm, hs_hbm, zeros_hbm, out_hbm,
            src_v, dst_v, xsrc_v, xdst_v, agg_sh, hs_sh, *bufs_sems):
        rb = bufs_sems[:NB]
        gsem = bufs_sems[NB:2 * NB]
        ssem = bufs_sems[2 * NB:]
        cid = lax.axis_index("c")
        sid = lax.axis_index("s")
        g = sid * NC + cid
        pltpu.sync_copy(zeros_hbm.at[pl.ds(sid * ROWS, ROWS)],
                        agg_sh.at[pl.ds(sid * ROWS, ROWS)])
        pltpu.sync_copy(edge_hbm.at[0, pl.ds(g * KT, KT)], src_v)
        pltpu.sync_copy(edge_hbm.at[1, pl.ds(g * KT, KT)], dst_v)

        @pl.when(g < KREM)
        def _():
            pltpu.sync_copy(edge_hbm.at[0, pl.ds(NW * KT + g, 1)], xsrc_v)
            pltpu.sync_copy(edge_hbm.at[1, pl.ds(NW * KT + g, 1)], xdst_v)

        pltpu.sync_copy(hs_hbm.at[pl.ds(sid * (N // NS), N // NS)],
                        hs_sh.at[pl.ds(sid * (N // NS), N // NS)])
        plsc.subcore_barrier()

        def pair(b, src_row, dst_row):
            cp = pltpu.async_copy(hs_sh.at[src_row], rb[b], gsem[b])
            return cp, dst_row

        def body(gi, carry):
            base = gi * NB
            gcps = [pltpu.async_copy(hs_sh.at[src_v.at[base + b]],
                                     rb[b], gsem[b])
                    for b in range(NB)]
            scps = []
            for b in range(NB):
                gcps[b].wait()
                scps.append(pltpu.async_copy(
                    rb[b], agg_sh.at[dst_v.at[base + b]], ssem[b], add=True))
            for cp in scps:
                cp.wait()
            return carry

        lax.fori_loop(0, NGRP, body, 0)

        base = NGRP * NB
        gcps = [pltpu.async_copy(hs_sh.at[src_v.at[base + b]], rb[b], gsem[b])
                for b in range(NTAIL)]
        scps = []
        for b in range(NTAIL):
            gcps[b].wait()
            scps.append(pltpu.async_copy(
                rb[b], agg_sh.at[dst_v.at[base + b]], ssem[b], add=True))
        for cp in scps:
            cp.wait()

        @pl.when(g < KREM)
        def _():
            pltpu.async_copy(hs_sh.at[xsrc_v.at[0]], rb[0], gsem[0]).wait()
            pltpu.async_copy(rb[0], agg_sh.at[xdst_v.at[0]],
                             ssem[0], add=True).wait()

        plsc.subcore_barrier()
        pltpu.sync_copy(agg_sh.at[pl.ds(sid * ROWS, ROWS)],
                        out_hbm.at[cid, pl.ds(sid * ROWS, ROWS)])

    return agg


_agg16 = _make_agg_kernel(D_HID)
_agg40 = _make_agg_kernel(N_CLS)



_GRID_R = 2000
_GRID = N // _GRID_R


def _inv_hs1_body(d_ref, x_ref, w_ref, inv_ref, hs_ref):
    deg = d_ref[0] + d_ref[1] + 1.0
    inv = lax.rsqrt(jnp.maximum(deg, 1.0))
    inv_ref[...] = inv
    hs_ref[...] = jnp.dot(x_ref[...], w_ref[...],
                          preferred_element_type=jnp.float32) * inv


def _inv_hs1(degp, x, w0):
    return pl.pallas_call(
        _inv_hs1_body,
        grid=(_GRID,),
        in_specs=[
            pl.BlockSpec((NC, _GRID_R, 1), lambda i: (0, i, 0)),
            pl.BlockSpec((_GRID_R, D_IN), lambda i: (i, 0)),
            pl.BlockSpec((D_IN, D_HID), lambda i: (0, 0)),
        ],
        out_specs=[
            pl.BlockSpec((_GRID_R, 1), lambda i: (i, 0)),
            pl.BlockSpec((_GRID_R, D_HID), lambda i: (i, 0)),
        ],
        out_shape=[
            jax.ShapeDtypeStruct((N, 1), jnp.float32),
            jax.ShapeDtypeStruct((N, D_HID), jnp.float32),
        ],
    )(degp, x, w0)


def _layer1_hs2_body(p_ref, hs1_ref, inv_ref, b0_ref, w1_ref, hs2_ref):
    agg = p_ref[0] + p_ref[1] + hs1_ref[...]
    out1 = jnp.maximum(agg * inv_ref[...] + b0_ref[...], 0.0)
    hs2_ref[...] = jnp.dot(out1, w1_ref[...],
                           preferred_element_type=jnp.float32) * inv_ref[...]


def _layer1_hs2(p1, hs1, inv, b0r, w1):
    return pl.pallas_call(
        _layer1_hs2_body,
        grid=(_GRID,),
        in_specs=[
            pl.BlockSpec((NC, _GRID_R, D_HID), lambda i: (0, i, 0)),
            pl.BlockSpec((_GRID_R, D_HID), lambda i: (i, 0)),
            pl.BlockSpec((_GRID_R, 1), lambda i: (i, 0)),
            pl.BlockSpec((1, D_HID), lambda i: (0, 0)),
            pl.BlockSpec((D_HID, N_CLS), lambda i: (0, 0)),
        ],
        out_specs=pl.BlockSpec((_GRID_R, N_CLS), lambda i: (i, 0)),
        out_shape=jax.ShapeDtypeStruct((N, N_CLS), jnp.float32),
    )(p1, hs1, inv, b0r, w1)


def _layer2_out_body(p_ref, hs2_ref, inv_ref, b1_ref, out_ref):
    agg = p_ref[0] + p_ref[1] + hs2_ref[...]
    out_ref[...] = agg * inv_ref[...] + b1_ref[...]


def _layer2_out(p2, hs2, inv, b1r):
    return pl.pallas_call(
        _layer2_out_body,
        grid=(_GRID,),
        in_specs=[
            pl.BlockSpec((NC, _GRID_R, N_CLS), lambda i: (0, i, 0)),
            pl.BlockSpec((_GRID_R, N_CLS), lambda i: (i, 0)),
            pl.BlockSpec((_GRID_R, 1), lambda i: (i, 0)),
            pl.BlockSpec((1, N_CLS), lambda i: (0, 0)),
        ],
        out_specs=pl.BlockSpec((_GRID_R, N_CLS), lambda i: (i, 0)),
        out_shape=jax.ShapeDtypeStruct((N, N_CLS), jnp.float32),
    )(p2, hs2, inv, b1r)



def kernel(x, edge_index, W0, b0, W1, b1):
    edge_t = edge_index.astype(jnp.int32).reshape(2, NCH, CH)

    z1 = jnp.zeros((NPAD,), jnp.float32)
    z16 = jnp.zeros((NPAD, D_HID), jnp.float32)
    z40 = jnp.zeros((NPAD, N_CLS), jnp.float32)
    ones = jnp.ones((CH,), jnp.float32)

    degp = _deg_kernel(edge_t, z1, ones)
    inv, hs1 = _inv_hs1(degp.reshape(NC, NPAD, 1), x, W0)

    p1 = _agg16(edge_t, hs1, z16)
    hs2 = _layer1_hs2(p1, hs1, inv, b0.reshape(1, D_HID), W1)

    p2 = _agg40(edge_t, hs2, z40)
    return _layer2_out(p2, hs2, inv, b1.reshape(1, N_CLS))

# --- scband reference (transcript-rebuilt; emitter-appended) ---
"""Pipeline reference for scband-gcnmodel-80625126080586 (READ-ONLY COPY).

The authoritative reference and input builder live on the scoring server;
editing this copy changes nothing except your own understanding.
"""

import jax, jax.numpy as jnp
import numpy as np

N = 10000
E = 320000
D_IN = 128
D_HID = 16
N_CLS = 40


def setup_inputs(seed: int = 0) -> dict:
    key = jax.random.key(seed)
    k1, k2, k3, k4, k5, k6 = jax.random.split(key, 6)
    x = jax.random.normal(k1, (N, D_IN), dtype=jnp.float32)
    edge_index = jax.random.randint(k2, (2, E), 0, N, dtype=jnp.int64)
    W0 = jax.random.normal(k3, (D_IN, D_HID), dtype=jnp.float32) * (1.0 / np.sqrt(D_IN))
    b0 = jnp.zeros((D_HID,), dtype=jnp.float32)
    W1 = jax.random.normal(k4, (D_HID, N_CLS), dtype=jnp.float32) * (1.0 / np.sqrt(D_HID))
    b1 = jnp.zeros((N_CLS,), dtype=jnp.float32)
    return {"x": x, "edge_index": edge_index, "W0": W0, "b0": b0, "W1": W1, "b1": b1}


def gcn_layer(x, edge_index, W, b):
    # GCN propagation with self-loops and symmetric normalization:
    # out = D^{-1/2} (A + I) D^{-1/2} X W + b
    n = x.shape[0]
    src = edge_index[0]
    dst = edge_index[1]
    loop = jnp.arange(n, dtype=src.dtype)
    src = jnp.concatenate([src, loop])
    dst = jnp.concatenate([dst, loop])
    deg = jax.ops.segment_sum(jnp.ones_like(src, dtype=x.dtype), dst, num_segments=n)
    inv_sqrt_deg = jax.lax.rsqrt(jnp.maximum(deg, 1.0))
    norm = inv_sqrt_deg[src] * inv_sqrt_deg[dst]
    h = x @ W
    msg = h[src] * norm[:, None]
    out = jax.ops.segment_sum(msg, dst, num_segments=n)
    return out + b


def reference(x, edge_index, W0, b0, W1, b1):
    # Dropout is deterministic at inference (training=False) -> identity.
    h = gcn_layer(x, edge_index, W0, b0)
    h = jax.nn.relu(h)
    h = gcn_layer(h, edge_index, W1, b1)
    return h

if __name__ == "__main__":
    import jax
    _d = setup_inputs()
    print(jax.jit(kernel)(*tuple(_d.values())))

</pallas_src>

<mosaic_0001>
#map = affine_map<(d0, d1) -> (0, 0, 0)>
#map1 = affine_map<(d0, d1) -> (0, 0)>
module attributes {stable_mosaic.version = 14 : i64} {
  func.func @agg(%arg0: i32, %arg1: i32, %arg2: memref<2x2500x128xi32, #tpu.memory_space<hbm>>, %arg3: memref<10000x16xf32, #tpu.memory_space<hbm>>, %arg4: memref<10240x16xf32, #tpu.memory_space<hbm>>, %arg5: memref<2x10240x16xf32, #tpu.memory_space<hbm>>, %arg6: memref<78x128xi32, #tpu.memory_space<vmem>>, %arg7: memref<78x128xi32, #tpu.memory_space<vmem>>, %arg8: memref<1x128xi32, #tpu.memory_space<vmem>>, %arg9: memref<1x128xi32, #tpu.memory_space<vmem>>, %arg10: memref<10240x16xf32, #tpu.memory_space<vmem_shared>>, %arg11: memref<10000x16xf32, #tpu.memory_space<vmem_shared>>, %arg12: memref<128x16xf32, #tpu.memory_space<vmem>>, %arg13: memref<128x16xf32, #tpu.memory_space<vmem>>, %arg14: memref<128x16xf32, #tpu.memory_space<vmem>>, %arg15: memref<128x16xf32, #tpu.memory_space<vmem>>, %arg16: memref<128x16xf32, #tpu.memory_space<vmem>>, %arg17: memref<128x16xf32, #tpu.memory_space<vmem>>, %arg18: memref<128x16xf32, #tpu.memory_space<vmem>>, %arg19: memref<128x16xf32, #tpu.memory_space<vmem>>, %arg20: memref<!tpu.dma_semaphore, #tpu.memory_space<semaphore_mem>>, %arg21: memref<!tpu.dma_semaphore, #tpu.memory_space<semaphore_mem>>, %arg22: memref<!tpu.dma_semaphore, #tpu.memory_space<semaphore_mem>>, %arg23: memref<!tpu.dma_semaphore, #tpu.memory_space<semaphore_mem>>, %arg24: memref<!tpu.dma_semaphore, #tpu.memory_space<semaphore_mem>>, %arg25: memref<!tpu.dma_semaphore, #tpu.memory_space<semaphore_mem>>, %arg26: memref<!tpu.dma_semaphore, #tpu.memory_space<semaphore_mem>>, %arg27: memref<!tpu.dma_semaphore, #tpu.memory_space<semaphore_mem>>, %arg28: memref<!tpu.dma_semaphore, #tpu.memory_space<semaphore_mem>>, %arg29: memref<!tpu.dma_semaphore, #tpu.memory_space<semaphore_mem>>, %arg30: memref<!tpu.dma_semaphore, #tpu.memory_space<semaphore_mem>>, %arg31: memref<!tpu.dma_semaphore, #tpu.memory_space<semaphore_mem>>, %arg32: memref<!tpu.dma_semaphore, #tpu.memory_space<semaphore_mem>>, %arg33: memref<!tpu.dma_semaphore, #tpu.memory_space<semaphore_mem>>, %arg34: memref<!tpu.dma_semaphore, #tpu.memory_space<semaphore_mem>>, %arg35: memref<!tpu.dma_semaphore, #tpu.memory_space<semaphore_mem>>) attributes {dimension_semantics = [#tpu.dimension_semantics<core_parallel>, #tpu.dimension_semantics<subcore_parallel>], iteration_bounds = array<i64: 2, 16>, scalar_prefetch = 0 : i64, scratch_operands = 30 : i64, tpu.core_type = #tpu.core_type<sc_vector_subcore>, window_params = [{transform_indices = #map}, {transform_indices = #map1}, {transform_indices = #map1}, {transform_indices = #map}]} {
    %mul3A = arith.constant 2 : i32
    %mul3A_0 = arith.muli %arg1, %mul3A : i32
    %add3A = arith.addi %mul3A_0, %arg0 : i32
    %mul3A_1 = arith.constant 640 : i32
    %mul3A_2 = arith.muli %arg1, %mul3A_1 : i32
    %mul3A_3 = arith.constant 640 : i32
    %mul3A_4 = arith.muli %arg1, %mul3A_3 : i32
    "tpu.region"() ({
      %run_scoped3A_197 = tpu.sem_alloc : memref<!tpu.dma_semaphore, #tpu.memory_space<semaphore_mem>>
      %dma_start3A_198 = arith.constant 0 : i32
      %dma_start3A_199 = tpu.memref_slice %arg10[%mul3A_4, %dma_start3A_198] : memref<10240x16xf32, #tpu.memory_space<vmem_shared>> -> memref<640x16xf32, #tpu.memory_space<vmem_shared>>
      %dma_start3A_200 = arith.constant 0 : i32
      %dma_start3A_201 = tpu.memref_slice %arg4[%mul3A_2, %dma_start3A_200] : memref<10240x16xf32, #tpu.memory_space<hbm>> -> memref<640x16xf32, #tpu.memory_space<hbm>>
      tpu.enqueue_dma source(%dma_start3A_201 : memref<640x16xf32, #tpu.memory_space<hbm>>) target(%dma_start3A_199 : memref<640x16xf32, #tpu.memory_space<vmem_shared>>) target_semaphore(%run_scoped3A_197 : memref<!tpu.dma_semaphore, #tpu.memory_space<semaphore_mem>>)
      %dma_wait3A_202 = arith.constant 0 : i32
      %dma_wait3A_203 = tpu.memref_slice %arg10[%mul3A_4, %dma_wait3A_202] : memref<10240x16xf32, #tpu.memory_space<vmem_shared>> -> memref<640x16xf32, #tpu.memory_space<vmem_shared>>
      %dma_wait3A_204 = arith.constant 0 : i32
      %dma_wait3A_205 = tpu.memref_slice %arg4[%mul3A_2, %dma_wait3A_204] : memref<10240x16xf32, #tpu.memory_space<hbm>> -> memref<640x16xf32, #tpu.memory_space<hbm>>
      tpu.wait_dma2 semaphore(%run_scoped3A_197 : memref<!tpu.dma_semaphore, #tpu.memory_space<semaphore_mem>>) src(%dma_wait3A_205 : memref<640x16xf32, #tpu.memory_space<hbm>>) dst(%dma_wait3A_203 : memref<640x16xf32, #tpu.memory_space<vmem_shared>>)
      tpu.yield
    }) : () -> ()
    %mul3A_5 = arith.constant 78 : i32
    %mul3A_6 = arith.muli %add3A, %mul3A_5 : i32
    %run_scoped3A = arith.constant 0 : i32
    "tpu.region"() ({
      %run_scoped3A_197 = tpu.sem_alloc : memref<!tpu.dma_semaphore, #tpu.memory_space<semaphore_mem>>
      %dma_start3A_198 = arith.constant 0 : i32
      %dma_start3A_199 = tpu.memref_slice %arg2[%run_scoped3A, %mul3A_6, %dma_start3A_198] : memref<2x2500x128xi32, #tpu.memory_space<hbm>> -> memref<1x78x128xi32, #tpu.memory_space<hbm>>
      %dma_start3A_200 = tpu.memref_squeeze %dma_start3A_199 : memref<1x78x128xi32, #tpu.memory_space<hbm>> -> memref<78x128xi32, #tpu.memory_space<hbm>>
      %dma_start3A_201 = arith.constant 0 : i32
      %dma_start3A_202 = tpu.memref_slice %arg2[%run_scoped3A, %mul3A_6, %dma_start3A_201] : memref<2x2500x128xi32, #tpu.memory_space<hbm>> -> memref<1x78x128xi32, #tpu.memory_space<hbm>>
      %dma_start3A_203 = tpu.memref_squeeze %dma_start3A_202 : memref<1x78x128xi32, #tpu.memory_space<hbm>> -> memref<78x128xi32, #tpu.memory_space<hbm>>
      tpu.enqueue_dma source(%dma_start3A_203 : memref<78x128xi32, #tpu.memory_space<hbm>>) target(%arg6 : memref<78x128xi32, #tpu.memory_space<vmem>>) target_semaphore(%run_scoped3A_197 : memref<!tpu.dma_semaphore, #tpu.memory_space<semaphore_mem>>)
      %dma_wait3A_204 = arith.constant 0 : i32
      %dma_wait3A_205 = tpu.memref_slice %arg2[%run_scoped3A, %mul3A_6, %dma_wait3A_204] : memref<2x2500x128xi32, #tpu.memory_space<hbm>> -> memref<1x78x128xi32, #tpu.memory_space<hbm>>
      %dma_wait3A_206 = tpu.memref_squeeze %dma_wait3A_205 : memref<1x78x128xi32, #tpu.memory_space<hbm>> -> memref<78x128xi32, #tpu.memory_space<hbm>>
      %dma_wait3A_207 = arith.constant 0 : i32
      %dma_wait3A_208 = tpu.memref_slice %arg2[%run_scoped3A, %mul3A_6, %dma_wait3A_207] : memref<2x2500x128xi32, #tpu.memory_space<hbm>> -> memref<1x78x128xi32, #tpu.memory_space<hbm>>
      %dma_wait3A_209 = tpu.memref_squeeze %dma_wait3A_208 : memref<1x78x128xi32, #tpu.memory_space<hbm>> -> memref<78x128xi32, #tpu.memory_space<hbm>>
      tpu.wait_dma2 semaphore(%run_scoped3A_197 : memref<!tpu.dma_semaphore, #tpu.memory_space<semaphore_mem>>) src(%dma_wait3A_209 : memref<78x128xi32, #tpu.memory_space<hbm>>) dst(%arg6 : memref<78x128xi32, #tpu.memory_space<vmem>>)
      tpu.yield
    }) : () -> ()
    %mul3A_7 = arith.constant 78 : i32
    %mul3A_8 = arith.muli %add3A, %mul3A_7 : i32
    %run_scoped3A_9 = arith.constant 1 : i32
    "tpu.region"() ({
      %run_scoped3A_197 = tpu.sem_alloc : memref<!tpu.dma_semaphore, #tpu.memory_space<semaphore_mem>>
      %dma_start3A_198 = arith.constant 0 : i32
      %dma_start3A_199 = tpu.memref_slice %arg2[%run_scoped3A_9, %mul3A_8, %dma_start3A_198] : memref<2x2500x128xi32, #tpu.memory_space<hbm>> -> memref<1x78x128xi32, #tpu.memory_space<hbm>>
      %dma_start3A_200 = tpu.memref_squeeze %dma_start3A_199 : memref<1x78x128xi32, #tpu.memory_space<hbm>> -> memref<78x128xi32, #tpu.memory_space<hbm>>
      %dma_start3A_201 = arith.constant 0 : i32
      %dma_start3A_202 = tpu.memref_slice %arg2[%run_scoped3A_9, %mul3A_8, %dma_start3A_201] : memref<2x2500x128xi32, #tpu.memory_space<hbm>> -> memref<1x78x128xi32, #tpu.memory_space<hbm>>
      %dma_start3A_203 = tpu.memref_squeeze %dma_start3A_202 : memref<1x78x128xi32, #tpu.memory_space<hbm>> -> memref<78x128xi32, #tpu.memory_space<hbm>>
      tpu.enqueue_dma source(%dma_start3A_203 : memref<78x128xi32, #tpu.memory_space<hbm>>) target(%arg7 : memref<78x128xi32, #tpu.memory_space<vmem>>) target_semaphore(%run_scoped3A_197 : memref<!tpu.dma_semaphore, #tpu.memory_space<semaphore_mem>>)
      %dma_wait3A_204 = arith.constant 0 : i32
      %dma_wait3A_205 = tpu.memref_slice %arg2[%run_scoped3A_9, %mul3A_8, %dma_wait3A_204] : memref<2x2500x128xi32, #tpu.memory_space<hbm>> -> memref<1x78x128xi32, #tpu.memory_space<hbm>>
      %dma_wait3A_206 = tpu.memref_squeeze %dma_wait3A_205 : memref<1x78x128xi32, #tpu.memory_space<hbm>> -> memref<78x128xi32, #tpu.memory_space<hbm>>
      %dma_wait3A_207 = arith.constant 0 : i32
      %dma_wait3A_208 = tpu.memref_slice %arg2[%run_scoped3A_9, %mul3A_8, %dma_wait3A_207] : memref<2x2500x128xi32, #tpu.memory_space<hbm>> -> memref<1x78x128xi32, #tpu.memory_space<hbm>>
      %dma_wait3A_209 = tpu.memref_squeeze %dma_wait3A_208 : memref<1x78x128xi32, #tpu.memory_space<hbm>> -> memref<78x128xi32, #tpu.memory_space<hbm>>
      tpu.wait_dma2 semaphore(%run_scoped3A_197 : memref<!tpu.dma_semaphore, #tpu.memory_space<semaphore_mem>>) src(%dma_wait3A_209 : memref<78x128xi32, #tpu.memory_space<hbm>>) dst(%arg7 : memref<78x128xi32, #tpu.memory_space<vmem>>)
      tpu.yield
    }) : () -> ()
    %lt3A = arith.constant 4 : i32
    %lt3A_10 = arith.cmpi slt, %add3A, %lt3A : i32
    %convert_element_type3A = arith.extui %lt3A_10 : i1 to i32
    %cond3A = arith.constant 0 : i32
    %cond3A_11 = arith.cmpi ne, %convert_element_type3A, %cond3A : i32
    scf.if %cond3A_11 {
      %add3A_197 = arith.constant 2496 : i32
      %add3A_198 = arith.addi %add3A_197, %add3A : i32
      %run_scoped3A_199 = arith.constant 0 : i32
      "tpu.region"() ({
        %run_scoped3A_203 = tpu.sem_alloc : memref<!tpu.dma_semaphore, #tpu.memory_space<semaphore_mem>>
        %dma_start3A_204 = arith.constant 0 : i32
        %dma_start3A_205 = tpu.memref_slice %arg2[%run_scoped3A_199, %add3A_198, %dma_start3A_204] : memref<2x2500x128xi32, #tpu.memory_space<hbm>> -> memref<1x1x128xi32, #tpu.memory_space<hbm>>
        %dma_start3A_206 = tpu.memref_squeeze %dma_start3A_205 : memref<1x1x128xi32, #tpu.memory_space<hbm>> -> memref<1x128xi32, #tpu.memory_space<hbm>>
        %dma_start3A_207 = arith.constant 0 : i32
        %dma_start3A_208 = tpu.memref_slice %arg2[%run_scoped3A_199, %add3A_198, %dma_start3A_207] : memref<2x2500x128xi32, #tpu.memory_space<hbm>> -> memref<1x1x128xi32, #tpu.memory_space<hbm>>
        %dma_start3A_209 = tpu.memref_squeeze %dma_start3A_208 : memref<1x1x128xi32, #tpu.memory_space<hbm>> -> memref<1x128xi32, #tpu.memory_space<hbm>>
        tpu.enqueue_dma source(%dma_start3A_209 : memref<1x128xi32, #tpu.memory_space<hbm>>) target(%arg8 : memref<1x128xi32, #tpu.memory_space<vmem>>) target_semaphore(%run_scoped3A_203 : memref<!tpu.dma_semaphore, #tpu.memory_space<semaphore_mem>>)
        %dma_wait3A_210 = arith.constant 0 : i32
        %dma_wait3A_211 = tpu.memref_slice %arg2[%run_scoped3A_199, %add3A_198, %dma_wait3A_210] : memref<2x2500x128xi32, #tpu.memory_space<hbm>> -> memref<1x1x128xi32, #tpu.memory_space<hbm>>
        %dma_wait3A_212 = tpu.memref_squeeze %dma_wait3A_211 : memref<1x1x128xi32, #tpu.memory_space<hbm>> -> memref<1x128xi32, #tpu.memory_space<hbm>>
        %dma_wait3A_213 = arith.constant 0 : i32
        %dma_wait3A_214 = tpu.memref_slice %arg2[%run_scoped3A_199, %add3A_198, %dma_wait3A_213] : memref<2x2500x128xi32, #tpu.memory_space<hbm>> -> memref<1x1x128xi32, #tpu.memory_space<hbm>>
        %dma_wait3A_215 = tpu.memref_squeeze %dma_wait3A_214 : memref<1x1x128xi32, #tpu.memory_space<hbm>> -> memref<1x128xi32, #tpu.memory_space<hbm>>
        tpu.wait_dma2 semaphore(%run_scoped3A_203 : memref<!tpu.dma_semaphore, #tpu.memory_space<semaphore_mem>>) src(%dma_wait3A_215 : memref<1x128xi32, #tpu.memory_space<hbm>>) dst(%arg8 : memref<1x128xi32, #tpu.memory_space<vmem>>)
        tpu.yield
      }) : () -> ()
      %add3A_200 = arith.constant 2496 : i32
      %add3A_201 = arith.addi %add3A_200, %add3A : i32
      %run_scoped3A_202 = arith.constant 1 : i32
      "tpu.region"() ({
        %run_scoped3A_203 = tpu.sem_alloc : memref<!tpu.dma_semaphore, #tpu.memory_space<semaphore_mem>>
        %dma_start3A_204 = arith.constant 0 : i32
        %dma_start3A_205 = tpu.memref_slice %arg2[%run_scoped3A_202, %add3A_201, %dma_start3A_204] : memref<2x2500x128xi32, #tpu.memory_space<hbm>> -> memref<1x1x128xi32, #tpu.memory_space<hbm>>
        %dma_start3A_206 = tpu.memref_squeeze %dma_start3A_205 : memref<1x1x128xi32, #tpu.memory_space<hbm>> -> memref<1x128xi32, #tpu.memory_space<hbm>>
        %dma_start3A_207 = arith.constant 0 : i32
        %dma_start3A_208 = tpu.memref_slice %arg2[%run_scoped3A_202, %add3A_201, %dma_start3A_207] : memref<2x2500x128xi32, #tpu.memory_space<hbm>> -> memref<1x1x128xi32, #tpu.memory_space<hbm>>
        %dma_start3A_209 = tpu.memref_squeeze %dma_start3A_208 : memref<1x1x128xi32, #tpu.memory_space<hbm>> -> memref<1x128xi32, #tpu.memory_space<hbm>>
        tpu.enqueue_dma source(%dma_start3A_209 : memref<1x128xi32, #tpu.memory_space<hbm>>) target(%arg9 : memref<1x128xi32, #tpu.memory_space<vmem>>) target_semaphore(%run_scoped3A_203 : memref<!tpu.dma_semaphore, #tpu.memory_space<semaphore_mem>>)
        %dma_wait3A_210 = arith.constant 0 : i32
        %dma_wait3A_211 = tpu.memref_slice %arg2[%run_scoped3A_202, %add3A_201, %dma_wait3A_210] : memref<2x2500x128xi32, #tpu.memory_space<hbm>> -> memref<1x1x128xi32, #tpu.memory_space<hbm>>
        %dma_wait3A_212 = tpu.memref_squeeze %dma_wait3A_211 : memref<1x1x128xi32, #tpu.memory_space<hbm>> -> memref<1x128xi32, #tpu.memory_space<hbm>>
        %dma_wait3A_213 = arith.constant 0 : i32
        %dma_wait3A_214 = tpu.memref_slice %arg2[%run_scoped3A_202, %add3A_201, %dma_wait3A_213] : memref<2x2500x128xi32, #tpu.memory_space<hbm>> -> memref<1x1x128xi32, #tpu.memory_space<hbm>>
        %dma_wait3A_215 = tpu.memref_squeeze %dma_wait3A_214 : memref<1x1x128xi32, #tpu.memory_space<hbm>> -> memref<1x128xi32, #tpu.memory_space<hbm>>
        tpu.wait_dma2 semaphore(%run_scoped3A_203 : memref<!tpu.dma_semaphore, #tpu.memory_space<semaphore_mem>>) src(%dma_wait3A_215 : memref<1x128xi32, #tpu.memory_space<hbm>>) dst(%arg9 : memref<1x128xi32, #tpu.memory_space<vmem>>)
        tpu.yield
      }) : () -> ()
    } else {
    }
    %mul3A_12 = arith.constant 625 : i32
    %mul3A_13 = arith.muli %arg1, %mul3A_12 : i32
    %mul3A_14 = arith.constant 625 : i32
    %mul3A_15 = arith.muli %arg1, %mul3A_14 : i32
    "tpu.region"() ({
      %run_scoped3A_197 = tpu.sem_alloc : memref<!tpu.dma_semaphore, #tpu.memory_space<semaphore_mem>>
      %dma_start3A_198 = arith.constant 0 : i32
      %dma_start3A_199 = tpu.memref_slice %arg11[%mul3A_15, %dma_start3A_198] : memref<10000x16xf32, #tpu.memory_space<vmem_shared>> -> memref<625x16xf32, #tpu.memory_space<vmem_shared>>
      %dma_start3A_200 = arith.constant 0 : i32
      %dma_start3A_201 = tpu.memref_slice %arg3[%mul3A_13, %dma_start3A_200] : memref<10000x16xf32, #tpu.memory_space<hbm>> -> memref<625x16xf32, #tpu.memory_space<hbm>>
      tpu.enqueue_dma source(%dma_start3A_201 : memref<625x16xf32, #tpu.memory_space<hbm>>) target(%dma_start3A_199 : memref<625x16xf32, #tpu.memory_space<vmem_shared>>) target_semaphore(%run_scoped3A_197 : memref<!tpu.dma_semaphore, #tpu.memory_space<semaphore_mem>>)
      %dma_wait3A_202 = arith.constant 0 : i32
      %dma_wait3A_203 = tpu.memref_slice %arg11[%mul3A_15, %dma_wait3A_202] : memref<10000x16xf32, #tpu.memory_space<vmem_shared>> -> memref<625x16xf32, #tpu.memory_space<vmem_shared>>
      %dma_wait3A_204 = arith.constant 0 : i32
      %dma_wait3A_205 = tpu.memref_slice %arg3[%mul3A_13, %dma_wait3A_204] : memref<10000x16xf32, #tpu.memory_space<hbm>> -> memref<625x16xf32, #tpu.memory_space<hbm>>
      tpu.wait_dma2 semaphore(%run_scoped3A_197 : memref<!tpu.dma_semaphore, #tpu.memory_space<semaphore_mem>>) src(%dma_wait3A_205 : memref<625x16xf32, #tpu.memory_space<hbm>>) dst(%dma_wait3A_203 : memref<625x16xf32, #tpu.memory_space<vmem_shared>>)
      tpu.yield
    }) : () -> ()
    %barrier3A = arith.constant 0 : index
    tpu.barrier barrier_id(%barrier3A)
    %scan3A = arith.constant 0 : i32
    %scan3A_16 = arith.constant 0 : i32
    %scan3A_17 = arith.constant 9 : i32
    %scan3A_18 = arith.addi %scan3A_16, %scan3A_17 : i32
    %scan3A_19 = arith.constant 1 : i32
    scf.for %scan3A_197 = %scan3A_16 to %scan3A_18 step %scan3A_19  : i32 {
      %mul3A_198 = arith.constant 8 : i32
      %mul3A_199 = arith.muli %scan3A_197, %mul3A_198 : i32
      %add3A_200 = arith.constant 0 : i32
      %add3A_201 = arith.addi %mul3A_199, %add3A_200 : i32
      %dma_start3A_202 = arith.constant 0 : i32
      %dma_start3A_203 = tpu.memref_slice %arg6[%add3A_201, %dma_start3A_202] : memref<78x128xi32, #tpu.memory_space<vmem>> -> memref<1x128xi32, #tpu.memory_space<vmem>>
      %dma_start3A_204 = tpu.memref_squeeze %dma_start3A_203 : memref<1x128xi32, #tpu.memory_space<vmem>> -> memref<128xi32, #tpu.memory_space<vmem>>
      %dma_start3A_205 = arith.constant 0 : i32
      %dma_start3A_206 = arith.constant 0 : i32
      %dma_start3A_207 = tpu.memref_slice %arg11[%dma_start3A_205, %dma_start3A_206] : memref<10000x16xf32, #tpu.memory_space<vmem_shared>> -> memref<10000x16xf32, #tpu.memory_space<vmem_shared>>
      tpu.enqueue_indirect_dma source(%dma_start3A_207 : memref<10000x16xf32, #tpu.memory_space<vmem_shared>>) target(%arg12 : memref<128x16xf32, #tpu.memory_space<vmem>>) offsets(%dma_start3A_204 : memref<128xi32, #tpu.memory_space<vmem>>) semaphore(%arg20 : memref<!tpu.dma_semaphore, #tpu.memory_space<semaphore_mem>>)
      %add3A_208 = arith.constant 1 : i32
      %add3A_209 = arith.addi %mul3A_199, %add3A_208 : i32
      %dma_start3A_210 = arith.constant 0 : i32
      %dma_start3A_211 = tpu.memref_slice %arg6[%add3A_209, %dma_start3A_210] : memref<78x128xi32, #tpu.memory_space<vmem>> -> memref<1x128xi32, #tpu.memory_space<vmem>>
      %dma_start3A_212 = tpu.memref_squeeze %dma_start3A_211 : memref<1x128xi32, #tpu.memory_space<vmem>> -> memref<128xi32, #tpu.memory_space<vmem>>
      %dma_start3A_213 = arith.constant 0 : i32
      %dma_start3A_214 = arith.constant 0 : i32
      %dma_start3A_215 = tpu.memref_slice %arg11[%dma_start3A_213, %dma_start3A_214] : memref<10000x16xf32, #tpu.memory_space<vmem_shared>> -> memref<10000x16xf32, #tpu.memory_space<vmem_shared>>
      tpu.enqueue_indirect_dma source(%dma_start3A_215 : memref<10000x16xf32, #tpu.memory_space<vmem_shared>>) target(%arg13 : memref<128x16xf32, #tpu.memory_space<vmem>>) offsets(%dma_start3A_212 : memref<128xi32, #tpu.memory_space<vmem>>) semaphore(%arg21 : memref<!tpu.dma_semaphore, #tpu.memory_space<semaphore_mem>>)
      %add3A_216 = arith.constant 2 : i32
      %add3A_217 = arith.addi %mul3A_199, %add3A_216 : i32
      %dma_start3A_218 = arith.constant 0 : i32
      %dma_start3A_219 = tpu.memref_slice %arg6[%add3A_217, %dma_start3A_218] : memref<78x128xi32, #tpu.memory_space<vmem>> -> memref<1x128xi32, #tpu.memory_space<vmem>>
      %dma_start3A_220 = tpu.memref_squeeze %dma_start3A_219 : memref<1x128xi32, #tpu.memory_space<vmem>> -> memref<128xi32, #tpu.memory_space<vmem>>
      %dma_start3A_221 = arith.constant 0 : i32
      %dma_start3A_222 = arith.constant 0 : i32
      %dma_start3A_223 = tpu.memref_slice %arg11[%dma_start3A_221, %dma_start3A_222] : memref<10000x16xf32, #tpu.memory_space<vmem_shared>> -> memref<10000x16xf32, #tpu.memory_space<vmem_shared>>
      tpu.enqueue_indirect_dma source(%dma_start3A_223 : memref<10000x16xf32, #tpu.memory_space<vmem_shared>>) target(%arg14 : memref<128x16xf32, #tpu.memory_space<vmem>>) offsets(%dma_start3A_220 : memref<128xi32, #tpu.memory_space<vmem>>) semaphore(%arg22 : memref<!tpu.dma_semaphore, #tpu.memory_space<semaphore_mem>>)
      %add3A_224 = arith.constant 3 : i32
      %add3A_225 = arith.addi %mul3A_199, %add3A_224 : i32
      %dma_start3A_226 = arith.constant 0 : i32
      %dma_start3A_227 = tpu.memref_slice %arg6[%add3A_225, %dma_start3A_226] : memref<78x128xi32, #tpu.memory_space<vmem>> -> memref<1x128xi32, #tpu.memory_space<vmem>>
      %dma_start3A_228 = tpu.memref_squeeze %dma_start3A_227 : memref<1x128xi32, #tpu.memory_space<vmem>> -> memref<128xi32, #tpu.memory_space<vmem>>
      %dma_start3A_229 = arith.constant 0 : i32
      %dma_start3A_230 = arith.constant 0 : i32
      %dma_start3A_231 = tpu.memref_slice %arg11[%dma_start3A_229, %dma_start3A_230] : memref<10000x16xf32, #tpu.memory_space<vmem_shared>> -> memref<10000x16xf32, #tpu.memory_space<vmem_shared>>
      tpu.enqueue_indirect_dma source(%dma_start3A_231 : memref<10000x16xf32, #tpu.memory_space<vmem_shared>>) target(%arg15 : memref<128x16xf32, #tpu.memory_space<vmem>>) offsets(%dma_start3A_228 : memref<128xi32, #tpu.memory_space<vmem>>) semaphore(%arg23 : memref<!tpu.dma_semaphore, #tpu.memory_space<semaphore_mem>>)
      %add3A_232 = arith.constant 4 : i32
      %add3A_233 = arith.addi %mul3A_199, %add3A_232 : i32
      %dma_start3A_234 = arith.constant 0 : i32
      %dma_start3A_235 = tpu.memref_slice %arg6[%add3A_233, %dma_start3A_234] : memref<78x128xi32, #tpu.memory_space<vmem>> -> memref<1x128xi32, #tpu.memory_space<vmem>>
      %dma_start3A_236 = tpu.memref_squeeze %dma_start3A_235 : memref<1x128xi32, #tpu.memory_space<vmem>> -> memref<128xi32, #tpu.memory_space<vmem>>
      %dma_start3A_237 = arith.constant 0 : i32
      %dma_start3A_238 = arith.constant 0 : i32
      %dma_start3A_239 = tpu.memref_slice %arg11[%dma_start3A_237, %dma_start3A_238] : memref<10000x16xf32, #tpu.memory_space<vmem_shared>> -> memref<10000x16xf32, #tpu.memory_space<vmem_shared>>
      tpu.enqueue_indirect_dma source(%dma_start3A_239 : memref<10000x16xf32, #tpu.memory_space<vmem_shared>>) target(%arg16 : memref<128x16xf32, #tpu.memory_space<vmem>>) offsets(%dma_start3A_236 : memref<128xi32, #tpu.memory_space<vmem>>) semaphore(%arg24 : memref<!tpu.dma_semaphore, #tpu.memory_space<semaphore_mem>>)
      %add3A_240 = arith.constant 5 : i32
      %add3A_241 = arith.addi %mul3A_199, %add3A_240 : i32
      %dma_start3A_242 = arith.constant 0 : i32
      %dma_start3A_243 = tpu.memref_slice %arg6[%add3A_241, %dma_start3A_242] : memref<78x128xi32, #tpu.memory_space<vmem>> -> memref<1x128xi32, #tpu.memory_space<vmem>>
      %dma_start3A_244 = tpu.memref_squeeze %dma_start3A_243 : memref<1x128xi32, #tpu.memory_space<vmem>> -> memref<128xi32, #tpu.memory_space<vmem>>
      %dma_start3A_245 = arith.constant 0 : i32
      %dma_start3A_246 = arith.constant 0 : i32
      %dma_start3A_247 = tpu.memref_slice %arg11[%dma_start3A_245, %dma_start3A_246] : memref<10000x16xf32, #tpu.memory_space<vmem_shared>> -> memref<10000x16xf32, #tpu.memory_space<vmem_shared>>
      tpu.enqueue_indirect_dma source(%dma_start3A_247 : memref<10000x16xf32, #tpu.memory_space<vmem_shared>>) target(%arg17 : memref<128x16xf32, #tpu.memory_space<vmem>>) offsets(%dma_start3A_244 : memref<128xi32, #tpu.memory_space<vmem>>) semaphore(%arg25 : memref<!tpu.dma_semaphore, #tpu.memory_space<semaphore_mem>>)
      %add3A_248 = arith.constant 6 : i32
      %add3A_249 = arith.addi %mul3A_199, %add3A_248 : i32
      %dma_start3A_250 = arith.constant 0 : i32
      %dma_start3A_251 = tpu.memref_slice %arg6[%add3A_249, %dma_start3A_250] : memref<78x128xi32, #tpu.memory_space<vmem>> -> memref<1x128xi32, #tpu.memory_space<vmem>>
      %dma_start3A_252 = tpu.memref_squeeze %dma_start3A_251 : memref<1x128xi32, #tpu.memory_space<vmem>> -> memref<128xi32, #tpu.memory_space<vmem>>
      %dma_start3A_253 = arith.constant 0 : i32
      %dma_start3A_254 = arith.constant 0 : i32
      %dma_start3A_255 = tpu.memref_slice %arg11[%dma_start3A_253, %dma_start3A_254] : memref<10000x16xf32, #tpu.memory_space<vmem_shared>> -> memref<10000x16xf32, #tpu.memory_space<vmem_shared>>
      tpu.enqueue_indirect_dma source(%dma_start3A_255 : memref<10000x16xf32, #tpu.memory_space<vmem_shared>>) target(%arg18 : memref<128x16xf32, #tpu.memory_space<vmem>>) offsets(%dma_start3A_252 : memref<128xi32, #tpu.memory_space<vmem>>) semaphore(%arg26 : memref<!tpu.dma_semaphore, #tpu.memory_space<semaphore_mem>>)
      %add3A_256 = arith.constant 7 : i32
      %add3A_257 = arith.addi %mul3A_199, %add3A_256 : i32
      %dma_start3A_258 = arith.constant 0 : i32
      %dma_start3A_259 = tpu.memref_slice %arg6[%add3A_257, %dma_start3A_258] : memref<78x128xi32, #tpu.memory_space<vmem>> -> memref<1x128xi32, #tpu.memory_space<vmem>>
      %dma_start3A_260 = tpu.memref_squeeze %dma_start3A_259 : memref<1x128xi32, #tpu.memory_space<vmem>> -> memref<128xi32, #tpu.memory_space<vmem>>
      %dma_start3A_261 = arith.constant 0 : i32
      %dma_start3A_262 = arith.constant 0 : i32
      %dma_start3A_263 = tpu.memref_slice %arg11[%dma_start3A_261, %dma_start3A_262] : memref<10000x16xf32, #tpu.memory_space<vmem_shared>> -> memref<10000x16xf32, #tpu.memory_space<vmem_shared>>
      tpu.enqueue_indirect_dma source(%dma_start3A_263 : memref<10000x16xf32, #tpu.memory_space<vmem_shared>>) target(%arg19 : memref<128x16xf32, #tpu.memory_space<vmem>>) offsets(%dma_start3A_260 : memref<128xi32, #tpu.memory_space<vmem>>) semaphore(%arg27 : memref<!tpu.dma_semaphore, #tpu.memory_space<semaphore_mem>>)
      %dma_wait3A_264 = arith.constant 0 : i32
      %dma_wait3A_265 = tpu.memref_slice %arg6[%add3A_201, %dma_wait3A_264] : memref<78x128xi32, #tpu.memory_space<vmem>> -> memref<1x128xi32, #tpu.memory_space<vmem>>
      %dma_wait3A_266 = tpu.memref_squeeze %dma_wait3A_265 : memref<1x128xi32, #tpu.memory_space<vmem>> -> memref<128xi32, #tpu.memory_space<vmem>>
      %dma_wait3A_267 = arith.constant 0 : i32
      %dma_wait3A_268 = arith.constant 0 : i32
      %dma_wait3A_269 = tpu.memref_slice %arg11[%dma_wait3A_267, %dma_wait3A_268] : memref<10000x16xf32, #tpu.memory_space<vmem_shared>> -> memref<10000x16xf32, #tpu.memory_space<vmem_shared>>
      tpu.wait_indirect_dma semaphore(%arg20 : memref<!tpu.dma_semaphore, #tpu.memory_space<semaphore_mem>>) src(%dma_wait3A_269 : memref<10000x16xf32, #tpu.memory_space<vmem_shared>>) dst(%arg12 : memref<128x16xf32, #tpu.memory_space<vmem>>)
      %add3A_270 = arith.constant 0 : i32
      %add3A_271 = arith.addi %mul3A_199, %add3A_270 : i32
      %dma_start3A_272 = arith.constant 0 : i32
      %dma_start3A_273 = tpu.memref_slice %arg7[%add3A_271, %dma_start3A_272] : memref<78x128xi32, #tpu.memory_space<vmem>> -> memref<1x128xi32, #tpu.memory_space<vmem>>
      %dma_start3A_274 = tpu.memref_squeeze %dma_start3A_273 : memref<1x128xi32, #tpu.memory_space<vmem>> -> memref<128xi32, #tpu.memory_space<vmem>>
      %dma_start3A_275 = arith.constant 0 : i32
      %dma_start3A_276 = arith.constant 0 : i32
      %dma_start3A_277 = tpu.memref_slice %arg10[%dma_start3A_275, %dma_start3A_276] : memref<10240x16xf32, #tpu.memory_space<vmem_shared>> -> memref<10240x16xf32, #tpu.memory_space<vmem_shared>>
      tpu.enqueue_indirect_dma source(%arg12 : memref<128x16xf32, #tpu.memory_space<vmem>>) target(%dma_start3A_277 : memref<10240x16xf32, #tpu.memory_space<vmem_shared>>) offsets(%dma_start3A_274 : memref<128xi32, #tpu.memory_space<vmem>>) semaphore(%arg28 : memref<!tpu.dma_semaphore, #tpu.memory_space<semaphore_mem>>) {add = true}
      %dma_wait3A_278 = arith.constant 0 : i32
      %dma_wait3A_279 = tpu.memref_slice %arg6[%add3A_209, %dma_wait3A_278] : memref<78x128xi32, #tpu.memory_space<vmem>> -> memref<1x128xi32, #tpu.memory_space<vmem>>
      %dma_wait3A_280 = tpu.memref_squeeze %dma_wait3A_279 : memref<1x128xi32, #tpu.memory_space<vmem>> -> memref<128xi32, #tpu.memory_space<vmem>>
      %dma_wait3A_281 = arith.constant 0 : i32
      %dma_wait3A_282 = arith.constant 0 : i32
      %dma_wait3A_283 = tpu.memref_slice %arg11[%dma_wait3A_281, %dma_wait3A_282] : memref<10000x16xf32, #tpu.memory_space<vmem_shared>> -> memref<10000x16xf32, #tpu.memory_space<vmem_shared>>
      tpu.wait_indirect_dma semaphore(%arg21 : memref<!tpu.dma_semaphore, #tpu.memory_space<semaphore_mem>>) src(%dma_wait3A_283 : memref<10000x16xf32, #tpu.memory_space<vmem_shared>>) dst(%arg13 : memref<128x16xf32, #tpu.memory_space<vmem>>)
      %add3A_284 = arith.constant 1 : i32
      %add3A_285 = arith.addi %mul3A_199, %add3A_284 : i32
      %dma_start3A_286 = arith.constant 0 : i32
      %dma_start3A_287 = tpu.memref_slice %arg7[%add3A_285, %dma_start3A_286] : memref<78x128xi32, #tpu.memory_space<vmem>> -> memref<1x128xi32, #tpu.memory_space<vmem>>
      %dma_start3A_288 = tpu.memref_squeeze %dma_start3A_287 : memref<1x128xi32, #tpu.memory_space<vmem>> -> memref<128xi32, #tpu.memory_space<vmem>>
      %dma_start3A_289 = arith.constant 0 : i32
      %dma_start3A_290 = arith.constant 0 : i32
      %dma_start3A_291 = tpu.memref_slice %arg10[%dma_start3A_289, %dma_start3A_290] : memref<10240x16xf32, #tpu.memory_space<vmem_shared>> -> memref<10240x16xf32, #tpu.memory_space<vmem_shared>>
      tpu.enqueue_indirect_dma source(%arg13 : memref<128x16xf32, #tpu.memory_space<vmem>>) target(%dma_start3A_291 : memref<10240x16xf32, #tpu.memory_space<vmem_shared>>) offsets(%dma_start3A_288 : memref<128xi32, #tpu.memory_space<vmem>>) semaphore(%arg29 : memref<!tpu.dma_semaphore, #tpu.memory_space<semaphore_mem>>) {add = true}
      %dma_wait3A_292 = arith.constant 0 : i32
      %dma_wait3A_293 = tpu.memref_slice %arg6[%add3A_217, %dma_wait3A_292] : memref<78x128xi32, #tpu.memory_space<vmem>> -> memref<1x128xi32, #tpu.memory_space<vmem>>
      %dma_wait3A_294 = tpu.memref_squeeze %dma_wait3A_293 : memref<1x128xi32, #tpu.memory_space<vmem>> -> memref<128xi32, #tpu.memory_space<vmem>>
      %dma_wait3A_295 = arith.constant 0 : i32
      %dma_wait3A_296 = arith.constant 0 : i32
      %dma_wait3A_297 = tpu.memref_slice %arg11[%dma_wait3A_295, %dma_wait3A_296] : memref<10000x16xf32, #tpu.memory_space<vmem_shared>> -> memref<10000x16xf32, #tpu.memory_space<vmem_shared>>
      tpu.wait_indirect_dma semaphore(%arg22 : memref<!tpu.dma_semaphore, #tpu.memory_space<semaphore_mem>>) src(%dma_wait3A_297 : memref<10000x16xf32, #tpu.memory_space<vmem_shared>>) dst(%arg14 : memref<128x16xf32, #tpu.memory_space<vmem>>)
      %add3A_298 = arith.constant 2 : i32
      %add3A_299 = arith.addi %mul3A_199, %add3A_298 : i32
      %dma_start3A_300 = arith.constant 0 : i32
      %dma_start3A_301 = tpu.memref_slice %arg7[%add3A_299, %dma_start3A_300] : memref<78x128xi32, #tpu.memory_space<vmem>> -> memref<1x128xi32, #tpu.memory_space<vmem>>
      %dma_start3A_302 = tpu.memref_squeeze %dma_start3A_301 : memref<1x128xi32, #tpu.memory_space<vmem>> -> memref<128xi32, #tpu.memory_space<vmem>>
      %dma_start3A_303 = arith.constant 0 : i32
      %dma_start3A_304 = arith.constant 0 : i32
      %dma_start3A_305 = tpu.memref_slice %arg10[%dma_start3A_303, %dma_start3A_304] : memref<10240x16xf32, #tpu.memory_space<vmem_shared>> -> memref<10240x16xf32, #tpu.memory_space<vmem_shared>>
      tpu.enqueue_indirect_dma source(%arg14 : memref<128x16xf32, #tpu.memory_space<vmem>>) target(%dma_start3A_305 : memref<10240x16xf32, #tpu.memory_space<vmem_shared>>) offsets(%dma_start3A_302 : memref<128xi32, #tpu.memory_space<vmem>>) semaphore(%arg30 : memref<!tpu.dma_semaphore, #tpu.memory_space<semaphore_mem>>) {add = true}
      %dma_wait3A_306 = arith.constant 0 : i32
      %dma_wait3A_307 = tpu.memref_slice %arg6[%add3A_225, %dma_wait3A_306] : memref<78x128xi32, #tpu.memory_space<vmem>> -> memref<1x128xi32, #tpu.memory_space<vmem>>
      %dma_wait3A_308 = tpu.memref_squeeze %dma_wait3A_307 : memref<1x128xi32, #tpu.memory_space<vmem>> -> memref<128xi32, #tpu.memory_space<vmem>>
      %dma_wait3A_309 = arith.constant 0 : i32
      %dma_wait3A_310 = arith.constant 0 : i32
      %dma_wait3A_311 = tpu.memref_slice %arg11[%dma_wait3A_309, %dma_wait3A_310] : memref<10000x16xf32, #tpu.memory_space<vmem_shared>> -> memref<10000x16xf32, #tpu.memory_space<vmem_shared>>
      tpu.wait_indirect_dma semaphore(%arg23 : memref<!tpu.dma_semaphore, #tpu.memory_space<semaphore_mem>>) src(%dma_wait3A_311 : memref<10000x16xf32, #tpu.memory_space<vmem_shared>>) dst(%arg15 : memref<128x16xf32, #tpu.memory_space<vmem>>)
      %add3A_312 = arith.constant 3 : i32
      %add3A_313 = arith.addi %mul3A_199, %add3A_312 : i32
      %dma_start3A_314 = arith.constant 0 : i32
      %dma_start3A_315 = tpu.memref_slice %arg7[%add3A_313, %dma_start3A_314] : memref<78x128xi32, #tpu.memory_space<vmem>> -> memref<1x128xi32, #tpu.memory_space<vmem>>
      %dma_start3A_316 = tpu.memref_squeeze %dma_start3A_315 : memref<1x128xi32, #tpu.memory_space<vmem>> -> memref<128xi32, #tpu.memory_space<vmem>>
      %dma_start3A_317 = arith.constant 0 : i32
      %dma_start3A_318 = arith.constant 0 : i32
      %dma_start3A_319 = tpu.memref_slice %arg10[%dma_start3A_317, %dma_start3A_318] : memref<10240x16xf32, #tpu.memory_space<vmem_shared>> -> memref<10240x16xf32, #tpu.memory_space<vmem_shared>>
      tpu.enqueue_indirect_dma source(%arg15 : memref<128x16xf32, #tpu.memory_space<vmem>>) target(%dma_start3A_319 : memref<10240x16xf32, #tpu.memory_space<vmem_shared>>) offsets(%dma_start3A_316 : memref<128xi32, #tpu.memory_space<vmem>>) semaphore(%arg31 : memref<!tpu.dma_semaphore, #tpu.memory_space<semaphore_mem>>) {add = true}
      %dma_wait3A_320 = arith.constant 0 : i32
      %dma_wait3A_321 = tpu.memref_slice %arg6[%add3A_233, %dma_wait3A_320] : memref<78x128xi32, #tpu.memory_space<vmem>> -> memref<1x128xi32, #tpu.memory_space<vmem>>
      %dma_wait3A_322 = tpu.memref_squeeze %dma_wait3A_321 : memref<1x128xi32, #tpu.memory_space<vmem>> -> memref<128xi32, #tpu.memory_space<vmem>>
      %dma_wait3A_323 = arith.constant 0 : i32
      %dma_wait3A_324 = arith.constant 0 : i32
      %dma_wait3A_325 = tpu.memref_slice %arg11[%dma_wait3A_323, %dma_wait3A_324] : memref<10000x16xf32, #tpu.memory_space<vmem_shared>> -> memref<10000x16xf32, #tpu.memory_space<vmem_shared>>
      tpu.wait_indirect_dma semaphore(%arg24 : memref<!tpu.dma_semaphore, #tpu.memory_space<semaphore_mem>>) src(%dma_wait3A_325 : memref<10000x16xf32, #tpu.memory_space<vmem_shared>>) dst(%arg16 : memref<128x16xf32, #tpu.memory_space<vmem>>)
      %add3A_326 = arith.constant 4 : i32
      %add3A_327 = arith.addi %mul3A_199, %add3A_326 : i32
      %dma_start3A_328 = arith.constant 0 : i32
      %dma_start3A_329 = tpu.memref_slice %arg7[%add3A_327, %dma_start3A_328] : memref<78x128xi32, #tpu.memory_space<vmem>> -> memref<1x128xi32, #tpu.memory_space<vmem>>
      %dma_start3A_330 = tpu.memref_squeeze %dma_start3A_329 : memref<1x128xi32, #tpu.memory_space<vmem>> -> memref<128xi32, #tpu.memory_space<vmem>>
      %dma_start3A_331 = arith.constant 0 : i32
      %dma_start3A_332 = arith.constant 0 : i32
      %dma_start3A_333 = tpu.memref_slice %arg10[%dma_start3A_331, %dma_start3A_332] : memref<10240x16xf32, #tpu.memory_space<vmem_shared>> -> memref<10240x16xf32, #tpu.memory_space<vmem_shared>>
      tpu.enqueue_indirect_dma source(%arg16 : memref<128x16xf32, #tpu.memory_space<vmem>>) target(%dma_start3A_333 : memref<10240x16xf32, #tpu.memory_space<vmem_shared>>) offsets(%dma_start3A_330 : memref<128xi32, #tpu.memory_space<vmem>>) semaphore(%arg32 : memref<!tpu.dma_semaphore, #tpu.memory_space<semaphore_mem>>) {add = true}
      %dma_wait3A_334 = arith.constant 0 : i32
      %dma_wait3A_335 = tpu.memref_slice %arg6[%add3A_241, %dma_wait3A_334] : memref<78x128xi32, #tpu.memory_space<vmem>> -> memref<1x128xi32, #tpu.memory_space<vmem>>
      %dma_wait3A_336 = tpu.memref_squeeze %dma_wait3A_335 : memref<1x128xi32, #tpu.memory_space<vmem>> -> memref<128xi32, #tpu.memory_space<vmem>>
      %dma_wait3A_337 = arith.constant 0 : i32
      %dma_wait3A_338 = arith.constant 0 : i32
      %dma_wait3A_339 = tpu.memref_slice %arg11[%dma_wait3A_337, %dma_wait3A_338] : memref<10000x16xf32, #tpu.memory_space<vmem_shared>> -> memref<10000x16xf32, #tpu.memory_space<vmem_shared>>
      tpu.wait_indirect_dma semaphore(%arg25 : memref<!tpu.dma_semaphore, #tpu.memory_space<semaphore_mem>>) src(%dma_wait3A_339 : memref<10000x16xf32, #tpu.memory_space<vmem_shared>>) dst(%arg17 : memref<128x16xf32, #tpu.memory_space<vmem>>)
      %add3A_340 = arith.constant 5 : i32
      %add3A_341 = arith.addi %mul3A_199, %add3A_340 : i32
      %dma_start3A_342 = arith.constant 0 : i32
      %dma_start3A_343 = tpu.memref_slice %arg7[%add3A_341, %dma_start3A_342] : memref<78x128xi32, #tpu.memory_space<vmem>> -> memref<1x128xi32, #tpu.memory_space<vmem>>
      %dma_start3A_344 = tpu.memref_squeeze %dma_start3A_343 : memref<1x128xi32, #tpu.memory_space<vmem>> -> memref<128xi32, #tpu.memory_space<vmem>>
      %dma_start3A_345 = arith.constant 0 : i32
      %dma_start3A_346 = arith.constant 0 : i32
      %dma_start3A_347 = tpu.memref_slice %arg10[%dma_start3A_345, %dma_start3A_346] : memref<10240x16xf32, #tpu.memory_space<vmem_shared>> -> memref<10240x16xf32, #tpu.memory_space<vmem_shared>>
      tpu.enqueue_indirect_dma source(%arg17 : memref<128x16xf32, #tpu.memory_space<vmem>>) target(%dma_start3A_347 : memref<10240x16xf32, #tpu.memory_space<vmem_shared>>) offsets(%dma_start3A_344 : memref<128xi32, #tpu.memory_space<vmem>>) semaphore(%arg33 : memref<!tpu.dma_semaphore, #tpu.memory_space<semaphore_mem>>) {add = true}
      %dma_wait3A_348 = arith.constant 0 : i32
      %dma_wait3A_349 = tpu.memref_slice %arg6[%add3A_249, %dma_wait3A_348] : memref<78x128xi32, #tpu.memory_space<vmem>> -> memref<1x128xi32, #tpu.memory_space<vmem>>
      %dma_wait3A_350 = tpu.memref_squeeze %dma_wait3A_349 : memref<1x128xi32, #tpu.memory_space<vmem>> -> memref<128xi32, #tpu.memory_space<vmem>>
      %dma_wait3A_351 = arith.constant 0 : i32
      %dma_wait3A_352 = arith.constant 0 : i32
      %dma_wait3A_353 = tpu.memref_slice %arg11[%dma_wait3A_351, %dma_wait3A_352] : memref<10000x16xf32, #tpu.memory_space<vmem_shared>> -> memref<10000x16xf32, #tpu.memory_space<vmem_shared>>
      tpu.wait_indirect_dma semaphore(%arg26 : memref<!tpu.dma_semaphore, #tpu.memory_space<semaphore_mem>>) src(%dma_wait3A_353 : memref<10000x16xf32, #tpu.memory_space<vmem_shared>>) dst(%arg18 : memref<128x16xf32, #tpu.memory_space<vmem>>)
      %add3A_354 = arith.constant 6 : i32
      %add3A_355 = arith.addi %mul3A_199, %add3A_354 : i32
      %dma_start3A_356 = arith.constant 0 : i32
      %dma_start3A_357 = tpu.memref_slice %arg7[%add3A_355, %dma_start3A_356] : memref<78x128xi32, #tpu.memory_space<vmem>> -> memref<1x128xi32, #tpu.memory_space<vmem>>
      %dma_start3A_358 = tpu.memref_squeeze %dma_start3A_357 : memref<1x128xi32, #tpu.memory_space<vmem>> -> memref<128xi32, #tpu.memory_space<vmem>>
      %dma_start3A_359 = arith.constant 0 : i32
      %dma_start3A_360 = arith.constant 0 : i32
      %dma_start3A_361 = tpu.memref_slice %arg10[%dma_start3A_359, %dma_start3A_360] : memref<10240x16xf32, #tpu.memory_space<vmem_shared>> -> memref<10240x16xf32, #tpu.memory_space<vmem_shared>>
      tpu.enqueue_indirect_dma source(%arg18 : memref<128x16xf32, #tpu.memory_space<vmem>>) target(%dma_start3A_361 : memref<10240x16xf32, #tpu.memory_space<vmem_shared>>) offsets(%dma_start3A_358 : memref<128xi32, #tpu.memory_space<vmem>>) semaphore(%arg34 : memref<!tpu.dma_semaphore, #tpu.memory_space<semaphore_mem>>) {add = true}
      %dma_wait3A_362 = arith.constant 0 : i32
      %dma_wait3A_363 = tpu.memref_slice %arg6[%add3A_257, %dma_wait3A_362] : memref<78x128xi32, #tpu.memory_space<vmem>> -> memref<1x128xi32, #tpu.memory_space<vmem>>
      %dma_wait3A_364 = tpu.memref_squeeze %dma_wait3A_363 : memref<1x128xi32, #tpu.memory_space<vmem>> -> memref<128xi32, #tpu.memory_space<vmem>>
      %dma_wait3A_365 = arith.constant 0 : i32
      %dma_wait3A_366 = arith.constant 0 : i32
      %dma_wait3A_367 = tpu.memref_slice %arg11[%dma_wait3A_365, %dma_wait3A_366] : memref<10000x16xf32, #tpu.memory_space<vmem_shared>> -> memref<10000x16xf32, #tpu.memory_space<vmem_shared>>
      tpu.wait_indirect_dma semaphore(%arg27 : memref<!tpu.dma_semaphore, #tpu.memory_space<semaphore_mem>>) src(%dma_wait3A_367 : memref<10000x16xf32, #tpu.memory_space<vmem_shared>>) dst(%arg19 : memref<128x16xf32, #tpu.memory_space<vmem>>)
      %add3A_368 = arith.constant 7 : i32
      %add3A_369 = arith.addi %mul3A_199, %add3A_368 : i32
      %dma_start3A_370 = arith.constant 0 : i32
      %dma_start3A_371 = tpu.memref_slice %arg7[%add3A_369, %dma_start3A_370] : memref<78x128xi32, #tpu.memory_space<vmem>> -> memref<1x128xi32, #tpu.memory_space<vmem>>
      %dma_start3A_372 = tpu.memref_squeeze %dma_start3A_371 : memref<1x128xi32, #tpu.memory_space<vmem>> -> memref<128xi32, #tpu.memory_space<vmem>>
      %dma_start3A_373 = arith.constant 0 : i32
      %dma_start3A_374 = arith.constant 0 : i32
      %dma_start3A_375 = tpu.memref_slice %arg10[%dma_start3A_373, %dma_start3A_374] : memref<10240x16xf32, #tpu.memory_space<vmem_shared>> -> memref<10240x16xf32, #tpu.memory_space<vmem_shared>>
      tpu.enqueue_indirect_dma source(%arg19 : memref<128x16xf32, #tpu.memory_space<vmem>>) target(%dma_start3A_375 : memref<10240x16xf32, #tpu.memory_space<vmem_shared>>) offsets(%dma_start3A_372 : memref<128xi32, #tpu.memory_space<vmem>>) semaphore(%arg35 : memref<!tpu.dma_semaphore, #tpu.memory_space<semaphore_mem>>) {add = true}
      %dma_wait3A_376 = arith.constant 0 : i32
      %dma_wait3A_377 = tpu.memref_slice %arg7[%add3A_271, %dma_wait3A_376] : memref<78x128xi32, #tpu.memory_space<vmem>> -> memref<1x128xi32, #tpu.memory_space<vmem>>
      %dma_wait3A_378 = tpu.memref_squeeze %dma_wait3A_377 : memref<1x128xi32, #tpu.memory_space<vmem>> -> memref<128xi32, #tpu.memory_space<vmem>>
      %dma_wait3A_379 = arith.constant 0 : i32
      %dma_wait3A_380 = arith.constant 0 : i32
      %dma_wait3A_381 = tpu.memref_slice %arg10[%dma_wait3A_379, %dma_wait3A_380] : memref<10240x16xf32, #tpu.memory_space<vmem_shared>> -> memref<10240x16xf32, #tpu.memory_space<vmem_shared>>
      tpu.wait_indirect_dma semaphore(%arg28 : memref<!tpu.dma_semaphore, #tpu.memory_space<semaphore_mem>>) src(%arg12 : memref<128x16xf32, #tpu.memory_space<vmem>>) dst(%dma_wait3A_381 : memref<10240x16xf32, #tpu.memory_space<vmem_shared>>)
      %dma_wait3A_382 = arith.constant 0 : i32
      %dma_wait3A_383 = tpu.memref_slice %arg7[%add3A_285, %dma_wait3A_382] : memref<78x128xi32, #tpu.memory_space<vmem>> -> memref<1x128xi32, #tpu.memory_space<vmem>>
      %dma_wait3A_384 = tpu.memref_squeeze %dma_wait3A_383 : memref<1x128xi32, #tpu.memory_space<vmem>> -> memref<128xi32, #tpu.memory_space<vmem>>
      %dma_wait3A_385 = arith.constant 0 : i32
      %dma_wait3A_386 = arith.constant 0 : i32
      %dma_wait3A_387 = tpu.memref_slice %arg10[%dma_wait3A_385, %dma_wait3A_386] : memref<10240x16xf32, #tpu.memory_space<vmem_shared>> -> memref<10240x16xf32, #tpu.memory_space<vmem_shared>>
      tpu.wait_indirect_dma semaphore(%arg29 : memref<!tpu.dma_semaphore, #tpu.memory_space<semaphore_mem>>) src(%arg13 : memref<128x16xf32, #tpu.memory_space<vmem>>) dst(%dma_wait3A_387 : memref<10240x16xf32, #tpu.memory_space<vmem_shared>>)
      %dma_wait3A_388 = arith.constant 0 : i32
      %dma_wait3A_389 = tpu.memref_slice %arg7[%add3A_299, %dma_wait3A_388] : memref<78x128xi32, #tpu.memory_space<vmem>> -> memref<1x128xi32, #tpu.memory_space<vmem>>
      %dma_wait3A_390 = tpu.memref_squeeze %dma_wait3A_389 : memref<1x128xi32, #tpu.memory_space<vmem>> -> memref<128xi32, #tpu.memory_space<vmem>>
      %dma_wait3A_391 = arith.constant 0 : i32
      %dma_wait3A_392 = arith.constant 0 : i32
      %dma_wait3A_393 = tpu.memref_slice %arg10[%dma_wait3A_391, %dma_wait3A_392] : memref<10240x16xf32, #tpu.memory_space<vmem_shared>> -> memref<10240x16xf32, #tpu.memory_space<vmem_shared>>
      tpu.wait_indirect_dma semaphore(%arg30 : memref<!tpu.dma_semaphore, #tpu.memory_space<semaphore_mem>>) src(%arg14 : memref<128x16xf32, #tpu.memory_space<vmem>>) dst(%dma_wait3A_393 : memref<10240x16xf32, #tpu.memory_space<vmem_shared>>)
      %dma_wait3A_394 = arith.constant 0 : i32
      %dma_wait3A_395 = tpu.memref_slice %arg7[%add3A_313, %dma_wait3A_394] : memref<78x128xi32, #tpu.memory_space<vmem>> -> memref<1x128xi32, #tpu.memory_space<vmem>>
      %dma_wait3A_396 = tpu.memref_squeeze %dma_wait3A_395 : memref<1x128xi32, #tpu.memory_space<vmem>> -> memref<128xi32, #tpu.memory_space<vmem>>
      %dma_wait3A_397 = arith.constant 0 : i32
      %dma_wait3A_398 = arith.constant 0 : i32
      %dma_wait3A_399 = tpu.memref_slice %arg10[%dma_wait3A_397, %dma_wait3A_398] : memref<10240x16xf32, #tpu.memory_space<vmem_shared>> -> memref<10240x16xf32, #tpu.memory_space<vmem_shared>>
      tpu.wait_indirect_dma semaphore(%arg31 : memref<!tpu.dma_semaphore, #tpu.memory_space<semaphore_mem>>) src(%arg15 : memref<128x16xf32, #tpu.memory_space<vmem>>) dst(%dma_wait3A_399 : memref<10240x16xf32, #tpu.memory_space<vmem_shared>>)
      %dma_wait3A_400 = arith.constant 0 : i32
      %dma_wait3A_401 = tpu.memref_slice %arg7[%add3A_327, %dma_wait3A_400] : memref<78x128xi32, #tpu.memory_space<vmem>> -> memref<1x128xi32, #tpu.memory_space<vmem>>
      %dma_wait3A_402 = tpu.memref_squeeze %dma_wait3A_401 : memref<1x128xi32, #tpu.memory_space<vmem>> -> memref<128xi32, #tpu.memory_space<vmem>>
      %dma_wait3A_403 = arith.constant 0 : i32
      %dma_wait3A_404 = arith.constant 0 : i32
      %dma_wait3A_405 = tpu.memref_slice %arg10[%dma_wait3A_403, %dma_wait3A_404] : memref<10240x16xf32, #tpu.memory_space<vmem_shared>> -> memref<10240x16xf32, #tpu.memory_space<vmem_shared>>
      tpu.wait_indirect_dma semaphore(%arg32 : memref<!tpu.dma_semaphore, #tpu.memory_space<semaphore_mem>>) src(%arg16 : memref<128x16xf32, #tpu.memory_space<vmem>>) dst(%dma_wait3A_405 : memref<10240x16xf32, #tpu.memory_space<vmem_shared>>)
      %dma_wait3A_406 = arith.constant 0 : i32
      %dma_wait3A_407 = tpu.memref_slice %arg7[%add3A_341, %dma_wait3A_406] : memref<78x128xi32, #tpu.memory_space<vmem>> -> memref<1x128xi32, #tpu.memory_space<vmem>>
      %dma_wait3A_408 = tpu.memref_squeeze %dma_wait3A_407 : memref<1x128xi32, #tpu.memory_space<vmem>> -> memref<128xi32, #tpu.memory_space<vmem>>
      %dma_wait3A_409 = arith.constant 0 : i32
      %dma_wait3A_410 = arith.constant 0 : i32
      %dma_wait3A_411 = tpu.memref_slice %arg10[%dma_wait3A_409, %dma_wait3A_410] : memref<10240x16xf32, #tpu.memory_space<vmem_shared>> -> memref<10240x16xf32, #tpu.memory_space<vmem_shared>>
      tpu.wait_indirect_dma semaphore(%arg33 : memref<!tpu.dma_semaphore, #tpu.memory_space<semaphore_mem>>) src(%arg17 : memref<128x16xf32, #tpu.memory_space<vmem>>) dst(%dma_wait3A_411 : memref<10240x16xf32, #tpu.memory_space<vmem_shared>>)
      %dma_wait3A_412 = arith.constant 0 : i32
      %dma_wait3A_413 = tpu.memref_slice %arg7[%add3A_355, %dma_wait3A_412] : memref<78x128xi32, #tpu.memory_space<vmem>> -> memref<1x128xi32, #tpu.memory_space<vmem>>
      %dma_wait3A_414 = tpu.memref_squeeze %dma_wait3A_413 : memref<1x128xi32, #tpu.memory_space<vmem>> -> memref<128xi32, #tpu.memory_space<vmem>>
      %dma_wait3A_415 = arith.constant 0 : i32
      %dma_wait3A_416 = arith.constant 0 : i32
      %dma_wait3A_417 = tpu.memref_slice %arg10[%dma_wait3A_415, %dma_wait3A_416] : memref<10240x16xf32, #tpu.memory_space<vmem_shared>> -> memref<10240x16xf32, #tpu.memory_space<vmem_shared>>
      tpu.wait_indirect_dma semaphore(%arg34 : memref<!tpu.dma_semaphore, #tpu.memory_space<semaphore_mem>>) src(%arg18 : memref<128x16xf32, #tpu.memory_space<vmem>>) dst(%dma_wait3A_417 : memref<10240x16xf32, #tpu.memory_space<vmem_shared>>)
      %dma_wait3A_418 = arith.constant 0 : i32
      %dma_wait3A_419 = tpu.memref_slice %arg7[%add3A_369, %dma_wait3A_418] : memref<78x128xi32, #tpu.memory_space<vmem>> -> memref<1x128xi32, #tpu.memory_space<vmem>>
      %dma_wait3A_420 = tpu.memref_squeeze %dma_wait3A_419 : memref<1x128xi32, #tpu.memory_space<vmem>> -> memref<128xi32, #tpu.memory_space<vmem>>
      %dma_wait3A_421 = arith.constant 0 : i32
      %dma_wait3A_422 = arith.constant 0 : i32
      %dma_wait3A_423 = tpu.memref_slice %arg10[%dma_wait3A_421, %dma_wait3A_422] : memref<10240x16xf32, #tpu.memory_space<vmem_shared>> -> memref<10240x16xf32, #tpu.memory_space<vmem_shared>>
      tpu.wait_indirect_dma semaphore(%arg35 : memref<!tpu.dma_semaphore, #tpu.memory_space<semaphore_mem>>) src(%arg19 : memref<128x16xf32, #tpu.memory_space<vmem>>) dst(%dma_wait3A_423 : memref<10240x16xf32, #tpu.memory_space<vmem_shared>>)
    }
    %scan3A_20 = arith.constant 9 : i32
    %dma_start3A = arith.constant 72 : i32
    %dma_start3A_21 = arith.constant 0 : i32
    %dma_start3A_22 = tpu.memref_slice %arg6[%dma_start3A, %dma_start3A_21] : memref<78x128xi32, #tpu.memory_space<vmem>> -> memref<1x128xi32, #tpu.memory_space<vmem>>
    %dma_start3A_23 = tpu.memref_squeeze %dma_start3A_22 : memref<1x128xi32, #tpu.memory_space<vmem>> -> memref<128xi32, #tpu.memory_space<vmem>>
    %dma_start3A_24 = arith.constant 0 : i32
    %dma_start3A_25 = arith.constant 0 : i32
    %dma_start3A_26 = tpu.memref_slice %arg11[%dma_start3A_24, %dma_start3A_25] : memref<10000x16xf32, #tpu.memory_space<vmem_shared>> -> memref<10000x16xf32, #tpu.memory_space<vmem_shared>>
    tpu.enqueue_indirect_dma source(%dma_start3A_26 : memref<10000x16xf32, #tpu.memory_space<vmem_shared>>) target(%arg12 : memref<128x16xf32, #tpu.memory_space<vmem>>) offsets(%dma_start3A_23 : memref<128xi32, #tpu.memory_space<vmem>>) semaphore(%arg20 : memref<!tpu.dma_semaphore, #tpu.memory_space<semaphore_mem>>)
    %dma_start3A_27 = arith.constant 73 : i32
    %dma_start3A_28 = arith.constant 0 : i32
    %dma_start3A_29 = tpu.memref_slice %arg6[%dma_start3A_27, %dma_start3A_28] : memref<78x128xi32, #tpu.memory_space<vmem>> -> memref<1x128xi32, #tpu.memory_space<vmem>>
    %dma_start3A_30 = tpu.memref_squeeze %dma_start3A_29 : memref<1x128xi32, #tpu.memory_space<vmem>> -> memref<128xi32, #tpu.memory_space<vmem>>
    %dma_start3A_31 = arith.constant 0 : i32
    %dma_start3A_32 = arith.constant 0 : i32
    %dma_start3A_33 = tpu.memref_slice %arg11[%dma_start3A_31, %dma_start3A_32] : memref<10000x16xf32, #tpu.memory_space<vmem_shared>> -> memref<10000x16xf32, #tpu.memory_space<vmem_shared>>
    tpu.enqueue_indirect_dma source(%dma_start3A_33 : memref<10000x16xf32, #tpu.memory_space<vmem_shared>>) target(%arg13 : memref<128x16xf32, #tpu.memory_space<vmem>>) offsets(%dma_start3A_30 : memref<128xi32, #tpu.memory_space<vmem>>) semaphore(%arg21 : memref<!tpu.dma_semaphore, #tpu.memory_space<semaphore_mem>>)
    %dma_start3A_34 = arith.constant 74 : i32
    %dma_start3A_35 = arith.constant 0 : i32
    %dma_start3A_36 = tpu.memref_slice %arg6[%dma_start3A_34, %dma_start3A_35] : memref<78x128xi32, #tpu.memory_space<vmem>> -> memref<1x128xi32, #tpu.memory_space<vmem>>
    %dma_start3A_37 = tpu.memref_squeeze %dma_start3A_36 : memref<1x128xi32, #tpu.memory_space<vmem>> -> memref<128xi32, #tpu.memory_space<vmem>>
    %dma_start3A_38 = arith.constant 0 : i32
    %dma_start3A_39 = arith.constant 0 : i32
    %dma_start3A_40 = tpu.memref_slice %arg11[%dma_start3A_38, %dma_start3A_39] : memref<10000x16xf32, #tpu.memory_space<vmem_shared>> -> memref<10000x16xf32, #tpu.memory_space<vmem_shared>>
    tpu.enqueue_indirect_dma source(%dma_start3A_40 : memref<10000x16xf32, #tpu.memory_space<vmem_shared>>) target(%arg14 : memref<128x16xf32, #tpu.memory_space<vmem>>) offsets(%dma_start3A_37 : memref<128xi32, #tpu.memory_space<vmem>>) semaphore(%arg22 : memref<!tpu.dma_semaphore, #tpu.memory_space<semaphore_mem>>)
    %dma_start3A_41 = arith.constant 75 : i32
    %dma_start3A_42 = arith.constant 0 : i32
    %dma_start3A_43 = tpu.memref_slice %arg6[%dma_start3A_41, %dma_start3A_42] : memref<78x128xi32, #tpu.memory_space<vmem>> -> memref<1x128xi32, #tpu.memory_space<vmem>>
    %dma_start3A_44 = tpu.memref_squeeze %dma_start3A_43 : memref<1x128xi32, #tpu.memory_space<vmem>> -> memref<128xi32, #tpu.memory_space<vmem>>
    %dma_start3A_45 = arith.constant 0 : i32
    %dma_start3A_46 = arith.constant 0 : i32
    %dma_start3A_47 = tpu.memref_slice %arg11[%dma_start3A_45, %dma_start3A_46] : memref<10000x16xf32, #tpu.memory_space<vmem_shared>> -> memref<10000x16xf32, #tpu.memory_space<vmem_shared>>
    tpu.enqueue_indirect_dma source(%dma_start3A_47 : memref<10000x16xf32, #tpu.memory_space<vmem_shared>>) target(%arg15 : memref<128x16xf32, #tpu.memory_space<vmem>>) offsets(%dma_start3A_44 : memref<128xi32, #tpu.memory_space<vmem>>) semaphore(%arg23 : memref<!tpu.dma_semaphore, #tpu.memory_space<semaphore_mem>>)
    %dma_start3A_48 = arith.constant 76 : i32
    %dma_start3A_49 = arith.constant 0 : i32
    %dma_start3A_50 = tpu.memref_slice %arg6[%dma_start3A_48, %dma_start3A_49] : memref<78x128xi32, #tpu.memory_space<vmem>> -> memref<1x128xi32, #tpu.memory_space<vmem>>
    %dma_start3A_51 = tpu.memref_squeeze %dma_start3A_50 : memref<1x128xi32, #tpu.memory_space<vmem>> -> memref<128xi32, #tpu.memory_space<vmem>>
    %dma_start3A_52 = arith.constant 0 : i32
    %dma_start3A_53 = arith.constant 0 : i32
    %dma_start3A_54 = tpu.memref_slice %arg11[%dma_start3A_52, %dma_start3A_53] : memref<10000x16xf32, #tpu.memory_space<vmem_shared>> -> memref<10000x16xf32, #tpu.memory_space<vmem_shared>>
    tpu.enqueue_indirect_dma source(%dma_start3A_54 : memref<10000x16xf32, #tpu.memory_space<vmem_shared>>) target(%arg16 : memref<128x16xf32, #tpu.memory_space<vmem>>) offsets(%dma_start3A_51 : memref<128xi32, #tpu.memory_space<vmem>>) semaphore(%arg24 : memref<!tpu.dma_semaphore, #tpu.memory_space<semaphore_mem>>)
    %dma_start3A_55 = arith.constant 77 : i32
    %dma_start3A_56 = arith.constant 0 : i32
    %dma_start3A_57 = tpu.memref_slice %arg6[%dma_start3A_55, %dma_start3A_56] : memref<78x128xi32, #tpu.memory_space<vmem>> -> memref<1x128xi32, #tpu.memory_space<vmem>>
    %dma_start3A_58 = tpu.memref_squeeze %dma_start3A_57 : memref<1x128xi32, #tpu.memory_space<vmem>> -> memref<128xi32, #tpu.memory_space<vmem>>
    %dma_start3A_59 = arith.constant 0 : i32
    %dma_start3A_60 = arith.constant 0 : i32
    %dma_start3A_61 = tpu.memref_slice %arg11[%dma_start3A_59, %dma_start3A_60] : memref<10000x16xf32, #tpu.memory_space<vmem_shared>> -> memref<10000x16xf32, #tpu.memory_space<vmem_shared>>
    tpu.enqueue_indirect_dma source(%dma_start3A_61 : memref<10000x16xf32, #tpu.memory_space<vmem_shared>>) target(%arg17 : memref<128x16xf32, #tpu.memory_space<vmem>>) offsets(%dma_start3A_58 : memref<128xi32, #tpu.memory_space<vmem>>) semaphore(%arg25 : memref<!tpu.dma_semaphore, #tpu.memory_space<semaphore_mem>>)
    %dma_wait3A = arith.constant 72 : i32
    %dma_wait3A_62 = arith.constant 0 : i32
    %dma_wait3A_63 = tpu.memref_slice %arg6[%dma_wait3A, %dma_wait3A_62] : memref<78x128xi32, #tpu.memory_space<vmem>> -> memref<1x128xi32, #tpu.memory_space<vmem>>
    %dma_wait3A_64 = tpu.memref_squeeze %dma_wait3A_63 : memref<1x128xi32, #tpu.memory_space<vmem>> -> memref<128xi32, #tpu.memory_space<vmem>>
    %dma_wait3A_65 = arith.constant 0 : i32
    %dma_wait3A_66 = arith.constant 0 : i32
    %dma_wait3A_67 = tpu.memref_slice %arg11[%dma_wait3A_65, %dma_wait3A_66] : memref<10000x16xf32, #tpu.memory_space<vmem_shared>> -> memref<10000x16xf32, #tpu.memory_space<vmem_shared>>
    tpu.wait_indirect_dma semaphore(%arg20 : memref<!tpu.dma_semaphore, #tpu.memory_space<semaphore_mem>>) src(%dma_wait3A_67 : memref<10000x16xf32, #tpu.memory_space<vmem_shared>>) dst(%arg12 : memref<128x16xf32, #tpu.memory_space<vmem>>)
    %dma_start3A_68 = arith.constant 72 : i32
    %dma_start3A_69 = arith.constant 0 : i32
    %dma_start3A_70 = tpu.memref_slice %arg7[%dma_start3A_68, %dma_start3A_69] : memref<78x128xi32, #tpu.memory_space<vmem>> -> memref<1x128xi32, #tpu.memory_space<vmem>>
    %dma_start3A_71 = tpu.memref_squeeze %dma_start3A_70 : memref<1x128xi32, #tpu.memory_space<vmem>> -> memref<128xi32, #tpu.memory_space<vmem>>
    %dma_start3A_72 = arith.constant 0 : i32
    %dma_start3A_73 = arith.constant 0 : i32
    %dma_start3A_74 = tpu.memref_slice %arg10[%dma_start3A_72, %dma_start3A_73] : memref<10240x16xf32, #tpu.memory_space<vmem_shared>> -> memref<10240x16xf32, #tpu.memory_space<vmem_shared>>
    tpu.enqueue_indirect_dma source(%arg12 : memref<128x16xf32, #tpu.memory_space<vmem>>) target(%dma_start3A_74 : memref<10240x16xf32, #tpu.memory_space<vmem_shared>>) offsets(%dma_start3A_71 : memref<128xi32, #tpu.memory_space<vmem>>) semaphore(%arg28 : memref<!tpu.dma_semaphore, #tpu.memory_space<semaphore_mem>>) {add = true}
    %dma_wait3A_75 = arith.constant 73 : i32
    %dma_wait3A_76 = arith.constant 0 : i32
    %dma_wait3A_77 = tpu.memref_slice %arg6[%dma_wait3A_75, %dma_wait3A_76] : memref<78x128xi32, #tpu.memory_space<vmem>> -> memref<1x128xi32, #tpu.memory_space<vmem>>
    %dma_wait3A_78 = tpu.memref_squeeze %dma_wait3A_77 : memref<1x128xi32, #tpu.memory_space<vmem>> -> memref<128xi32, #tpu.memory_space<vmem>>
    %dma_wait3A_79 = arith.constant 0 : i32
    %dma_wait3A_80 = arith.constant 0 : i32
    %dma_wait3A_81 = tpu.memref_slice %arg11[%dma_wait3A_79, %dma_wait3A_80] : memref<10000x16xf32, #tpu.memory_space<vmem_shared>> -> memref<10000x16xf32, #tpu.memory_space<vmem_shared>>
    tpu.wait_indirect_dma semaphore(%arg21 : memref<!tpu.dma_semaphore, #tpu.memory_space<semaphore_mem>>) src(%dma_wait3A_81 : memref<10000x16xf32, #tpu.memory_space<vmem_shared>>) dst(%arg13 : memref<128x16xf32, #tpu.memory_space<vmem>>)
    %dma_start3A_82 = arith.constant 73 : i32
    %dma_start3A_83 = arith.constant 0 : i32
    %dma_start3A_84 = tpu.memref_slice %arg7[%dma_start3A_82, %dma_start3A_83] : memref<78x128xi32, #tpu.memory_space<vmem>> -> memref<1x128xi32, #tpu.memory_space<vmem>>
    %dma_start3A_85 = tpu.memref_squeeze %dma_start3A_84 : memref<1x128xi32, #tpu.memory_space<vmem>> -> memref<128xi32, #tpu.memory_space<vmem>>
    %dma_start3A_86 = arith.constant 0 : i32
    %dma_start3A_87 = arith.constant 0 : i32
    %dma_start3A_88 = tpu.memref_slice %arg10[%dma_start3A_86, %dma_start3A_87] : memref<10240x16xf32, #tpu.memory_space<vmem_shared>> -> memref<10240x16xf32, #tpu.memory_space<vmem_shared>>
    tpu.enqueue_indirect_dma source(%arg13 : memref<128x16xf32, #tpu.memory_space<vmem>>) target(%dma_start3A_88 : memref<10240x16xf32, #tpu.memory_space<vmem_shared>>) offsets(%dma_start3A_85 : memref<128xi32, #tpu.memory_space<vmem>>) semaphore(%arg29 : memref<!tpu.dma_semaphore, #tpu.memory_space<semaphore_mem>>) {add = true}
    %dma_wait3A_89 = arith.constant 74 : i32
    %dma_wait3A_90 = arith.constant 0 : i32
    %dma_wait3A_91 = tpu.memref_slice %arg6[%dma_wait3A_89, %dma_wait3A_90] : memref<78x128xi32, #tpu.memory_space<vmem>> -> memref<1x128xi32, #tpu.memory_space<vmem>>
    %dma_wait3A_92 = tpu.memref_squeeze %dma_wait3A_91 : memref<1x128xi32, #tpu.memory_space<vmem>> -> memref<128xi32, #tpu.memory_space<vmem>>
    %dma_wait3A_93 = arith.constant 0 : i32
    %dma_wait3A_94 = arith.constant 0 : i32
    %dma_wait3A_95 = tpu.memref_slice %arg11[%dma_wait3A_93, %dma_wait3A_94] : memref<10000x16xf32, #tpu.memory_space<vmem_shared>> -> memref<10000x16xf32, #tpu.memory_space<vmem_shared>>
    tpu.wait_indirect_dma semaphore(%arg22 : memref<!tpu.dma_semaphore, #tpu.memory_space<semaphore_mem>>) src(%dma_wait3A_95 : memref<10000x16xf32, #tpu.memory_space<vmem_shared>>) dst(%arg14 : memref<128x16xf32, #tpu.memory_space<vmem>>)
    %dma_start3A_96 = arith.constant 74 : i32
    %dma_start3A_97 = arith.constant 0 : i32
    %dma_start3A_98 = tpu.memref_slice %arg7[%dma_start3A_96, %dma_start3A_97] : memref<78x128xi32, #tpu.memory_space<vmem>> -> memref<1x128xi32, #tpu.memory_space<vmem>>
    %dma_start3A_99 = tpu.memref_squeeze %dma_start3A_98 : memref<1x128xi32, #tpu.memory_space<vmem>> -> memref<128xi32, #tpu.memory_space<vmem>>
    %dma_start3A_100 = arith.constant 0 : i32
    %dma_start3A_101 = arith.constant 0 : i32
    %dma_start3A_102 = tpu.memref_slice %arg10[%dma_start3A_100, %dma_start3A_101] : memref<10240x16xf32, #tpu.memory_space<vmem_shared>> -> memref<10240x16xf32, #tpu.memory_space<vmem_shared>>
    tpu.enqueue_indirect_dma source(%arg14 : memref<128x16xf32, #tpu.memory_space<vmem>>) target(%dma_start3A_102 : memref<10240x16xf32, #tpu.memory_space<vmem_shared>>) offsets(%dma_start3A_99 : memref<128xi32, #tpu.memory_space<vmem>>) semaphore(%arg30 : memref<!tpu.dma_semaphore, #tpu.memory_space<semaphore_mem>>) {add = true}
    %dma_wait3A_103 = arith.constant 75 : i32
    %dma_wait3A_104 = arith.constant 0 : i32
    %dma_wait3A_105 = tpu.memref_slice %arg6[%dma_wait3A_103, %dma_wait3A_104] : memref<78x128xi32, #tpu.memory_space<vmem>> -> memref<1x128xi32, #tpu.memory_space<vmem>>
    %dma_wait3A_106 = tpu.memref_squeeze %dma_wait3A_105 : memref<1x128xi32, #tpu.memory_space<vmem>> -> memref<128xi32, #tpu.memory_space<vmem>>
    %dma_wait3A_107 = arith.constant 0 : i32
    %dma_wait3A_108 = arith.constant 0 : i32
    %dma_wait3A_109 = tpu.memref_slice %arg11[%dma_wait3A_107, %dma_wait3A_108] : memref<10000x16xf32, #tpu.memory_space<vmem_shared>> -> memref<10000x16xf32, #tpu.memory_space<vmem_shared>>
    tpu.wait_indirect_dma semaphore(%arg23 : memref<!tpu.dma_semaphore, #tpu.memory_space<semaphore_mem>>) src(%dma_wait3A_109 : memref<10000x16xf32, #tpu.memory_space<vmem_shared>>) dst(%arg15 : memref<128x16xf32, #tpu.memory_space<vmem>>)
    %dma_start3A_110 = arith.constant 75 : i32
    %dma_start3A_111 = arith.constant 0 : i32
    %dma_start3A_112 = tpu.memref_slice %arg7[%dma_start3A_110, %dma_start3A_111] : memref<78x128xi32, #tpu.memory_space<vmem>> -> memref<1x128xi32, #tpu.memory_space<vmem>>
    %dma_start3A_113 = tpu.memref_squeeze %dma_start3A_112 : memref<1x128xi32, #tpu.memory_space<vmem>> -> memref<128xi32, #tpu.memory_space<vmem>>
    %dma_start3A_114 = arith.constant 0 : i32
    %dma_start3A_115 = arith.constant 0 : i32
    %dma_start3A_116 = tpu.memref_slice %arg10[%dma_start3A_114, %dma_start3A_115] : memref<10240x16xf32, #tpu.memory_space<vmem_shared>> -> memref<10240x16xf32, #tpu.memory_space<vmem_shared>>
    tpu.enqueue_indirect_dma source(%arg15 : memref<128x16xf32, #tpu.memory_space<vmem>>) target(%dma_start3A_116 : memref<10240x16xf32, #tpu.memory_space<vmem_shared>>) offsets(%dma_start3A_113 : memref<128xi32, #tpu.memory_space<vmem>>) semaphore(%arg31 : memref<!tpu.dma_semaphore, #tpu.memory_space<semaphore_mem>>) {add = true}
    %dma_wait3A_117 = arith.constant 76 : i32
    %dma_wait3A_118 = arith.constant 0 : i32
    %dma_wait3A_119 = tpu.memref_slice %arg6[%dma_wait3A_117, %dma_wait3A_118] : memref<78x128xi32, #tpu.memory_space<vmem>> -> memref<1x128xi32, #tpu.memory_space<vmem>>
    %dma_wait3A_120 = tpu.memref_squeeze %dma_wait3A_119 : memref<1x128xi32, #tpu.memory_space<vmem>> -> memref<128xi32, #tpu.memory_space<vmem>>
    %dma_wait3A_121 = arith.constant 0 : i32
    %dma_wait3A_122 = arith.constant 0 : i32
    %dma_wait3A_123 = tpu.memref_slice %arg11[%dma_wait3A_121, %dma_wait3A_122] : memref<10000x16xf32, #tpu.memory_space<vmem_shared>> -> memref<10000x16xf32, #tpu.memory_space<vmem_shared>>
    tpu.wait_indirect_dma semaphore(%arg24 : memref<!tpu.dma_semaphore, #tpu.memory_space<semaphore_mem>>) src(%dma_wait3A_123 : memref<10000x16xf32, #tpu.memory_space<vmem_shared>>) dst(%arg16 : memref<128x16xf32, #tpu.memory_space<vmem>>)
    %dma_start3A_124 = arith.constant 76 : i32
    %dma_start3A_125 = arith.constant 0 : i32
    %dma_start3A_126 = tpu.memref_slice %arg7[%dma_start3A_124, %dma_start3A_125] : memref<78x128xi32, #tpu.memory_space<vmem>> -> memref<1x128xi32, #tpu.memory_space<vmem>>
    %dma_start3A_127 = tpu.memref_squeeze %dma_start3A_126 : memref<1x128xi32, #tpu.memory_space<vmem>> -> memref<128xi32, #tpu.memory_space<vmem>>
    %dma_start3A_128 = arith.constant 0 : i32
    %dma_start3A_129 = arith.constant 0 : i32
    %dma_start3A_130 = tpu.memref_slice %arg10[%dma_start3A_128, %dma_start3A_129] : memref<10240x16xf32, #tpu.memory_space<vmem_shared>> -> memref<10240x16xf32, #tpu.memory_space<vmem_shared>>
    tpu.enqueue_indirect_dma source(%arg16 : memref<128x16xf32, #tpu.memory_space<vmem>>) target(%dma_start3A_130 : memref<10240x16xf32, #tpu.memory_space<vmem_shared>>) offsets(%dma_start3A_127 : memref<128xi32, #tpu.memory_space<vmem>>) semaphore(%arg32 : memref<!tpu.dma_semaphore, #tpu.memory_space<semaphore_mem>>) {add = true}
    %dma_wait3A_131 = arith.constant 77 : i32
    %dma_wait3A_132 = arith.constant 0 : i32
    %dma_wait3A_133 = tpu.memref_slice %arg6[%dma_wait3A_131, %dma_wait3A_132] : memref<78x128xi32, #tpu.memory_space<vmem>> -> memref<1x128xi32, #tpu.memory_space<vmem>>
    %dma_wait3A_134 = tpu.memref_squeeze %dma_wait3A_133 : memref<1x128xi32, #tpu.memory_space<vmem>> -> memref<128xi32, #tpu.memory_space<vmem>>
    %dma_wait3A_135 = arith.constant 0 : i32
    %dma_wait3A_136 = arith.constant 0 : i32
    %dma_wait3A_137 = tpu.memref_slice %arg11[%dma_wait3A_135, %dma_wait3A_136] : memref<10000x16xf32, #tpu.memory_space<vmem_shared>> -> memref<10000x16xf32, #tpu.memory_space<vmem_shared>>
    tpu.wait_indirect_dma semaphore(%arg25 : memref<!tpu.dma_semaphore, #tpu.memory_space<semaphore_mem>>) src(%dma_wait3A_137 : memref<10000x16xf32, #tpu.memory_space<vmem_shared>>) dst(%arg17 : memref<128x16xf32, #tpu.memory_space<vmem>>)
    %dma_start3A_138 = arith.constant 77 : i32
    %dma_start3A_139 = arith.constant 0 : i32
    %dma_start3A_140 = tpu.memref_slice %arg7[%dma_start3A_138, %dma_start3A_139] : memref<78x128xi32, #tpu.memory_space<vmem>> -> memref<1x128xi32, #tpu.memory_space<vmem>>
    %dma_start3A_141 = tpu.memref_squeeze %dma_start3A_140 : memref<1x128xi32, #tpu.memory_space<vmem>> -> memref<128xi32, #tpu.memory_space<vmem>>
    %dma_start3A_142 = arith.constant 0 : i32
    %dma_start3A_143 = arith.constant 0 : i32
    %dma_start3A_144 = tpu.memref_slice %arg10[%dma_start3A_142, %dma_start3A_143] : memref<10240x16xf32, #tpu.memory_space<vmem_shared>> -> memref<10240x16xf32, #tpu.memory_space<vmem_shared>>
    tpu.enqueue_indirect_dma source(%arg17 : memref<128x16xf32, #tpu.memory_space<vmem>>) target(%dma_start3A_144 : memref<10240x16xf32, #tpu.memory_space<vmem_shared>>) offsets(%dma_start3A_141 : memref<128xi32, #tpu.memory_space<vmem>>) semaphore(%arg33 : memref<!tpu.dma_semaphore, #tpu.memory_space<semaphore_mem>>) {add = true}
    %dma_wait3A_145 = arith.constant 72 : i32
    %dma_wait3A_146 = arith.constant 0 : i32
    %dma_wait3A_147 = tpu.memref_slice %arg7[%dma_wait3A_145, %dma_wait3A_146] : memref<78x128xi32, #tpu.memory_space<vmem>> -> memref<1x128xi32, #tpu.memory_space<vmem>>
    %dma_wait3A_148 = tpu.memref_squeeze %dma_wait3A_147 : memref<1x128xi32, #tpu.memory_space<vmem>> -> memref<128xi32, #tpu.memory_space<vmem>>
    %dma_wait3A_149 = arith.constant 0 : i32
    %dma_wait3A_150 = arith.constant 0 : i32
    %dma_wait3A_151 = tpu.memref_slice %arg10[%dma_wait3A_149, %dma_wait3A_150] : memref<10240x16xf32, #tpu.memory_space<vmem_shared>> -> memref<10240x16xf32, #tpu.memory_space<vmem_shared>>
    tpu.wait_indirect_dma semaphore(%arg28 : memref<!tpu.dma_semaphore, #tpu.memory_space<semaphore_mem>>) src(%arg12 : memref<128x16xf32, #tpu.memory_space<vmem>>) dst(%dma_wait3A_151 : memref<10240x16xf32, #tpu.memory_space<vmem_shared>>)
    %dma_wait3A_152 = arith.constant 73 : i32
    %dma_wait3A_153 = arith.constant 0 : i32
    %dma_wait3A_154 = tpu.memref_slice %arg7[%dma_wait3A_152, %dma_wait3A_153] : memref<78x128xi32, #tpu.memory_space<vmem>> -> memref<1x128xi32, #tpu.memory_space<vmem>>
    %dma_wait3A_155 = tpu.memref_squeeze %dma_wait3A_154 : memref<1x128xi32, #tpu.memory_space<vmem>> -> memref<128xi32, #tpu.memory_space<vmem>>
    %dma_wait3A_156 = arith.constant 0 : i32
    %dma_wait3A_157 = arith.constant 0 : i32
    %dma_wait3A_158 = tpu.memref_slice %arg10[%dma_wait3A_156, %dma_wait3A_157] : memref<10240x16xf32, #tpu.memory_space<vmem_shared>> -> memref<10240x16xf32, #tpu.memory_space<vmem_shared>>
    tpu.wait_indirect_dma semaphore(%arg29 : memref<!tpu.dma_semaphore, #tpu.memory_space<semaphore_mem>>) src(%arg13 : memref<128x16xf32, #tpu.memory_space<vmem>>) dst(%dma_wait3A_158 : memref<10240x16xf32, #tpu.memory_space<vmem_shared>>)
    %dma_wait3A_159 = arith.constant 74 : i32
    %dma_wait3A_160 = arith.constant 0 : i32
    %dma_wait3A_161 = tpu.memref_slice %arg7[%dma_wait3A_159, %dma_wait3A_160] : memref<78x128xi32, #tpu.memory_space<vmem>> -> memref<1x128xi32, #tpu.memory_space<vmem>>
    %dma_wait3A_162 = tpu.memref_squeeze %dma_wait3A_161 : memref<1x128xi32, #tpu.memory_space<vmem>> -> memref<128xi32, #tpu.memory_space<vmem>>
    %dma_wait3A_163 = arith.constant 0 : i32
    %dma_wait3A_164 = arith.constant 0 : i32
    %dma_wait3A_165 = tpu.memref_slice %arg10[%dma_wait3A_163, %dma_wait3A_164] : memref<10240x16xf32, #tpu.memory_space<vmem_shared>> -> memref<10240x16xf32, #tpu.memory_space<vmem_shared>>
    tpu.wait_indirect_dma semaphore(%arg30 : memref<!tpu.dma_semaphore, #tpu.memory_space<semaphore_mem>>) src(%arg14 : memref<128x16xf32, #tpu.memory_space<vmem>>) dst(%dma_wait3A_165 : memref<10240x16xf32, #tpu.memory_space<vmem_shared>>)
    %dma_wait3A_166 = arith.constant 75 : i32
    %dma_wait3A_167 = arith.constant 0 : i32
    %dma_wait3A_168 = tpu.memref_slice %arg7[%dma_wait3A_166, %dma_wait3A_167] : memref<78x128xi32, #tpu.memory_space<vmem>> -> memref<1x128xi32, #tpu.memory_space<vmem>>
    %dma_wait3A_169 = tpu.memref_squeeze %dma_wait3A_168 : memref<1x128xi32, #tpu.memory_space<vmem>> -> memref<128xi32, #tpu.memory_space<vmem>>
    %dma_wait3A_170 = arith.constant 0 : i32
    %dma_wait3A_171 = arith.constant 0 : i32
    %dma_wait3A_172 = tpu.memref_slice %arg10[%dma_wait3A_170, %dma_wait3A_171] : memref<10240x16xf32, #tpu.memory_space<vmem_shared>> -> memref<10240x16xf32, #tpu.memory_space<vmem_shared>>
    tpu.wait_indirect_dma semaphore(%arg31 : memref<!tpu.dma_semaphore, #tpu.memory_space<semaphore_mem>>) src(%arg15 : memref<128x16xf32, #tpu.memory_space<vmem>>) dst(%dma_wait3A_172 : memref<10240x16xf32, #tpu.memory_space<vmem_shared>>)
    %dma_wait3A_173 = arith.constant 76 : i32
    %dma_wait3A_174 = arith.constant 0 : i32
    %dma_wait3A_175 = tpu.memref_slice %arg7[%dma_wait3A_173, %dma_wait3A_174] : memref<78x128xi32, #tpu.memory_space<vmem>> -> memref<1x128xi32, #tpu.memory_space<vmem>>
    %dma_wait3A_176 = tpu.memref_squeeze %dma_wait3A_175 : memref<1x128xi32, #tpu.memory_space<vmem>> -> memref<128xi32, #tpu.memory_space<vmem>>
    %dma_wait3A_177 = arith.constant 0 : i32
    %dma_wait3A_178 = arith.constant 0 : i32
    %dma_wait3A_179 = tpu.memref_slice %arg10[%dma_wait3A_177, %dma_wait3A_178] : memref<10240x16xf32, #tpu.memory_space<vmem_shared>> -> memref<10240x16xf32, #tpu.memory_space<vmem_shared>>
    tpu.wait_indirect_dma semaphore(%arg32 : memref<!tpu.dma_semaphore, #tpu.memory_space<semaphore_mem>>) src(%arg16 : memref<128x16xf32, #tpu.memory_space<vmem>>) dst(%dma_wait3A_179 : memref<10240x16xf32, #tpu.memory_space<vmem_shared>>)
    %dma_wait3A_180 = arith.constant 77 : i32
    %dma_wait3A_181 = arith.constant 0 : i32
    %dma_wait3A_182 = tpu.memref_slice %arg7[%dma_wait3A_180, %dma_wait3A_181] : memref<78x128xi32, #tpu.memory_space<vmem>> -> memref<1x128xi32, #tpu.memory_space<vmem>>
    %dma_wait3A_183 = tpu.memref_squeeze %dma_wait3A_182 : memref<1x128xi32, #tpu.memory_space<vmem>> -> memref<128xi32, #tpu.memory_space<vmem>>
    %dma_wait3A_184 = arith.constant 0 : i32
    %dma_wait3A_185 = arith.constant 0 : i32
    %dma_wait3A_186 = tpu.memref_slice %arg10[%dma_wait3A_184, %dma_wait3A_185] : memref<10240x16xf32, #tpu.memory_space<vmem_shared>> -> memref<10240x16xf32, #tpu.memory_space<vmem_shared>>
    tpu.wait_indirect_dma semaphore(%arg33 : memref<!tpu.dma_semaphore, #tpu.memory_space<semaphore_mem>>) src(%arg17 : memref<128x16xf32, #tpu.memory_space<vmem>>) dst(%dma_wait3A_186 : memref<10240x16xf32, #tpu.memory_space<vmem_shared>>)
    %lt3A_187 = arith.constant 4 : i32
    %lt3A_188 = arith.cmpi slt, %add3A, %lt3A_187 : i32
    %convert_element_type3A_189 = arith.extui %lt3A_188 : i1 to i32
    %cond3A_190 = arith.constant 0 : i32
    %cond3A_191 = arith.cmpi ne, %convert_element_type3A_189, %cond3A_190 : i32
    scf.if %cond3A_191 {
      %dma_start3A_197 = arith.constant 0 : i32
      %dma_start3A_198 = arith.constant 0 : i32
      %dma_start3A_199 = tpu.memref_slice %arg8[%dma_start3A_197, %dma_start3A_198] : memref<1x128xi32, #tpu.memory_space<vmem>> -> memref<1x128xi32, #tpu.memory_space<vmem>>
      %dma_start3A_200 = tpu.memref_squeeze %dma_start3A_199 : memref<1x128xi32, #tpu.memory_space<vmem>> -> memref<128xi32, #tpu.memory_space<vmem>>
      %dma_start3A_201 = arith.constant 0 : i32
      %dma_start3A_202 = arith.constant 0 : i32
      %dma_start3A_203 = tpu.memref_slice %arg11[%dma_start3A_201, %dma_start3A_202] : memref<10000x16xf32, #tpu.memory_space<vmem_shared>> -> memref<10000x16xf32, #tpu.memory_space<vmem_shared>>
      tpu.enqueue_indirect_dma source(%dma_start3A_203 : memref<10000x16xf32, #tpu.memory_space<vmem_shared>>) target(%arg12 : memref<128x16xf32, #tpu.memory_space<vmem>>) offsets(%dma_start3A_200 : memref<128xi32, #tpu.memory_space<vmem>>) semaphore(%arg20 : memref<!tpu.dma_semaphore, #tpu.memory_space<semaphore_mem>>)
      %dma_wait3A_204 = arith.constant 0 : i32
      %dma_wait3A_205 = arith.constant 0 : i32
      %dma_wait3A_206 = tpu.memref_slice %arg8[%dma_wait3A_204, %dma_wait3A_205] : memref<1x128xi32, #tpu.memory_space<vmem>> -> memref<1x128xi32, #tpu.memory_space<vmem>>
      %dma_wait3A_207 = tpu.memref_squeeze %dma_wait3A_206 : memref<1x128xi32, #tpu.memory_space<vmem>> -> memref<128xi32, #tpu.memory_space<vmem>>
      %dma_wait3A_208 = arith.constant 0 : i32
      %dma_wait3A_209 = arith.constant 0 : i32
      %dma_wait3A_210 = tpu.memref_slice %arg11[%dma_wait3A_208, %dma_wait3A_209] : memref<10000x16xf32, #tpu.memory_space<vmem_shared>> -> memref<10000x16xf32, #tpu.memory_space<vmem_shared>>
      tpu.wait_indirect_dma semaphore(%arg20 : memref<!tpu.dma_semaphore, #tpu.memory_space<semaphore_mem>>) src(%dma_wait3A_210 : memref<10000x16xf32, #tpu.memory_space<vmem_shared>>) dst(%arg12 : memref<128x16xf32, #tpu.memory_space<vmem>>)
      %dma_start3A_211 = arith.constant 0 : i32
      %dma_start3A_212 = arith.constant 0 : i32
      %dma_start3A_213 = tpu.memref_slice %arg9[%dma_start3A_211, %dma_start3A_212] : memref<1x128xi32, #tpu.memory_space<vmem>> -> memref<1x128xi32, #tpu.memory_space<vmem>>
      %dma_start3A_214 = tpu.memref_squeeze %dma_start3A_213 : memref<1x128xi32, #tpu.memory_space<vmem>> -> memref<128xi32, #tpu.memory_space<vmem>>
      %dma_start3A_215 = arith.constant 0 : i32
      %dma_start3A_216 = arith.constant 0 : i32
      %dma_start3A_217 = tpu.memref_slice %arg10[%dma_start3A_215, %dma_start3A_216] : memref<10240x16xf32, #tpu.memory_space<vmem_shared>> -> memref<10240x16xf32, #tpu.memory_space<vmem_shared>>
      tpu.enqueue_indirect_dma source(%arg12 : memref<128x16xf32, #tpu.memory_space<vmem>>) target(%dma_start3A_217 : memref<10240x16xf32, #tpu.memory_space<vmem_shared>>) offsets(%dma_start3A_214 : memref<128xi32, #tpu.memory_space<vmem>>) semaphore(%arg28 : memref<!tpu.dma_semaphore, #tpu.memory_space<semaphore_mem>>) {add = true}
      %dma_wait3A_218 = arith.constant 0 : i32
      %dma_wait3A_219 = arith.constant 0 : i32
      %dma_wait3A_220 = tpu.memref_slice %arg9[%dma_wait3A_218, %dma_wait3A_219] : memref<1x128xi32, #tpu.memory_space<vmem>> -> memref<1x128xi32, #tpu.memory_space<vmem>>
      %dma_wait3A_221 = tpu.memref_squeeze %dma_wait3A_220 : memref<1x128xi32, #tpu.memory_space<vmem>> -> memref<128xi32, #tpu.memory_space<vmem>>
      %dma_wait3A_222 = arith.constant 0 : i32
      %dma_wait3A_223 = arith.constant 0 : i32
      %dma_wait3A_224 = tpu.memref_slice %arg10[%dma_wait3A_222, %dma_wait3A_223] : memref<10240x16xf32, #tpu.memory_space<vmem_shared>> -> memref<10240x16xf32, #tpu.memory_space<vmem_shared>>
      tpu.wait_indirect_dma semaphore(%arg28 : memref<!tpu.dma_semaphore, #tpu.memory_space<semaphore_mem>>) src(%arg12 : memref<128x16xf32, #tpu.memory_space<vmem>>) dst(%dma_wait3A_224 : memref<10240x16xf32, #tpu.memory_space<vmem_shared>>)
    } else {
    }
    %barrier3A_192 = arith.constant 0 : index
    tpu.barrier barrier_id(%barrier3A_192)
    %mul3A_193 = arith.constant 640 : i32
    %mul3A_194 = arith.muli %arg1, %mul3A_193 : i32
    %mul3A_195 = arith.constant 640 : i32
    %mul3A_196 = arith.muli %arg1, %mul3A_195 : i32
    "tpu.region"() ({
      %run_scoped3A_197 = tpu.sem_alloc : memref<!tpu.dma_semaphore, #tpu.memory_space<semaphore_mem>>
      %dma_start3A_198 = arith.constant 0 : i32
      %dma_start3A_199 = tpu.memref_slice %arg5[%arg0, %mul3A_196, %dma_start3A_198] : memref<2x10240x16xf32, #tpu.memory_space<hbm>> -> memref<1x640x16xf32, #tpu.memory_space<hbm>>
      %dma_start3A_200 = tpu.memref_squeeze %dma_start3A_199 : memref<1x640x16xf32, #tpu.memory_space<hbm>> -> memref<640x16xf32, #tpu.memory_space<hbm>>
      %dma_start3A_201 = arith.constant 0 : i32
      %dma_start3A_202 = tpu.memref_slice %arg10[%mul3A_194, %dma_start3A_201] : memref<10240x16xf32, #tpu.memory_space<vmem_shared>> -> memref<640x16xf32, #tpu.memory_space<vmem_shared>>
      tpu.enqueue_dma source(%dma_start3A_202 : memref<640x16xf32, #tpu.memory_space<vmem_shared>>) target(%dma_start3A_200 : memref<640x16xf32, #tpu.memory_space<hbm>>) target_semaphore(%run_scoped3A_197 : memref<!tpu.dma_semaphore, #tpu.memory_space<semaphore_mem>>)
      %dma_wait3A_203 = arith.constant 0 : i32
      %dma_wait3A_204 = tpu.memref_slice %arg5[%arg0, %mul3A_196, %dma_wait3A_203] : memref<2x10240x16xf32, #tpu.memory_space<hbm>> -> memref<1x640x16xf32, #tpu.memory_space<hbm>>
      %dma_wait3A_205 = tpu.memref_squeeze %dma_wait3A_204 : memref<1x640x16xf32, #tpu.memory_space<hbm>> -> memref<640x16xf32, #tpu.memory_space<hbm>>
      %dma_wait3A_206 = arith.constant 0 : i32
      %dma_wait3A_207 = tpu.memref_slice %arg10[%mul3A_194, %dma_wait3A_206] : memref<10240x16xf32, #tpu.memory_space<vmem_shared>> -> memref<640x16xf32, #tpu.memory_space<vmem_shared>>
      tpu.wait_dma2 semaphore(%run_scoped3A_197 : memref<!tpu.dma_semaphore, #tpu.memory_space<semaphore_mem>>) src(%dma_wait3A_207 : memref<640x16xf32, #tpu.memory_space<vmem_shared>>) dst(%dma_wait3A_205 : memref<640x16xf32, #tpu.memory_space<hbm>>)
      tpu.yield
    }) : () -> ()
    return
  }
}

#map = affine_map<(d0, d1) -> (0, 0, 0)>
#map1 = affine_map<(d0, d1) -> (0)>
#map2 = affine_map<(d0, d1) -> (0, 0)>
module attributes {stable_mosaic.version = 14 : i64} {
  func.func @_deg_kernel(%arg0: i32, %arg1: i32, %arg2: memref<2x2500x128xi32, #tpu.memory_space<hbm>>, %arg3: memref<10240xf32, #tpu.memory_space<hbm>>, %arg4: memref<128xf32, #tpu.memory_space<hbm>>, %arg5: memref<2x10240xf32, #tpu.memory_space<hbm>>, %arg6: memref<78x128xi32, #tpu.memory_space<vmem>>, %arg7: memref<1x128xi32, #tpu.memory_space<vmem>>, %arg8: memref<128xf32, #tpu.memory_space<vmem>>, %arg9: memref<10240xf32, #tpu.memory_space<vmem_shared>>, %arg10: memref<!tpu.dma_semaphore, #tpu.memory_space<semaphore_mem>>, %arg11: memref<!tpu.dma_semaphore, #tpu.memory_space<semaphore_mem>>, %arg12: memref<!tpu.dma_semaphore, #tpu.memory_space<semaphore_mem>>, %arg13: memref<!tpu.dma_semaphore, #tpu.memory_space<semaphore_mem>>, %arg14: memref<!tpu.dma_semaphore, #tpu.memory_space<semaphore_mem>>, %arg15: memref<!tpu.dma_semaphore, #tpu.memory_space<semaphore_mem>>, %arg16: memref<!tpu.dma_semaphore, #tpu.memory_space<semaphore_mem>>, %arg17: memref<!tpu.dma_semaphore, #tpu.memory_space<semaphore_mem>>) attributes {dimension_semantics = [#tpu.dimension_semantics<core_parallel>, #tpu.dimension_semantics<subcore_parallel>], iteration_bounds = array<i64: 2, 16>, scalar_prefetch = 0 : i64, scratch_operands = 12 : i64, tpu.core_type = #tpu.core_type<sc_vector_subcore>, window_params = [{transform_indices = #map}, {transform_indices = #map1}, {transform_indices = #map1}, {transform_indices = #map2}]} {
    %mul3A = arith.constant 2 : i32
    %mul3A_0 = arith.muli %arg1, %mul3A : i32
    %add3A = arith.addi %mul3A_0, %arg0 : i32
    %mul3A_1 = arith.constant 640 : i32
    %mul3A_2 = arith.muli %arg1, %mul3A_1 : i32
    %mul3A_3 = arith.constant 640 : i32
    %mul3A_4 = arith.muli %arg1, %mul3A_3 : i32
    "tpu.region"() ({
      %run_scoped3A_94 = tpu.sem_alloc : memref<!tpu.dma_semaphore, #tpu.memory_space<semaphore_mem>>
      %dma_start3A_95 = tpu.memref_slice %arg9[%mul3A_4] : memref<10240xf32, #tpu.memory_space<vmem_shared>> -> memref<640xf32, #tpu.memory_space<vmem_shared>>
      %dma_start3A_96 = tpu.memref_slice %arg3[%mul3A_2] : memref<10240xf32, #tpu.memory_space<hbm>> -> memref<640xf32, #tpu.memory_space<hbm>>
      tpu.enqueue_dma source(%dma_start3A_96 : memref<640xf32, #tpu.memory_space<hbm>>) target(%dma_start3A_95 : memref<640xf32, #tpu.memory_space<vmem_shared>>) target_semaphore(%run_scoped3A_94 : memref<!tpu.dma_semaphore, #tpu.memory_space<semaphore_mem>>)
      %dma_wait3A_97 = tpu.memref_slice %arg9[%mul3A_4] : memref<10240xf32, #tpu.memory_space<vmem_shared>> -> memref<640xf32, #tpu.memory_space<vmem_shared>>
      %dma_wait3A_98 = tpu.memref_slice %arg3[%mul3A_2] : memref<10240xf32, #tpu.memory_space<hbm>> -> memref<640xf32, #tpu.memory_space<hbm>>
      tpu.wait_dma2 semaphore(%run_scoped3A_94 : memref<!tpu.dma_semaphore, #tpu.memory_space<semaphore_mem>>) src(%dma_wait3A_98 : memref<640xf32, #tpu.memory_space<hbm>>) dst(%dma_wait3A_97 : memref<640xf32, #tpu.memory_space<vmem_shared>>)
      tpu.yield
    }) : () -> ()
    "tpu.region"() ({
      %run_scoped3A_94 = tpu.sem_alloc : memref<!tpu.dma_semaphore, #tpu.memory_space<semaphore_mem>>
      tpu.enqueue_dma source(%arg4 : memref<128xf32, #tpu.memory_space<hbm>>) target(%arg8 : memref<128xf32, #tpu.memory_space<vmem>>) target_semaphore(%run_scoped3A_94 : memref<!tpu.dma_semaphore, #tpu.memory_space<semaphore_mem>>)
      tpu.wait_dma2 semaphore(%run_scoped3A_94 : memref<!tpu.dma_semaphore, #tpu.memory_space<semaphore_mem>>) src(%arg4 : memref<128xf32, #tpu.memory_space<hbm>>) dst(%arg8 : memref<128xf32, #tpu.memory_space<vmem>>)
      tpu.yield
    }) : () -> ()
    %mul3A_5 = arith.constant 78 : i32
    %mul3A_6 = arith.muli %add3A, %mul3A_5 : i32
    %run_scoped3A = arith.constant 1 : i32
    "tpu.region"() ({
      %run_scoped3A_94 = tpu.sem_alloc : memref<!tpu.dma_semaphore, #tpu.memory_space<semaphore_mem>>
      %dma_start3A_95 = arith.constant 0 : i32
      %dma_start3A_96 = tpu.memref_slice %arg2[%run_scoped3A, %mul3A_6, %dma_start3A_95] : memref<2x2500x128xi32, #tpu.memory_space<hbm>> -> memref<1x78x128xi32, #tpu.memory_space<hbm>>
      %dma_start3A_97 = tpu.memref_squeeze %dma_start3A_96 : memref<1x78x128xi32, #tpu.memory_space<hbm>> -> memref<78x128xi32, #tpu.memory_space<hbm>>
      %dma_start3A_98 = arith.constant 0 : i32
      %dma_start3A_99 = tpu.memref_slice %arg2[%run_scoped3A, %mul3A_6, %dma_start3A_98] : memref<2x2500x128xi32, #tpu.memory_space<hbm>> -> memref<1x78x128xi32, #tpu.memory_space<hbm>>
      %dma_start3A_100 = tpu.memref_squeeze %dma_start3A_99 : memref<1x78x128xi32, #tpu.memory_space<hbm>> -> memref<78x128xi32, #tpu.memory_space<hbm>>
      tpu.enqueue_dma source(%dma_start3A_100 : memref<78x128xi32, #tpu.memory_space<hbm>>) target(%arg6 : memref<78x128xi32, #tpu.memory_space<vmem>>) target_semaphore(%run_scoped3A_94 : memref<!tpu.dma_semaphore, #tpu.memory_space<semaphore_mem>>)
      %dma_wait3A_101 = arith.constant 0 : i32
      %dma_wait3A_102 = tpu.memref_slice %arg2[%run_scoped3A, %mul3A_6, %dma_wait3A_101] : memref<2x2500x128xi32, #tpu.memory_space<hbm>> -> memref<1x78x128xi32, #tpu.memory_space<hbm>>
      %dma_wait3A_103 = tpu.memref_squeeze %dma_wait3A_102 : memref<1x78x128xi32, #tpu.memory_space<hbm>> -> memref<78x128xi32, #tpu.memory_space<hbm>>
      %dma_wait3A_104 = arith.constant 0 : i32
      %dma_wait3A_105 = tpu.memref_slice %arg2[%run_scoped3A, %mul3A_6, %dma_wait3A_104] : memref<2x2500x128xi32, #tpu.memory_space<hbm>> -> memref<1x78x128xi32, #tpu.memory_space<hbm>>
      %dma_wait3A_106 = tpu.memref_squeeze %dma_wait3A_105 : memref<1x78x128xi32, #tpu.memory_space<hbm>> -> memref<78x128xi32, #tpu.memory_space<hbm>>
      tpu.wait_dma2 semaphore(%run_scoped3A_94 : memref<!tpu.dma_semaphore, #tpu.memory_space<semaphore_mem>>) src(%dma_wait3A_106 : memref<78x128xi32, #tpu.memory_space<hbm>>) dst(%arg6 : memref<78x128xi32, #tpu.memory_space<vmem>>)
      tpu.yield
    }) : () -> ()
    %lt3A = arith.constant 4 : i32
    %lt3A_7 = arith.cmpi slt, %add3A, %lt3A : i32
    %convert_element_type3A = arith.extui %lt3A_7 : i1 to i32
    %cond3A = arith.constant 0 : i32
    %cond3A_8 = arith.cmpi ne, %convert_element_type3A, %cond3A : i32
    scf.if %cond3A_8 {
      %add3A_94 = arith.constant 2496 : i32
      %add3A_95 = arith.addi %add3A_94, %add3A : i32
      %run_scoped3A_96 = arith.constant 1 : i32
      "tpu.region"() ({
        %run_scoped3A_97 = tpu.sem_alloc : memref<!tpu.dma_semaphore, #tpu.memory_space<semaphore_mem>>
        %dma_start3A_98 = arith.constant 0 : i32
        %dma_start3A_99 = tpu.memref_slice %arg2[%run_scoped3A_96, %add3A_95, %dma_start3A_98] : memref<2x2500x128xi32, #tpu.memory_space<hbm>> -> memref<1x1x128xi32, #tpu.memory_space<hbm>>
        %dma_start3A_100 = tpu.memref_squeeze %dma_start3A_99 : memref<1x1x128xi32, #tpu.memory_space<hbm>> -> memref<1x128xi32, #tpu.memory_space<hbm>>
        %dma_start3A_101 = arith.constant 0 : i32
        %dma_start3A_102 = tpu.memref_slice %arg2[%run_scoped3A_96, %add3A_95, %dma_start3A_101] : memref<2x2500x128xi32, #tpu.memory_space<hbm>> -> memref<1x1x128xi32, #tpu.memory_space<hbm>>
        %dma_start3A_103 = tpu.memref_squeeze %dma_start3A_102 : memref<1x1x128xi32, #tpu.memory_space<hbm>> -> memref<1x128xi32, #tpu.memory_space<hbm>>
        tpu.enqueue_dma source(%dma_start3A_103 : memref<1x128xi32, #tpu.memory_space<hbm>>) target(%arg7 : memref<1x128xi32, #tpu.memory_space<vmem>>) target_semaphore(%run_scoped3A_97 : memref<!tpu.dma_semaphore, #tpu.memory_space<semaphore_mem>>)
        %dma_wait3A_104 = arith.constant 0 : i32
        %dma_wait3A_105 = tpu.memref_slice %arg2[%run_scoped3A_96, %add3A_95, %dma_wait3A_104] : memref<2x2500x128xi32, #tpu.memory_space<hbm>> -> memref<1x1x128xi32, #tpu.memory_space<hbm>>
        %dma_wait3A_106 = tpu.memref_squeeze %dma_wait3A_105 : memref<1x1x128xi32, #tpu.memory_space<hbm>> -> memref<1x128xi32, #tpu.memory_space<hbm>>
        %dma_wait3A_107 = arith.constant 0 : i32
        %dma_wait3A_108 = tpu.memref_slice %arg2[%run_scoped3A_96, %add3A_95, %dma_wait3A_107] : memref<2x2500x128xi32, #tpu.memory_space<hbm>> -> memref<1x1x128xi32, #tpu.memory_space<hbm>>
        %dma_wait3A_109 = tpu.memref_squeeze %dma_wait3A_108 : memref<1x1x128xi32, #tpu.memory_space<hbm>> -> memref<1x128xi32, #tpu.memory_space<hbm>>
        tpu.wait_dma2 semaphore(%run_scoped3A_97 : memref<!tpu.dma_semaphore, #tpu.memory_space<semaphore_mem>>) src(%dma_wait3A_109 : memref<1x128xi32, #tpu.memory_space<hbm>>) dst(%arg7 : memref<1x128xi32, #tpu.memory_space<vmem>>)
        tpu.yield
      }) : () -> ()
    } else {
    }
    %barrier3A = arith.constant 0 : index
    tpu.barrier barrier_id(%barrier3A)
    %scan3A = arith.constant 0 : i32
    %scan3A_9 = arith.constant 0 : i32
    %scan3A_10 = arith.constant 9 : i32
    %scan3A_11 = arith.addi %scan3A_9, %scan3A_10 : i32
    %scan3A_12 = arith.constant 1 : i32
    scf.for %scan3A_94 = %scan3A_9 to %scan3A_11 step %scan3A_12  : i32 {
      %mul3A_95 = arith.constant 8 : i32
      %mul3A_96 = arith.muli %scan3A_94, %mul3A_95 : i32
      %add3A_97 = arith.constant 0 : i32
      %add3A_98 = arith.addi %mul3A_96, %add3A_97 : i32
      %dma_start3A_99 = arith.constant 0 : i32
      %dma_start3A_100 = tpu.memref_slice %arg6[%add3A_98, %dma_start3A_99] : memref<78x128xi32, #tpu.memory_space<vmem>> -> memref<1x128xi32, #tpu.memory_space<vmem>>
      %dma_start3A_101 = tpu.memref_squeeze %dma_start3A_100 : memref<1x128xi32, #tpu.memory_space<vmem>> -> memref<128xi32, #tpu.memory_space<vmem>>
      %dma_start3A_102 = arith.constant 0 : i32
      %dma_start3A_103 = tpu.memref_slice %arg9[%dma_start3A_102] : memref<10240xf32, #tpu.memory_space<vmem_shared>> -> memref<10240xf32, #tpu.memory_space<vmem_shared>>
      tpu.enqueue_indirect_dma source(%arg8 : memref<128xf32, #tpu.memory_space<vmem>>) target(%dma_start3A_103 : memref<10240xf32, #tpu.memory_space<vmem_shared>>) offsets(%dma_start3A_101 : memref<128xi32, #tpu.memory_space<vmem>>) semaphore(%arg10 : memref<!tpu.dma_semaphore, #tpu.memory_space<semaphore_mem>>) {add = true}
      %add3A_104 = arith.constant 1 : i32
      %add3A_105 = arith.addi %mul3A_96, %add3A_104 : i32
      %dma_start3A_106 = arith.constant 0 : i32
      %dma_start3A_107 = tpu.memref_slice %arg6[%add3A_105, %dma_start3A_106] : memref<78x128xi32, #tpu.memory_space<vmem>> -> memref<1x128xi32, #tpu.memory_space<vmem>>
      %dma_start3A_108 = tpu.memref_squeeze %dma_start3A_107 : memref<1x128xi32, #tpu.memory_space<vmem>> -> memref<128xi32, #tpu.memory_space<vmem>>
      %dma_start3A_109 = arith.constant 0 : i32
      %dma_start3A_110 = tpu.memref_slice %arg9[%dma_start3A_109] : memref<10240xf32, #tpu.memory_space<vmem_shared>> -> memref<10240xf32, #tpu.memory_space<vmem_shared>>
      tpu.enqueue_indirect_dma source(%arg8 : memref<128xf32, #tpu.memory_space<vmem>>) target(%dma_start3A_110 : memref<10240xf32, #tpu.memory_space<vmem_shared>>) offsets(%dma_start3A_108 : memref<128xi32, #tpu.memory_space<vmem>>) semaphore(%arg11 : memref<!tpu.dma_semaphore, #tpu.memory_space<semaphore_mem>>) {add = true}
      %add3A_111 = arith.constant 2 : i32
      %add3A_112 = arith.addi %mul3A_96, %add3A_111 : i32
      %dma_start3A_113 = arith.constant 0 : i32
      %dma_start3A_114 = tpu.memref_slice %arg6[%add3A_112, %dma_start3A_113] : memref<78x128xi32, #tpu.memory_space<vmem>> -> memref<1x128xi32, #tpu.memory_space<vmem>>
      %dma_start3A_115 = tpu.memref_squeeze %dma_start3A_114 : memref<1x128xi32, #tpu.memory_space<vmem>> -> memref<128xi32, #tpu.memory_space<vmem>>
      %dma_start3A_116 = arith.constant 0 : i32
      %dma_start3A_117 = tpu.memref_slice %arg9[%dma_start3A_116] : memref<10240xf32, #tpu.memory_space<vmem_shared>> -> memref<10240xf32, #tpu.memory_space<vmem_shared>>
      tpu.enqueue_indirect_dma source(%arg8 : memref<128xf32, #tpu.memory_space<vmem>>) target(%dma_start3A_117 : memref<10240xf32, #tpu.memory_space<vmem_shared>>) offsets(%dma_start3A_115 : memref<128xi32, #tpu.memory_space<vmem>>) semaphore(%arg12 : memref<!tpu.dma_semaphore, #tpu.memory_space<semaphore_mem>>) {add = true}
      %add3A_118 = arith.constant 3 : i32
      %add3A_119 = arith.addi %mul3A_96, %add3A_118 : i32
      %dma_start3A_120 = arith.constant 0 : i32
      %dma_start3A_121 = tpu.memref_slice %arg6[%add3A_119, %dma_start3A_120] : memref<78x128xi32, #tpu.memory_space<vmem>> -> memref<1x128xi32, #tpu.memory_space<vmem>>
      %dma_start3A_122 = tpu.memref_squeeze %dma_start3A_121 : memref<1x128xi32, #tpu.memory_space<vmem>> -> memref<128xi32, #tpu.memory_space<vmem>>
      %dma_start3A_123 = arith.constant 0 : i32
      %dma_start3A_124 = tpu.memref_slice %arg9[%dma_start3A_123] : memref<10240xf32, #tpu.memory_space<vmem_shared>> -> memref<10240xf32, #tpu.memory_space<vmem_shared>>
      tpu.enqueue_indirect_dma source(%arg8 : memref<128xf32, #tpu.memory_space<vmem>>) target(%dma_start3A_124 : memref<10240xf32, #tpu.memory_space<vmem_shared>>) offsets(%dma_start3A_122 : memref<128xi32, #tpu.memory_space<vmem>>) semaphore(%arg13 : memref<!tpu.dma_semaphore, #tpu.memory_space<semaphore_mem>>) {add = true}
      %add3A_125 = arith.constant 4 : i32
      %add3A_126 = arith.addi %mul3A_96, %add3A_125 : i32
      %dma_start3A_127 = arith.constant 0 : i32
      %dma_start3A_128 = tpu.memref_slice %arg6[%add3A_126, %dma_start3A_127] : memref<78x128xi32, #tpu.memory_space<vmem>> -> memref<1x128xi32, #tpu.memory_space<vmem>>
      %dma_start3A_129 = tpu.memref_squeeze %dma_start3A_128 : memref<1x128xi32, #tpu.memory_space<vmem>> -> memref<128xi32, #tpu.memory_space<vmem>>
      %dma_start3A_130 = arith.constant 0 : i32
      %dma_start3A_131 = tpu.memref_slice %arg9[%dma_start3A_130] : memref<10240xf32, #tpu.memory_space<vmem_shared>> -> memref<10240xf32, #tpu.memory_space<vmem_shared>>
      tpu.enqueue_indirect_dma source(%arg8 : memref<128xf32, #tpu.memory_space<vmem>>) target(%dma_start3A_131 : memref<10240xf32, #tpu.memory_space<vmem_shared>>) offsets(%dma_start3A_129 : memref<128xi32, #tpu.memory_space<vmem>>) semaphore(%arg14 : memref<!tpu.dma_semaphore, #tpu.memory_space<semaphore_mem>>) {add = true}
      %add3A_132 = arith.constant 5 : i32
      %add3A_133 = arith.addi %mul3A_96, %add3A_132 : i32
      %dma_start3A_134 = arith.constant 0 : i32
      %dma_start3A_135 = tpu.memref_slice %arg6[%add3A_133, %dma_start3A_134] : memref<78x128xi32, #tpu.memory_space<vmem>> -> memref<1x128xi32, #tpu.memory_space<vmem>>
      %dma_start3A_136 = tpu.memref_squeeze %dma_start3A_135 : memref<1x128xi32, #tpu.memory_space<vmem>> -> memref<128xi32, #tpu.memory_space<vmem>>
      %dma_start3A_137 = arith.constant 0 : i32
      %dma_start3A_138 = tpu.memref_slice %arg9[%dma_start3A_137] : memref<10240xf32, #tpu.memory_space<vmem_shared>> -> memref<10240xf32, #tpu.memory_space<vmem_shared>>
      tpu.enqueue_indirect_dma source(%arg8 : memref<128xf32, #tpu.memory_space<vmem>>) target(%dma_start3A_138 : memref<10240xf32, #tpu.memory_space<vmem_shared>>) offsets(%dma_start3A_136 : memref<128xi32, #tpu.memory_space<vmem>>) semaphore(%arg15 : memref<!tpu.dma_semaphore, #tpu.memory_space<semaphore_mem>>) {add = true}
      %add3A_139 = arith.constant 6 : i32
      %add3A_140 = arith.addi %mul3A_96, %add3A_139 : i32
      %dma_start3A_141 = arith.constant 0 : i32
      %dma_start3A_142 = tpu.memref_slice %arg6[%add3A_140, %dma_start3A_141] : memref<78x128xi32, #tpu.memory_space<vmem>> -> memref<1x128xi32, #tpu.memory_space<vmem>>
      %dma_start3A_143 = tpu.memref_squeeze %dma_start3A_142 : memref<1x128xi32, #tpu.memory_space<vmem>> -> memref<128xi32, #tpu.memory_space<vmem>>
      %dma_start3A_144 = arith.constant 0 : i32
      %dma_start3A_145 = tpu.memref_slice %arg9[%dma_start3A_144] : memref<10240xf32, #tpu.memory_space<vmem_shared>> -> memref<10240xf32, #tpu.memory_space<vmem_shared>>
      tpu.enqueue_indirect_dma source(%arg8 : memref<128xf32, #tpu.memory_space<vmem>>) target(%dma_start3A_145 : memref<10240xf32, #tpu.memory_space<vmem_shared>>) offsets(%dma_start3A_143 : memref<128xi32, #tpu.memory_space<vmem>>) semaphore(%arg16 : memref<!tpu.dma_semaphore, #tpu.memory_space<semaphore_mem>>) {add = true}
      %add3A_146 = arith.constant 7 : i32
      %add3A_147 = arith.addi %mul3A_96, %add3A_146 : i32
      %dma_start3A_148 = arith.constant 0 : i32
      %dma_start3A_149 = tpu.memref_slice %arg6[%add3A_147, %dma_start3A_148] : memref<78x128xi32, #tpu.memory_space<vmem>> -> memref<1x128xi32, #tpu.memory_space<vmem>>
      %dma_start3A_150 = tpu.memref_squeeze %dma_start3A_149 : memref<1x128xi32, #tpu.memory_space<vmem>> -> memref<128xi32, #tpu.memory_space<vmem>>
      %dma_start3A_151 = arith.constant 0 : i32
      %dma_start3A_152 = tpu.memref_slice %arg9[%dma_start3A_151] : memref<10240xf32, #tpu.memory_space<vmem_shared>> -> memref<10240xf32, #tpu.memory_space<vmem_shared>>
      tpu.enqueue_indirect_dma source(%arg8 : memref<128xf32, #tpu.memory_space<vmem>>) target(%dma_start3A_152 : memref<10240xf32, #tpu.memory_space<vmem_shared>>) offsets(%dma_start3A_150 : memref<128xi32, #tpu.memory_space<vmem>>) semaphore(%arg17 : memref<!tpu.dma_semaphore, #tpu.memory_space<semaphore_mem>>) {add = true}
      %dma_wait3A_153 = arith.constant 0 : i32
      %dma_wait3A_154 = tpu.memref_slice %arg6[%add3A_98, %dma_wait3A_153] : memref<78x128xi32, #tpu.memory_space<vmem>> -> memref<1x128xi32, #tpu.memory_space<vmem>>
      %dma_wait3A_155 = tpu.memref_squeeze %dma_wait3A_154 : memref<1x128xi32, #tpu.memory_space<vmem>> -> memref<128xi32, #tpu.memory_space<vmem>>
      %dma_wait3A_156 = arith.constant 0 : i32
      %dma_wait3A_157 = tpu.memref_slice %arg9[%dma_wait3A_156] : memref<10240xf32, #tpu.memory_space<vmem_shared>> -> memref<10240xf32, #tpu.memory_space<vmem_shared>>
      tpu.wait_indirect_dma semaphore(%arg10 : memref<!tpu.dma_semaphore, #tpu.memory_space<semaphore_mem>>) src(%arg8 : memref<128xf32, #tpu.memory_space<vmem>>) dst(%dma_wait3A_157 : memref<10240xf32, #tpu.memory_space<vmem_shared>>)
      %dma_wait3A_158 = arith.constant 0 : i32
      %dma_wait3A_159 = tpu.memref_slice %arg6[%add3A_105, %dma_wait3A_158] : memref<78x128xi32, #tpu.memory_space<vmem>> -> memref<1x128xi32, #tpu.memory_space<vmem>>
      %dma_wait3A_160 = tpu.memref_squeeze %dma_wait3A_159 : memref<1x128xi32, #tpu.memory_space<vmem>> -> memref<128xi32, #tpu.memory_space<vmem>>
      %dma_wait3A_161 = arith.constant 0 : i32
      %dma_wait3A_162 = tpu.memref_slice %arg9[%dma_wait3A_161] : memref<10240xf32, #tpu.memory_space<vmem_shared>> -> memref<10240xf32, #tpu.memory_space<vmem_shared>>
      tpu.wait_indirect_dma semaphore(%arg11 : memref<!tpu.dma_semaphore, #tpu.memory_space<semaphore_mem>>) src(%arg8 : memref<128xf32, #tpu.memory_space<vmem>>) dst(%dma_wait3A_162 : memref<10240xf32, #tpu.memory_space<vmem_shared>>)
      %dma_wait3A_163 = arith.constant 0 : i32
      %dma_wait3A_164 = tpu.memref_slice %arg6[%add3A_112, %dma_wait3A_163] : memref<78x128xi32, #tpu.memory_space<vmem>> -> memref<1x128xi32, #tpu.memory_space<vmem>>
      %dma_wait3A_165 = tpu.memref_squeeze %dma_wait3A_164 : memref<1x128xi32, #tpu.memory_space<vmem>> -> memref<128xi32, #tpu.memory_space<vmem>>
      %dma_wait3A_166 = arith.constant 0 : i32
      %dma_wait3A_167 = tpu.memref_slice %arg9[%dma_wait3A_166] : memref<10240xf32, #tpu.memory_space<vmem_shared>> -> memref<10240xf32, #tpu.memory_space<vmem_shared>>
      tpu.wait_indirect_dma semaphore(%arg12 : memref<!tpu.dma_semaphore, #tpu.memory_space<semaphore_mem>>) src(%arg8 : memref<128xf32, #tpu.memory_space<vmem>>) dst(%dma_wait3A_167 : memref<10240xf32, #tpu.memory_space<vmem_shared>>)
      %dma_wait3A_168 = arith.constant 0 : i32
      %dma_wait3A_169 = tpu.memref_slice %arg6[%add3A_119, %dma_wait3A_168] : memref<78x128xi32, #tpu.memory_space<vmem>> -> memref<1x128xi32, #tpu.memory_space<vmem>>
      %dma_wait3A_170 = tpu.memref_squeeze %dma_wait3A_169 : memref<1x128xi32, #tpu.memory_space<vmem>> -> memref<128xi32, #tpu.memory_space<vmem>>
      %dma_wait3A_171 = arith.constant 0 : i32
      %dma_wait3A_172 = tpu.memref_slice %arg9[%dma_wait3A_171] : memref<10240xf32, #tpu.memory_space<vmem_shared>> -> memref<10240xf32, #tpu.memory_space<vmem_shared>>
      tpu.wait_indirect_dma semaphore(%arg13 : memref<!tpu.dma_semaphore, #tpu.memory_space<semaphore_mem>>) src(%arg8 : memref<128xf32, #tpu.memory_space<vmem>>) dst(%dma_wait3A_172 : memref<10240xf32, #tpu.memory_space<vmem_shared>>)
      %dma_wait3A_173 = arith.constant 0 : i32
      %dma_wait3A_174 = tpu.memref_slice %arg6[%add3A_126, %dma_wait3A_173] : memref<78x128xi32, #tpu.memory_space<vmem>> -> memref<1x128xi32, #tpu.memory_space<vmem>>
      %dma_wait3A_175 = tpu.memref_squeeze %dma_wait3A_174 : memref<1x128xi32, #tpu.memory_space<vmem>> -> memref<128xi32, #tpu.memory_space<vmem>>
      %dma_wait3A_176 = arith.constant 0 : i32
      %dma_wait3A_177 = tpu.memref_slice %arg9[%dma_wait3A_176] : memref<10240xf32, #tpu.memory_space<vmem_shared>> -> memref<10240xf32, #tpu.memory_space<vmem_shared>>
      tpu.wait_indirect_dma semaphore(%arg14 : memref<!tpu.dma_semaphore, #tpu.memory_space<semaphore_mem>>) src(%arg8 : memref<128xf32, #tpu.memory_space<vmem>>) dst(%dma_wait3A_177 : memref<10240xf32, #tpu.memory_space<vmem_shared>>)
      %dma_wait3A_178 = arith.constant 0 : i32
      %dma_wait3A_179 = tpu.memref_slice %arg6[%add3A_133, %dma_wait3A_178] : memref<78x128xi32, #tpu.memory_space<vmem>> -> memref<1x128xi32, #tpu.memory_space<vmem>>
      %dma_wait3A_180 = tpu.memref_squeeze %dma_wait3A_179 : memref<1x128xi32, #tpu.memory_space<vmem>> -> memref<128xi32, #tpu.memory_space<vmem>>
      %dma_wait3A_181 = arith.constant 0 : i32
      %dma_wait3A_182 = tpu.memref_slice %arg9[%dma_wait3A_181] : memref<10240xf32, #tpu.memory_space<vmem_shared>> -> memref<10240xf32, #tpu.memory_space<vmem_shared>>
      tpu.wait_indirect_dma semaphore(%arg15 : memref<!tpu.dma_semaphore, #tpu.memory_space<semaphore_mem>>) src(%arg8 : memref<128xf32, #tpu.memory_space<vmem>>) dst(%dma_wait3A_182 : memref<10240xf32, #tpu.memory_space<vmem_shared>>)
      %dma_wait3A_183 = arith.constant 0 : i32
      %dma_wait3A_184 = tpu.memref_slice %arg6[%add3A_140, %dma_wait3A_183] : memref<78x128xi32, #tpu.memory_space<vmem>> -> memref<1x128xi32, #tpu.memory_space<vmem>>
      %dma_wait3A_185 = tpu.memref_squeeze %dma_wait3A_184 : memref<1x128xi32, #tpu.memory_space<vmem>> -> memref<128xi32, #tpu.memory_space<vmem>>
      %dma_wait3A_186 = arith.constant 0 : i32
      %dma_wait3A_187 = tpu.memref_slice %arg9[%dma_wait3A_186] : memref<10240xf32, #tpu.memory_space<vmem_shared>> -> memref<10240xf32, #tpu.memory_space<vmem_shared>>
      tpu.wait_indirect_dma semaphore(%arg16 : memref<!tpu.dma_semaphore, #tpu.memory_space<semaphore_mem>>) src(%arg8 : memref<128xf32, #tpu.memory_space<vmem>>) dst(%dma_wait3A_187 : memref<10240xf32, #tpu.memory_space<vmem_shared>>)
      %dma_wait3A_188 = arith.constant 0 : i32
      %dma_wait3A_189 = tpu.memref_slice %arg6[%add3A_147, %dma_wait3A_188] : memref<78x128xi32, #tpu.memory_space<vmem>> -> memref<1x128xi32, #tpu.memory_space<vmem>>
      %dma_wait3A_190 = tpu.memref_squeeze %dma_wait3A_189 : memref<1x128xi32, #tpu.memory_space<vmem>> -> memref<128xi32, #tpu.memory_space<vmem>>
      %dma_wait3A_191 = arith.constant 0 : i32
      %dma_wait3A_192 = tpu.memref_slice %arg9[%dma_wait3A_191] : memref<10240xf32, #tpu.memory_space<vmem_shared>> -> memref<10240xf32, #tpu.memory_space<vmem_shared>>
      tpu.wait_indirect_dma semaphore(%arg17 : memref<!tpu.dma_semaphore, #tpu.memory_space<semaphore_mem>>) src(%arg8 : memref<128xf32, #tpu.memory_space<vmem>>) dst(%dma_wait3A_192 : memref<10240xf32, #tpu.memory_space<vmem_shared>>)
    }
    %scan3A_13 = arith.constant 9 : i32
    %dma_start3A = arith.constant 72 : i32
    %dma_start3A_14 = arith.constant 0 : i32
    %dma_start3A_15 = tpu.memref_slice %arg6[%dma_start3A, %dma_start3A_14] : memref<78x128xi32, #tpu.memory_space<vmem>> -> memref<1x128xi32, #tpu.memory_space<vmem>>
    %dma_start3A_16 = tpu.memref_squeeze %dma_start3A_15 : memref<1x128xi32, #tpu.memory_space<vmem>> -> memref<128xi32, #tpu.memory_space<vmem>>
    %dma_start3A_17 = arith.constant 0 : i32
    %dma_start3A_18 = tpu.memref_slice %arg9[%dma_start3A_17] : memref<10240xf32, #tpu.memory_space<vmem_shared>> -> memref<10240xf32, #tpu.memory_space<vmem_shared>>
    tpu.enqueue_indirect_dma source(%arg8 : memref<128xf32, #tpu.memory_space<vmem>>) target(%dma_start3A_18 : memref<10240xf32, #tpu.memory_space<vmem_shared>>) offsets(%dma_start3A_16 : memref<128xi32, #tpu.memory_space<vmem>>) semaphore(%arg10 : memref<!tpu.dma_semaphore, #tpu.memory_space<semaphore_mem>>) {add = true}
    %dma_start3A_19 = arith.constant 73 : i32
    %dma_start3A_20 = arith.constant 0 : i32
    %dma_start3A_21 = tpu.memref_slice %arg6[%dma_start3A_19, %dma_start3A_20] : memref<78x128xi32, #tpu.memory_space<vmem>> -> memref<1x128xi32, #tpu.memory_space<vmem>>
    %dma_start3A_22 = tpu.memref_squeeze %dma_start3A_21 : memref<1x128xi32, #tpu.memory_space<vmem>> -> memref<128xi32, #tpu.memory_space<vmem>>
    %dma_start3A_23 = arith.constant 0 : i32
    %dma_start3A_24 = tpu.memref_slice %arg9[%dma_start3A_23] : memref<10240xf32, #tpu.memory_space<vmem_shared>> -> memref<10240xf32, #tpu.memory_space<vmem_shared>>
    tpu.enqueue_indirect_dma source(%arg8 : memref<128xf32, #tpu.memory_space<vmem>>) target(%dma_start3A_24 : memref<10240xf32, #tpu.memory_space<vmem_shared>>) offsets(%dma_start3A_22 : memref<128xi32, #tpu.memory_space<vmem>>) semaphore(%arg11 : memref<!tpu.dma_semaphore, #tpu.memory_space<semaphore_mem>>) {add = true}
    %dma_start3A_25 = arith.constant 74 : i32
    %dma_start3A_26 = arith.constant 0 : i32
    %dma_start3A_27 = tpu.memref_slice %arg6[%dma_start3A_25, %dma_start3A_26] : memref<78x128xi32, #tpu.memory_space<vmem>> -> memref<1x128xi32, #tpu.memory_space<vmem>>
    %dma_start3A_28 = tpu.memref_squeeze %dma_start3A_27 : memref<1x128xi32, #tpu.memory_space<vmem>> -> memref<128xi32, #tpu.memory_space<vmem>>
    %dma_start3A_29 = arith.constant 0 : i32
    %dma_start3A_30 = tpu.memref_slice %arg9[%dma_start3A_29] : memref<10240xf32, #tpu.memory_space<vmem_shared>> -> memref<10240xf32, #tpu.memory_space<vmem_shared>>
    tpu.enqueue_indirect_dma source(%arg8 : memref<128xf32, #tpu.memory_space<vmem>>) target(%dma_start3A_30 : memref<10240xf32, #tpu.memory_space<vmem_shared>>) offsets(%dma_start3A_28 : memref<128xi32, #tpu.memory_space<vmem>>) semaphore(%arg12 : memref<!tpu.dma_semaphore, #tpu.memory_space<semaphore_mem>>) {add = true}
    %dma_start3A_31 = arith.constant 75 : i32
    %dma_start3A_32 = arith.constant 0 : i32
    %dma_start3A_33 = tpu.memref_slice %arg6[%dma_start3A_31, %dma_start3A_32] : memref<78x128xi32, #tpu.memory_space<vmem>> -> memref<1x128xi32, #tpu.memory_space<vmem>>
    %dma_start3A_34 = tpu.memref_squeeze %dma_start3A_33 : memref<1x128xi32, #tpu.memory_space<vmem>> -> memref<128xi32, #tpu.memory_space<vmem>>
    %dma_start3A_35 = arith.constant 0 : i32
    %dma_start3A_36 = tpu.memref_slice %arg9[%dma_start3A_35] : memref<10240xf32, #tpu.memory_space<vmem_shared>> -> memref<10240xf32, #tpu.memory_space<vmem_shared>>
    tpu.enqueue_indirect_dma source(%arg8 : memref<128xf32, #tpu.memory_space<vmem>>) target(%dma_start3A_36 : memref<10240xf32, #tpu.memory_space<vmem_shared>>) offsets(%dma_start3A_34 : memref<128xi32, #tpu.memory_space<vmem>>) semaphore(%arg13 : memref<!tpu.dma_semaphore, #tpu.memory_space<semaphore_mem>>) {add = true}
    %dma_start3A_37 = arith.constant 76 : i32
    %dma_start3A_38 = arith.constant 0 : i32
    %dma_start3A_39 = tpu.memref_slice %arg6[%dma_start3A_37, %dma_start3A_38] : memref<78x128xi32, #tpu.memory_space<vmem>> -> memref<1x128xi32, #tpu.memory_space<vmem>>
    %dma_start3A_40 = tpu.memref_squeeze %dma_start3A_39 : memref<1x128xi32, #tpu.memory_space<vmem>> -> memref<128xi32, #tpu.memory_space<vmem>>
    %dma_start3A_41 = arith.constant 0 : i32
    %dma_start3A_42 = tpu.memref_slice %arg9[%dma_start3A_41] : memref<10240xf32, #tpu.memory_space<vmem_shared>> -> memref<10240xf32, #tpu.memory_space<vmem_shared>>
    tpu.enqueue_indirect_dma source(%arg8 : memref<128xf32, #tpu.memory_space<vmem>>) target(%dma_start3A_42 : memref<10240xf32, #tpu.memory_space<vmem_shared>>) offsets(%dma_start3A_40 : memref<128xi32, #tpu.memory_space<vmem>>) semaphore(%arg14 : memref<!tpu.dma_semaphore, #tpu.memory_space<semaphore_mem>>) {add = true}
    %dma_start3A_43 = arith.constant 77 : i32
    %dma_start3A_44 = arith.constant 0 : i32
    %dma_start3A_45 = tpu.memref_slice %arg6[%dma_start3A_43, %dma_start3A_44] : memref<78x128xi32, #tpu.memory_space<vmem>> -> memref<1x128xi32, #tpu.memory_space<vmem>>
    %dma_start3A_46 = tpu.memref_squeeze %dma_start3A_45 : memref<1x128xi32, #tpu.memory_space<vmem>> -> memref<128xi32, #tpu.memory_space<vmem>>
    %dma_start3A_47 = arith.constant 0 : i32
    %dma_start3A_48 = tpu.memref_slice %arg9[%dma_start3A_47] : memref<10240xf32, #tpu.memory_space<vmem_shared>> -> memref<10240xf32, #tpu.memory_space<vmem_shared>>
    tpu.enqueue_indirect_dma source(%arg8 : memref<128xf32, #tpu.memory_space<vmem>>) target(%dma_start3A_48 : memref<10240xf32, #tpu.memory_space<vmem_shared>>) offsets(%dma_start3A_46 : memref<128xi32, #tpu.memory_space<vmem>>) semaphore(%arg15 : memref<!tpu.dma_semaphore, #tpu.memory_space<semaphore_mem>>) {add = true}
    %dma_wait3A = arith.constant 72 : i32
    %dma_wait3A_49 = arith.constant 0 : i32
    %dma_wait3A_50 = tpu.memref_slice %arg6[%dma_wait3A, %dma_wait3A_49] : memref<78x128xi32, #tpu.memory_space<vmem>> -> memref<1x128xi32, #tpu.memory_space<vmem>>
    %dma_wait3A_51 = tpu.memref_squeeze %dma_wait3A_50 : memref<1x128xi32, #tpu.memory_space<vmem>> -> memref<128xi32, #tpu.memory_space<vmem>>
    %dma_wait3A_52 = arith.constant 0 : i32
    %dma_wait3A_53 = tpu.memref_slice %arg9[%dma_wait3A_52] : memref<10240xf32, #tpu.memory_space<vmem_shared>> -> memref<10240xf32, #tpu.memory_space<vmem_shared>>
    tpu.wait_indirect_dma semaphore(%arg10 : memref<!tpu.dma_semaphore, #tpu.memory_space<semaphore_mem>>) src(%arg8 : memref<128xf32, #tpu.memory_space<vmem>>) dst(%dma_wait3A_53 : memref<10240xf32, #tpu.memory_space<vmem_shared>>)
    %dma_wait3A_54 = arith.constant 73 : i32
    %dma_wait3A_55 = arith.constant 0 : i32
    %dma_wait3A_56 = tpu.memref_slice %arg6[%dma_wait3A_54, %dma_wait3A_55] : memref<78x128xi32, #tpu.memory_space<vmem>> -> memref<1x128xi32, #tpu.memory_space<vmem>>
    %dma_wait3A_57 = tpu.memref_squeeze %dma_wait3A_56 : memref<1x128xi32, #tpu.memory_space<vmem>> -> memref<128xi32, #tpu.memory_space<vmem>>
    %dma_wait3A_58 = arith.constant 0 : i32
    %dma_wait3A_59 = tpu.memref_slice %arg9[%dma_wait3A_58] : memref<10240xf32, #tpu.memory_space<vmem_shared>> -> memref<10240xf32, #tpu.memory_space<vmem_shared>>
    tpu.wait_indirect_dma semaphore(%arg11 : memref<!tpu.dma_semaphore, #tpu.memory_space<semaphore_mem>>) src(%arg8 : memref<128xf32, #tpu.memory_space<vmem>>) dst(%dma_wait3A_59 : memref<10240xf32, #tpu.memory_space<vmem_shared>>)
    %dma_wait3A_60 = arith.constant 74 : i32
    %dma_wait3A_61 = arith.constant 0 : i32
    %dma_wait3A_62 = tpu.memref_slice %arg6[%dma_wait3A_60, %dma_wait3A_61] : memref<78x128xi32, #tpu.memory_space<vmem>> -> memref<1x128xi32, #tpu.memory_space<vmem>>
    %dma_wait3A_63 = tpu.memref_squeeze %dma_wait3A_62 : memref<1x128xi32, #tpu.memory_space<vmem>> -> memref<128xi32, #tpu.memory_space<vmem>>
    %dma_wait3A_64 = arith.constant 0 : i32
    %dma_wait3A_65 = tpu.memref_slice %arg9[%dma_wait3A_64] : memref<10240xf32, #tpu.memory_space<vmem_shared>> -> memref<10240xf32, #tpu.memory_space<vmem_shared>>
    tpu.wait_indirect_dma semaphore(%arg12 : memref<!tpu.dma_semaphore, #tpu.memory_space<semaphore_mem>>) src(%arg8 : memref<128xf32, #tpu.memory_space<vmem>>) dst(%dma_wait3A_65 : memref<10240xf32, #tpu.memory_space<vmem_shared>>)
    %dma_wait3A_66 = arith.constant 75 : i32
    %dma_wait3A_67 = arith.constant 0 : i32
    %dma_wait3A_68 = tpu.memref_slice %arg6[%dma_wait3A_66, %dma_wait3A_67] : memref<78x128xi32, #tpu.memory_space<vmem>> -> memref<1x128xi32, #tpu.memory_space<vmem>>
    %dma_wait3A_69 = tpu.memref_squeeze %dma_wait3A_68 : memref<1x128xi32, #tpu.memory_space<vmem>> -> memref<128xi32, #tpu.memory_space<vmem>>
    %dma_wait3A_70 = arith.constant 0 : i32
    %dma_wait3A_71 = tpu.memref_slice %arg9[%dma_wait3A_70] : memref<10240xf32, #tpu.memory_space<vmem_shared>> -> memref<10240xf32, #tpu.memory_space<vmem_shared>>
    tpu.wait_indirect_dma semaphore(%arg13 : memref<!tpu.dma_semaphore, #tpu.memory_space<semaphore_mem>>) src(%arg8 : memref<128xf32, #tpu.memory_space<vmem>>) dst(%dma_wait3A_71 : memref<10240xf32, #tpu.memory_space<vmem_shared>>)
    %dma_wait3A_72 = arith.constant 76 : i32
    %dma_wait3A_73 = arith.constant 0 : i32
    %dma_wait3A_74 = tpu.memref_slice %arg6[%dma_wait3A_72, %dma_wait3A_73] : memref<78x128xi32, #tpu.memory_space<vmem>> -> memref<1x128xi32, #tpu.memory_space<vmem>>
    %dma_wait3A_75 = tpu.memref_squeeze %dma_wait3A_74 : memref<1x128xi32, #tpu.memory_space<vmem>> -> memref<128xi32, #tpu.memory_space<vmem>>
    %dma_wait3A_76 = arith.constant 0 : i32
    %dma_wait3A_77 = tpu.memref_slice %arg9[%dma_wait3A_76] : memref<10240xf32, #tpu.memory_space<vmem_shared>> -> memref<10240xf32, #tpu.memory_space<vmem_shared>>
    tpu.wait_indirect_dma semaphore(%arg14 : memref<!tpu.dma_semaphore, #tpu.memory_space<semaphore_mem>>) src(%arg8 : memref<128xf32, #tpu.memory_space<vmem>>) dst(%dma_wait3A_77 : memref<10240xf32, #tpu.memory_space<vmem_shared>>)
    %dma_wait3A_78 = arith.constant 77 : i32
    %dma_wait3A_79 = arith.constant 0 : i32
    %dma_wait3A_80 = tpu.memref_slice %arg6[%dma_wait3A_78, %dma_wait3A_79] : memref<78x128xi32, #tpu.memory_space<vmem>> -> memref<1x128xi32, #tpu.memory_space<vmem>>
    %dma_wait3A_81 = tpu.memref_squeeze %dma_wait3A_80 : memref<1x128xi32, #tpu.memory_space<vmem>> -> memref<128xi32, #tpu.memory_space<vmem>>
    %dma_wait3A_82 = arith.constant 0 : i32
    %dma_wait3A_83 = tpu.memref_slice %arg9[%dma_wait3A_82] : memref<10240xf32, #tpu.memory_space<vmem_shared>> -> memref<10240xf32, #tpu.memory_space<vmem_shared>>
    tpu.wait_indirect_dma semaphore(%arg15 : memref<!tpu.dma_semaphore, #tpu.memory_space<semaphore_mem>>) src(%arg8 : memref<128xf32, #tpu.memory_space<vmem>>) dst(%dma_wait3A_83 : memref<10240xf32, #tpu.memory_space<vmem_shared>>)
    %lt3A_84 = arith.constant 4 : i32
    %lt3A_85 = arith.cmpi slt, %add3A, %lt3A_84 : i32
    %convert_element_type3A_86 = arith.extui %lt3A_85 : i1 to i32
    %cond3A_87 = arith.constant 0 : i32
    %cond3A_88 = arith.cmpi ne, %convert_element_type3A_86, %cond3A_87 : i32
    scf.if %cond3A_88 {
      %dma_start3A_94 = arith.constant 0 : i32
      %dma_start3A_95 = arith.constant 0 : i32
      %dma_start3A_96 = tpu.memref_slice %arg7[%dma_start3A_94, %dma_start3A_95] : memref<1x128xi32, #tpu.memory_space<vmem>> -> memref<1x128xi32, #tpu.memory_space<vmem>>
      %dma_start3A_97 = tpu.memref_squeeze %dma_start3A_96 : memref<1x128xi32, #tpu.memory_space<vmem>> -> memref<128xi32, #tpu.memory_space<vmem>>
      %dma_start3A_98 = arith.constant 0 : i32
      %dma_start3A_99 = tpu.memref_slice %arg9[%dma_start3A_98] : memref<10240xf32, #tpu.memory_space<vmem_shared>> -> memref<10240xf32, #tpu.memory_space<vmem_shared>>
      tpu.enqueue_indirect_dma source(%arg8 : memref<128xf32, #tpu.memory_space<vmem>>) target(%dma_start3A_99 : memref<10240xf32, #tpu.memory_space<vmem_shared>>) offsets(%dma_start3A_97 : memref<128xi32, #tpu.memory_space<vmem>>) semaphore(%arg10 : memref<!tpu.dma_semaphore, #tpu.memory_space<semaphore_mem>>) {add = true}
      %dma_wait3A_100 = arith.constant 0 : i32
      %dma_wait3A_101 = arith.constant 0 : i32
      %dma_wait3A_102 = tpu.memref_slice %arg7[%dma_wait3A_100, %dma_wait3A_101] : memref<1x128xi32, #tpu.memory_space<vmem>> -> memref<1x128xi32, #tpu.memory_space<vmem>>
      %dma_wait3A_103 = tpu.memref_squeeze %dma_wait3A_102 : memref<1x128xi32, #tpu.memory_space<vmem>> -> memref<128xi32, #tpu.memory_space<vmem>>
      %dma_wait3A_104 = arith.constant 0 : i32
      %dma_wait3A_105 = tpu.memref_slice %arg9[%dma_wait3A_104] : memref<10240xf32, #tpu.memory_space<vmem_shared>> -> memref<10240xf32, #tpu.memory_space<vmem_shared>>
      tpu.wait_indirect_dma semaphore(%arg10 : memref<!tpu.dma_semaphore, #tpu.memory_space<semaphore_mem>>) src(%arg8 : memref<128xf32, #tpu.memory_space<vmem>>) dst(%dma_wait3A_105 : memref<10240xf32, #tpu.memory_space<vmem_shared>>)
    } else {
    }
    %barrier3A_89 = arith.constant 0 : index
    tpu.barrier barrier_id(%barrier3A_89)
    %mul3A_90 = arith.constant 640 : i32
    %mul3A_91 = arith.muli %arg1, %mul3A_90 : i32
    %mul3A_92 = arith.constant 640 : i32
    %mul3A_93 = arith.muli %arg1, %mul3A_92 : i32
    "tpu.region"() ({
      %run_scoped3A_94 = tpu.sem_alloc : memref<!tpu.dma_semaphore, #tpu.memory_space<semaphore_mem>>
      %dma_start3A_95 = tpu.memref_slice %arg5[%arg0, %mul3A_93] : memref<2x10240xf32, #tpu.memory_space<hbm>> -> memref<1x640xf32, #tpu.memory_space<hbm>>
      %dma_start3A_96 = tpu.memref_squeeze %dma_start3A_95 : memref<1x640xf32, #tpu.memory_space<hbm>> -> memref<640xf32, #tpu.memory_space<hbm>>
      %dma_start3A_97 = tpu.memref_slice %arg9[%mul3A_91] : memref<10240xf32, #tpu.memory_space<vmem_shared>> -> memref<640xf32, #tpu.memory_space<vmem_shared>>
      tpu.enqueue_dma source(%dma_start3A_97 : memref<640xf32, #tpu.memory_space<vmem_shared>>) target(%dma_start3A_96 : memref<640xf32, #tpu.memory_space<hbm>>) target_semaphore(%run_scoped3A_94 : memref<!tpu.dma_semaphore, #tpu.memory_space<semaphore_mem>>)
      %dma_wait3A_98 = tpu.memref_slice %arg5[%arg0, %mul3A_93] : memref<2x10240xf32, #tpu.memory_space<hbm>> -> memref<1x640xf32, #tpu.memory_space<hbm>>
      %dma_wait3A_99 = tpu.memref_squeeze %dma_wait3A_98 : memref<1x640xf32, #tpu.memory_space<hbm>> -> memref<640xf32, #tpu.memory_space<hbm>>
      %dma_wait3A_100 = tpu.memref_slice %arg9[%mul3A_91] : memref<10240xf32, #tpu.memory_space<vmem_shared>> -> memref<640xf32, #tpu.memory_space<vmem_shared>>
      tpu.wait_dma2 semaphore(%run_scoped3A_94 : memref<!tpu.dma_semaphore, #tpu.memory_space<semaphore_mem>>) src(%dma_wait3A_100 : memref<640xf32, #tpu.memory_space<vmem_shared>>) dst(%dma_wait3A_99 : memref<640xf32, #tpu.memory_space<hbm>>)
      tpu.yield
    }) : () -> ()
    return
  }
}

#map = affine_map<(d0, d1) -> (0, 0, 0)>
#map1 = affine_map<(d0, d1) -> (0, 0)>
module attributes {stable_mosaic.version = 14 : i64} {
  func.func @agg(%arg0: i32, %arg1: i32, %arg2: memref<2x2500x128xi32, #tpu.memory_space<hbm>>, %arg3: memref<10000x40xf32, #tpu.memory_space<hbm>>, %arg4: memref<10240x40xf32, #tpu.memory_space<hbm>>, %arg5: memref<2x10240x40xf32, #tpu.memory_space<hbm>>, %arg6: memref<78x128xi32, #tpu.memory_space<vmem>>, %arg7: memref<78x128xi32, #tpu.memory_space<vmem>>, %arg8: memref<1x128xi32, #tpu.memory_space<vmem>>, %arg9: memref<1x128xi32, #tpu.memory_space<vmem>>, %arg10: memref<10240x40xf32, #tpu.memory_space<vmem_shared>>, %arg11: memref<10000x40xf32, #tpu.memory_space<vmem_shared>>, %arg12: memref<128x40xf32, #tpu.memory_space<vmem>>, %arg13: memref<128x40xf32, #tpu.memory_space<vmem>>, %arg14: memref<128x40xf32, #tpu.memory_space<vmem>>, %arg15: memref<128x40xf32, #tpu.memory_space<vmem>>, %arg16: memref<128x40xf32, #tpu.memory_space<vmem>>, %arg17: memref<128x40xf32, #tpu.memory_space<vmem>>, %arg18: memref<128x40xf32, #tpu.memory_space<vmem>>, %arg19: memref<128x40xf32, #tpu.memory_space<vmem>>, %arg20: memref<!tpu.dma_semaphore, #tpu.memory_space<semaphore_mem>>, %arg21: memref<!tpu.dma_semaphore, #tpu.memory_space<semaphore_mem>>, %arg22: memref<!tpu.dma_semaphore, #tpu.memory_space<semaphore_mem>>, %arg23: memref<!tpu.dma_semaphore, #tpu.memory_space<semaphore_mem>>, %arg24: memref<!tpu.dma_semaphore, #tpu.memory_space<semaphore_mem>>, %arg25: memref<!tpu.dma_semaphore, #tpu.memory_space<semaphore_mem>>, %arg26: memref<!tpu.dma_semaphore, #tpu.memory_space<semaphore_mem>>, %arg27: memref<!tpu.dma_semaphore, #tpu.memory_space<semaphore_mem>>, %arg28: memref<!tpu.dma_semaphore, #tpu.memory_space<semaphore_mem>>, %arg29: memref<!tpu.dma_semaphore, #tpu.memory_space<semaphore_mem>>, %arg30: memref<!tpu.dma_semaphore, #tpu.memory_space<semaphore_mem>>, %arg31: memref<!tpu.dma_semaphore, #tpu.memory_space<semaphore_mem>>, %arg32: memref<!tpu.dma_semaphore, #tpu.memory_space<semaphore_mem>>, %arg33: memref<!tpu.dma_semaphore, #tpu.memory_space<semaphore_mem>>, %arg34: memref<!tpu.dma_semaphore, #tpu.memory_space<semaphore_mem>>, %arg35: memref<!tpu.dma_semaphore, #tpu.memory_space<semaphore_mem>>) attributes {dimension_semantics = [#tpu.dimension_semantics<core_parallel>, #tpu.dimension_semantics<subcore_parallel>], iteration_bounds = array<i64: 2, 16>, scalar_prefetch = 0 : i64, scratch_operands = 30 : i64, tpu.core_type = #tpu.core_type<sc_vector_subcore>, window_params = [{transform_indices = #map}, {transform_indices = #map1}, {transform_indices = #map1}, {transform_indices = #map}]} {
    %mul3A = arith.constant 2 : i32
    %mul3A_0 = arith.muli %arg1, %mul3A : i32
    %add3A = arith.addi %mul3A_0, %arg0 : i32
    %mul3A_1 = arith.constant 640 : i32
    %mul3A_2 = arith.muli %arg1, %mul3A_1 : i32
    %mul3A_3 = arith.constant 640 : i32
    %mul3A_4 = arith.muli %arg1, %mul3A_3 : i32
    "tpu.region"() ({
      %run_scoped3A_197 = tpu.sem_alloc : memref<!tpu.dma_semaphore, #tpu.memory_space<semaphore_mem>>
      %dma_start3A_198 = arith.constant 0 : i32
      %dma_start3A_199 = tpu.memref_slice %arg10[%mul3A_4, %dma_start3A_198] : memref<10240x40xf32, #tpu.memory_space<vmem_shared>> -> memref<640x40xf32, #tpu.memory_space<vmem_shared>>
      %dma_start3A_200 = arith.constant 0 : i32
      %dma_start3A_201 = tpu.memref_slice %arg4[%mul3A_2, %dma_start3A_200] : memref<10240x40xf32, #tpu.memory_space<hbm>> -> memref<640x40xf32, #tpu.memory_space<hbm>>
      tpu.enqueue_dma source(%dma_start3A_201 : memref<640x40xf32, #tpu.memory_space<hbm>>) target(%dma_start3A_199 : memref<640x40xf32, #tpu.memory_space<vmem_shared>>) target_semaphore(%run_scoped3A_197 : memref<!tpu.dma_semaphore, #tpu.memory_space<semaphore_mem>>)
      %dma_wait3A_202 = arith.constant 0 : i32
      %dma_wait3A_203 = tpu.memref_slice %arg10[%mul3A_4, %dma_wait3A_202] : memref<10240x40xf32, #tpu.memory_space<vmem_shared>> -> memref<640x40xf32, #tpu.memory_space<vmem_shared>>
      %dma_wait3A_204 = arith.constant 0 : i32
      %dma_wait3A_205 = tpu.memref_slice %arg4[%mul3A_2, %dma_wait3A_204] : memref<10240x40xf32, #tpu.memory_space<hbm>> -> memref<640x40xf32, #tpu.memory_space<hbm>>
      tpu.wait_dma2 semaphore(%run_scoped3A_197 : memref<!tpu.dma_semaphore, #tpu.memory_space<semaphore_mem>>) src(%dma_wait3A_205 : memref<640x40xf32, #tpu.memory_space<hbm>>) dst(%dma_wait3A_203 : memref<640x40xf32, #tpu.memory_space<vmem_shared>>)
      tpu.yield
    }) : () -> ()
    %mul3A_5 = arith.constant 78 : i32
    %mul3A_6 = arith.muli %add3A, %mul3A_5 : i32
    %run_scoped3A = arith.constant 0 : i32
    "tpu.region"() ({
      %run_scoped3A_197 = tpu.sem_alloc : memref<!tpu.dma_semaphore, #tpu.memory_space<semaphore_mem>>
      %dma_start3A_198 = arith.constant 0 : i32
      %dma_start3A_199 = tpu.memref_slice %arg2[%run_scoped3A, %mul3A_6, %dma_start3A_198] : memref<2x2500x128xi32, #tpu.memory_space<hbm>> -> memref<1x78x128xi32, #tpu.memory_space<hbm>>
      %dma_start3A_200 = tpu.memref_squeeze %dma_start3A_199 : memref<1x78x128xi32, #tpu.memory_space<hbm>> -> memref<78x128xi32, #tpu.memory_space<hbm>>
      %dma_start3A_201 = arith.constant 0 : i32
      %dma_start3A_202 = tpu.memref_slice %arg2[%run_scoped3A, %mul3A_6, %dma_start3A_201] : memref<2x2500x128xi32, #tpu.memory_space<hbm>> -> memref<1x78x128xi32, #tpu.memory_space<hbm>>
      %dma_start3A_203 = tpu.memref_squeeze %dma_start3A_202 : memref<1x78x128xi32, #tpu.memory_space<hbm>> -> memref<78x128xi32, #tpu.memory_space<hbm>>
      tpu.enqueue_dma source(%dma_start3A_203 : memref<78x128xi32, #tpu.memory_space<hbm>>) target(%arg6 : memref<78x128xi32, #tpu.memory_space<vmem>>) target_semaphore(%run_scoped3A_197 : memref<!tpu.dma_semaphore, #tpu.memory_space<semaphore_mem>>)
      %dma_wait3A_204 = arith.constant 0 : i32
      %dma_wait3A_205 = tpu.memref_slice %arg2[%run_scoped3A, %mul3A_6, %dma_wait3A_204] : memref<2x2500x128xi32, #tpu.memory_space<hbm>> -> memref<1x78x128xi32, #tpu.memory_space<hbm>>
      %dma_wait3A_206 = tpu.memref_squeeze %dma_wait3A_205 : memref<1x78x128xi32, #tpu.memory_space<hbm>> -> memref<78x128xi32, #tpu.memory_space<hbm>>
      %dma_wait3A_207 = arith.constant 0 : i32
      %dma_wait3A_208 = tpu.memref_slice %arg2[%run_scoped3A, %mul3A_6, %dma_wait3A_207] : memref<2x2500x128xi32, #tpu.memory_space<hbm>> -> memref<1x78x128xi32, #tpu.memory_space<hbm>>
      %dma_wait3A_209 = tpu.memref_squeeze %dma_wait3A_208 : memref<1x78x128xi32, #tpu.memory_space<hbm>> -> memref<78x128xi32, #tpu.memory_space<hbm>>
      tpu.wait_dma2 semaphore(%run_scoped3A_197 : memref<!tpu.dma_semaphore, #tpu.memory_space<semaphore_mem>>) src(%dma_wait3A_209 : memref<78x128xi32, #tpu.memory_space<hbm>>) dst(%arg6 : memref<78x128xi32, #tpu.memory_space<vmem>>)
      tpu.yield
    }) : () -> ()
    %mul3A_7 = arith.constant 78 : i32
    %mul3A_8 = arith.muli %add3A, %mul3A_7 : i32
    %run_scoped3A_9 = arith.constant 1 : i32
    "tpu.region"() ({
      %run_scoped3A_197 = tpu.sem_alloc : memref<!tpu.dma_semaphore, #tpu.memory_space<semaphore_mem>>
      %dma_start3A_198 = arith.constant 0 : i32
      %dma_start3A_199 = tpu.memref_slice %arg2[%run_scoped3A_9, %mul3A_8, %dma_start3A_198] : memref<2x2500x128xi32, #tpu.memory_space<hbm>> -> memref<1x78x128xi32, #tpu.memory_space<hbm>>
      %dma_start3A_200 = tpu.memref_squeeze %dma_start3A_199 : memref<1x78x128xi32, #tpu.memory_space<hbm>> -> memref<78x128xi32, #tpu.memory_space<hbm>>
      %dma_start3A_201 = arith.constant 0 : i32
      %dma_start3A_202 = tpu.memref_slice %arg2[%run_scoped3A_9, %mul3A_8, %dma_start3A_201] : memref<2x2500x128xi32, #tpu.memory_space<hbm>> -> memref<1x78x128xi32, #tpu.memory_space<hbm>>
      %dma_start3A_203 = tpu.memref_squeeze %dma_start3A_202 : memref<1x78x128xi32, #tpu.memory_space<hbm>> -> memref<78x128xi32, #tpu.memory_space<hbm>>
      tpu.enqueue_dma source(%dma_start3A_203 : memref<78x128xi32, #tpu.memory_space<hbm>>) target(%arg7 : memref<78x128xi32, #tpu.memory_space<vmem>>) target_semaphore(%run_scoped3A_197 : memref<!tpu.dma_semaphore, #tpu.memory_space<semaphore_mem>>)
      %dma_wait3A_204 = arith.constant 0 : i32
      %dma_wait3A_205 = tpu.memref_slice %arg2[%run_scoped3A_9, %mul3A_8, %dma_wait3A_204] : memref<2x2500x128xi32, #tpu.memory_space<hbm>> -> memref<1x78x128xi32, #tpu.memory_space<hbm>>
      %dma_wait3A_206 = tpu.memref_squeeze %dma_wait3A_205 : memref<1x78x128xi32, #tpu.memory_space<hbm>> -> memref<78x128xi32, #tpu.memory_space<hbm>>
      %dma_wait3A_207 = arith.constant 0 : i32
      %dma_wait3A_208 = tpu.memref_slice %arg2[%run_scoped3A_9, %mul3A_8, %dma_wait3A_207] : memref<2x2500x128xi32, #tpu.memory_space<hbm>> -> memref<1x78x128xi32, #tpu.memory_space<hbm>>
      %dma_wait3A_209 = tpu.memref_squeeze %dma_wait3A_208 : memref<1x78x128xi32, #tpu.memory_space<hbm>> -> memref<78x128xi32, #tpu.memory_space<hbm>>
      tpu.wait_dma2 semaphore(%run_scoped3A_197 : memref<!tpu.dma_semaphore, #tpu.memory_space<semaphore_mem>>) src(%dma_wait3A_209 : memref<78x128xi32, #tpu.memory_space<hbm>>) dst(%arg7 : memref<78x128xi32, #tpu.memory_space<vmem>>)
      tpu.yield
    }) : () -> ()
    %lt3A = arith.constant 4 : i32
    %lt3A_10 = arith.cmpi slt, %add3A, %lt3A : i32
    %convert_element_type3A = arith.extui %lt3A_10 : i1 to i32
    %cond3A = arith.constant 0 : i32
    %cond3A_11 = arith.cmpi ne, %convert_element_type3A, %cond3A : i32
    scf.if %cond3A_11 {
      %add3A_197 = arith.constant 2496 : i32
      %add3A_198 = arith.addi %add3A_197, %add3A : i32
      %run_scoped3A_199 = arith.constant 0 : i32
      "tpu.region"() ({
        %run_scoped3A_203 = tpu.sem_alloc : memref<!tpu.dma_semaphore, #tpu.memory_space<semaphore_mem>>
        %dma_start3A_204 = arith.constant 0 : i32
        %dma_start3A_205 = tpu.memref_slice %arg2[%run_scoped3A_199, %add3A_198, %dma_start3A_204] : memref<2x2500x128xi32, #tpu.memory_space<hbm>> -> memref<1x1x128xi32, #tpu.memory_space<hbm>>
        %dma_start3A_206 = tpu.memref_squeeze %dma_start3A_205 : memref<1x1x128xi32, #tpu.memory_space<hbm>> -> memref<1x128xi32, #tpu.memory_space<hbm>>
        %dma_start3A_207 = arith.constant 0 : i32
        %dma_start3A_208 = tpu.memref_slice %arg2[%run_scoped3A_199, %add3A_198, %dma_start3A_207] : memref<2x2500x128xi32, #tpu.memory_space<hbm>> -> memref<1x1x128xi32, #tpu.memory_space<hbm>>
        %dma_start3A_209 = tpu.memref_squeeze %dma_start3A_208 : memref<1x1x128xi32, #tpu.memory_space<hbm>> -> memref<1x128xi32, #tpu.memory_space<hbm>>
        tpu.enqueue_dma source(%dma_start3A_209 : memref<1x128xi32, #tpu.memory_space<hbm>>) target(%arg8 : memref<1x128xi32, #tpu.memory_space<vmem>>) target_semaphore(%run_scoped3A_203 : memref<!tpu.dma_semaphore, #tpu.memory_space<semaphore_mem>>)
        %dma_wait3A_210 = arith.constant 0 : i32
        %dma_wait3A_211 = tpu.memref_slice %arg2[%run_scoped3A_199, %add3A_198, %dma_wait3A_210] : memref<2x2500x128xi32, #tpu.memory_space<hbm>> -> memref<1x1x128xi32, #tpu.memory_space<hbm>>
        %dma_wait3A_212 = tpu.memref_squeeze %dma_wait3A_211 : memref<1x1x128xi32, #tpu.memory_space<hbm>> -> memref<1x128xi32, #tpu.memory_space<hbm>>
        %dma_wait3A_213 = arith.constant 0 : i32
        %dma_wait3A_214 = tpu.memref_slice %arg2[%run_scoped3A_199, %add3A_198, %dma_wait3A_213] : memref<2x2500x128xi32, #tpu.memory_space<hbm>> -> memref<1x1x128xi32, #tpu.memory_space<hbm>>
        %dma_wait3A_215 = tpu.memref_squeeze %dma_wait3A_214 : memref<1x1x128xi32, #tpu.memory_space<hbm>> -> memref<1x128xi32, #tpu.memory_space<hbm>>
        tpu.wait_dma2 semaphore(%run_scoped3A_203 : memref<!tpu.dma_semaphore, #tpu.memory_space<semaphore_mem>>) src(%dma_wait3A_215 : memref<1x128xi32, #tpu.memory_space<hbm>>) dst(%arg8 : memref<1x128xi32, #tpu.memory_space<vmem>>)
        tpu.yield
      }) : () -> ()
      %add3A_200 = arith.constant 2496 : i32
      %add3A_201 = arith.addi %add3A_200, %add3A : i32
      %run_scoped3A_202 = arith.constant 1 : i32
      "tpu.region"() ({
        %run_scoped3A_203 = tpu.sem_alloc : memref<!tpu.dma_semaphore, #tpu.memory_space<semaphore_mem>>
        %dma_start3A_204 = arith.constant 0 : i32
        %dma_start3A_205 = tpu.memref_slice %arg2[%run_scoped3A_202, %add3A_201, %dma_start3A_204] : memref<2x2500x128xi32, #tpu.memory_space<hbm>> -> memref<1x1x128xi32, #tpu.memory_space<hbm>>
        %dma_start3A_206 = tpu.memref_squeeze %dma_start3A_205 : memref<1x1x128xi32, #tpu.memory_space<hbm>> -> memref<1x128xi32, #tpu.memory_space<hbm>>
        %dma_start3A_207 = arith.constant 0 : i32
        %dma_start3A_208 = tpu.memref_slice %arg2[%run_scoped3A_202, %add3A_201, %dma_start3A_207] : memref<2x2500x128xi32, #tpu.memory_space<hbm>> -> memref<1x1x128xi32, #tpu.memory_space<hbm>>
        %dma_start3A_209 = tpu.memref_squeeze %dma_start3A_208 : memref<1x1x128xi32, #tpu.memory_space<hbm>> -> memref<1x128xi32, #tpu.memory_space<hbm>>
        tpu.enqueue_dma source(%dma_start3A_209 : memref<1x128xi32, #tpu.memory_space<hbm>>) target(%arg9 : memref<1x128xi32, #tpu.memory_space<vmem>>) target_semaphore(%run_scoped3A_203 : memref<!tpu.dma_semaphore, #tpu.memory_space<semaphore_mem>>)
        %dma_wait3A_210 = arith.constant 0 : i32
        %dma_wait3A_211 = tpu.memref_slice %arg2[%run_scoped3A_202, %add3A_201, %dma_wait3A_210] : memref<2x2500x128xi32, #tpu.memory_space<hbm>> -> memref<1x1x128xi32, #tpu.memory_space<hbm>>
        %dma_wait3A_212 = tpu.memref_squeeze %dma_wait3A_211 : memref<1x1x128xi32, #tpu.memory_space<hbm>> -> memref<1x128xi32, #tpu.memory_space<hbm>>
        %dma_wait3A_213 = arith.constant 0 : i32
        %dma_wait3A_214 = tpu.memref_slice %arg2[%run_scoped3A_202, %add3A_201, %dma_wait3A_213] : memref<2x2500x128xi32, #tpu.memory_space<hbm>> -> memref<1x1x128xi32, #tpu.memory_space<hbm>>
        %dma_wait3A_215 = tpu.memref_squeeze %dma_wait3A_214 : memref<1x1x128xi32, #tpu.memory_space<hbm>> -> memref<1x128xi32, #tpu.memory_space<hbm>>
        tpu.wait_dma2 semaphore(%run_scoped3A_203 : memref<!tpu.dma_semaphore, #tpu.memory_space<semaphore_mem>>) src(%dma_wait3A_215 : memref<1x128xi32, #tpu.memory_space<hbm>>) dst(%arg9 : memref<1x128xi32, #tpu.memory_space<vmem>>)
        tpu.yield
      }) : () -> ()
    } else {
    }
    %mul3A_12 = arith.constant 625 : i32
    %mul3A_13 = arith.muli %arg1, %mul3A_12 : i32
    %mul3A_14 = arith.constant 625 : i32
    %mul3A_15 = arith.muli %arg1, %mul3A_14 : i32
    "tpu.region"() ({
      %run_scoped3A_197 = tpu.sem_alloc : memref<!tpu.dma_semaphore, #tpu.memory_space<semaphore_mem>>
      %dma_start3A_198 = arith.constant 0 : i32
      %dma_start3A_199 = tpu.memref_slice %arg11[%mul3A_15, %dma_start3A_198] : memref<10000x40xf32, #tpu.memory_space<vmem_shared>> -> memref<625x40xf32, #tpu.memory_space<vmem_shared>>
      %dma_start3A_200 = arith.constant 0 : i32
      %dma_start3A_201 = tpu.memref_slice %arg3[%mul3A_13, %dma_start3A_200] : memref<10000x40xf32, #tpu.memory_space<hbm>> -> memref<625x40xf32, #tpu.memory_space<hbm>>
      tpu.enqueue_dma source(%dma_start3A_201 : memref<625x40xf32, #tpu.memory_space<hbm>>) target(%dma_start3A_199 : memref<625x40xf32, #tpu.memory_space<vmem_shared>>) target_semaphore(%run_scoped3A_197 : memref<!tpu.dma_semaphore, #tpu.memory_space<semaphore_mem>>)
      %dma_wait3A_202 = arith.constant 0 : i32
      %dma_wait3A_203 = tpu.memref_slice %arg11[%mul3A_15, %dma_wait3A_202] : memref<10000x40xf32, #tpu.memory_space<vmem_shared>> -> memref<625x40xf32, #tpu.memory_space<vmem_shared>>
      %dma_wait3A_204 = arith.constant 0 : i32
      %dma_wait3A_205 = tpu.memref_slice %arg3[%mul3A_13, %dma_wait3A_204] : memref<10000x40xf32, #tpu.memory_space<hbm>> -> memref<625x40xf32, #tpu.memory_space<hbm>>
      tpu.wait_dma2 semaphore(%run_scoped3A_197 : memref<!tpu.dma_semaphore, #tpu.memory_space<semaphore_mem>>) src(%dma_wait3A_205 : memref<625x40xf32, #tpu.memory_space<hbm>>) dst(%dma_wait3A_203 : memref<625x40xf32, #tpu.memory_space<vmem_shared>>)
      tpu.yield
    }) : () -> ()
    %barrier3A = arith.constant 0 : index
    tpu.barrier barrier_id(%barrier3A)
    %scan3A = arith.constant 0 : i32
    %scan3A_16 = arith.constant 0 : i32
    %scan3A_17 = arith.constant 9 : i32
    %scan3A_18 = arith.addi %scan3A_16, %scan3A_17 : i32
    %scan3A_19 = arith.constant 1 : i32
    scf.for %scan3A_197 = %scan3A_16 to %scan3A_18 step %scan3A_19  : i32 {
      %mul3A_198 = arith.constant 8 : i32
      %mul3A_199 = arith.muli %scan3A_197, %mul3A_198 : i32
      %add3A_200 = arith.constant 0 : i32
      %add3A_201 = arith.addi %mul3A_199, %add3A_200 : i32
      %dma_start3A_202 = arith.constant 0 : i32
      %dma_start3A_203 = tpu.memref_slice %arg6[%add3A_201, %dma_start3A_202] : memref<78x128xi32, #tpu.memory_space<vmem>> -> memref<1x128xi32, #tpu.memory_space<vmem>>
      %dma_start3A_204 = tpu.memref_squeeze %dma_start3A_203 : memref<1x128xi32, #tpu.memory_space<vmem>> -> memref<128xi32, #tpu.memory_space<vmem>>
      %dma_start3A_205 = arith.constant 0 : i32
      %dma_start3A_206 = arith.constant 0 : i32
      %dma_start3A_207 = tpu.memref_slice %arg11[%dma_start3A_205, %dma_start3A_206] : memref<10000x40xf32, #tpu.memory_space<vmem_shared>> -> memref<10000x40xf32, #tpu.memory_space<vmem_shared>>
      tpu.enqueue_indirect_dma source(%dma_start3A_207 : memref<10000x40xf32, #tpu.memory_space<vmem_shared>>) target(%arg12 : memref<128x40xf32, #tpu.memory_space<vmem>>) offsets(%dma_start3A_204 : memref<128xi32, #tpu.memory_space<vmem>>) semaphore(%arg20 : memref<!tpu.dma_semaphore, #tpu.memory_space<semaphore_mem>>)
      %add3A_208 = arith.constant 1 : i32
      %add3A_209 = arith.addi %mul3A_199, %add3A_208 : i32
      %dma_start3A_210 = arith.constant 0 : i32
      %dma_start3A_211 = tpu.memref_slice %arg6[%add3A_209, %dma_start3A_210] : memref<78x128xi32, #tpu.memory_space<vmem>> -> memref<1x128xi32, #tpu.memory_space<vmem>>
      %dma_start3A_212 = tpu.memref_squeeze %dma_start3A_211 : memref<1x128xi32, #tpu.memory_space<vmem>> -> memref<128xi32, #tpu.memory_space<vmem>>
      %dma_start3A_213 = arith.constant 0 : i32
      %dma_start3A_214 = arith.constant 0 : i32
      %dma_start3A_215 = tpu.memref_slice %arg11[%dma_start3A_213, %dma_start3A_214] : memref<10000x40xf32, #tpu.memory_space<vmem_shared>> -> memref<10000x40xf32, #tpu.memory_space<vmem_shared>>
      tpu.enqueue_indirect_dma source(%dma_start3A_215 : memref<10000x40xf32, #tpu.memory_space<vmem_shared>>) target(%arg13 : memref<128x40xf32, #tpu.memory_space<vmem>>) offsets(%dma_start3A_212 : memref<128xi32, #tpu.memory_space<vmem>>) semaphore(%arg21 : memref<!tpu.dma_semaphore, #tpu.memory_space<semaphore_mem>>)
      %add3A_216 = arith.constant 2 : i32
      %add3A_217 = arith.addi %mul3A_199, %add3A_216 : i32
      %dma_start3A_218 = arith.constant 0 : i32
      %dma_start3A_219 = tpu.memref_slice %arg6[%add3A_217, %dma_start3A_218] : memref<78x128xi32, #tpu.memory_space<vmem>> -> memref<1x128xi32, #tpu.memory_space<vmem>>
      %dma_start3A_220 = tpu.memref_squeeze %dma_start3A_219 : memref<1x128xi32, #tpu.memory_space<vmem>> -> memref<128xi32, #tpu.memory_space<vmem>>
      %dma_start3A_221 = arith.constant 0 : i32
      %dma_start3A_222 = arith.constant 0 : i32
      %dma_start3A_223 = tpu.memref_slice %arg11[%dma_start3A_221, %dma_start3A_222] : memref<10000x40xf32, #tpu.memory_space<vmem_shared>> -> memref<10000x40xf32, #tpu.memory_space<vmem_shared>>
      tpu.enqueue_indirect_dma source(%dma_start3A_223 : memref<10000x40xf32, #tpu.memory_space<vmem_shared>>) target(%arg14 : memref<128x40xf32, #tpu.memory_space<vmem>>) offsets(%dma_start3A_220 : memref<128xi32, #tpu.memory_space<vmem>>) semaphore(%arg22 : memref<!tpu.dma_semaphore, #tpu.memory_space<semaphore_mem>>)
      %add3A_224 = arith.constant 3 : i32
      %add3A_225 = arith.addi %mul3A_199, %add3A_224 : i32
      %dma_start3A_226 = arith.constant 0 : i32
      %dma_start3A_227 = tpu.memref_slice %arg6[%add3A_225, %dma_start3A_226] : memref<78x128xi32, #tpu.memory_space<vmem>> -> memref<1x128xi32, #tpu.memory_space<vmem>>
      %dma_start3A_228 = tpu.memref_squeeze %dma_start3A_227 : memref<1x128xi32, #tpu.memory_space<vmem>> -> memref<128xi32, #tpu.memory_space<vmem>>
      %dma_start3A_229 = arith.constant 0 : i32
      %dma_start3A_230 = arith.constant 0 : i32
      %dma_start3A_231 = tpu.memref_slice %arg11[%dma_start3A_229, %dma_start3A_230] : memref<10000x40xf32, #tpu.memory_space<vmem_shared>> -> memref<10000x40xf32, #tpu.memory_space<vmem_shared>>
      tpu.enqueue_indirect_dma source(%dma_start3A_231 : memref<10000x40xf32, #tpu.memory_space<vmem_shared>>) target(%arg15 : memref<128x40xf32, #tpu.memory_space<vmem>>) offsets(%dma_start3A_228 : memref<128xi32, #tpu.memory_space<vmem>>) semaphore(%arg23 : memref<!tpu.dma_semaphore, #tpu.memory_space<semaphore_mem>>)
      %add3A_232 = arith.constant 4 : i32
      %add3A_233 = arith.addi %mul3A_199, %add3A_232 : i32
      %dma_start3A_234 = arith.constant 0 : i32
      %dma_start3A_235 = tpu.memref_slice %arg6[%add3A_233, %dma_start3A_234] : memref<78x128xi32, #tpu.memory_space<vmem>> -> memref<1x128xi32, #tpu.memory_space<vmem>>
      %dma_start3A_236 = tpu.memref_squeeze %dma_start3A_235 : memref<1x128xi32, #tpu.memory_space<vmem>> -> memref<128xi32, #tpu.memory_space<vmem>>
      %dma_start3A_237 = arith.constant 0 : i32
      %dma_start3A_238 = arith.constant 0 : i32
      %dma_start3A_239 = tpu.memref_slice %arg11[%dma_start3A_237, %dma_start3A_238] : memref<10000x40xf32, #tpu.memory_space<vmem_shared>> -> memref<10000x40xf32, #tpu.memory_space<vmem_shared>>
      tpu.enqueue_indirect_dma source(%dma_start3A_239 : memref<10000x40xf32, #tpu.memory_space<vmem_shared>>) target(%arg16 : memref<128x40xf32, #tpu.memory_space<vmem>>) offsets(%dma_start3A_236 : memref<128xi32, #tpu.memory_space<vmem>>) semaphore(%arg24 : memref<!tpu.dma_semaphore, #tpu.memory_space<semaphore_mem>>)
      %add3A_240 = arith.constant 5 : i32
      %add3A_241 = arith.addi %mul3A_199, %add3A_240 : i32
      %dma_start3A_242 = arith.constant 0 : i32
      %dma_start3A_243 = tpu.memref_slice %arg6[%add3A_241, %dma_start3A_242] : memref<78x128xi32, #tpu.memory_space<vmem>> -> memref<1x128xi32, #tpu.memory_space<vmem>>
      %dma_start3A_244 = tpu.memref_squeeze %dma_start3A_243 : memref<1x128xi32, #tpu.memory_space<vmem>> -> memref<128xi32, #tpu.memory_space<vmem>>
      %dma_start3A_245 = arith.constant 0 : i32
      %dma_start3A_246 = arith.constant 0 : i32
      %dma_start3A_247 = tpu.memref_slice %arg11[%dma_start3A_245, %dma_start3A_246] : memref<10000x40xf32, #tpu.memory_space<vmem_shared>> -> memref<10000x40xf32, #tpu.memory_space<vmem_shared>>
      tpu.enqueue_indirect_dma source(%dma_start3A_247 : memref<10000x40xf32, #tpu.memory_space<vmem_shared>>) target(%arg17 : memref<128x40xf32, #tpu.memory_space<vmem>>) offsets(%dma_start3A_244 : memref<128xi32, #tpu.memory_space<vmem>>) semaphore(%arg25 : memref<!tpu.dma_semaphore, #tpu.memory_space<semaphore_mem>>)
      %add3A_248 = arith.constant 6 : i32
      %add3A_249 = arith.addi %mul3A_199, %add3A_248 : i32
      %dma_start3A_250 = arith.constant 0 : i32
      %dma_start3A_251 = tpu.memref_slice %arg6[%add3A_249, %dma_start3A_250] : memref<78x128xi32, #tpu.memory_space<vmem>> -> memref<1x128xi32, #tpu.memory_space<vmem>>
      %dma_start3A_252 = tpu.memref_squeeze %dma_start3A_251 : memref<1x128xi32, #tpu.memory_space<vmem>> -> memref<128xi32, #tpu.memory_space<vmem>>
      %dma_start3A_253 = arith.constant 0 : i32
      %dma_start3A_254 = arith.constant 0 : i32
      %dma_start3A_255 = tpu.memref_slice %arg11[%dma_start3A_253, %dma_start3A_254] : memref<10000x40xf32, #tpu.memory_space<vmem_shared>> -> memref<10000x40xf32, #tpu.memory_space<vmem_shared>>
      tpu.enqueue_indirect_dma source(%dma_start3A_255 : memref<10000x40xf32, #tpu.memory_space<vmem_shared>>) target(%arg18 : memref<128x40xf32, #tpu.memory_space<vmem>>) offsets(%dma_start3A_252 : memref<128xi32, #tpu.memory_space<vmem>>) semaphore(%arg26 : memref<!tpu.dma_semaphore, #tpu.memory_space<semaphore_mem>>)
      %add3A_256 = arith.constant 7 : i32
      %add3A_257 = arith.addi %mul3A_199, %add3A_256 : i32
      %dma_start3A_258 = arith.constant 0 : i32
      %dma_start3A_259 = tpu.memref_slice %arg6[%add3A_257, %dma_start3A_258] : memref<78x128xi32, #tpu.memory_space<vmem>> -> memref<1x128xi32, #tpu.memory_space<vmem>>
      %dma_start3A_260 = tpu.memref_squeeze %dma_start3A_259 : memref<1x128xi32, #tpu.memory_space<vmem>> -> memref<128xi32, #tpu.memory_space<vmem>>
      %dma_start3A_261 = arith.constant 0 : i32
      %dma_start3A_262 = arith.constant 0 : i32
      %dma_start3A_263 = tpu.memref_slice %arg11[%dma_start3A_261, %dma_start3A_262] : memref<10000x40xf32, #tpu.memory_space<vmem_shared>> -> memref<10000x40xf32, #tpu.memory_space<vmem_shared>>
      tpu.enqueue_indirect_dma source(%dma_start3A_263 : memref<10000x40xf32, #tpu.memory_space<vmem_shared>>) target(%arg19 : memref<128x40xf32, #tpu.memory_space<vmem>>) offsets(%dma_start3A_260 : memref<128xi32, #tpu.memory_space<vmem>>) semaphore(%arg27 : memref<!tpu.dma_semaphore, #tpu.memory_space<semaphore_mem>>)
      %dma_wait3A_264 = arith.constant 0 : i32
      %dma_wait3A_265 = tpu.memref_slice %arg6[%add3A_201, %dma_wait3A_264] : memref<78x128xi32, #tpu.memory_space<vmem>> -> memref<1x128xi32, #tpu.memory_space<vmem>>
      %dma_wait3A_266 = tpu.memref_squeeze %dma_wait3A_265 : memref<1x128xi32, #tpu.memory_space<vmem>> -> memref<128xi32, #tpu.memory_space<vmem>>
      %dma_wait3A_267 = arith.constant 0 : i32
      %dma_wait3A_268 = arith.constant 0 : i32
      %dma_wait3A_269 = tpu.memref_slice %arg11[%dma_wait3A_267, %dma_wait3A_268] : memref<10000x40xf32, #tpu.memory_space<vmem_shared>> -> memref<10000x40xf32, #tpu.memory_space<vmem_shared>>
      tpu.wait_indirect_dma semaphore(%arg20 : memref<!tpu.dma_semaphore, #tpu.memory_space<semaphore_mem>>) src(%dma_wait3A_269 : memref<10000x40xf32, #tpu.memory_space<vmem_shared>>) dst(%arg12 : memref<128x40xf32, #tpu.memory_space<vmem>>)
      %add3A_270 = arith.constant 0 : i32
      %add3A_271 = arith.addi %mul3A_199, %add3A_270 : i32
      %dma_start3A_272 = arith.constant 0 : i32
      %dma_start3A_273 = tpu.memref_slice %arg7[%add3A_271, %dma_start3A_272] : memref<78x128xi32, #tpu.memory_space<vmem>> -> memref<1x128xi32, #tpu.memory_space<vmem>>
      %dma_start3A_274 = tpu.memref_squeeze %dma_start3A_273 : memref<1x128xi32, #tpu.memory_space<vmem>> -> memref<128xi32, #tpu.memory_space<vmem>>
      %dma_start3A_275 = arith.constant 0 : i32
      %dma_start3A_276 = arith.constant 0 : i32
      %dma_start3A_277 = tpu.memref_slice %arg10[%dma_start3A_275, %dma_start3A_276] : memref<10240x40xf32, #tpu.memory_space<vmem_shared>> -> memref<10240x40xf32, #tpu.memory_space<vmem_shared>>
      tpu.enqueue_indirect_dma source(%arg12 : memref<128x40xf32, #tpu.memory_space<vmem>>) target(%dma_start3A_277 : memref<10240x40xf32, #tpu.memory_space<vmem_shared>>) offsets(%dma_start3A_274 : memref<128xi32, #tpu.memory_space<vmem>>) semaphore(%arg28 : memref<!tpu.dma_semaphore, #tpu.memory_space<semaphore_mem>>) {add = true}
      %dma_wait3A_278 = arith.constant 0 : i32
      %dma_wait3A_279 = tpu.memref_slice %arg6[%add3A_209, %dma_wait3A_278] : memref<78x128xi32, #tpu.memory_space<vmem>> -> memref<1x128xi32, #tpu.memory_space<vmem>>
      %dma_wait3A_280 = tpu.memref_squeeze %dma_wait3A_279 : memref<1x128xi32, #tpu.memory_space<vmem>> -> memref<128xi32, #tpu.memory_space<vmem>>
      %dma_wait3A_281 = arith.constant 0 : i32
      %dma_wait3A_282 = arith.constant 0 : i32
      %dma_wait3A_283 = tpu.memref_slice %arg11[%dma_wait3A_281, %dma_wait3A_282] : memref<10000x40xf32, #tpu.memory_space<vmem_shared>> -> memref<10000x40xf32, #tpu.memory_space<vmem_shared>>
      tpu.wait_indirect_dma semaphore(%arg21 : memref<!tpu.dma_semaphore, #tpu.memory_space<semaphore_mem>>) src(%dma_wait3A_283 : memref<10000x40xf32, #tpu.memory_space<vmem_shared>>) dst(%arg13 : memref<128x40xf32, #tpu.memory_space<vmem>>)
      %add3A_284 = arith.constant 1 : i32
      %add3A_285 = arith.addi %mul3A_199, %add3A_284 : i32
      %dma_start3A_286 = arith.constant 0 : i32
      %dma_start3A_287 = tpu.memref_slice %arg7[%add3A_285, %dma_start3A_286] : memref<78x128xi32, #tpu.memory_space<vmem>> -> memref<1x128xi32, #tpu.memory_space<vmem>>
      %dma_start3A_288 = tpu.memref_squeeze %dma_start3A_287 : memref<1x128xi32, #tpu.memory_space<vmem>> -> memref<128xi32, #tpu.memory_space<vmem>>
      %dma_start3A_289 = arith.constant 0 : i32
      %dma_start3A_290 = arith.constant 0 : i32
      %dma_start3A_291 = tpu.memref_slice %arg10[%dma_start3A_289, %dma_start3A_290] : memref<10240x40xf32, #tpu.memory_space<vmem_shared>> -> memref<10240x40xf32, #tpu.memory_space<vmem_shared>>
      tpu.enqueue_indirect_dma source(%arg13 : memref<128x40xf32, #tpu.memory_space<vmem>>) target(%dma_start3A_291 : memref<10240x40xf32, #tpu.memory_space<vmem_shared>>) offsets(%dma_start3A_288 : memref<128xi32, #tpu.memory_space<vmem>>) semaphore(%arg29 : memref<!tpu.dma_semaphore, #tpu.memory_space<semaphore_mem>>) {add = true}
      %dma_wait3A_292 = arith.constant 0 : i32
      %dma_wait3A_293 = tpu.memref_slice %arg6[%add3A_217, %dma_wait3A_292] : memref<78x128xi32, #tpu.memory_space<vmem>> -> memref<1x128xi32, #tpu.memory_space<vmem>>
      %dma_wait3A_294 = tpu.memref_squeeze %dma_wait3A_293 : memref<1x128xi32, #tpu.memory_space<vmem>> -> memref<128xi32, #tpu.memory_space<vmem>>
      %dma_wait3A_295 = arith.constant 0 : i32
      %dma_wait3A_296 = arith.constant 0 : i32
      %dma_wait3A_297 = tpu.memref_slice %arg11[%dma_wait3A_295, %dma_wait3A_296] : memref<10000x40xf32, #tpu.memory_space<vmem_shared>> -> memref<10000x40xf32, #tpu.memory_space<vmem_shared>>
      tpu.wait_indirect_dma semaphore(%arg22 : memref<!tpu.dma_semaphore, #tpu.memory_space<semaphore_mem>>) src(%dma_wait3A_297 : memref<10000x40xf32, #tpu.memory_space<vmem_shared>>) dst(%arg14 : memref<128x40xf32, #tpu.memory_space<vmem>>)
      %add3A_298 = arith.constant 2 : i32
      %add3A_299 = arith.addi %mul3A_199, %add3A_298 : i32
      %dma_start3A_300 = arith.constant 0 : i32
      %dma_start3A_301 = tpu.memref_slice %arg7[%add3A_299, %dma_start3A_300] : memref<78x128xi32, #tpu.memory_space<vmem>> -> memref<1x128xi32, #tpu.memory_space<vmem>>
      %dma_start3A_302 = tpu.memref_squeeze %dma_start3A_301 : memref<1x128xi32, #tpu.memory_space<vmem>> -> memref<128xi32, #tpu.memory_space<vmem>>
      %dma_start3A_303 = arith.constant 0 : i32
      %dma_start3A_304 = arith.constant 0 : i32
      %dma_start3A_305 = tpu.memref_slice %arg10[%dma_start3A_303, %dma_start3A_304] : memref<10240x40xf32, #tpu.memory_space<vmem_shared>> -> memref<10240x40xf32, #tpu.memory_space<vmem_shared>>
      tpu.enqueue_indirect_dma source(%arg14 : memref<128x40xf32, #tpu.memory_space<vmem>>) target(%dma_start3A_305 : memref<10240x40xf32, #tpu.memory_space<vmem_shared>>) offsets(%dma_start3A_302 : memref<128xi32, #tpu.memory_space<vmem>>) semaphore(%arg30 : memref<!tpu.dma_semaphore, #tpu.memory_space<semaphore_mem>>) {add = true}
      %dma_wait3A_306 = arith.constant 0 : i32
      %dma_wait3A_307 = tpu.memref_slice %arg6[%add3A_225, %dma_wait3A_306] : memref<78x128xi32, #tpu.memory_space<vmem>> -> memref<1x128xi32, #tpu.memory_space<vmem>>
      %dma_wait3A_308 = tpu.memref_squeeze %dma_wait3A_307 : memref<1x128xi32, #tpu.memory_space<vmem>> -> memref<128xi32, #tpu.memory_space<vmem>>
      %dma_wait3A_309 = arith.constant 0 : i32
      %dma_wait3A_310 = arith.constant 0 : i32
      %dma_wait3A_311 = tpu.memref_slice %arg11[%dma_wait3A_309, %dma_wait3A_310] : memref<10000x40xf32, #tpu.memory_space<vmem_shared>> -> memref<10000x40xf32, #tpu.memory_space<vmem_shared>>
      tpu.wait_indirect_dma semaphore(%arg23 : memref<!tpu.dma_semaphore, #tpu.memory_space<semaphore_mem>>) src(%dma_wait3A_311 : memref<10000x40xf32, #tpu.memory_space<vmem_shared>>) dst(%arg15 : memref<128x40xf32, #tpu.memory_space<vmem>>)
      %add3A_312 = arith.constant 3 : i32
      %add3A_313 = arith.addi %mul3A_199, %add3A_312 : i32
      %dma_start3A_314 = arith.constant 0 : i32
      %dma_start3A_315 = tpu.memref_slice %arg7[%add3A_313, %dma_start3A_314] : memref<78x128xi32, #tpu.memory_space<vmem>> -> memref<1x128xi32, #tpu.memory_space<vmem>>
      %dma_start3A_316 = tpu.memref_squeeze %dma_start3A_315 : memref<1x128xi32, #tpu.memory_space<vmem>> -> memref<128xi32, #tpu.memory_space<vmem>>
      %dma_start3A_317 = arith.constant 0 : i32
      %dma_start3A_318 = arith.constant 0 : i32
      %dma_start3A_319 = tpu.memref_slice %arg10[%dma_start3A_317, %dma_start3A_318] : memref<10240x40xf32, #tpu.memory_space<vmem_shared>> -> memref<10240x40xf32, #tpu.memory_space<vmem_shared>>
      tpu.enqueue_indirect_dma source(%arg15 : memref<128x40xf32, #tpu.memory_space<vmem>>) target(%dma_start3A_319 : memref<10240x40xf32, #tpu.memory_space<vmem_shared>>) offsets(%dma_start3A_316 : memref<128xi32, #tpu.memory_space<vmem>>) semaphore(%arg31 : memref<!tpu.dma_semaphore, #tpu.memory_space<semaphore_mem>>) {add = true}
      %dma_wait3A_320 = arith.constant 0 : i32
      %dma_wait3A_321 = tpu.memref_slice %arg6[%add3A_233, %dma_wait3A_320] : memref<78x128xi32, #tpu.memory_space<vmem>> -> memref<1x128xi32, #tpu.memory_space<vmem>>
      %dma_wait3A_322 = tpu.memref_squeeze %dma_wait3A_321 : memref<1x128xi32, #tpu.memory_space<vmem>> -> memref<128xi32, #tpu.memory_space<vmem>>
      %dma_wait3A_323 = arith.constant 0 : i32
      %dma_wait3A_324 = arith.constant 0 : i32
      %dma_wait3A_325 = tpu.memref_slice %arg11[%dma_wait3A_323, %dma_wait3A_324] : memref<10000x40xf32, #tpu.memory_space<vmem_shared>> -> memref<10000x40xf32, #tpu.memory_space<vmem_shared>>
      tpu.wait_indirect_dma semaphore(%arg24 : memref<!tpu.dma_semaphore, #tpu.memory_space<semaphore_mem>>) src(%dma_wait3A_325 : memref<10000x40xf32, #tpu.memory_space<vmem_shared>>) dst(%arg16 : memref<128x40xf32, #tpu.memory_space<vmem>>)
      %add3A_326 = arith.constant 4 : i32
      %add3A_327 = arith.addi %mul3A_199, %add3A_326 : i32
      %dma_start3A_328 = arith.constant 0 : i32
      %dma_start3A_329 = tpu.memref_slice %arg7[%add3A_327, %dma_start3A_328] : memref<78x128xi32, #tpu.memory_space<vmem>> -> memref<1x128xi32, #tpu.memory_space<vmem>>
      %dma_start3A_330 = tpu.memref_squeeze %dma_start3A_329 : memref<1x128xi32, #tpu.memory_space<vmem>> -> memref<128xi32, #tpu.memory_space<vmem>>
      %dma_start3A_331 = arith.constant 0 : i32
      %dma_start3A_332 = arith.constant 0 : i32
      %dma_start3A_333 = tpu.memref_slice %arg10[%dma_start3A_331, %dma_start3A_332] : memref<10240x40xf32, #tpu.memory_space<vmem_shared>> -> memref<10240x40xf32, #tpu.memory_space<vmem_shared>>
      tpu.enqueue_indirect_dma source(%arg16 : memref<128x40xf32, #tpu.memory_space<vmem>>) target(%dma_start3A_333 : memref<10240x40xf32, #tpu.memory_space<vmem_shared>>) offsets(%dma_start3A_330 : memref<128xi32, #tpu.memory_space<vmem>>) semaphore(%arg32 : memref<!tpu.dma_semaphore, #tpu.memory_space<semaphore_mem>>) {add = true}
      %dma_wait3A_334 = arith.constant 0 : i32
      %dma_wait3A_335 = tpu.memref_slice %arg6[%add3A_241, %dma_wait3A_334] : memref<78x128xi32, #tpu.memory_space<vmem>> -> memref<1x128xi32, #tpu.memory_space<vmem>>
      %dma_wait3A_336 = tpu.memref_squeeze %dma_wait3A_335 : memref<1x128xi32, #tpu.memory_space<vmem>> -> memref<128xi32, #tpu.memory_space<vmem>>
      %dma_wait3A_337 = arith.constant 0 : i32
      %dma_wait3A_338 = arith.constant 0 : i32
      %dma_wait3A_339 = tpu.memref_slice %arg11[%dma_wait3A_337, %dma_wait3A_338] : memref<10000x40xf32, #tpu.memory_space<vmem_shared>> -> memref<10000x40xf32, #tpu.memory_space<vmem_shared>>
      tpu.wait_indirect_dma semaphore(%arg25 : memref<!tpu.dma_semaphore, #tpu.memory_space<semaphore_mem>>) src(%dma_wait3A_339 : memref<10000x40xf32, #tpu.memory_space<vmem_shared>>) dst(%arg17 : memref<128x40xf32, #tpu.memory_space<vmem>>)
      %add3A_340 = arith.constant 5 : i32
      %add3A_341 = arith.addi %mul3A_199, %add3A_340 : i32
      %dma_start3A_342 = arith.constant 0 : i32
      %dma_start3A_343 = tpu.memref_slice %arg7[%add3A_341, %dma_start3A_342] : memref<78x128xi32, #tpu.memory_space<vmem>> -> memref<1x128xi32, #tpu.memory_space<vmem>>
      %dma_start3A_344 = tpu.memref_squeeze %dma_start3A_343 : memref<1x128xi32, #tpu.memory_space<vmem>> -> memref<128xi32, #tpu.memory_space<vmem>>
      %dma_start3A_345 = arith.constant 0 : i32
      %dma_start3A_346 = arith.constant 0 : i32
      %dma_start3A_347 = tpu.memref_slice %arg10[%dma_start3A_345, %dma_start3A_346] : memref<10240x40xf32, #tpu.memory_space<vmem_shared>> -> memref<10240x40xf32, #tpu.memory_space<vmem_shared>>
      tpu.enqueue_indirect_dma source(%arg17 : memref<128x40xf32, #tpu.memory_space<vmem>>) target(%dma_start3A_347 : memref<10240x40xf32, #tpu.memory_space<vmem_shared>>) offsets(%dma_start3A_344 : memref<128xi32, #tpu.memory_space<vmem>>) semaphore(%arg33 : memref<!tpu.dma_semaphore, #tpu.memory_space<semaphore_mem>>) {add = true}
      %dma_wait3A_348 = arith.constant 0 : i32
      %dma_wait3A_349 = tpu.memref_slice %arg6[%add3A_249, %dma_wait3A_348] : memref<78x128xi32, #tpu.memory_space<vmem>> -> memref<1x128xi32, #tpu.memory_space<vmem>>
      %dma_wait3A_350 = tpu.memref_squeeze %dma_wait3A_349 : memref<1x128xi32, #tpu.memory_space<vmem>> -> memref<128xi32, #tpu.memory_space<vmem>>
      %dma_wait3A_351 = arith.constant 0 : i32
      %dma_wait3A_352 = arith.constant 0 : i32
      %dma_wait3A_353 = tpu.memref_slice %arg11[%dma_wait3A_351, %dma_wait3A_352] : memref<10000x40xf32, #tpu.memory_space<vmem_shared>> -> memref<10000x40xf32, #tpu.memory_space<vmem_shared>>
      tpu.wait_indirect_dma semaphore(%arg26 : memref<!tpu.dma_semaphore, #tpu.memory_space<semaphore_mem>>) src(%dma_wait3A_353 : memref<10000x40xf32, #tpu.memory_space<vmem_shared>>) dst(%arg18 : memref<128x40xf32, #tpu.memory_space<vmem>>)
      %add3A_354 = arith.constant 6 : i32
      %add3A_355 = arith.addi %mul3A_199, %add3A_354 : i32
      %dma_start3A_356 = arith.constant 0 : i32
      %dma_start3A_357 = tpu.memref_slice %arg7[%add3A_355, %dma_start3A_356] : memref<78x128xi32, #tpu.memory_space<vmem>> -> memref<1x128xi32, #tpu.memory_space<vmem>>
      %dma_start3A_358 = tpu.memref_squeeze %dma_start3A_357 : memref<1x128xi32, #tpu.memory_space<vmem>> -> memref<128xi32, #tpu.memory_space<vmem>>
      %dma_start3A_359 = arith.constant 0 : i32
      %dma_start3A_360 = arith.constant 0 : i32
      %dma_start3A_361 = tpu.memref_slice %arg10[%dma_start3A_359, %dma_start3A_360] : memref<10240x40xf32, #tpu.memory_space<vmem_shared>> -> memref<10240x40xf32, #tpu.memory_space<vmem_shared>>
      tpu.enqueue_indirect_dma source(%arg18 : memref<128x40xf32, #tpu.memory_space<vmem>>) target(%dma_start3A_361 : memref<10240x40xf32, #tpu.memory_space<vmem_shared>>) offsets(%dma_start3A_358 : memref<128xi32, #tpu.memory_space<vmem>>) semaphore(%arg34 : memref<!tpu.dma_semaphore, #tpu.memory_space<semaphore_mem>>) {add = true}
      %dma_wait3A_362 = arith.constant 0 : i32
      %dma_wait3A_363 = tpu.memref_slice %arg6[%add3A_257, %dma_wait3A_362] : memref<78x128xi32, #tpu.memory_space<vmem>> -> memref<1x128xi32, #tpu.memory_space<vmem>>
      %dma_wait3A_364 = tpu.memref_squeeze %dma_wait3A_363 : memref<1x128xi32, #tpu.memory_space<vmem>> -> memref<128xi32, #tpu.memory_space<vmem>>
      %dma_wait3A_365 = arith.constant 0 : i32
      %dma_wait3A_366 = arith.constant 0 : i32
      %dma_wait3A_367 = tpu.memref_slice %arg11[%dma_wait3A_365, %dma_wait3A_366] : memref<10000x40xf32, #tpu.memory_space<vmem_shared>> -> memref<10000x40xf32, #tpu.memory_space<vmem_shared>>
      tpu.wait_indirect_dma semaphore(%arg27 : memref<!tpu.dma_semaphore, #tpu.memory_space<semaphore_mem>>) src(%dma_wait3A_367 : memref<10000x40xf32, #tpu.memory_space<vmem_shared>>) dst(%arg19 : memref<128x40xf32, #tpu.memory_space<vmem>>)
      %add3A_368 = arith.constant 7 : i32
      %add3A_369 = arith.addi %mul3A_199, %add3A_368 : i32
      %dma_start3A_370 = arith.constant 0 : i32
      %dma_start3A_371 = tpu.memref_slice %arg7[%add3A_369, %dma_start3A_370] : memref<78x128xi32, #tpu.memory_space<vmem>> -> memref<1x128xi32, #tpu.memory_space<vmem>>
      %dma_start3A_372 = tpu.memref_squeeze %dma_start3A_371 : memref<1x128xi32, #tpu.memory_space<vmem>> -> memref<128xi32, #tpu.memory_space<vmem>>
      %dma_start3A_373 = arith.constant 0 : i32
      %dma_start3A_374 = arith.constant 0 : i32
      %dma_start3A_375 = tpu.memref_slice %arg10[%dma_start3A_373, %dma_start3A_374] : memref<10240x40xf32, #tpu.memory_space<vmem_shared>> -> memref<10240x40xf32, #tpu.memory_space<vmem_shared>>
      tpu.enqueue_indirect_dma source(%arg19 : memref<128x40xf32, #tpu.memory_space<vmem>>) target(%dma_start3A_375 : memref<10240x40xf32, #tpu.memory_space<vmem_shared>>) offsets(%dma_start3A_372 : memref<128xi32, #tpu.memory_space<vmem>>) semaphore(%arg35 : memref<!tpu.dma_semaphore, #tpu.memory_space<semaphore_mem>>) {add = true}
      %dma_wait3A_376 = arith.constant 0 : i32
      %dma_wait3A_377 = tpu.memref_slice %arg7[%add3A_271, %dma_wait3A_376] : memref<78x128xi32, #tpu.memory_space<vmem>> -> memref<1x128xi32, #tpu.memory_space<vmem>>
      %dma_wait3A_378 = tpu.memref_squeeze %dma_wait3A_377 : memref<1x128xi32, #tpu.memory_space<vmem>> -> memref<128xi32, #tpu.memory_space<vmem>>
      %dma_wait3A_379 = arith.constant 0 : i32
      %dma_wait3A_380 = arith.constant 0 : i32
      %dma_wait3A_381 = tpu.memref_slice %arg10[%dma_wait3A_379, %dma_wait3A_380] : memref<10240x40xf32, #tpu.memory_space<vmem_shared>> -> memref<10240x40xf32, #tpu.memory_space<vmem_shared>>
      tpu.wait_indirect_dma semaphore(%arg28 : memref<!tpu.dma_semaphore, #tpu.memory_space<semaphore_mem>>) src(%arg12 : memref<128x40xf32, #tpu.memory_space<vmem>>) dst(%dma_wait3A_381 : memref<10240x40xf32, #tpu.memory_space<vmem_shared>>)
      %dma_wait3A_382 = arith.constant 0 : i32
      %dma_wait3A_383 = tpu.memref_slice %arg7[%add3A_285, %dma_wait3A_382] : memref<78x128xi32, #tpu.memory_space<vmem>> -> memref<1x128xi32, #tpu.memory_space<vmem>>
      %dma_wait3A_384 = tpu.memref_squeeze %dma_wait3A_383 : memref<1x128xi32, #tpu.memory_space<vmem>> -> memref<128xi32, #tpu.memory_space<vmem>>
      %dma_wait3A_385 = arith.constant 0 : i32
      %dma_wait3A_386 = arith.constant 0 : i32
      %dma_wait3A_387 = tpu.memref_slice %arg10[%dma_wait3A_385, %dma_wait3A_386] : memref<10240x40xf32, #tpu.memory_space<vmem_shared>> -> memref<10240x40xf32, #tpu.memory_space<vmem_shared>>
      tpu.wait_indirect_dma semaphore(%arg29 : memref<!tpu.dma_semaphore, #tpu.memory_space<semaphore_mem>>) src(%arg13 : memref<128x40xf32, #tpu.memory_space<vmem>>) dst(%dma_wait3A_387 : memref<10240x40xf32, #tpu.memory_space<vmem_shared>>)
      %dma_wait3A_388 = arith.constant 0 : i32
      %dma_wait3A_389 = tpu.memref_slice %arg7[%add3A_299, %dma_wait3A_388] : memref<78x128xi32, #tpu.memory_space<vmem>> -> memref<1x128xi32, #tpu.memory_space<vmem>>
      %dma_wait3A_390 = tpu.memref_squeeze %dma_wait3A_389 : memref<1x128xi32, #tpu.memory_space<vmem>> -> memref<128xi32, #tpu.memory_space<vmem>>
      %dma_wait3A_391 = arith.constant 0 : i32
      %dma_wait3A_392 = arith.constant 0 : i32
      %dma_wait3A_393 = tpu.memref_slice %arg10[%dma_wait3A_391, %dma_wait3A_392] : memref<10240x40xf32, #tpu.memory_space<vmem_shared>> -> memref<10240x40xf32, #tpu.memory_space<vmem_shared>>
      tpu.wait_indirect_dma semaphore(%arg30 : memref<!tpu.dma_semaphore, #tpu.memory_space<semaphore_mem>>) src(%arg14 : memref<128x40xf32, #tpu.memory_space<vmem>>) dst(%dma_wait3A_393 : memref<10240x40xf32, #tpu.memory_space<vmem_shared>>)
      %dma_wait3A_394 = arith.constant 0 : i32
      %dma_wait3A_395 = tpu.memref_slice %arg7[%add3A_313, %dma_wait3A_394] : memref<78x128xi32, #tpu.memory_space<vmem>> -> memref<1x128xi32, #tpu.memory_space<vmem>>
      %dma_wait3A_396 = tpu.memref_squeeze %dma_wait3A_395 : memref<1x128xi32, #tpu.memory_space<vmem>> -> memref<128xi32, #tpu.memory_space<vmem>>
      %dma_wait3A_397 = arith.constant 0 : i32
      %dma_wait3A_398 = arith.constant 0 : i32
      %dma_wait3A_399 = tpu.memref_slice %arg10[%dma_wait3A_397, %dma_wait3A_398] : memref<10240x40xf32, #tpu.memory_space<vmem_shared>> -> memref<10240x40xf32, #tpu.memory_space<vmem_shared>>
      tpu.wait_indirect_dma semaphore(%arg31 : memref<!tpu.dma_semaphore, #tpu.memory_space<semaphore_mem>>) src(%arg15 : memref<128x40xf32, #tpu.memory_space<vmem>>) dst(%dma_wait3A_399 : memref<10240x40xf32, #tpu.memory_space<vmem_shared>>)
      %dma_wait3A_400 = arith.constant 0 : i32
      %dma_wait3A_401 = tpu.memref_slice %arg7[%add3A_327, %dma_wait3A_400] : memref<78x128xi32, #tpu.memory_space<vmem>> -> memref<1x128xi32, #tpu.memory_space<vmem>>
      %dma_wait3A_402 = tpu.memref_squeeze %dma_wait3A_401 : memref<1x128xi32, #tpu.memory_space<vmem>> -> memref<128xi32, #tpu.memory_space<vmem>>
      %dma_wait3A_403 = arith.constant 0 : i32
      %dma_wait3A_404 = arith.constant 0 : i32
      %dma_wait3A_405 = tpu.memref_slice %arg10[%dma_wait3A_403, %dma_wait3A_404] : memref<10240x40xf32, #tpu.memory_space<vmem_shared>> -> memref<10240x40xf32, #tpu.memory_space<vmem_shared>>
      tpu.wait_indirect_dma semaphore(%arg32 : memref<!tpu.dma_semaphore, #tpu.memory_space<semaphore_mem>>) src(%arg16 : memref<128x40xf32, #tpu.memory_space<vmem>>) dst(%dma_wait3A_405 : memref<10240x40xf32, #tpu.memory_space<vmem_shared>>)
      %dma_wait3A_406 = arith.constant 0 : i32
      %dma_wait3A_407 = tpu.memref_slice %arg7[%add3A_341, %dma_wait3A_406] : memref<78x128xi32, #tpu.memory_space<vmem>> -> memref<1x128xi32, #tpu.memory_space<vmem>>
      %dma_wait3A_408 = tpu.memref_squeeze %dma_wait3A_407 : memref<1x128xi32, #tpu.memory_space<vmem>> -> memref<128xi32, #tpu.memory_space<vmem>>
      %dma_wait3A_409 = arith.constant 0 : i32
      %dma_wait3A_410 = arith.constant 0 : i32
      %dma_wait3A_411 = tpu.memref_slice %arg10[%dma_wait3A_409, %dma_wait3A_410] : memref<10240x40xf32, #tpu.memory_space<vmem_shared>> -> memref<10240x40xf32, #tpu.memory_space<vmem_shared>>
      tpu.wait_indirect_dma semaphore(%arg33 : memref<!tpu.dma_semaphore, #tpu.memory_space<semaphore_mem>>) src(%arg17 : memref<128x40xf32, #tpu.memory_space<vmem>>) dst(%dma_wait3A_411 : memref<10240x40xf32, #tpu.memory_space<vmem_shared>>)
      %dma_wait3A_412 = arith.constant 0 : i32
      %dma_wait3A_413 = tpu.memref_slice %arg7[%add3A_355, %dma_wait3A_412] : memref<78x128xi32, #tpu.memory_space<vmem>> -> memref<1x128xi32, #tpu.memory_space<vmem>>
      %dma_wait3A_414 = tpu.memref_squeeze %dma_wait3A_413 : memref<1x128xi32, #tpu.memory_space<vmem>> -> memref<128xi32, #tpu.memory_space<vmem>>
      %dma_wait3A_415 = arith.constant 0 : i32
      %dma_wait3A_416 = arith.constant 0 : i32
      %dma_wait3A_417 = tpu.memref_slice %arg10[%dma_wait3A_415, %dma_wait3A_416] : memref<10240x40xf32, #tpu.memory_space<vmem_shared>> -> memref<10240x40xf32, #tpu.memory_space<vmem_shared>>
      tpu.wait_indirect_dma semaphore(%arg34 : memref<!tpu.dma_semaphore, #tpu.memory_space<semaphore_mem>>) src(%arg18 : memref<128x40xf32, #tpu.memory_space<vmem>>) dst(%dma_wait3A_417 : memref<10240x40xf32, #tpu.memory_space<vmem_shared>>)
      %dma_wait3A_418 = arith.constant 0 : i32
      %dma_wait3A_419 = tpu.memref_slice %arg7[%add3A_369, %dma_wait3A_418] : memref<78x128xi32, #tpu.memory_space<vmem>> -> memref<1x128xi32, #tpu.memory_space<vmem>>
      %dma_wait3A_420 = tpu.memref_squeeze %dma_wait3A_419 : memref<1x128xi32, #tpu.memory_space<vmem>> -> memref<128xi32, #tpu.memory_space<vmem>>
      %dma_wait3A_421 = arith.constant 0 : i32
      %dma_wait3A_422 = arith.constant 0 : i32
      %dma_wait3A_423 = tpu.memref_slice %arg10[%dma_wait3A_421, %dma_wait3A_422] : memref<10240x40xf32, #tpu.memory_space<vmem_shared>> -> memref<10240x40xf32, #tpu.memory_space<vmem_shared>>
      tpu.wait_indirect_dma semaphore(%arg35 : memref<!tpu.dma_semaphore, #tpu.memory_space<semaphore_mem>>) src(%arg19 : memref<128x40xf32, #tpu.memory_space<vmem>>) dst(%dma_wait3A_423 : memref<10240x40xf32, #tpu.memory_space<vmem_shared>>)
    }
    %scan3A_20 = arith.constant 9 : i32
    %dma_start3A = arith.constant 72 : i32
    %dma_start3A_21 = arith.constant 0 : i32
    %dma_start3A_22 = tpu.memref_slice %arg6[%dma_start3A, %dma_start3A_21] : memref<78x128xi32, #tpu.memory_space<vmem>> -> memref<1x128xi32, #tpu.memory_space<vmem>>
    %dma_start3A_23 = tpu.memref_squeeze %dma_start3A_22 : memref<1x128xi32, #tpu.memory_space<vmem>> -> memref<128xi32, #tpu.memory_space<vmem>>
    %dma_start3A_24 = arith.constant 0 : i32
    %dma_start3A_25 = arith.constant 0 : i32
    %dma_start3A_26 = tpu.memref_slice %arg11[%dma_start3A_24, %dma_start3A_25] : memref<10000x40xf32, #tpu.memory_space<vmem_shared>> -> memref<10000x40xf32, #tpu.memory_space<vmem_shared>>
    tpu.enqueue_indirect_dma source(%dma_start3A_26 : memref<10000x40xf32, #tpu.memory_space<vmem_shared>>) target(%arg12 : memref<128x40xf32, #tpu.memory_space<vmem>>) offsets(%dma_start3A_23 : memref<128xi32, #tpu.memory_space<vmem>>) semaphore(%arg20 : memref<!tpu.dma_semaphore, #tpu.memory_space<semaphore_mem>>)
    %dma_start3A_27 = arith.constant 73 : i32
    %dma_start3A_28 = arith.constant 0 : i32
    %dma_start3A_29 = tpu.memref_slice %arg6[%dma_start3A_27, %dma_start3A_28] : memref<78x128xi32, #tpu.memory_space<vmem>> -> memref<1x128xi32, #tpu.memory_space<vmem>>
    %dma_start3A_30 = tpu.memref_squeeze %dma_start3A_29 : memref<1x128xi32, #tpu.memory_space<vmem>> -> memref<128xi32, #tpu.memory_space<vmem>>
    %dma_start3A_31 = arith.constant 0 : i32
    %dma_start3A_32 = arith.constant 0 : i32
    %dma_start3A_33 = tpu.memref_slice %arg11[%dma_start3A_31, %dma_start3A_32] : memref<10000x40xf32, #tpu.memory_space<vmem_shared>> -> memref<10000x40xf32, #tpu.memory_space<vmem_shared>>
    tpu.enqueue_indirect_dma source(%dma_start3A_33 : memref<10000x40xf32, #tpu.memory_space<vmem_shared>>) target(%arg13 : memref<128x40xf32, #tpu.memory_space<vmem>>) offsets(%dma_start3A_30 : memref<128xi32, #tpu.memory_space<vmem>>) semaphore(%arg21 : memref<!tpu.dma_semaphore, #tpu.memory_space<semaphore_mem>>)
    %dma_start3A_34 = arith.constant 74 : i32
    %dma_start3A_35 = arith.constant 0 : i32
    %dma_start3A_36 = tpu.memref_slice %arg6[%dma_start3A_34, %dma_start3A_35] : memref<78x128xi32, #tpu.memory_space<vmem>> -> memref<1x128xi32, #tpu.memory_space<vmem>>
    %dma_start3A_37 = tpu.memref_squeeze %dma_start3A_36 : memref<1x128xi32, #tpu.memory_space<vmem>> -> memref<128xi32, #tpu.memory_space<vmem>>
    %dma_start3A_38 = arith.constant 0 : i32
    %dma_start3A_39 = arith.constant 0 : i32
    %dma_start3A_40 = tpu.memref_slice %arg11[%dma_start3A_38, %dma_start3A_39] : memref<10000x40xf32, #tpu.memory_space<vmem_shared>> -> memref<10000x40xf32, #tpu.memory_space<vmem_shared>>
    tpu.enqueue_indirect_dma source(%dma_start3A_40 : memref<10000x40xf32, #tpu.memory_space<vmem_shared>>) target(%arg14 : memref<128x40xf32, #tpu.memory_space<vmem>>) offsets(%dma_start3A_37 : memref<128xi32, #tpu.memory_space<vmem>>) semaphore(%arg22 : memref<!tpu.dma_semaphore, #tpu.memory_space<semaphore_mem>>)
    %dma_start3A_41 = arith.constant 75 : i32
    %dma_start3A_42 = arith.constant 0 : i32
    %dma_start3A_43 = tpu.memref_slice %arg6[%dma_start3A_41, %dma_start3A_42] : memref<78x128xi32, #tpu.memory_space<vmem>> -> memref<1x128xi32, #tpu.memory_space<vmem>>
    %dma_start3A_44 = tpu.memref_squeeze %dma_start3A_43 : memref<1x128xi32, #tpu.memory_space<vmem>> -> memref<128xi32, #tpu.memory_space<vmem>>
    %dma_start3A_45 = arith.constant 0 : i32
    %dma_start3A_46 = arith.constant 0 : i32
    %dma_start3A_47 = tpu.memref_slice %arg11[%dma_start3A_45, %dma_start3A_46] : memref<10000x40xf32, #tpu.memory_space<vmem_shared>> -> memref<10000x40xf32, #tpu.memory_space<vmem_shared>>
    tpu.enqueue_indirect_dma source(%dma_start3A_47 : memref<10000x40xf32, #tpu.memory_space<vmem_shared>>) target(%arg15 : memref<128x40xf32, #tpu.memory_space<vmem>>) offsets(%dma_start3A_44 : memref<128xi32, #tpu.memory_space<vmem>>) semaphore(%arg23 : memref<!tpu.dma_semaphore, #tpu.memory_space<semaphore_mem>>)
    %dma_start3A_48 = arith.constant 76 : i32
    %dma_start3A_49 = arith.constant 0 : i32
    %dma_start3A_50 = tpu.memref_slice %arg6[%dma_start3A_48, %dma_start3A_49] : memref<78x128xi32, #tpu.memory_space<vmem>> -> memref<1x128xi32, #tpu.memory_space<vmem>>
    %dma_start3A_51 = tpu.memref_squeeze %dma_start3A_50 : memref<1x128xi32, #tpu.memory_space<vmem>> -> memref<128xi32, #tpu.memory_space<vmem>>
    %dma_start3A_52 = arith.constant 0 : i32
    %dma_start3A_53 = arith.constant 0 : i32
    %dma_start3A_54 = tpu.memref_slice %arg11[%dma_start3A_52, %dma_start3A_53] : memref<10000x40xf32, #tpu.memory_space<vmem_shared>> -> memref<10000x40xf32, #tpu.memory_space<vmem_shared>>
    tpu.enqueue_indirect_dma source(%dma_start3A_54 : memref<10000x40xf32, #tpu.memory_space<vmem_shared>>) target(%arg16 : memref<128x40xf32, #tpu.memory_space<vmem>>) offsets(%dma_start3A_51 : memref<128xi32, #tpu.memory_space<vmem>>) semaphore(%arg24 : memref<!tpu.dma_semaphore, #tpu.memory_space<semaphore_mem>>)
    %dma_start3A_55 = arith.constant 77 : i32
    %dma_start3A_56 = arith.constant 0 : i32
    %dma_start3A_57 = tpu.memref_slice %arg6[%dma_start3A_55, %dma_start3A_56] : memref<78x128xi32, #tpu.memory_space<vmem>> -> memref<1x128xi32, #tpu.memory_space<vmem>>
    %dma_start3A_58 = tpu.memref_squeeze %dma_start3A_57 : memref<1x128xi32, #tpu.memory_space<vmem>> -> memref<128xi32, #tpu.memory_space<vmem>>
    %dma_start3A_59 = arith.constant 0 : i32
    %dma_start3A_60 = arith.constant 0 : i32
    %dma_start3A_61 = tpu.memref_slice %arg11[%dma_start3A_59, %dma_start3A_60] : memref<10000x40xf32, #tpu.memory_space<vmem_shared>> -> memref<10000x40xf32, #tpu.memory_space<vmem_shared>>
    tpu.enqueue_indirect_dma source(%dma_start3A_61 : memref<10000x40xf32, #tpu.memory_space<vmem_shared>>) target(%arg17 : memref<128x40xf32, #tpu.memory_space<vmem>>) offsets(%dma_start3A_58 : memref<128xi32, #tpu.memory_space<vmem>>) semaphore(%arg25 : memref<!tpu.dma_semaphore, #tpu.memory_space<semaphore_mem>>)
    %dma_wait3A = arith.constant 72 : i32
    %dma_wait3A_62 = arith.constant 0 : i32
    %dma_wait3A_63 = tpu.memref_slice %arg6[%dma_wait3A, %dma_wait3A_62] : memref<78x128xi32, #tpu.memory_space<vmem>> -> memref<1x128xi32, #tpu.memory_space<vmem>>
    %dma_wait3A_64 = tpu.memref_squeeze %dma_wait3A_63 : memref<1x128xi32, #tpu.memory_space<vmem>> -> memref<128xi32, #tpu.memory_space<vmem>>
    %dma_wait3A_65 = arith.constant 0 : i32
    %dma_wait3A_66 = arith.constant 0 : i32
    %dma_wait3A_67 = tpu.memref_slice %arg11[%dma_wait3A_65, %dma_wait3A_66] : memref<10000x40xf32, #tpu.memory_space<vmem_shared>> -> memref<10000x40xf32, #tpu.memory_space<vmem_shared>>
    tpu.wait_indirect_dma semaphore(%arg20 : memref<!tpu.dma_semaphore, #tpu.memory_space<semaphore_mem>>) src(%dma_wait3A_67 : memref<10000x40xf32, #tpu.memory_space<vmem_shared>>) dst(%arg12 : memref<128x40xf32, #tpu.memory_space<vmem>>)
    %dma_start3A_68 = arith.constant 72 : i32
    %dma_start3A_69 = arith.constant 0 : i32
    %dma_start3A_70 = tpu.memref_slice %arg7[%dma_start3A_68, %dma_start3A_69] : memref<78x128xi32, #tpu.memory_space<vmem>> -> memref<1x128xi32, #tpu.memory_space<vmem>>
    %dma_start3A_71 = tpu.memref_squeeze %dma_start3A_70 : memref<1x128xi32, #tpu.memory_space<vmem>> -> memref<128xi32, #tpu.memory_space<vmem>>
    %dma_start3A_72 = arith.constant 0 : i32
    %dma_start3A_73 = arith.constant 0 : i32
    %dma_start3A_74 = tpu.memref_slice %arg10[%dma_start3A_72, %dma_start3A_73] : memref<10240x40xf32, #tpu.memory_space<vmem_shared>> -> memref<10240x40xf32, #tpu.memory_space<vmem_shared>>
    tpu.enqueue_indirect_dma source(%arg12 : memref<128x40xf32, #tpu.memory_space<vmem>>) target(%dma_start3A_74 : memref<10240x40xf32, #tpu.memory_space<vmem_shared>>) offsets(%dma_start3A_71 : memref<128xi32, #tpu.memory_space<vmem>>) semaphore(%arg28 : memref<!tpu.dma_semaphore, #tpu.memory_space<semaphore_mem>>) {add = true}
    %dma_wait3A_75 = arith.constant 73 : i32
    %dma_wait3A_76 = arith.constant 0 : i32
    %dma_wait3A_77 = tpu.memref_slice %arg6[%dma_wait3A_75, %dma_wait3A_76] : memref<78x128xi32, #tpu.memory_space<vmem>> -> memref<1x128xi32, #tpu.memory_space<vmem>>
    %dma_wait3A_78 = tpu.memref_squeeze %dma_wait3A_77 : memref<1x128xi32, #tpu.memory_space<vmem>> -> memref<128xi32, #tpu.memory_space<vmem>>
    %dma_wait3A_79 = arith.constant 0 : i32
    %dma_wait3A_80 = arith.constant 0 : i32
    %dma_wait3A_81 = tpu.memref_slice %arg11[%dma_wait3A_79, %dma_wait3A_80] : memref<10000x40xf32, #tpu.memory_space<vmem_shared>> -> memref<10000x40xf32, #tpu.memory_space<vmem_shared>>
    tpu.wait_indirect_dma semaphore(%arg21 : memref<!tpu.dma_semaphore, #tpu.memory_space<semaphore_mem>>) src(%dma_wait3A_81 : memref<10000x40xf32, #tpu.memory_space<vmem_shared>>) dst(%arg13 : memref<128x40xf32, #tpu.memory_space<vmem>>)
    %dma_start3A_82 = arith.constant 73 : i32
    %dma_start3A_83 = arith.constant 0 : i32
    %dma_start3A_84 = tpu.memref_slice %arg7[%dma_start3A_82, %dma_start3A_83] : memref<78x128xi32, #tpu.memory_space<vmem>> -> memref<1x128xi32, #tpu.memory_space<vmem>>
    %dma_start3A_85 = tpu.memref_squeeze %dma_start3A_84 : memref<1x128xi32, #tpu.memory_space<vmem>> -> memref<128xi32, #tpu.memory_space<vmem>>
    %dma_start3A_86 = arith.constant 0 : i32
    %dma_start3A_87 = arith.constant 0 : i32
    %dma_start3A_88 = tpu.memref_slice %arg10[%dma_start3A_86, %dma_start3A_87] : memref<10240x40xf32, #tpu.memory_space<vmem_shared>> -> memref<10240x40xf32, #tpu.memory_space<vmem_shared>>
    tpu.enqueue_indirect_dma source(%arg13 : memref<128x40xf32, #tpu.memory_space<vmem>>) target(%dma_start3A_88 : memref<10240x40xf32, #tpu.memory_space<vmem_shared>>) offsets(%dma_start3A_85 : memref<128xi32, #tpu.memory_space<vmem>>) semaphore(%arg29 : memref<!tpu.dma_semaphore, #tpu.memory_space<semaphore_mem>>) {add = true}
    %dma_wait3A_89 = arith.constant 74 : i32
    %dma_wait3A_90 = arith.constant 0 : i32
    %dma_wait3A_91 = tpu.memref_slice %arg6[%dma_wait3A_89, %dma_wait3A_90] : memref<78x128xi32, #tpu.memory_space<vmem>> -> memref<1x128xi32, #tpu.memory_space<vmem>>
    %dma_wait3A_92 = tpu.memref_squeeze %dma_wait3A_91 : memref<1x128xi32, #tpu.memory_space<vmem>> -> memref<128xi32, #tpu.memory_space<vmem>>
    %dma_wait3A_93 = arith.constant 0 : i32
    %dma_wait3A_94 = arith.constant 0 : i32
    %dma_wait3A_95 = tpu.memref_slice %arg11[%dma_wait3A_93, %dma_wait3A_94] : memref<10000x40xf32, #tpu.memory_space<vmem_shared>> -> memref<10000x40xf32, #tpu.memory_space<vmem_shared>>
    tpu.wait_indirect_dma semaphore(%arg22 : memref<!tpu.dma_semaphore, #tpu.memory_space<semaphore_mem>>) src(%dma_wait3A_95 : memref<10000x40xf32, #tpu.memory_space<vmem_shared>>) dst(%arg14 : memref<128x40xf32, #tpu.memory_space<vmem>>)
    %dma_start3A_96 = arith.constant 74 : i32
    %dma_start3A_97 = arith.constant 0 : i32
    %dma_start3A_98 = tpu.memref_slice %arg7[%dma_start3A_96, %dma_start3A_97] : memref<78x128xi32, #tpu.memory_space<vmem>> -> memref<1x128xi32, #tpu.memory_space<vmem>>
    %dma_start3A_99 = tpu.memref_squeeze %dma_start3A_98 : memref<1x128xi32, #tpu.memory_space<vmem>> -> memref<128xi32, #tpu.memory_space<vmem>>
    %dma_start3A_100 = arith.constant 0 : i32
    %dma_start3A_101 = arith.constant 0 : i32
    %dma_start3A_102 = tpu.memref_slice %arg10[%dma_start3A_100, %dma_start3A_101] : memref<10240x40xf32, #tpu.memory_space<vmem_shared>> -> memref<10240x40xf32, #tpu.memory_space<vmem_shared>>
    tpu.enqueue_indirect_dma source(%arg14 : memref<128x40xf32, #tpu.memory_space<vmem>>) target(%dma_start3A_102 : memref<10240x40xf32, #tpu.memory_space<vmem_shared>>) offsets(%dma_start3A_99 : memref<128xi32, #tpu.memory_space<vmem>>) semaphore(%arg30 : memref<!tpu.dma_semaphore, #tpu.memory_space<semaphore_mem>>) {add = true}
    %dma_wait3A_103 = arith.constant 75 : i32
    %dma_wait3A_104 = arith.constant 0 : i32
    %dma_wait3A_105 = tpu.memref_slice %arg6[%dma_wait3A_103, %dma_wait3A_104] : memref<78x128xi32, #tpu.memory_space<vmem>> -> memref<1x128xi32, #tpu.memory_space<vmem>>
    %dma_wait3A_106 = tpu.memref_squeeze %dma_wait3A_105 : memref<1x128xi32, #tpu.memory_space<vmem>> -> memref<128xi32, #tpu.memory_space<vmem>>
    %dma_wait3A_107 = arith.constant 0 : i32
    %dma_wait3A_108 = arith.constant 0 : i32
    %dma_wait3A_109 = tpu.memref_slice %arg11[%dma_wait3A_107, %dma_wait3A_108] : memref<10000x40xf32, #tpu.memory_space<vmem_shared>> -> memref<10000x40xf32, #tpu.memory_space<vmem_shared>>
    tpu.wait_indirect_dma semaphore(%arg23 : memref<!tpu.dma_semaphore, #tpu.memory_space<semaphore_mem>>) src(%dma_wait3A_109 : memref<10000x40xf32, #tpu.memory_space<vmem_shared>>) dst(%arg15 : memref<128x40xf32, #tpu.memory_space<vmem>>)
    %dma_start3A_110 = arith.constant 75 : i32
    %dma_start3A_111 = arith.constant 0 : i32
    %dma_start3A_112 = tpu.memref_slice %arg7[%dma_start3A_110, %dma_start3A_111] : memref<78x128xi32, #tpu.memory_space<vmem>> -> memref<1x128xi32, #tpu.memory_space<vmem>>
    %dma_start3A_113 = tpu.memref_squeeze %dma_start3A_112 : memref<1x128xi32, #tpu.memory_space<vmem>> -> memref<128xi32, #tpu.memory_space<vmem>>
    %dma_start3A_114 = arith.constant 0 : i32
    %dma_start3A_115 = arith.constant 0 : i32
    %dma_start3A_116 = tpu.memref_slice %arg10[%dma_start3A_114, %dma_start3A_115] : memref<10240x40xf32, #tpu.memory_space<vmem_shared>> -> memref<10240x40xf32, #tpu.memory_space<vmem_shared>>
    tpu.enqueue_indirect_dma source(%arg15 : memref<128x40xf32, #tpu.memory_space<vmem>>) target(%dma_start3A_116 : memref<10240x40xf32, #tpu.memory_space<vmem_shared>>) offsets(%dma_start3A_113 : memref<128xi32, #tpu.memory_space<vmem>>) semaphore(%arg31 : memref<!tpu.dma_semaphore, #tpu.memory_space<semaphore_mem>>) {add = true}
    %dma_wait3A_117 = arith.constant 76 : i32
    %dma_wait3A_118 = arith.constant 0 : i32
    %dma_wait3A_119 = tpu.memref_slice %arg6[%dma_wait3A_117, %dma_wait3A_118] : memref<78x128xi32, #tpu.memory_space<vmem>> -> memref<1x128xi32, #tpu.memory_space<vmem>>
    %dma_wait3A_120 = tpu.memref_squeeze %dma_wait3A_119 : memref<1x128xi32, #tpu.memory_space<vmem>> -> memref<128xi32, #tpu.memory_space<vmem>>
    %dma_wait3A_121 = arith.constant 0 : i32
    %dma_wait3A_122 = arith.constant 0 : i32
    %dma_wait3A_123 = tpu.memref_slice %arg11[%dma_wait3A_121, %dma_wait3A_122] : memref<10000x40xf32, #tpu.memory_space<vmem_shared>> -> memref<10000x40xf32, #tpu.memory_space<vmem_shared>>
    tpu.wait_indirect_dma semaphore(%arg24 : memref<!tpu.dma_semaphore, #tpu.memory_space<semaphore_mem>>) src(%dma_wait3A_123 : memref<10000x40xf32, #tpu.memory_space<vmem_shared>>) dst(%arg16 : memref<128x40xf32, #tpu.memory_space<vmem>>)
    %dma_start3A_124 = arith.constant 76 : i32
    %dma_start3A_125 = arith.constant 0 : i32
    %dma_start3A_126 = tpu.memref_slice %arg7[%dma_start3A_124, %dma_start3A_125] : memref<78x128xi32, #tpu.memory_space<vmem>> -> memref<1x128xi32, #tpu.memory_space<vmem>>
    %dma_start3A_127 = tpu.memref_squeeze %dma_start3A_126 : memref<1x128xi32, #tpu.memory_space<vmem>> -> memref<128xi32, #tpu.memory_space<vmem>>
    %dma_start3A_128 = arith.constant 0 : i32
    %dma_start3A_129 = arith.constant 0 : i32
    %dma_start3A_130 = tpu.memref_slice %arg10[%dma_start3A_128, %dma_start3A_129] : memref<10240x40xf32, #tpu.memory_space<vmem_shared>> -> memref<10240x40xf32, #tpu.memory_space<vmem_shared>>
    tpu.enqueue_indirect_dma source(%arg16 : memref<128x40xf32, #tpu.memory_space<vmem>>) target(%dma_start3A_130 : memref<10240x40xf32, #tpu.memory_space<vmem_shared>>) offsets(%dma_start3A_127 : memref<128xi32, #tpu.memory_space<vmem>>) semaphore(%arg32 : memref<!tpu.dma_semaphore, #tpu.memory_space<semaphore_mem>>) {add = true}
    %dma_wait3A_131 = arith.constant 77 : i32
    %dma_wait3A_132 = arith.constant 0 : i32
    %dma_wait3A_133 = tpu.memref_slice %arg6[%dma_wait3A_131, %dma_wait3A_132] : memref<78x128xi32, #tpu.memory_space<vmem>> -> memref<1x128xi32, #tpu.memory_space<vmem>>
    %dma_wait3A_134 = tpu.memref_squeeze %dma_wait3A_133 : memref<1x128xi32, #tpu.memory_space<vmem>> -> memref<128xi32, #tpu.memory_space<vmem>>
    %dma_wait3A_135 = arith.constant 0 : i32
    %dma_wait3A_136 = arith.constant 0 : i32
    %dma_wait3A_137 = tpu.memref_slice %arg11[%dma_wait3A_135, %dma_wait3A_136] : memref<10000x40xf32, #tpu.memory_space<vmem_shared>> -> memref<10000x40xf32, #tpu.memory_space<vmem_shared>>
    tpu.wait_indirect_dma semaphore(%arg25 : memref<!tpu.dma_semaphore, #tpu.memory_space<semaphore_mem>>) src(%dma_wait3A_137 : memref<10000x40xf32, #tpu.memory_space<vmem_shared>>) dst(%arg17 : memref<128x40xf32, #tpu.memory_space<vmem>>)
    %dma_start3A_138 = arith.constant 77 : i32
    %dma_start3A_139 = arith.constant 0 : i32
    %dma_start3A_140 = tpu.memref_slice %arg7[%dma_start3A_138, %dma_start3A_139] : memref<78x128xi32, #tpu.memory_space<vmem>> -> memref<1x128xi32, #tpu.memory_space<vmem>>
    %dma_start3A_141 = tpu.memref_squeeze %dma_start3A_140 : memref<1x128xi32, #tpu.memory_space<vmem>> -> memref<128xi32, #tpu.memory_space<vmem>>
    %dma_start3A_142 = arith.constant 0 : i32
    %dma_start3A_143 = arith.constant 0 : i32
    %dma_start3A_144 = tpu.memref_slice %arg10[%dma_start3A_142, %dma_start3A_143] : memref<10240x40xf32, #tpu.memory_space<vmem_shared>> -> memref<10240x40xf32, #tpu.memory_space<vmem_shared>>
    tpu.enqueue_indirect_dma source(%arg17 : memref<128x40xf32, #tpu.memory_space<vmem>>) target(%dma_start3A_144 : memref<10240x40xf32, #tpu.memory_space<vmem_shared>>) offsets(%dma_start3A_141 : memref<128xi32, #tpu.memory_space<vmem>>) semaphore(%arg33 : memref<!tpu.dma_semaphore, #tpu.memory_space<semaphore_mem>>) {add = true}
    %dma_wait3A_145 = arith.constant 72 : i32
    %dma_wait3A_146 = arith.constant 0 : i32
    %dma_wait3A_147 = tpu.memref_slice %arg7[%dma_wait3A_145, %dma_wait3A_146] : memref<78x128xi32, #tpu.memory_space<vmem>> -> memref<1x128xi32, #tpu.memory_space<vmem>>
    %dma_wait3A_148 = tpu.memref_squeeze %dma_wait3A_147 : memref<1x128xi32, #tpu.memory_space<vmem>> -> memref<128xi32, #tpu.memory_space<vmem>>
    %dma_wait3A_149 = arith.constant 0 : i32
    %dma_wait3A_150 = arith.constant 0 : i32
    %dma_wait3A_151 = tpu.memref_slice %arg10[%dma_wait3A_149, %dma_wait3A_150] : memref<10240x40xf32, #tpu.memory_space<vmem_shared>> -> memref<10240x40xf32, #tpu.memory_space<vmem_shared>>
    tpu.wait_indirect_dma semaphore(%arg28 : memref<!tpu.dma_semaphore, #tpu.memory_space<semaphore_mem>>) src(%arg12 : memref<128x40xf32, #tpu.memory_space<vmem>>) dst(%dma_wait3A_151 : memref<10240x40xf32, #tpu.memory_space<vmem_shared>>)
    %dma_wait3A_152 = arith.constant 73 : i32
    %dma_wait3A_153 = arith.constant 0 : i32
    %dma_wait3A_154 = tpu.memref_slice %arg7[%dma_wait3A_152, %dma_wait3A_153] : memref<78x128xi32, #tpu.memory_space<vmem>> -> memref<1x128xi32, #tpu.memory_space<vmem>>
    %dma_wait3A_155 = tpu.memref_squeeze %dma_wait3A_154 : memref<1x128xi32, #tpu.memory_space<vmem>> -> memref<128xi32, #tpu.memory_space<vmem>>
    %dma_wait3A_156 = arith.constant 0 : i32
    %dma_wait3A_157 = arith.constant 0 : i32
    %dma_wait3A_158 = tpu.memref_slice %arg10[%dma_wait3A_156, %dma_wait3A_157] : memref<10240x40xf32, #tpu.memory_space<vmem_shared>> -> memref<10240x40xf32, #tpu.memory_space<vmem_shared>>
    tpu.wait_indirect_dma semaphore(%arg29 : memref<!tpu.dma_semaphore, #tpu.memory_space<semaphore_mem>>) src(%arg13 : memref<128x40xf32, #tpu.memory_space<vmem>>) dst(%dma_wait3A_158 : memref<10240x40xf32, #tpu.memory_space<vmem_shared>>)
    %dma_wait3A_159 = arith.constant 74 : i32
    %dma_wait3A_160 = arith.constant 0 : i32
    %dma_wait3A_161 = tpu.memref_slice %arg7[%dma_wait3A_159, %dma_wait3A_160] : memref<78x128xi32, #tpu.memory_space<vmem>> -> memref<1x128xi32, #tpu.memory_space<vmem>>
    %dma_wait3A_162 = tpu.memref_squeeze %dma_wait3A_161 : memref<1x128xi32, #tpu.memory_space<vmem>> -> memref<128xi32, #tpu.memory_space<vmem>>
    %dma_wait3A_163 = arith.constant 0 : i32
    %dma_wait3A_164 = arith.constant 0 : i32
    %dma_wait3A_165 = tpu.memref_slice %arg10[%dma_wait3A_163, %dma_wait3A_164] : memref<10240x40xf32, #tpu.memory_space<vmem_shared>> -> memref<10240x40xf32, #tpu.memory_space<vmem_shared>>
    tpu.wait_indirect_dma semaphore(%arg30 : memref<!tpu.dma_semaphore, #tpu.memory_space<semaphore_mem>>) src(%arg14 : memref<128x40xf32, #tpu.memory_space<vmem>>) dst(%dma_wait3A_165 : memref<10240x40xf32, #tpu.memory_space<vmem_shared>>)
    %dma_wait3A_166 = arith.constant 75 : i32
    %dma_wait3A_167 = arith.constant 0 : i32
    %dma_wait3A_168 = tpu.memref_slice %arg7[%dma_wait3A_166, %dma_wait3A_167] : memref<78x128xi32, #tpu.memory_space<vmem>> -> memref<1x128xi32, #tpu.memory_space<vmem>>
    %dma_wait3A_169 = tpu.memref_squeeze %dma_wait3A_168 : memref<1x128xi32, #tpu.memory_space<vmem>> -> memref<128xi32, #tpu.memory_space<vmem>>
    %dma_wait3A_170 = arith.constant 0 : i32
    %dma_wait3A_171 = arith.constant 0 : i32
    %dma_wait3A_172 = tpu.memref_slice %arg10[%dma_wait3A_170, %dma_wait3A_171] : memref<10240x40xf32, #tpu.memory_space<vmem_shared>> -> memref<10240x40xf32, #tpu.memory_space<vmem_shared>>
    tpu.wait_indirect_dma semaphore(%arg31 : memref<!tpu.dma_semaphore, #tpu.memory_space<semaphore_mem>>) src(%arg15 : memref<128x40xf32, #tpu.memory_space<vmem>>) dst(%dma_wait3A_172 : memref<10240x40xf32, #tpu.memory_space<vmem_shared>>)
    %dma_wait3A_173 = arith.constant 76 : i32
    %dma_wait3A_174 = arith.constant 0 : i32
    %dma_wait3A_175 = tpu.memref_slice %arg7[%dma_wait3A_173, %dma_wait3A_174] : memref<78x128xi32, #tpu.memory_space<vmem>> -> memref<1x128xi32, #tpu.memory_space<vmem>>
    %dma_wait3A_176 = tpu.memref_squeeze %dma_wait3A_175 : memref<1x128xi32, #tpu.memory_space<vmem>> -> memref<128xi32, #tpu.memory_space<vmem>>
    %dma_wait3A_177 = arith.constant 0 : i32
    %dma_wait3A_178 = arith.constant 0 : i32
    %dma_wait3A_179 = tpu.memref_slice %arg10[%dma_wait3A_177, %dma_wait3A_178] : memref<10240x40xf32, #tpu.memory_space<vmem_shared>> -> memref<10240x40xf32, #tpu.memory_space<vmem_shared>>
    tpu.wait_indirect_dma semaphore(%arg32 : memref<!tpu.dma_semaphore, #tpu.memory_space<semaphore_mem>>) src(%arg16 : memref<128x40xf32, #tpu.memory_space<vmem>>) dst(%dma_wait3A_179 : memref<10240x40xf32, #tpu.memory_space<vmem_shared>>)
    %dma_wait3A_180 = arith.constant 77 : i32
    %dma_wait3A_181 = arith.constant 0 : i32
    %dma_wait3A_182 = tpu.memref_slice %arg7[%dma_wait3A_180, %dma_wait3A_181] : memref<78x128xi32, #tpu.memory_space<vmem>> -> memref<1x128xi32, #tpu.memory_space<vmem>>
    %dma_wait3A_183 = tpu.memref_squeeze %dma_wait3A_182 : memref<1x128xi32, #tpu.memory_space<vmem>> -> memref<128xi32, #tpu.memory_space<vmem>>
    %dma_wait3A_184 = arith.constant 0 : i32
    %dma_wait3A_185 = arith.constant 0 : i32
    %dma_wait3A_186 = tpu.memref_slice %arg10[%dma_wait3A_184, %dma_wait3A_185] : memref<10240x40xf32, #tpu.memory_space<vmem_shared>> -> memref<10240x40xf32, #tpu.memory_space<vmem_shared>>
    tpu.wait_indirect_dma semaphore(%arg33 : memref<!tpu.dma_semaphore, #tpu.memory_space<semaphore_mem>>) src(%arg17 : memref<128x40xf32, #tpu.memory_space<vmem>>) dst(%dma_wait3A_186 : memref<10240x40xf32, #tpu.memory_space<vmem_shared>>)
    %lt3A_187 = arith.constant 4 : i32
    %lt3A_188 = arith.cmpi slt, %add3A, %lt3A_187 : i32
    %convert_element_type3A_189 = arith.extui %lt3A_188 : i1 to i32
    %cond3A_190 = arith.constant 0 : i32
    %cond3A_191 = arith.cmpi ne, %convert_element_type3A_189, %cond3A_190 : i32
    scf.if %cond3A_191 {
      %dma_start3A_197 = arith.constant 0 : i32
      %dma_start3A_198 = arith.constant 0 : i32
      %dma_start3A_199 = tpu.memref_slice %arg8[%dma_start3A_197, %dma_start3A_198] : memref<1x128xi32, #tpu.memory_space<vmem>> -> memref<1x128xi32, #tpu.memory_space<vmem>>
      %dma_start3A_200 = tpu.memref_squeeze %dma_start3A_199 : memref<1x128xi32, #tpu.memory_space<vmem>> -> memref<128xi32, #tpu.memory_space<vmem>>
      %dma_start3A_201 = arith.constant 0 : i32
      %dma_start3A_202 = arith.constant 0 : i32
      %dma_start3A_203 = tpu.memref_slice %arg11[%dma_start3A_201, %dma_start3A_202] : memref<10000x40xf32, #tpu.memory_space<vmem_shared>> -> memref<10000x40xf32, #tpu.memory_space<vmem_shared>>
      tpu.enqueue_indirect_dma source(%dma_start3A_203 : memref<10000x40xf32, #tpu.memory_space<vmem_shared>>) target(%arg12 : memref<128x40xf32, #tpu.memory_space<vmem>>) offsets(%dma_start3A_200 : memref<128xi32, #tpu.memory_space<vmem>>) semaphore(%arg20 : memref<!tpu.dma_semaphore, #tpu.memory_space<semaphore_mem>>)
      %dma_wait3A_204 = arith.constant 0 : i32
      %dma_wait3A_205 = arith.constant 0 : i32
      %dma_wait3A_206 = tpu.memref_slice %arg8[%dma_wait3A_204, %dma_wait3A_205] : memref<1x128xi32, #tpu.memory_space<vmem>> -> memref<1x128xi32, #tpu.memory_space<vmem>>
      %dma_wait3A_207 = tpu.memref_squeeze %dma_wait3A_206 : memref<1x128xi32, #tpu.memory_space<vmem>> -> memref<128xi32, #tpu.memory_space<vmem>>
      %dma_wait3A_208 = arith.constant 0 : i32
      %dma_wait3A_209 = arith.constant 0 : i32
      %dma_wait3A_210 = tpu.memref_slice %arg11[%dma_wait3A_208, %dma_wait3A_209] : memref<10000x40xf32, #tpu.memory_space<vmem_shared>> -> memref<10000x40xf32, #tpu.memory_space<vmem_shared>>
      tpu.wait_indirect_dma semaphore(%arg20 : memref<!tpu.dma_semaphore, #tpu.memory_space<semaphore_mem>>) src(%dma_wait3A_210 : memref<10000x40xf32, #tpu.memory_space<vmem_shared>>) dst(%arg12 : memref<128x40xf32, #tpu.memory_space<vmem>>)
      %dma_start3A_211 = arith.constant 0 : i32
      %dma_start3A_212 = arith.constant 0 : i32
      %dma_start3A_213 = tpu.memref_slice %arg9[%dma_start3A_211, %dma_start3A_212] : memref<1x128xi32, #tpu.memory_space<vmem>> -> memref<1x128xi32, #tpu.memory_space<vmem>>
      %dma_start3A_214 = tpu.memref_squeeze %dma_start3A_213 : memref<1x128xi32, #tpu.memory_space<vmem>> -> memref<128xi32, #tpu.memory_space<vmem>>
      %dma_start3A_215 = arith.constant 0 : i32
      %dma_start3A_216 = arith.constant 0 : i32
      %dma_start3A_217 = tpu.memref_slice %arg10[%dma_start3A_215, %dma_start3A_216] : memref<10240x40xf32, #tpu.memory_space<vmem_shared>> -> memref<10240x40xf32, #tpu.memory_space<vmem_shared>>
      tpu.enqueue_indirect_dma source(%arg12 : memref<128x40xf32, #tpu.memory_space<vmem>>) target(%dma_start3A_217 : memref<10240x40xf32, #tpu.memory_space<vmem_shared>>) offsets(%dma_start3A_214 : memref<128xi32, #tpu.memory_space<vmem>>) semaphore(%arg28 : memref<!tpu.dma_semaphore, #tpu.memory_space<semaphore_mem>>) {add = true}
      %dma_wait3A_218 = arith.constant 0 : i32
      %dma_wait3A_219 = arith.constant 0 : i32
      %dma_wait3A_220 = tpu.memref_slice %arg9[%dma_wait3A_218, %dma_wait3A_219] : memref<1x128xi32, #tpu.memory_space<vmem>> -> memref<1x128xi32, #tpu.memory_space<vmem>>
      %dma_wait3A_221 = tpu.memref_squeeze %dma_wait3A_220 : memref<1x128xi32, #tpu.memory_space<vmem>> -> memref<128xi32, #tpu.memory_space<vmem>>
      %dma_wait3A_222 = arith.constant 0 : i32
      %dma_wait3A_223 = arith.constant 0 : i32
      %dma_wait3A_224 = tpu.memref_slice %arg10[%dma_wait3A_222, %dma_wait3A_223] : memref<10240x40xf32, #tpu.memory_space<vmem_shared>> -> memref<10240x40xf32, #tpu.memory_space<vmem_shared>>
      tpu.wait_indirect_dma semaphore(%arg28 : memref<!tpu.dma_semaphore, #tpu.memory_space<semaphore_mem>>) src(%arg12 : memref<128x40xf32, #tpu.memory_space<vmem>>) dst(%dma_wait3A_224 : memref<10240x40xf32, #tpu.memory_space<vmem_shared>>)
    } else {
    }
    %barrier3A_192 = arith.constant 0 : index
    tpu.barrier barrier_id(%barrier3A_192)
    %mul3A_193 = arith.constant 640 : i32
    %mul3A_194 = arith.muli %arg1, %mul3A_193 : i32
    %mul3A_195 = arith.constant 640 : i32
    %mul3A_196 = arith.muli %arg1, %mul3A_195 : i32
    "tpu.region"() ({
      %run_scoped3A_197 = tpu.sem_alloc : memref<!tpu.dma_semaphore, #tpu.memory_space<semaphore_mem>>
      %dma_start3A_198 = arith.constant 0 : i32
      %dma_start3A_199 = tpu.memref_slice %arg5[%arg0, %mul3A_196, %dma_start3A_198] : memref<2x10240x40xf32, #tpu.memory_space<hbm>> -> memref<1x640x40xf32, #tpu.memory_space<hbm>>
      %dma_start3A_200 = tpu.memref_squeeze %dma_start3A_199 : memref<1x640x40xf32, #tpu.memory_space<hbm>> -> memref<640x40xf32, #tpu.memory_space<hbm>>
      %dma_start3A_201 = arith.constant 0 : i32
      %dma_start3A_202 = tpu.memref_slice %arg10[%mul3A_194, %dma_start3A_201] : memref<10240x40xf32, #tpu.memory_space<vmem_shared>> -> memref<640x40xf32, #tpu.memory_space<vmem_shared>>
      tpu.enqueue_dma source(%dma_start3A_202 : memref<640x40xf32, #tpu.memory_space<vmem_shared>>) target(%dma_start3A_200 : memref<640x40xf32, #tpu.memory_space<hbm>>) target_semaphore(%run_scoped3A_197 : memref<!tpu.dma_semaphore, #tpu.memory_space<semaphore_mem>>)
      %dma_wait3A_203 = arith.constant 0 : i32
      %dma_wait3A_204 = tpu.memref_slice %arg5[%arg0, %mul3A_196, %dma_wait3A_203] : memref<2x10240x40xf32, #tpu.memory_space<hbm>> -> memref<1x640x40xf32, #tpu.memory_space<hbm>>
      %dma_wait3A_205 = tpu.memref_squeeze %dma_wait3A_204 : memref<1x640x40xf32, #tpu.memory_space<hbm>> -> memref<640x40xf32, #tpu.memory_space<hbm>>
      %dma_wait3A_206 = arith.constant 0 : i32
      %dma_wait3A_207 = tpu.memref_slice %arg10[%mul3A_194, %dma_wait3A_206] : memref<10240x40xf32, #tpu.memory_space<vmem_shared>> -> memref<640x40xf32, #tpu.memory_space<vmem_shared>>
      tpu.wait_dma2 semaphore(%run_scoped3A_197 : memref<!tpu.dma_semaphore, #tpu.memory_space<semaphore_mem>>) src(%dma_wait3A_207 : memref<640x40xf32, #tpu.memory_space<vmem_shared>>) dst(%dma_wait3A_205 : memref<640x40xf32, #tpu.memory_space<hbm>>)
      tpu.yield
    }) : () -> ()
    return
  }
}

module attributes {stable_mosaic.version = 14 : i64} {
  func.func @_inv_hs1_body(%arg0: i32, %arg1: memref<2x2000x1xf32, #tpu.memory_space<vmem>>, %arg2: memref<2000x128xf32, #tpu.memory_space<vmem>>, %arg3: memref<128x16xf32, #tpu.memory_space<vmem>>, %arg4: memref<2000x1xf32, #tpu.memory_space<vmem>>, %arg5: memref<2000x16xf32, #tpu.memory_space<vmem>>) attributes {dimension_semantics = [#tpu.dimension_semantics<arbitrary>], iteration_bounds = array<i64: 5>, scalar_prefetch = 0 : i64, scratch_operands = 0 : i64, tpu.core_type = #tpu.core_type<tc>, window_params = [{transform_indices = @transform_0, window_bounds = array<i64: 2, 2000, 1>}, {transform_indices = @transform_1, window_bounds = array<i64: 2000, 128>}, {pipeline_mode = #tpu.pipeline_mode<synchronous>, transform_indices = @transform_2, window_bounds = array<i64: 128, 16>}, {transform_indices = @transform_3, window_bounds = array<i64: 2000, 1>}, {transform_indices = @transform_4, window_bounds = array<i64: 2000, 16>}]} {
    %get3A = arith.constant 0 : index
    %get3A_0 = arith.constant 0 : index
    %get3A_1 = arith.constant 0 : index
    %get3A_2 = vector.load %arg1[%get3A, %get3A_0, %get3A_1] : memref<2x2000x1xf32, #tpu.memory_space<vmem>>, vector<1x2000x1xf32>
    %get3A_3 = vector.shape_cast %get3A_2 : vector<1x2000x1xf32> to vector<2000x1xf32>
    %get3A_4 = arith.constant 1 : index
    %get3A_5 = arith.constant 0 : index
    %get3A_6 = arith.constant 0 : index
    %get3A_7 = vector.load %arg1[%get3A_4, %get3A_5, %get3A_6] : memref<2x2000x1xf32, #tpu.memory_space<vmem>>, vector<1x2000x1xf32>
    %get3A_8 = vector.shape_cast %get3A_7 : vector<1x2000x1xf32> to vector<2000x1xf32>
    %add3A = arith.addf %get3A_3, %get3A_8 : vector<2000x1xf32>
    %add3A_9 = arith.constant 1.000000e+00 : f32
    %add3A_10 = vector.broadcast %add3A_9 : f32 to vector<2000x1xf32>
    %add3A_11 = arith.addf %add3A, %add3A_10 : vector<2000x1xf32>
    %max3A = arith.constant 1.000000e+00 : f32
    %max3A_12 = vector.broadcast %max3A : f32 to vector<2000x1xf32>
    %max3A_13 = arith.maximumf %add3A_11, %max3A_12 : vector<2000x1xf32>
    %rsqrt3A = math.rsqrt %max3A_13 : vector<2000x1xf32>
    %swap3A = arith.constant 0 : index
    %swap3A_14 = arith.constant 0 : index
    %swap3A_15 = vector.load %arg4[%swap3A, %swap3A_14] : memref<2000x1xf32, #tpu.memory_space<vmem>>, vector<2000x1xf32>
    tpu.vector_store %arg4[%swap3A, %swap3A_14], %rsqrt3A {strides = array<i32>} : memref<2000x1xf32, #tpu.memory_space<vmem>>, vector<2000x1xf32>,
    %get3A_16 = arith.constant 0 : index
    %get3A_17 = arith.constant 0 : index
    %get3A_18 = vector.load %arg2[%get3A_16, %get3A_17] : memref<2000x128xf32, #tpu.memory_space<vmem>>, vector<2000x128xf32>
    %get3A_19 = arith.constant 0 : index
    %get3A_20 = arith.constant 0 : index
    %get3A_21 = vector.load %arg3[%get3A_19, %get3A_20] : memref<128x16xf32, #tpu.memory_space<vmem>>, vector<128x16xf32>
    %dot_general3A = arith.constant dense<0.000000e+00> : vector<2000x16xf32>
    %dot_general3A_22 = tpu.matmul %get3A_18, %get3A_21, %dot_general3A {dimension_numbers = #tpu.dot_dimension_numbers<[1], [0], [0], [1], [0, 0, 1, 1], [], []>, transpose_lhs_hint = false} : vector<2000x128xf32>, vector<128x16xf32>, vector<2000x16xf32> -> vector<2000x16xf32>
    %mul3A = vector.broadcast %rsqrt3A : vector<2000x1xf32> to vector<2000x16xf32>
    %mul3A_23 = arith.mulf %dot_general3A_22, %mul3A : vector<2000x16xf32>
    %swap3A_24 = arith.constant 0 : index
    %swap3A_25 = arith.constant 0 : index
    %swap3A_26 = vector.load %arg5[%swap3A_24, %swap3A_25] : memref<2000x16xf32, #tpu.memory_space<vmem>>, vector<2000x16xf32>
    tpu.vector_store %arg5[%swap3A_24, %swap3A_25], %mul3A_23 {strides = array<i32>} : memref<2000x16xf32, #tpu.memory_space<vmem>>, vector<2000x16xf32>,
    return
  }
  func.func @transform_0(%arg0: i32) -> (i32, i32, i32) {
    %c0_i32 = arith.constant 0 : i32
    %c0_i32_0 = arith.constant 0 : i32
    %c0_i32_1 = arith.constant 0 : i32
    return %c0_i32, %arg0, %c0_i32_0 : i32, i32, i32
  }
  func.func @transform_1(%arg0: i32) -> (i32, i32) {
    %c0_i32 = arith.constant 0 : i32
    %c0_i32_0 = arith.constant 0 : i32
    return %arg0, %c0_i32 : i32, i32
  }
  func.func @transform_2(%arg0: i32) -> (i32, i32) {
    %c0_i32 = arith.constant 0 : i32
    %c0_i32_0 = arith.constant 0 : i32
    %c0_i32_1 = arith.constant 0 : i32
    return %c0_i32, %c0_i32_0 : i32, i32
  }
  func.func @transform_3(%arg0: i32) -> (i32, i32) {
    %c0_i32 = arith.constant 0 : i32
    %c0_i32_0 = arith.constant 0 : i32
    return %arg0, %c0_i32 : i32, i32
  }
  func.func @transform_4(%arg0: i32) -> (i32, i32) {
    %c0_i32 = arith.constant 0 : i32
    %c0_i32_0 = arith.constant 0 : i32
    return %arg0, %c0_i32 : i32, i32
  }
}

module attributes {stable_mosaic.version = 14 : i64} {
  func.func @_layer1_hs2_body(%arg0: i32, %arg1: memref<2x2000x16xf32, #tpu.memory_space<vmem>>, %arg2: memref<2000x16xf32, #tpu.memory_space<vmem>>, %arg3: memref<2000x1xf32, #tpu.memory_space<vmem>>, %arg4: memref<1x16xf32, #tpu.memory_space<vmem>>, %arg5: memref<16x40xf32, #tpu.memory_space<vmem>>, %arg6: memref<2000x40xf32, #tpu.memory_space<vmem>>) attributes {dimension_semantics = [#tpu.dimension_semantics<arbitrary>], iteration_bounds = array<i64: 5>, scalar_prefetch = 0 : i64, scratch_operands = 0 : i64, tpu.core_type = #tpu.core_type<tc>, window_params = [{transform_indices = @transform_0, window_bounds = array<i64: 2, 2000, 16>}, {transform_indices = @transform_1, window_bounds = array<i64: 2000, 16>}, {transform_indices = @transform_2, window_bounds = array<i64: 2000, 1>}, {pipeline_mode = #tpu.pipeline_mode<synchronous>, transform_indices = @transform_3, window_bounds = array<i64: 1, 16>}, {pipeline_mode = #tpu.pipeline_mode<synchronous>, transform_indices = @transform_4, window_bounds = array<i64: 16, 40>}, {transform_indices = @transform_5, window_bounds = array<i64: 2000, 40>}]} {
    %get3A = arith.constant 0 : index
    %get3A_0 = arith.constant 0 : index
    %get3A_1 = arith.constant 0 : index
    %get3A_2 = vector.load %arg1[%get3A, %get3A_0, %get3A_1] : memref<2x2000x16xf32, #tpu.memory_space<vmem>>, vector<1x2000x16xf32>
    %get3A_3 = vector.shape_cast %get3A_2 : vector<1x2000x16xf32> to vector<2000x16xf32>
    %get3A_4 = arith.constant 1 : index
    %get3A_5 = arith.constant 0 : index
    %get3A_6 = arith.constant 0 : index
    %get3A_7 = vector.load %arg1[%get3A_4, %get3A_5, %get3A_6] : memref<2x2000x16xf32, #tpu.memory_space<vmem>>, vector<1x2000x16xf32>
    %get3A_8 = vector.shape_cast %get3A_7 : vector<1x2000x16xf32> to vector<2000x16xf32>
    %add3A = arith.addf %get3A_3, %get3A_8 : vector<2000x16xf32>
    %get3A_9 = arith.constant 0 : index
    %get3A_10 = arith.constant 0 : index
    %get3A_11 = vector.load %arg2[%get3A_9, %get3A_10] : memref<2000x16xf32, #tpu.memory_space<vmem>>, vector<2000x16xf32>
    %add3A_12 = arith.addf %add3A, %get3A_11 : vector<2000x16xf32>
    %get3A_13 = arith.constant 0 : index
    %get3A_14 = arith.constant 0 : index
    %get3A_15 = vector.load %arg3[%get3A_13, %get3A_14] : memref<2000x1xf32, #tpu.memory_space<vmem>>, vector<2000x1xf32>
    %mul3A = vector.broadcast %get3A_15 : vector<2000x1xf32> to vector<2000x16xf32>
    %mul3A_16 = arith.mulf %add3A_12, %mul3A : vector<2000x16xf32>
    %get3A_17 = arith.constant 0 : index
    %get3A_18 = arith.constant 0 : index
    %get3A_19 = vector.load %arg4[%get3A_17, %get3A_18] : memref<1x16xf32, #tpu.memory_space<vmem>>, vector<1x16xf32>
    %add3A_20 = vector.broadcast %get3A_19 : vector<1x16xf32> to vector<2000x16xf32>
    %add3A_21 = arith.addf %mul3A_16, %add3A_20 : vector<2000x16xf32>
    %max3A = arith.constant 0.000000e+00 : f32
    %max3A_22 = vector.broadcast %max3A : f32 to vector<2000x16xf32>
    %max3A_23 = arith.maximumf %add3A_21, %max3A_22 : vector<2000x16xf32>
    %get3A_24 = arith.constant 0 : index
    %get3A_25 = arith.constant 0 : index
    %get3A_26 = vector.load %arg5[%get3A_24, %get3A_25] : memref<16x40xf32, #tpu.memory_space<vmem>>, vector<16x40xf32>
    %dot_general3A = arith.constant dense<0.000000e+00> : vector<2000x40xf32>
    %dot_general3A_27 = tpu.matmul %max3A_23, %get3A_26, %dot_general3A {dimension_numbers = #tpu.dot_dimension_numbers<[1], [0], [0], [1], [0, 0, 1, 1], [], []>, transpose_lhs_hint = false} : vector<2000x16xf32>, vector<16x40xf32>, vector<2000x40xf32> -> vector<2000x40xf32>
    %get3A_28 = arith.constant 0 : index
    %get3A_29 = arith.constant 0 : index
    %get3A_30 = vector.load %arg3[%get3A_28, %get3A_29] : memref<2000x1xf32, #tpu.memory_space<vmem>>, vector<2000x1xf32>
    %mul3A_31 = vector.broadcast %get3A_30 : vector<2000x1xf32> to vector<2000x40xf32>
    %mul3A_32 = arith.mulf %dot_general3A_27, %mul3A_31 : vector<2000x40xf32>
    %swap3A = arith.constant 0 : index
    %swap3A_33 = arith.constant 0 : index
    %swap3A_34 = vector.load %arg6[%swap3A, %swap3A_33] : memref<2000x40xf32, #tpu.memory_space<vmem>>, vector<2000x40xf32>
    tpu.vector_store %arg6[%swap3A, %swap3A_33], %mul3A_32 {strides = array<i32>} : memref<2000x40xf32, #tpu.memory_space<vmem>>, vector<2000x40xf32>,
    return
  }
  func.func @transform_0(%arg0: i32) -> (i32, i32, i32) {
    %c0_i32 = arith.constant 0 : i32
    %c0_i32_0 = arith.constant 0 : i32
    %c0_i32_1 = arith.constant 0 : i32
    return %c0_i32, %arg0, %c0_i32_0 : i32, i32, i32
  }
  func.func @transform_1(%arg0: i32) -> (i32, i32) {
    %c0_i32 = arith.constant 0 : i32
    %c0_i32_0 = arith.constant 0 : i32
    return %arg0, %c0_i32 : i32, i32
  }
  func.func @transform_2(%arg0: i32) -> (i32, i32) {
    %c0_i32 = arith.constant 0 : i32
    %c0_i32_0 = arith.constant 0 : i32
    return %arg0, %c0_i32 : i32, i32
  }
  func.func @transform_3(%arg0: i32) -> (i32, i32) {
    %c0_i32 = arith.constant 0 : i32
    %c0_i32_0 = arith.constant 0 : i32
    %c0_i32_1 = arith.constant 0 : i32
    return %c0_i32, %c0_i32_0 : i32, i32
  }
  func.func @transform_4(%arg0: i32) -> (i32, i32) {
    %c0_i32 = arith.constant 0 : i32
    %c0_i32_0 = arith.constant 0 : i32
    %c0_i32_1 = arith.constant 0 : i32
    return %c0_i32, %c0_i32_0 : i32, i32
  }
  func.func @transform_5(%arg0: i32) -> (i32, i32) {
    %c0_i32 = arith.constant 0 : i32
    %c0_i32_0 = arith.constant 0 : i32
    return %arg0, %c0_i32 : i32, i32
  }
}

module attributes {stable_mosaic.version = 14 : i64} {
  func.func @_layer2_out_body(%arg0: i32, %arg1: memref<2x2000x40xf32, #tpu.memory_space<vmem>>, %arg2: memref<2000x40xf32, #tpu.memory_space<vmem>>, %arg3: memref<2000x1xf32, #tpu.memory_space<vmem>>, %arg4: memref<1x40xf32, #tpu.memory_space<vmem>>, %arg5: memref<2000x40xf32, #tpu.memory_space<vmem>>) attributes {dimension_semantics = [#tpu.dimension_semantics<arbitrary>], iteration_bounds = array<i64: 5>, scalar_prefetch = 0 : i64, scratch_operands = 0 : i64, tpu.core_type = #tpu.core_type<tc>, window_params = [{transform_indices = @transform_0, window_bounds = array<i64: 2, 2000, 40>}, {transform_indices = @transform_1, window_bounds = array<i64: 2000, 40>}, {transform_indices = @transform_2, window_bounds = array<i64: 2000, 1>}, {pipeline_mode = #tpu.pipeline_mode<synchronous>, transform_indices = @transform_3, window_bounds = array<i64: 1, 40>}, {transform_indices = @transform_4, window_bounds = array<i64: 2000, 40>}]} {
    %get3A = arith.constant 0 : index
    %get3A_0 = arith.constant 0 : index
    %get3A_1 = arith.constant 0 : index
    %get3A_2 = vector.load %arg1[%get3A, %get3A_0, %get3A_1] : memref<2x2000x40xf32, #tpu.memory_space<vmem>>, vector<1x2000x40xf32>
    %get3A_3 = vector.shape_cast %get3A_2 : vector<1x2000x40xf32> to vector<2000x40xf32>
    %get3A_4 = arith.constant 1 : index
    %get3A_5 = arith.constant 0 : index
    %get3A_6 = arith.constant 0 : index
    %get3A_7 = vector.load %arg1[%get3A_4, %get3A_5, %get3A_6] : memref<2x2000x40xf32, #tpu.memory_space<vmem>>, vector<1x2000x40xf32>
    %get3A_8 = vector.shape_cast %get3A_7 : vector<1x2000x40xf32> to vector<2000x40xf32>
    %add3A = arith.addf %get3A_3, %get3A_8 : vector<2000x40xf32>
    %get3A_9 = arith.constant 0 : index
    %get3A_10 = arith.constant 0 : index
    %get3A_11 = vector.load %arg2[%get3A_9, %get3A_10] : memref<2000x40xf32, #tpu.memory_space<vmem>>, vector<2000x40xf32>
    %add3A_12 = arith.addf %add3A, %get3A_11 : vector<2000x40xf32>
    %get3A_13 = arith.constant 0 : index
    %get3A_14 = arith.constant 0 : index
    %get3A_15 = vector.load %arg3[%get3A_13, %get3A_14] : memref<2000x1xf32, #tpu.memory_space<vmem>>, vector<2000x1xf32>
    %mul3A = vector.broadcast %get3A_15 : vector<2000x1xf32> to vector<2000x40xf32>
    %mul3A_16 = arith.mulf %add3A_12, %mul3A : vector<2000x40xf32>
    %get3A_17 = arith.constant 0 : index
    %get3A_18 = arith.constant 0 : index
    %get3A_19 = vector.load %arg4[%get3A_17, %get3A_18] : memref<1x40xf32, #tpu.memory_space<vmem>>, vector<1x40xf32>
    %add3A_20 = vector.broadcast %get3A_19 : vector<1x40xf32> to vector<2000x40xf32>
    %add3A_21 = arith.addf %mul3A_16, %add3A_20 : vector<2000x40xf32>
    %swap3A = arith.constant 0 : index
    %swap3A_22 = arith.constant 0 : index
    %swap3A_23 = vector.load %arg5[%swap3A, %swap3A_22] : memref<2000x40xf32, #tpu.memory_space<vmem>>, vector<2000x40xf32>
    tpu.vector_store %arg5[%swap3A, %swap3A_22], %add3A_21 {strides = array<i32>} : memref<2000x40xf32, #tpu.memory_space<vmem>>, vector<2000x40xf32>,
    return
  }
  func.func @transform_0(%arg0: i32) -> (i32, i32, i32) {
    %c0_i32 = arith.constant 0 : i32
    %c0_i32_0 = arith.constant 0 : i32
    %c0_i32_1 = arith.constant 0 : i32
    return %c0_i32, %arg0, %c0_i32_0 : i32, i32, i32
  }
  func.func @transform_1(%arg0: i32) -> (i32, i32) {
    %c0_i32 = arith.constant 0 : i32
    %c0_i32_0 = arith.constant 0 : i32
    return %arg0, %c0_i32 : i32, i32
  }
  func.func @transform_2(%arg0: i32) -> (i32, i32) {
    %c0_i32 = arith.constant 0 : i32
    %c0_i32_0 = arith.constant 0 : i32
    return %arg0, %c0_i32 : i32, i32
  }
  func.func @transform_3(%arg0: i32) -> (i32, i32) {
    %c0_i32 = arith.constant 0 : i32
    %c0_i32_0 = arith.constant 0 : i32
    %c0_i32_1 = arith.constant 0 : i32
    return %c0_i32, %c0_i32_0 : i32, i32
  }
  func.func @transform_4(%arg0: i32) -> (i32, i32) {
    %c0_i32 = arith.constant 0 : i32
    %c0_i32_0 = arith.constant 0 : i32
    return %arg0, %c0_i32 : i32, i32
  }
}

</mosaic_0001>

<sc_bundles>
// kernel: kernel.11.cloned.1.call-start
scs
__scs_entry_jumppad:
0x0: {  	(pc) =	sbr.rel $0x88, $3  }
0x1: {  	(tag) =	ssettag $0x0;
	lr =	simm.s32 $0x1  }
0x2: {  	[smem:$0x3F9B] =	sst lr;
	_ =	strace $0xD0000000  }
0x3: {  	_ = 	snop  }
0x4: {  	_ = 	snop  }
0x5: {  	_ = 	snop  }
0x6: {  	_ = 	snop  }
0x7: {  	_ = 	snop  }
__scs_overlays_trampoline_lowered:
0x8: {  	[smem:$0x3FAA] =	sst s0  }
0x9: {  	[smem:$0x3FAB] =	sst s1  }
0xa: {  	[smem:$0x3FAC] =	sst s2  }
0xb: {  	[smem:$0x3FAD] =	sst s3  }
0xc: {  	[smem:$0x3FAE] =	sst s4  }
0xd: {  	[smem:$0x3FAF] =	sst s5  }
0xe: {  	[smem:$0x3FB0] =	sst s6  }
0xf: {  	[smem:$0x3FB1] =	sst s7  }
0x10: {  	[smem:$0x3FB2] =	sst s8  }
0x11: {  	[smem:$0x3FB3] =	sst s9;
	s0 =	simm.s32 @!p0 $0x0  }
0x12: {  	s1 =	sld [smem:$0x3F99];
	s0 =	simm.s32 @p0 $0x1  }
0x13: {  	[smem:$0x3FB4] =	sst s0;
	s0 =	simm.s32 @!p1 $0x0  }
0x14: {  	s2 =	sld [smem:$0x3F98];
	s0 =	simm.s32 @p1 $0x1  }
0x15: {  	[smem:$0x3FB5] =	sst s0;
	s0 =	simm.s32 @!p2 $0x0  }
0x16: {  	s3 =	sld [smem:$0x3FDB];
	s0 =	simm.s32 @p2 $0x1  }
0x17: {  	s4 =	simm.s32 $0x1BF5;
	[smem:$0x3FB7] =	sst s0  }
0x18: {  	s0 =	sld [smem:$0x3F9A];
	_ =	swait.ge [sflag:s4], $0x0  }
0x19: {  	s7 =	sld [smem:$0x3F9B]  }
0x1a: {  	s8 =	sadd.s32 $0xFFFFE003, lr  }
0x1b: {  	s9 =	sadd.s32 $0xFFFFFEF7, lr;
	s5 =	simm.s32 $0xFFFFFFFF;
	p2 =	slt.u32 s8, $0xFFFFF086  }
0x1c: {  	p1 =	slt.u32 s9, $0xF7A;
	s5 =	simm.s32 @!p2 $0x0  }
0x1d: {  	s5 =	simm.s32 @p1 $0x1;
	p0 =	seq.s32 s7, s2  }
0x1e: {  	s7 =	smul.u32 @!p0 $0xF7A, s2;
	p2 =	seq.s32 @!p0 s5, $0x0  }
0x1f: {  	s9 =	smul.u32 $0xF7A, s1;
	s8 =	simm.s32 @!p0 $0x1BF5;
	p2 =	por !p2, p0  }
0x20: {  	[sflag:s8] =	ssyncset.s32 @!p0 $0xFFFFF086;
	s6 =	sadd.s32 @!p0 s3, s7;
	s7 =	simm.s32 @!p0 $0x108  }
0x21: {  	s3 =	sadd.s32 s3, s9;
	s6 =	sadd.s32 @!p0 $0x88, s6;
	s7 =	simm.s32 @p2 $0x1082  }
0x22: {  	[simem:s7], [sflag:s8] =	dma.local @!p0 [hbm:s6], $0xF7A  }
0x23: {  	s9 =	sor.u32 $0xD0000000, s2;
	s6 =	simm.s32 $0x108;
	_ =	swait.ge @!p0 [sflag:s8], $0x0  }
0x24: {  	s3 =	sadd.s32 $0x88, s3;
	s6 =	simm.s32 @!p1 $0x1082;
	[sflag:s4] =	ssyncset.s32 $0xFFFFF086  }
0x25: {  	[simem:s6], [sflag:s4] =	dma.local [hbm:s3], $0xF7A  }
0x26: {  	[smem:$0x3F9B] =	sst s1;
	(tag) =	ssettag s2;
	_ =	strace s9  }
0x27: {  	s1 =	sld [smem:$0x3FAB]  }
0x28: {  	s2 =	sld [smem:$0x3FAC]  }
0x29: {  	s4 =	sld [smem:$0x3FAE]  }
0x2a: {  	p0 =	seq.s32 s5, $0x0;
	s5 =	sld [smem:$0x3FAF]  }
0x2b: {  	s6 =	sld [smem:$0x3FB0]  }
0x2c: {  	s7 =	sld [smem:$0x3FB1]  }
0x2d: {  	s3 =	simm.s32 $0x108;
	s8 =	sld [smem:$0x3FB2]  }
0x2e: {  	s3 =	simm.s32 @!p0 $0x1082;
	s9 =	sld [smem:$0x3FB3]  }
0x2f: {  	lr =	sadd.s32 s0, s3;
	s0 =	sld [smem:$0x3FAA]  }
0x30: {  	s3 =	sld [smem:$0x3FAD]  }
0x31: {  	[smem:$0x3FB6] =	sst s10  }
0x32: {  	s10 =	sld [smem:$0x3FB4];
	_ =	sdelay $0x3  }
0x33: {  	p0 =	seq.s32 s10, $0x1;
	s10 =	sld [smem:$0x3FB6];
	_ =	sdelay $0x3  }
0x34: {  	[smem:$0x3FB6] =	sst s10  }
0x35: {  	s10 =	sld [smem:$0x3FB5];
	_ =	sdelay $0x3  }
0x36: {  	p1 =	seq.s32 s10, $0x1;
	s10 =	sld [smem:$0x3FB6];
	_ =	sdelay $0x3  }
0x37: {  	[smem:$0x3FB6] =	sst s10  }
0x38: {  	s10 =	sld [smem:$0x3FB7]  }
0x39: {  	_ = 	snop;
	(pc) =	sbr.ind lr, $3  }
0x3a: {  	_ = 	snop  }
0x3b: {  	_ = 	snop  }
0x3c: {  	p2 =	seq.s32 s10, $0x1;
	s10 =	sld [smem:$0x3FB6]  }
0x3d: {  	_ =	shalt  }
0x3e: {  	_ =	shalt  }
0x3f: {  	_ =	shalt  }
0x40: {  	_ =	shalt  }
0x41: {  	_ =	shalt  }
0x42: {  	_ =	shalt  }
0x43: {  	_ =	shalt  }
0x44: {  	_ =	shalt  }
0x45: {  	_ =	shalt  }
0x46: {  	_ =	shalt  }
0x47: {  	_ =	shalt  }
0x48: {  	_ =	shalt  }
0x49: {  	_ =	shalt  }
0x4a: {  	_ =	shalt  }
0x4b: {  	_ =	shalt  }
0x4c: {  	_ =	shalt  }
0x4d: {  	_ =	shalt  }
0x4e: {  	_ =	shalt  }
0x4f: {  	_ =	shalt  }
0x50: {  	_ =	shalt  }
0x51: {  	_ =	shalt  }
0x52: {  	_ =	shalt  }
0x53: {  	_ =	shalt  }
0x54: {  	_ =	shalt  }
0x55: {  	_ =	shalt  }
0x56: {  	_ =	shalt  }
0x57: {  	_ =	shalt  }
0x58: {  	_ =	shalt  }
0x59: {  	_ =	shalt  }
0x5a: {  	_ =	shalt  }
0x5b: {  	_ =	shalt  }
0x5c: {  	_ =	shalt  }
0x5d: {  	_ =	shalt  }
0x5e: {  	_ =	shalt  }
0x5f: {  	_ =	shalt  }
0x60: {  	_ =	shalt  }
0x61: {  	_ =	shalt  }
0x62: {  	_ =	shalt  }
0x63: {  	_ =	shalt  }
0x64: {  	_ =	shalt  }
0x65: {  	_ =	shalt  }
0x66: {  	_ =	shalt  }
0x67: {  	_ =	shalt  }
0x68: {  	_ =	shalt  }
0x69: {  	_ =	shalt  }
0x6a: {  	_ =	shalt  }
0x6b: {  	_ =	shalt  }
0x6c: {  	_ =	shalt  }
0x6d: {  	_ =	shalt  }
0x6e: {  	_ =	shalt  }
0x6f: {  	_ =	shalt  }
0x70: {  	_ =	shalt  }
0x71: {  	_ =	shalt  }
0x72: {  	_ =	shalt  }
0x73: {  	_ =	shalt  }
0x74: {  	_ =	shalt  }
0x75: {  	_ =	shalt  }
0x76: {  	_ =	shalt  }
0x77: {  	_ =	shalt  }
0x78: {  	_ =	shalt  }
0x79: {  	_ =	shalt  }
0x7a: {  	_ =	shalt  }
0x7b: {  	_ =	shalt  }
0x7c: {  	_ =	shalt  }
0x7d: {  	_ =	shalt  }
0x7e: {  	_ =	shalt  }
0x7f: {  	_ =	shalt  }
0x80: {  	_ =	shalt  }
0x81: {  	_ =	shalt  }
0x82: {  	_ =	shalt  }
0x83: {  	_ =	shalt  }
0x84: {  	_ =	shalt  }
0x85: {  	_ =	shalt  }
0x86: {  	_ =	shalt  }
0x87: {  	_ =	shalt  }
.Lfunc_end0:
.L_simem_size_0:
called_computation.1_lowered:
.L_overlay_start_0:
0x88: {  	s2 =	sld [smem:$0x3FD9]  }
0x89: {  	s3 =	sld [smem:$0x3FFE];
	_ =	sdelay $0x1  }
0x8a: {  	s1 =	srdreg.scid  }
0x8b: {  	s0 =	sand.u32 $0x1, s1  }
0x8c: {  	s17 =	sshll.u32 s0, $0xA;
	s2 =	sadd.s32 s3, s2  }
0x8d: {  	s2 =	sadd.s32 s2, s17  }
0x8e: {  	[smem:$0x3FC2] =	sst s2  }
0x8f: {  	_ = 	snop  }
0x90: {  	s2 =	sld [smem:$0x3FD0];
	(tm) =	ssettm $0x1  }
0x91: {  	s18 =	sld [smem:$0x3FFB];
	_ =	sdelay $0x3  }
0x92: {  	_ =	strace s18  }
0x93: {  	s3 =	sld [smem:$0x3FFC];
	_ =	sdelay $0x3  }
0x94: {  	_ =	strace s3  }
0x95: {  	s3 =	sld [smem:$0x3FFD];
	_ =	sdelay $0x3  }
0x96: {  	_ =	strace s3  }
0x97: {  	_ =	strace $0x8FFFFFFF  }
0x98: {  	s19 =	sld [smem:$0x3FDB];
	_ =	sdelay $0x1  }
0x99: {  	s4 =	simm.s32 $_scs_section_size  }
0x9a: {  	s5 =	simm.s32 $_size__tile_overlayer_lowered;
	s6 =	simm.s32 $_tile_overlayer_lowered  }
0x9b: {  	s22 =	simm.s32 $0x1BFF;
	s21 =	sshll.u32 s6, $0x1;
	s3 =	sadd.s32 s4, s19  }
0x9c: {  	s7 =	simm.s32 $0x0;
	s20 =	sshll.u32 s5, $0x1;
	s5 =	sadd.s32 s21, s3  }
0x9d: {  	[timem:s7], [sflag:s22] =	dma.local [hbm:s5], s20  }
0x9e: {  	_ =	swait.ge [sflag:s22], s20  }
0x9f: {  	s4 =	ssub.s32 $0x0, s20;
	[sflag:s22] =	ssyncset.done $0x0  }
0xa0: {  	[sflag:s22] =	ssyncadd.s32 s4;
	_ =	sdelay $0x1  }
0xa1: {  	s23 =	simm.s32 $0x1B8B  }
0xa2: {  	_ =	swait.ge [sflag:s23], $0x1  }
0xa3: {  	[sflag:s23] =	ssyncset.done $0x0  }
0xa4: {  	s25 =	simm.s32 $0x1B8E;
	s24 =	sld [smem:$0x3FFE];
	[sflag:s23] =	ssyncadd.s32 $0xFFFFFFFF  }
0xa5: {  	s26 =	simm.s32 $execute0_lowered;
	[smem:$0x3FD2] =	sst s25  }
0xa6: {  	s5 =	sshll.u32 s26, $0x1;
	_ =	strace $0x80000049;
	[dreg:$0x1] =	wrdreg $0xFFFFFFFF  }
0xa7: {  	s28 =	simm.s32 $_size_execute0_lowered;
	s3 =	sadd.s32 s3, s5;
	[dreg:$0x0] =	wrdreg $0x0  }
0xa8: {  	s5 =	sshll.u32 s28, $0x1;
	[dreg:$0x2] =	wrdreg s3  }
0xa9: {  	[dreg:$0x3] =	wrdreg s5  }
0xaa: {  	[dreg:$0x4] =	wrdreg $0xC0  }
0xab: {  	_ =	task [dreg:s7], $0x5FFFF  }
0xac: {  	[dreg:$0x1] =	wrdreg $0xFFFFFFFF  }
0xad: {  	[dreg:$0x0] =	wrdreg $0x60  }
0xae: {  	[dreg:$0x2] =	wrdreg s24  }
0xaf: {  	[dreg:$0x3] =	wrdreg s2  }
0xb0: {  	[dreg:$0x4] =	wrdreg $0x4F000  }
0xb1: {  	[dreg:$0x5] =	wrdreg $0x77000  }
0xb2: {  	[dreg:$0x6] =	wrdreg $0x9  }
0xb3: {  	_ =	task.clear_ibuf [dreg:s7], $0x7FFFF;
	_ =	strace $0x90000049  }
0xb4: {  	s29 =	simm.s32 $0x9;
	_ =	strace $0x8000004B  }
0xb5: {  	_ =	swait.ge [sflag:s29], $0x1  }
0xb6: {  	[sflag:s29] =	ssyncadd.s32 $0xFFFFFFFF  }
0xb7: {  	_ =	strace $0x9000004B  }
0xb8: {  	_ =	sfence  }
0xb9: {  	s30 =	sld [smem:$0x0];
	_ =	sdelay $0x2  }
0xba: {  	s31 =	sshll.u32 s1, $0xD;
	s1 =	sshrl.u32 s1, $0x2  }
0xbb: {  	s3 =	sand.u32 $0x4000, s31;
	s1 =	sadd.s32 s1, s30  }
0xbc: {  	s0 =	sor.u32 s3, s0;
	s1 =	sshll.u32 s1, $0x11  }
0xbd: {  	s0 =	sor.u32 s1, s0  }
0xbe: {  	s0 =	sadd.s32 $0x8F2B, s0  }
0xbf: {  	[sflag:s0] =	ssyncadd.remote.s32 $0x1  }
0xc0: {  	_ =	sfence.sel $0xFFFF  }
0xc1: {  	[dreg:$0x0] =	wrdreg $0xFFFFFFFF;
	(pc) =	sbr.abs _section_cstart, $3  }
0xc2: {  	[dreg:$0x1] =	wrdreg $0xFFFFFFFF  }
0xc3: {  	_ =	task.clear_ibuf [dreg:s7], $0x2FFFF;
	_ =	strace $0x9FFFFFFF  }
0xc4: {  	(tm) =	ssettm $0x7FFFFFFF  }
0xc5: {  	_ =	shalt  }
tec
execute0_lowered:
.L_overlay_start_1:
0x0: {  	(tag) =	ssettag $0x1  }
0x1: {  	s0 =	rddreg [dreg:$0x0]  }
0x2: {  	s1 =	rddreg [dreg:$0x1]  }
0x3: {  	s2 =	rddreg [dreg:$0x2]  }
0x4: {  	s3 =	rddreg [dreg:$0x3];
	s4 =	simm.s32 $0x0  }
0x5: {  	s14 =	stileid.u32;
	s7 =	srdreg.scid;
	s15 =	simm.s32 $0x11  }
0x6: {  	s28 =	simm.s32 $0x1;
	s29 =	simm.s32 $0x2;
	s30 =	simm.s32 $0x3  }
0x7: {  	s31 =	simm.s32 $0x4;
	[smem:$0x7FF] =	sst s4;
	s16 =	smul.u32 $0x2710, s14  }
0x8: {  	s5 =	sadd.s32 $0x1E00, s0;
	s8 =	smul.u32 $0x2800, s14;
	s7 =	sand.u32 $0x1, s7  }
0x9: {  	s9 =	sshll.u32 s14, $0x1;
	s19 =	sshll.u32 s14, $0x6;
	p0 =	sgt.u32 s14, $0x1  }
0xa: {  	_ =	strace $0x8000004A;
	s10 =	ssub.s32 $0x2, s7;
	s9 =	sor.u32 s7, s9  }
0xb: {  	s7 =	smul.u32 $0x28000, s7;
	s17 =	sor.u32 $0x1C11, s19;
	s19 =	simm.s32 $0x9E10  }
0xc: {  	s6 =	sshrl.u32 s16, $0x3;
	s11 =	sshrl.u32 s8, $0x3;
	s12 =	sshrl.u32 s10, $0x1  }
0xd: {  	s13 =	smul.u32 $0x2700, s9;
	s18 =	sadd.s32 s8, s2;
	s9 =	sshll.u32 s9, $0x4  }
0xe: {  	s4 =	sadd.s32 s16, s3;
	s16 =	simm.s32 $0x7;
	[dreg:$0x7] =	wrdreg s17  }
0xf: {  	s6 =	sadd.s32 s6, s0;
	s0 =	sadd.s32 s11, s0;
	s10 =	ssub.s32 s10, s12  }
0x10: {  	s22 =	sadd.s32 s9, s5;
	s23 =	sadd.s32 s8, s7;
	s14 =	sshrl.u32 s18, $0x3  }
0x11: {  	s26 =	sshrl.u32 s4, $0x3;
	s18 =	simm.s32 $0x80;
	s4 =	simm.s32 $0x8  }
0x12: {  	s8 =	simm.s32 $0xA;
	s9 =	simm.s32 $0xB;
	s11 =	simm.s32 $0xD  }
0x13: {  	s7 =	simm.s32 $0x0;
	s0 =	sadd.s32 $0x1A800, s0;
	[dreg:$0xf] =	wrdreg s26  }
0x14: {  	s20 =	sshrl.u32 s13, $0x3;
	s24 =	sadd.s32 $0x15800, s6;
	[dreg:$0x10] =	wrdreg s7  }
0x15: {  	s25 =	smax.u32 s10, $0x1;
	s26 =	simm.s32 $0xD610;
	[dreg:$0xe] =	wrdreg s14  }
0x16: {  	s10 =	simm.s32 $0xC;
	s13 =	simm.s32 $0xF;
	[dreg:$0x5] =	wrdreg s0  }
0x17: {  	s6 =	simm.s32 $0x10;
	s12 =	sadd.s32 s5, s20;
	[dreg:$0xb] =	wrdreg s24  }
0x18: {  	s5 =	sadd.s32 $0x9C00, s22;
	s0 =	sadd.s32 $0x13840, s22;
	[dreg:$0xd] =	wrdreg s25  }
0x19: {  	s20 =	simm.s32 $0xA610;
	s22 =	simm.s32 $0xB610;
	[dreg:$0x6] =	wrdreg s12  }
0x1a: {  	s24 =	simm.s32 $0xC610;
	s25 =	simm.s32 $0xCE10;
	[dreg:$0x9] =	wrdreg s5  }
0x1b: {  	s21 =	sadd.s32 $0x9C40, s12;
	[dreg:$0xa] =	wrdreg s0;
	s0 =	sshrl.u32 s23, $0x3  }
0x1c: {  	s23 =	simm.s32 $0xBE10;
	s5 =	simm.s32 $0x9;
	s12 =	simm.s32 $0xE  }
0x1d: {  	[dreg:$0x8] =	wrdreg s21;
	s0 =	sadd.s32 s1, s0;
	s21 =	simm.s32 $0xAE10  }
0x1e: {  	s1 =	simm.s32 $0x6;
	[dreg:$0xc] =	wrdreg s0;
	s0 =	simm.s32 $0x5  }
.LBB2_1:
0x1f: {  	s7 =	rddreg [dreg:$0x5]  }
0x20: {  	[spmem:s14], [sflag:s17] =	dma.local [hbm:s7], $0x500  }
0x21: {  	_ =	swait.ge [sflag:s15], $0x500  }
0x22: {  	[sflag:s15] =	ssyncset.done $0x0  }
0x23: {  	s17 =	simm.s32 $0x0;
	s7 =	rddreg [dreg:$0x6];
	[sflag:s15] =	ssyncadd.s32 $0xFFFFFB00  }
0x24: {  	[tilespmem:s17], [sflag:$0x11] =	stream.linear.gather [hbm4b:s7+s17], $0x2700, $0x38;
	[tilespmem:$0xDE10] =	vst v63  }
0x25: {  	_ =	swait.ge [sflag:s15], $0x2700  }
0x26: {  	[sflag:s15] =	ssyncset.done $0x0  }
0x27: {  	s7 =	simm.s32 $0x2700;
	s14 =	rddreg [dreg:$0x8];
	[sflag:s15] =	ssyncadd.s32 $0xFFFFD900  }
0x28: {  	[tilespmem:s7], [sflag:$0x11] =	stream.linear.gather [hbm4b:s14+s17], $0x2700, $0x38;
	[tilespmem:$0xDE10] =	vst v63  }
0x29: {  	_ =	swait.ge [sflag:s15], $0x2700  }
0x2a: {  	s7 =	simm.s32 @!p0 $0x0;
	[sflag:s15] =	ssyncset.done $0x0  }
0x2b: {  	s14 =	simm.s32 @!p0 $0x4E00;
	[sflag:s15] =	ssyncadd.s32 $0xFFFFD900;
	s15 =	rddreg [dreg:$0x9]  }
0x2c: {  	[tilespmem:s14], [sflag:$0x11] =	stream.linear.gather @!p0 [hbm4b:s15+s7], $0x80, $0x38;
	[tilespmem:$0xDE10] =	vst v63  }
0x2d: {  	s14 =	simm.s32 @!p0 $0x11  }
0x2e: {  	_ =	swait.ge @!p0 [sflag:s14], $0x80  }
0x2f: {  	s17 =	simm.s32 @!p0 $0x0;
	[sflag:s14] =	ssyncset.done @!p0 $0x0  }
0x30: {  	s15 =	simm.s32 @!p0 $0x4E80;
	s7 =	rddreg [dreg:$0xa];
	[sflag:s14] =	ssyncadd.s32 @!p0 $0xFFFFFF80  }
0x31: {  	[tilespmem:s15], [sflag:$0x11] =	stream.linear.gather @!p0 [hbm4b:s7+s17], $0x80, $0x38;
	[tilespmem:$0xDE10] =	vst v63  }
0x32: {  	_ =	swait.ge @!p0 [sflag:s14], $0x80  }
0x33: {  	s7 =	rddreg [dreg:$0x7]  }
0x34: {  	[sflag:s14] =	ssyncset.done @!p0 $0x0;
	s17 =	rddreg [dreg:$0xf]  }
0x35: {  	s15 =	simm.s32 $0x11;
	[sflag:s14] =	ssyncadd.s32 @!p0 $0xFFFFFF80;
	s14 =	rddreg [dreg:$0xb]  }
0x36: {  	[spmem:s17], [sflag:s7] =	dma.local [hbm:s14], $0x4E2  }
0x37: {  	_ =	swait.ge [sflag:s15], $0x4E2  }
0x38: {  	[sflag:s15] =	ssyncset.done $0x0  }
0x39: {  	[sflag:s15] =	ssyncadd.s32 $0xFFFFFB1E  }
0x3a: {  	s17 =	simm.s32 $0x0;
	[bflag:$0x0] =	sbarrier.arrive $0xFFFF  }
0x3b: {  	[tilespmem:s19], [sflag:$0x1] =	stream.indirect.gather [spmem:s3], $0x10, s17, s18, $0xb8;
	[tilespmem:$0xDE10] =	vst v63  }
0x3c: {  	s14 =	simm.s32 $0x80  }
0x3d: {  	[tilespmem:s20], [sflag:$0x2] =	stream.indirect.gather [spmem:s3], $0x10, s14, s18, $0xb8;
	[tilespmem:$0xDE10] =	vst v63  }
0x3e: {  	s15 =	simm.s32 $0x100  }
0x3f: {  	[tilespmem:s21], [sflag:$0x3] =	stream.indirect.gather [spmem:s3], $0x10, s15, s18, $0xb8;
	[tilespmem:$0xDE10] =	vst v63  }
0x40: {  	s17 =	simm.s32 $0x180  }
0x41: {  	[tilespmem:s22], [sflag:$0x4] =	stream.indirect.gather [spmem:s3], $0x10, s17, s18, $0xb8;
	[tilespmem:$0xDE10] =	vst v63  }
0x42: {  	s14 =	simm.s32 $0x200  }
0x43: {  	[tilespmem:s23], [sflag:$0x5] =	stream.indirect.gather [spmem:s3], $0x10, s14, s18, $0xb8;
	[tilespmem:$0xDE10] =	vst v63  }
0x44: {  	s15 =	simm.s32 $0x280  }
0x45: {  	[tilespmem:s24], [sflag:$0x6] =	stream.indirect.gather [spmem:s3], $0x10, s15, s18, $0xb8;
	[tilespmem:$0xDE10] =	vst v63  }
0x46: {  	s17 =	simm.s32 $0x300  }
0x47: {  	[tilespmem:s25], [sflag:$0x7] =	stream.indirect.gather [spmem:s3], $0x10, s17, s18, $0xb8;
	[tilespmem:$0xDE10] =	vst v63  }
0x48: {  	s14 =	simm.s32 $0x380  }
0x49: {  	[tilespmem:s26], [sflag:$0x8] =	stream.indirect.gather [spmem:s3], $0x10, s14, s18, $0xb8;
	[tilespmem:$0xDE10] =	vst v63  }
0x4a: {  	_ =	swait.ge [sflag:s28], $0x800  }
0x4b: {  	[sflag:s28] =	ssyncset.done $0x0  }
0x4c: {  	s15 =	simm.s32 $0x2700;
	[sflag:s28] =	ssyncadd.s32 $0xFFFFF800  }
0x4d: {  	[spmem:s2] =	stream.indirect.scatter.add.f32 [tilespmem:s19], [sflag:$0x9], $0x10, s15, s18, $0xb8;
	[tilespmem:$0xDE10] =	vst v63  }
0x4e: {  	_ =	swait.ge [sflag:s29], $0x800  }
0x4f: {  	[sflag:s29] =	ssyncset.done $0x0  }
0x50: {  	s17 =	simm.s32 $0x2780;
	[sflag:s29] =	ssyncadd.s32 $0xFFFFF800  }
0x51: {  	[spmem:s2] =	stream.indirect.scatter.add.f32 [tilespmem:s20], [sflag:$0xA], $0x10, s17, s18, $0xb8;
	[tilespmem:$0xDE10] =	vst v63  }
0x52: {  	_ =	swait.ge [sflag:s30], $0x800  }
0x53: {  	[sflag:s30] =	ssyncset.done $0x0  }
0x54: {  	s14 =	simm.s32 $0x2800;
	[sflag:s30] =	ssyncadd.s32 $0xFFFFF800  }
0x55: {  	[spmem:s2] =	stream.indirect.scatter.add.f32 [tilespmem:s21], [sflag:$0xB], $0x10, s14, s18, $0xb8;
	[tilespmem:$0xDE10] =	vst v63  }
0x56: {  	_ =	swait.ge [sflag:s31], $0x800  }
0x57: {  	[sflag:s31] =	ssyncset.done $0x0  }
0x58: {  	s15 =	simm.s32 $0x2880;
	[sflag:s31] =	ssyncadd.s32 $0xFFFFF800  }
0x59: {  	[spmem:s2] =	stream.indirect.scatter.add.f32 [tilespmem:s22], [sflag:$0xC], $0x10, s15, s18, $0xb8;
	[tilespmem:$0xDE10] =	vst v63  }
0x5a: {  	_ =	swait.ge [sflag:s0], $0x800  }
0x5b: {  	[sflag:s0] =	ssyncset.done $0x0  }
0x5c: {  	s17 =	simm.s32 $0x2900;
	[sflag:s0] =	ssyncadd.s32 $0xFFFFF800  }
0x5d: {  	[spmem:s2] =	stream.indirect.scatter.add.f32 [tilespmem:s23], [sflag:$0xD], $0x10, s17, s18, $0xb8;
	[tilespmem:$0xDE10] =	vst v63  }
0x5e: {  	_ =	swait.ge [sflag:s1], $0x800  }
0x5f: {  	[sflag:s1] =	ssyncset.done $0x0  }
0x60: {  	s14 =	simm.s32 $0x2980;
	[sflag:s1] =	ssyncadd.s32 $0xFFFFF800  }
0x61: {  	[spmem:s2] =	stream.indirect.scatter.add.f32 [tilespmem:s24], [sflag:$0xE], $0x10, s14, s18, $0xb8;
	[tilespmem:$0xDE10] =	vst v63  }
0x62: {  	_ =	swait.ge [sflag:s16], $0x800  }
0x63: {  	[sflag:s16] =	ssyncset.done $0x0  }
0x64: {  	s15 =	simm.s32 $0x2A00;
	[sflag:s16] =	ssyncadd.s32 $0xFFFFF800  }
0x65: {  	[spmem:s2] =	stream.indirect.scatter.add.f32 [tilespmem:s25], [sflag:$0xF], $0x10, s15, s18, $0xb8;
	[tilespmem:$0xDE10] =	vst v63  }
0x66: {  	_ =	swait.ge [sflag:s4], $0x800  }
0x67: {  	[sflag:s4] =	ssyncset.done $0x0  }
0x68: {  	s17 =	simm.s32 $0x2A80;
	[sflag:s4] =	ssyncadd.s32 $0xFFFFF800  }
0x69: {  	[spmem:s2] =	stream.indirect.scatter.add.f32 [tilespmem:s26], [sflag:$0x10], $0x10, s17, s18, $0xb8;
	[tilespmem:$0xDE10] =	vst v63  }
0x6a: {  	_ =	swait.ge [sflag:s5], $0x800  }
0x6b: {  	[sflag:s5] =	ssyncset.done $0x0  }
0x6c: {  	[sflag:s5] =	ssyncadd.s32 $0xFFFFF800  }
0x6d: {  	_ =	swait.ge [sflag:s8], $0x800  }
0x6e: {  	[sflag:s8] =	ssyncset.done $0x0  }
0x6f: {  	[sflag:s8] =	ssyncadd.s32 $0xFFFFF800  }
0x70: {  	_ =	swait.ge [sflag:s9], $0x800  }
0x71: {  	[sflag:s9] =	ssyncset.done $0x0  }
0x72: {  	[sflag:s9] =	ssyncadd.s32 $0xFFFFF800  }
0x73: {  	_ =	swait.ge [sflag:s10], $0x800  }
0x74: {  	[sflag:s10] =	ssyncset.done $0x0  }
0x75: {  	[sflag:s10] =	ssyncadd.s32 $0xFFFFF800  }
0x76: {  	_ =	swait.ge [sflag:s11], $0x800  }
0x77: {  	[sflag:s11] =	ssyncset.done $0x0  }
0x78: {  	[sflag:s11] =	ssyncadd.s32 $0xFFFFF800  }
0x79: {  	_ =	swait.ge [sflag:s12], $0x800  }
0x7a: {  	[sflag:s12] =	ssyncset.done $0x0  }
0x7b: {  	[sflag:s12] =	ssyncadd.s32 $0xFFFFF800  }
0x7c: {  	_ =	swait.ge [sflag:s13], $0x800  }
0x7d: {  	[sflag:s13] =	ssyncset.done $0x0  }
0x7e: {  	[sflag:s13] =	ssyncadd.s32 $0xFFFFF800  }
0x7f: {  	_ =	swait.ge [sflag:s6], $0x800  }
0x80: {  	s7 =	simm.s32 $0x2000;
	s14 =	simm.s32 $0x1000;
	[sflag:s6] =	ssyncset.done $0x0  }
.LBB2_2:
0x81: {  	s15 =	sshra.s32 s14, $0x2  }
0x82: {  	[sflag:s6] =	ssyncadd.s32 $0xFFFFF800;
	s14 =	smov.u32 s7;
	s17 =	sadd.s32 $0x1000, s7  }
0x83: {  	[tilespmem:s19], [sflag:$0x1] =	stream.indirect.gather [spmem:s3], $0x10, s15, s18, $0xb8;
	[tilespmem:$0xDE10] =	vst v63  }
0x84: {  	p1 =	sne.s32 s7, $0x8000;
	s7 =	sadd.s32 $0x80, s15  }
0x85: {  	[tilespmem:s20], [sflag:$0x2] =	stream.indirect.gather [spmem:s3], $0x10, s7, s18, $0xb8;
	[tilespmem:$0xDE10] =	vst v63  }
0x86: {  	s7 =	sadd.s32 $0x100, s15  }
0x87: {  	[tilespmem:s21], [sflag:$0x3] =	stream.indirect.gather [spmem:s3], $0x10, s7, s18, $0xb8;
	[tilespmem:$0xDE10] =	vst v63  }
0x88: {  	s7 =	sadd.s32 $0x180, s15  }
0x89: {  	[tilespmem:s22], [sflag:$0x4] =	stream.indirect.gather [spmem:s3], $0x10, s7, s18, $0xb8;
	[tilespmem:$0xDE10] =	vst v63  }
0x8a: {  	s7 =	sadd.s32 $0x200, s15  }
0x8b: {  	[tilespmem:s23], [sflag:$0x5] =	stream.indirect.gather [spmem:s3], $0x10, s7, s18, $0xb8;
	[tilespmem:$0xDE10] =	vst v63  }
0x8c: {  	s7 =	sadd.s32 $0x280, s15  }
0x8d: {  	[tilespmem:s24], [sflag:$0x6] =	stream.indirect.gather [spmem:s3], $0x10, s7, s18, $0xb8;
	[tilespmem:$0xDE10] =	vst v63  }
0x8e: {  	s7 =	sadd.s32 $0x300, s15  }
0x8f: {  	[tilespmem:s25], [sflag:$0x7] =	stream.indirect.gather [spmem:s3], $0x10, s7, s18, $0xb8;
	[tilespmem:$0xDE10] =	vst v63  }
0x90: {  	s7 =	sadd.s32 $0x380, s15  }
0x91: {  	[tilespmem:s26], [sflag:$0x8] =	stream.indirect.gather [spmem:s3], $0x10, s7, s18, $0xb8;
	[tilespmem:$0xDE10] =	vst v63  }
0x92: {  	_ =	swait.ge [sflag:s28], $0x800  }
0x93: {  	[sflag:s28] =	ssyncset.done $0x0  }
0x94: {  	s7 =	sadd.s32 $0x2700, s15;
	[sflag:s28] =	ssyncadd.s32 $0xFFFFF800  }
0x95: {  	[spmem:s2] =	stream.indirect.scatter.add.f32 [tilespmem:s19], [sflag:$0x9], $0x10, s7, s18, $0xb8;
	[tilespmem:$0xDE10] =	vst v63  }
0x96: {  	_ =	swait.ge [sflag:s29], $0x800  }
0x97: {  	[sflag:s29] =	ssyncset.done $0x0  }
0x98: {  	s7 =	sadd.s32 $0x2780, s15;
	[sflag:s29] =	ssyncadd.s32 $0xFFFFF800  }
0x99: {  	[spmem:s2] =	stream.indirect.scatter.add.f32 [tilespmem:s20], [sflag:$0xA], $0x10, s7, s18, $0xb8;
	[tilespmem:$0xDE10] =	vst v63  }
0x9a: {  	_ =	swait.ge [sflag:s30], $0x800  }
0x9b: {  	[sflag:s30] =	ssyncset.done $0x0  }
0x9c: {  	s7 =	sadd.s32 $0x2800, s15;
	[sflag:s30] =	ssyncadd.s32 $0xFFFFF800  }
0x9d: {  	[spmem:s2] =	stream.indirect.scatter.add.f32 [tilespmem:s21], [sflag:$0xB], $0x10, s7, s18, $0xb8;
	[tilespmem:$0xDE10] =	vst v63  }
0x9e: {  	_ =	swait.ge [sflag:s31], $0x800  }
0x9f: {  	[sflag:s31] =	ssyncset.done $0x0  }
0xa0: {  	s7 =	sadd.s32 $0x2880, s15;
	[sflag:s31] =	ssyncadd.s32 $0xFFFFF800  }
0xa1: {  	[spmem:s2] =	stream.indirect.scatter.add.f32 [tilespmem:s22], [sflag:$0xC], $0x10, s7, s18, $0xb8;
	[tilespmem:$0xDE10] =	vst v63  }
0xa2: {  	_ =	swait.ge [sflag:s0], $0x800  }
0xa3: {  	[sflag:s0] =	ssyncset.done $0x0  }
0xa4: {  	s7 =	sadd.s32 $0x2900, s15;
	[sflag:s0] =	ssyncadd.s32 $0xFFFFF800  }
0xa5: {  	[spmem:s2] =	stream.indirect.scatter.add.f32 [tilespmem:s23], [sflag:$0xD], $0x10, s7, s18, $0xb8;
	[tilespmem:$0xDE10] =	vst v63  }
0xa6: {  	_ =	swait.ge [sflag:s1], $0x800  }
0xa7: {  	[sflag:s1] =	ssyncset.done $0x0  }
0xa8: {  	s7 =	sadd.s32 $0x2980, s15;
	[sflag:s1] =	ssyncadd.s32 $0xFFFFF800  }
0xa9: {  	[spmem:s2] =	stream.indirect.scatter.add.f32 [tilespmem:s24], [sflag:$0xE], $0x10, s7, s18, $0xb8;
	[tilespmem:$0xDE10] =	vst v63  }
0xaa: {  	_ =	swait.ge [sflag:s16], $0x800  }
0xab: {  	[sflag:s16] =	ssyncset.done $0x0  }
0xac: {  	s7 =	sadd.s32 $0x2A00, s15;
	[sflag:s16] =	ssyncadd.s32 $0xFFFFF800  }
0xad: {  	[spmem:s2] =	stream.indirect.scatter.add.f32 [tilespmem:s25], [sflag:$0xF], $0x10, s7, s18, $0xb8;
	[tilespmem:$0xDE10] =	vst v63  }
0xae: {  	_ =	swait.ge [sflag:s4], $0x800  }
0xaf: {  	[sflag:s4] =	ssyncset.done $0x0  }
0xb0: {  	s7 =	sadd.s32 $0x2A80, s15;
	[sflag:s4] =	ssyncadd.s32 $0xFFFFF800  }
0xb1: {  	[spmem:s2] =	stream.indirect.scatter.add.f32 [tilespmem:s26], [sflag:$0x10], $0x10, s7, s18, $0xb8;
	[tilespmem:$0xDE10] =	vst v63  }
0xb2: {  	_ =	swait.ge [sflag:s5], $0x800  }
0xb3: {  	[sflag:s5] =	ssyncset.done $0x0  }
0xb4: {  	[sflag:s5] =	ssyncadd.s32 $0xFFFFF800  }
0xb5: {  	_ =	swait.ge [sflag:s8], $0x800  }
0xb6: {  	[sflag:s8] =	ssyncset.done $0x0  }
0xb7: {  	[sflag:s8] =	ssyncadd.s32 $0xFFFFF800  }
0xb8: {  	_ =	swait.ge [sflag:s9], $0x800  }
0xb9: {  	[sflag:s9] =	ssyncset.done $0x0  }
0xba: {  	[sflag:s9] =	ssyncadd.s32 $0xFFFFF800  }
0xbb: {  	_ =	swait.ge [sflag:s10], $0x800  }
0xbc: {  	[sflag:s10] =	ssyncset.done $0x0  }
0xbd: {  	[sflag:s10] =	ssyncadd.s32 $0xFFFFF800  }
0xbe: {  	_ =	swait.ge [sflag:s11], $0x800  }
0xbf: {  	[sflag:s11] =	ssyncset.done $0x0  }
0xc0: {  	[sflag:s11] =	ssyncadd.s32 $0xFFFFF800  }
0xc1: {  	_ =	swait.ge [sflag:s12], $0x800  }
0xc2: {  	[sflag:s12] =	ssyncset.done $0x0  }
0xc3: {  	[sflag:s12] =	ssyncadd.s32 $0xFFFFF800  }
.Ltmp0:
0xc4: {  	_ =	swait.ge [sflag:s13], $0x800;
	(pc) =	sbr.rel @p1 .LBB2_2-.Ltmp0, $4  }
0xc5: {  	[sflag:s13] =	ssyncset.done $0x0  }
0xc6: {  	[sflag:s13] =	ssyncadd.s32 $0xFFFFF800  }
0xc7: {  	_ =	swait.ge [sflag:s6], $0x800  }
0xc8: {  	s7 =	smov.u32 s17;
	[sflag:s6] =	ssyncset.done $0x0  }
0xc9: {  	s7 =	sshra.s32 s14, $0x2;
	[sflag:s6] =	ssyncadd.s32 $0xFFFFF800  }
0xca: {  	[tilespmem:s19], [sflag:$0x1] =	stream.indirect.gather [spmem:s3], $0x10, s7, s18, $0xb8;
	[tilespmem:$0xDE10] =	vst v63  }
0xcb: {  	s14 =	sadd.s32 $0x80, s7  }
0xcc: {  	[tilespmem:s20], [sflag:$0x2] =	stream.indirect.gather [spmem:s3], $0x10, s14, s18, $0xb8;
	[tilespmem:$0xDE10] =	vst v63  }
0xcd: {  	s17 =	sadd.s32 $0x100, s7  }
0xce: {  	[tilespmem:s21], [sflag:$0x3] =	stream.indirect.gather [spmem:s3], $0x10, s17, s18, $0xb8;
	[tilespmem:$0xDE10] =	vst v63  }
0xcf: {  	s15 =	sadd.s32 $0x180, s7  }
0xd0: {  	[tilespmem:s22], [sflag:$0x4] =	stream.indirect.gather [spmem:s3], $0x10, s15, s18, $0xb8;
	[tilespmem:$0xDE10] =	vst v63  }
0xd1: {  	s17 =	sadd.s32 $0x200, s7  }
0xd2: {  	[tilespmem:s23], [sflag:$0x5] =	stream.indirect.gather [spmem:s3], $0x10, s17, s18, $0xb8;
	[tilespmem:$0xDE10] =	vst v63  }
0xd3: {  	s15 =	sadd.s32 $0x280, s7  }
0xd4: {  	[tilespmem:s24], [sflag:$0x6] =	stream.indirect.gather [spmem:s3], $0x10, s15, s18, $0xb8;
	[tilespmem:$0xDE10] =	vst v63  }
0xd5: {  	s17 =	sadd.s32 $0x300, s7  }
0xd6: {  	[tilespmem:s25], [sflag:$0x7] =	stream.indirect.gather [spmem:s3], $0x10, s17, s18, $0xb8;
	[tilespmem:$0xDE10] =	vst v63  }
0xd7: {  	s15 =	sadd.s32 $0x380, s7  }
0xd8: {  	[tilespmem:s26], [sflag:$0x8] =	stream.indirect.gather [spmem:s3], $0x10, s15, s18, $0xb8;
	[tilespmem:$0xDE10] =	vst v63  }
0xd9: {  	_ =	swait.ge [sflag:s28], $0x800  }
0xda: {  	[sflag:s28] =	ssyncset.done $0x0  }
0xdb: {  	s17 =	sadd.s32 $0x2700, s7;
	[sflag:s28] =	ssyncadd.s32 $0xFFFFF800  }
0xdc: {  	[spmem:s2] =	stream.indirect.scatter.add.f32 [tilespmem:s19], [sflag:$0x9], $0x10, s17, s18, $0xb8;
	[tilespmem:$0xDE10] =	vst v63  }
0xdd: {  	_ =	swait.ge [sflag:s29], $0x800  }
0xde: {  	[sflag:s29] =	ssyncset.done $0x0  }
0xdf: {  	s15 =	sadd.s32 $0x2780, s7;
	[sflag:s29] =	ssyncadd.s32 $0xFFFFF800  }
0xe0: {  	[spmem:s2] =	stream.indirect.scatter.add.f32 [tilespmem:s20], [sflag:$0xA], $0x10, s15, s18, $0xb8;
	[tilespmem:$0xDE10] =	vst v63  }
0xe1: {  	_ =	swait.ge [sflag:s30], $0x800  }
0xe2: {  	[sflag:s30] =	ssyncset.done $0x0  }
0xe3: {  	s17 =	sadd.s32 $0x2800, s7;
	[sflag:s30] =	ssyncadd.s32 $0xFFFFF800  }
0xe4: {  	[spmem:s2] =	stream.indirect.scatter.add.f32 [tilespmem:s21], [sflag:$0xB], $0x10, s17, s18, $0xb8;
	[tilespmem:$0xDE10] =	vst v63  }
0xe5: {  	_ =	swait.ge [sflag:s31], $0x800  }
0xe6: {  	[sflag:s31] =	ssyncset.done $0x0  }
0xe7: {  	s15 =	sadd.s32 $0x2880, s7;
	[sflag:s31] =	ssyncadd.s32 $0xFFFFF800  }
0xe8: {  	[spmem:s2] =	stream.indirect.scatter.add.f32 [tilespmem:s22], [sflag:$0xC], $0x10, s15, s18, $0xb8;
	[tilespmem:$0xDE10] =	vst v63  }
0xe9: {  	_ =	swait.ge [sflag:s0], $0x800  }
0xea: {  	[sflag:s0] =	ssyncset.done $0x0  }
0xeb: {  	s17 =	sadd.s32 $0x2900, s7;
	[sflag:s0] =	ssyncadd.s32 $0xFFFFF800  }
0xec: {  	[spmem:s2] =	stream.indirect.scatter.add.f32 [tilespmem:s23], [sflag:$0xD], $0x10, s17, s18, $0xb8;
	[tilespmem:$0xDE10] =	vst v63  }
0xed: {  	_ =	swait.ge [sflag:s1], $0x800  }
0xee: {  	[sflag:s1] =	ssyncset.done $0x0  }
0xef: {  	s15 =	sadd.s32 $0x2980, s7;
	[sflag:s1] =	ssyncadd.s32 $0xFFFFF800  }
0xf0: {  	[spmem:s2] =	stream.indirect.scatter.add.f32 [tilespmem:s24], [sflag:$0xE], $0x10, s15, s18, $0xb8;
	[tilespmem:$0xDE10] =	vst v63  }
0xf1: {  	_ =	swait.ge [sflag:s16], $0x800  }
0xf2: {  	[sflag:s16] =	ssyncset.done $0x0  }
0xf3: {  	s17 =	sadd.s32 $0x2A00, s7;
	[sflag:s16] =	ssyncadd.s32 $0xFFFFF800  }
0xf4: {  	[spmem:s2] =	stream.indirect.scatter.add.f32 [tilespmem:s25], [sflag:$0xF], $0x10, s17, s18, $0xb8;
	[tilespmem:$0xDE10] =	vst v63  }
0xf5: {  	_ =	swait.ge [sflag:s4], $0x800  }
0xf6: {  	[sflag:s4] =	ssyncset.done $0x0  }
0xf7: {  	s7 =	sadd.s32 $0x2A80, s7;
	[sflag:s4] =	ssyncadd.s32 $0xFFFFF800  }
0xf8: {  	[spmem:s2] =	stream.indirect.scatter.add.f32 [tilespmem:s26], [sflag:$0x10], $0x10, s7, s18, $0xb8;
	[tilespmem:$0xDE10] =	vst v63  }
0xf9: {  	_ =	swait.ge [sflag:s5], $0x800  }
0xfa: {  	[sflag:s5] =	ssyncset.done $0x0  }
0xfb: {  	[sflag:s5] =	ssyncadd.s32 $0xFFFFF800  }
0xfc: {  	_ =	swait.ge [sflag:s8], $0x800  }
0xfd: {  	[sflag:s8] =	ssyncset.done $0x0  }
0xfe: {  	[sflag:s8] =	ssyncadd.s32 $0xFFFFF800  }
0xff: {  	_ =	swait.ge [sflag:s9], $0x800  }
0x100: {  	[sflag:s9] =	ssyncset.done $0x0  }
0x101: {  	[sflag:s9] =	ssyncadd.s32 $0xFFFFF800  }
0x102: {  	_ =	swait.ge [sflag:s10], $0x800  }
0x103: {  	[sflag:s10] =	ssyncset.done $0x0  }
0x104: {  	[sflag:s10] =	ssyncadd.s32 $0xFFFFF800  }
0x105: {  	_ =	swait.ge [sflag:s11], $0x800  }
0x106: {  	[sflag:s11] =	ssyncset.done $0x0  }
0x107: {  	[sflag:s11] =	ssyncadd.s32 $0xFFFFF800  }
0x108: {  	_ =	swait.ge [sflag:s12], $0x800  }
0x109: {  	[sflag:s12] =	ssyncset.done $0x0  }
0x10a: {  	[sflag:s12] =	ssyncadd.s32 $0xFFFFF800  }
0x10b: {  	_ =	swait.ge [sflag:s13], $0x800  }
0x10c: {  	[sflag:s13] =	ssyncset.done $0x0  }
0x10d: {  	[sflag:s13] =	ssyncadd.s32 $0xFFFFF800  }
0x10e: {  	_ =	swait.ge [sflag:s6], $0x800  }
0x10f: {  	[sflag:s6] =	ssyncset.done $0x0  }
0x110: {  	s14 =	simm.s32 $0x2400;
	[sflag:s6] =	ssyncadd.s32 $0xFFFFF800  }
0x111: {  	[tilespmem:s19], [sflag:$0x1] =	stream.indirect.gather [spmem:s3], $0x10, s14, s18, $0xb8;
	[tilespmem:$0xDE10] =	vst v63  }
0x112: {  	s15 =	simm.s32 $0x2480  }
0x113: {  	[tilespmem:s20], [sflag:$0x2] =	stream.indirect.gather [spmem:s3], $0x10, s15, s18, $0xb8;
	[tilespmem:$0xDE10] =	vst v63  }
0x114: {  	s17 =	simm.s32 $0x2500  }
0x115: {  	[tilespmem:s21], [sflag:$0x3] =	stream.indirect.gather [spmem:s3], $0x10, s17, s18, $0xb8;
	[tilespmem:$0xDE10] =	vst v63  }
0x116: {  	s14 =	simm.s32 $0x2580  }
0x117: {  	[tilespmem:s22], [sflag:$0x4] =	stream.indirect.gather [spmem:s3], $0x10, s14, s18, $0xb8;
	[tilespmem:$0xDE10] =	vst v63  }
0x118: {  	s15 =	simm.s32 $0x2600  }
0x119: {  	[tilespmem:s23], [sflag:$0x5] =	stream.indirect.gather [spmem:s3], $0x10, s15, s18, $0xb8;
	[tilespmem:$0xDE10] =	vst v63  }
0x11a: {  	s17 =	simm.s32 $0x2680  }
0x11b: {  	[tilespmem:s24], [sflag:$0x6] =	stream.indirect.gather [spmem:s3], $0x10, s17, s18, $0xb8;
	[tilespmem:$0xDE10] =	vst v63  }
0x11c: {  	_ =	swait.ge [sflag:s28], $0x800  }
0x11d: {  	[sflag:s28] =	ssyncset.done $0x0  }
0x11e: {  	s14 =	simm.s32 $0x4B00;
	[sflag:s28] =	ssyncadd.s32 $0xFFFFF800  }
0x11f: {  	[spmem:s2] =	stream.indirect.scatter.add.f32 [tilespmem:s19], [sflag:$0x9], $0x10, s14, s18, $0xb8;
	[tilespmem:$0xDE10] =	vst v63  }
0x120: {  	_ =	swait.ge [sflag:s29], $0x800  }
0x121: {  	[sflag:s29] =	ssyncset.done $0x0  }
0x122: {  	s15 =	simm.s32 $0x4B80;
	[sflag:s29] =	ssyncadd.s32 $0xFFFFF800  }
0x123: {  	[spmem:s2] =	stream.indirect.scatter.add.f32 [tilespmem:s20], [sflag:$0xA], $0x10, s15, s18, $0xb8;
	[tilespmem:$0xDE10] =	vst v63  }
0x124: {  	_ =	swait.ge [sflag:s30], $0x800  }
0x125: {  	[sflag:s30] =	ssyncset.done $0x0  }
0x126: {  	s17 =	simm.s32 $0x4C00;
	[sflag:s30] =	ssyncadd.s32 $0xFFFFF800  }
0x127: {  	[spmem:s2] =	stream.indirect.scatter.add.f32 [tilespmem:s21], [sflag:$0xB], $0x10, s17, s18, $0xb8;
	[tilespmem:$0xDE10] =	vst v63  }
0x128: {  	_ =	swait.ge [sflag:s31], $0x800  }
0x129: {  	[sflag:s31] =	ssyncset.done $0x0  }
0x12a: {  	s14 =	simm.s32 $0x4C80;
	[sflag:s31] =	ssyncadd.s32 $0xFFFFF800  }
0x12b: {  	[spmem:s2] =	stream.indirect.scatter.add.f32 [tilespmem:s22], [sflag:$0xC], $0x10, s14, s18, $0xb8;
	[tilespmem:$0xDE10] =	vst v63  }
0x12c: {  	_ =	swait.ge [sflag:s0], $0x800  }
0x12d: {  	[sflag:s0] =	ssyncset.done $0x0  }
0x12e: {  	s15 =	simm.s32 $0x4D00;
	[sflag:s0] =	ssyncadd.s32 $0xFFFFF800  }
0x12f: {  	[spmem:s2] =	stream.indirect.scatter.add.f32 [tilespmem:s23], [sflag:$0xD], $0x10, s15, s18, $0xb8;
	[tilespmem:$0xDE10] =	vst v63  }
0x130: {  	_ =	swait.ge [sflag:s1], $0x800  }
0x131: {  	[sflag:s1] =	ssyncset.done $0x0  }
0x132: {  	s17 =	simm.s32 $0x4D80;
	[sflag:s1] =	ssyncadd.s32 $0xFFFFF800  }
0x133: {  	[spmem:s2] =	stream.indirect.scatter.add.f32 [tilespmem:s24], [sflag:$0xE], $0x10, s17, s18, $0xb8;
	[tilespmem:$0xDE10] =	vst v63  }
0x134: {  	_ =	swait.ge [sflag:s5], $0x800  }
0x135: {  	[sflag:s5] =	ssyncset.done $0x0  }
0x136: {  	[sflag:s5] =	ssyncadd.s32 $0xFFFFF800  }
0x137: {  	_ =	swait.ge [sflag:s8], $0x800  }
0x138: {  	[sflag:s8] =	ssyncset.done $0x0  }
0x139: {  	[sflag:s8] =	ssyncadd.s32 $0xFFFFF800  }
0x13a: {  	_ =	swait.ge [sflag:s9], $0x800  }
0x13b: {  	[sflag:s9] =	ssyncset.done $0x0  }
0x13c: {  	[sflag:s9] =	ssyncadd.s32 $0xFFFFF800  }
0x13d: {  	_ =	swait.ge [sflag:s10], $0x800  }
0x13e: {  	[sflag:s10] =	ssyncset.done $0x0  }
0x13f: {  	[sflag:s10] =	ssyncadd.s32 $0xFFFFF800  }
0x140: {  	_ =	swait.ge [sflag:s11], $0x800  }
0x141: {  	[sflag:s11] =	ssyncset.done $0x0  }
0x142: {  	[sflag:s11] =	ssyncadd.s32 $0xFFFFF800  }
0x143: {  	_ =	swait.ge [sflag:s12], $0x800  }
0x144: {  	s7 =	simm.s32 @!p0 $0x80;
	[sflag:s12] =	ssyncset.done $0x0  }
0x145: {  	s14 =	simm.s32 @!p0 $0x4E00;
	s15 =	simm.s32 @!p0 $0x9E10;
	[sflag:s12] =	ssyncadd.s32 $0xFFFFF800  }
0x146: {  	[tilespmem:s15], [sflag:$0x1] =	stream.indirect.gather @!p0 [spmem:s3], $0x10, s14, s7, $0xb8;
	[tilespmem:$0xDE10] =	vst v63  }
0x147: {  	s14 =	simm.s32 @!p0 $0x1  }
0x148: {  	_ =	swait.ge @!p0 [sflag:s14], $0x800  }
0x149: {  	[sflag:s14] =	ssyncset.done @!p0 $0x0  }
0x14a: {  	[sflag:s14] =	ssyncadd.s32 @!p0 $0xFFFFF800;
	s14 =	simm.s32 @!p0 $0x4E80  }
0x14b: {  	[spmem:s2] =	stream.indirect.scatter.add.f32 @!p0 [tilespmem:s15], [sflag:$0x9], $0x10, s14, s7, $0xb8;
	[tilespmem:$0xDE10] =	vst v63  }
0x14c: {  	s7 =	simm.s32 @!p0 $0x9  }
0x14d: {  	_ =	swait.ge @!p0 [sflag:s7], $0x800  }
0x14e: {  	[sflag:s7] =	ssyncset.done @!p0 $0x0  }
0x14f: {  	[sflag:s7] =	ssyncadd.s32 @!p0 $0xFFFFF800  }
0x150: {  	[bflag:$0x0] =	sbarrier.arrive $0xFFFF  }
0x151: {  	s7 =	rddreg [dreg:$0x7]  }
0x152: {  	s17 =	rddreg [dreg:$0xc]  }
0x153: {  	s15 =	simm.s32 $0x11;
	s14 =	rddreg [dreg:$0xe]  }
0x154: {  	[hbm:s17], [sflag:s7] =	dma.local [spmem:s14], $0x500  }
0x155: {  	_ =	swait.ge [sflag:s15], $0x500  }
0x156: {  	s17 =	rddreg [dreg:$0x10]  }
0x157: {  	s7 =	rddreg [dreg:$0xd];
	s17 =	sadd.s32 $0x1, s17  }
0x158: {  	p1 =	sne.s32 s17, s7  }
.Ltmp1:
0x159: {  	_ = 	snop;
	(pc) =	sbr.rel @p1 .LBB2_1-.Ltmp1, $3  }
0x15a: {  	_ =	sdelay $0x1  }
0x15b: {  	[sflag:s15] =	ssyncset.done $0x0;
	[dreg:$0x10] =	wrdreg s17  }
0x15c: {  	[sflag:s15] =	ssyncadd.s32 $0xFFFFFB00;
	s17 =	rddreg [dreg:$0x7]  }
0x15d: {  	_ =	sfence.sel $0x180000  }
0x15e: {  	[bflag:$0x0] =	sbarrier.arrive $0xFFFF  }
0x15f: {  	_ =	strace $0x9000004A  }
0x160: {  	s0 =	stileid.u32;
	[bflag:$0x2] =	sbarrier.arrive $0xFFFF  }
0x161: {  	p0 =	sne.s32 s0, $0x0;
	s0 =	rddreg [dreg:$0x4]  }
0x162: {  	s0 =	sadd.s32 @!p0 $0x100000, s0  }
0x163: {  	[sflag:s0] =	ssyncadd.tile.s32 @!p0 $0x1;
	_ =	shalt  }
.Lfunc_end2:
_tile_overlayer_lowered:
.L_overlay_start_2:
0x164: {  	(tag) =	ssettag $0x2  }
0x165: {  	s0 =	rddreg [dreg:$0x0];
	s2 =	stileid.u32  }
0x166: {  	s1 =	rddreg [dreg:$0x1];
	p0 =	sne.s32 s2, $0x0  }
0x167: {  	s3 =	rddreg [dreg:$0x2];
	[bflag:$0x3] =	sbarrier.arrive $0xFFFF;
	s2 =	simm.s32 @!p0 $0x1C11  }
0x168: {  	[timem:s3], [sflag:s2] =	dma.local @!p0 [hbm:s0], s1  }
0x169: {  	s0 =	simm.s32 @!p0 $0x11  }
0x16a: {  	_ =	swait.ge @!p0 [sflag:s0], s1  }
0x16b: {  	s1 =	ssub.s32 @!p0 $0x0, s1;
	[sflag:s0] =	ssyncset.done @!p0 $0x0  }
0x16c: {  	[sflag:s0] =	ssyncadd.s32 @!p0 s1  }
0x16d: {  	[bflag:$0x3] =	sbarrier.arrive $0xFFFF  }
0x16e: {  	_ =	shalt  }

// kernel: kernel.14.cloned.1.call-start
scs
__scs_entry_jumppad:
0x0: {  	(pc) =	sbr.rel $0x88, $3  }
0x1: {  	(tag) =	ssettag $0x0;
	lr =	simm.s32 $0x1  }
0x2: {  	[smem:$0x3F9B] =	sst lr;
	_ =	strace $0xD0000000  }
0x3: {  	_ = 	snop  }
0x4: {  	_ = 	snop  }
0x5: {  	_ = 	snop  }
0x6: {  	_ = 	snop  }
0x7: {  	_ = 	snop  }
__scs_overlays_trampoline_lowered:
0x8: {  	[smem:$0x3FAA] =	sst s0  }
0x9: {  	[smem:$0x3FAB] =	sst s1  }
0xa: {  	[smem:$0x3FAC] =	sst s2  }
0xb: {  	[smem:$0x3FAD] =	sst s3  }
0xc: {  	[smem:$0x3FAE] =	sst s4  }
0xd: {  	[smem:$0x3FAF] =	sst s5  }
0xe: {  	[smem:$0x3FB0] =	sst s6  }
0xf: {  	[smem:$0x3FB1] =	sst s7  }
0x10: {  	[smem:$0x3FB2] =	sst s8  }
0x11: {  	[smem:$0x3FB3] =	sst s9;
	s0 =	simm.s32 @!p0 $0x0  }
0x12: {  	s1 =	sld [smem:$0x3F99];
	s0 =	simm.s32 @p0 $0x1  }
0x13: {  	[smem:$0x3FB4] =	sst s0;
	s0 =	simm.s32 @!p1 $0x0  }
0x14: {  	s2 =	sld [smem:$0x3F98];
	s0 =	simm.s32 @p1 $0x1  }
0x15: {  	[smem:$0x3FB5] =	sst s0;
	s0 =	simm.s32 @!p2 $0x0  }
0x16: {  	s3 =	sld [smem:$0x3FDB];
	s0 =	simm.s32 @p2 $0x1  }
0x17: {  	s4 =	simm.s32 $0x1BF5;
	[smem:$0x3FB7] =	sst s0  }
0x18: {  	s0 =	sld [smem:$0x3F9A];
	_ =	swait.ge [sflag:s4], $0x0  }
0x19: {  	s7 =	sld [smem:$0x3F9B]  }
0x1a: {  	s8 =	sadd.s32 $0xFFFFE003, lr  }
0x1b: {  	s9 =	sadd.s32 $0xFFFFFEF7, lr;
	s5 =	simm.s32 $0xFFFFFFFF;
	p2 =	slt.u32 s8, $0xFFFFF086  }
0x1c: {  	p1 =	slt.u32 s9, $0xF7A;
	s5 =	simm.s32 @!p2 $0x0  }
0x1d: {  	s5 =	simm.s32 @p1 $0x1;
	p0 =	seq.s32 s7, s2  }
0x1e: {  	s7 =	smul.u32 @!p0 $0xF7A, s2;
	p2 =	seq.s32 @!p0 s5, $0x0  }
0x1f: {  	s9 =	smul.u32 $0xF7A, s1;
	s8 =	simm.s32 @!p0 $0x1BF5;
	p2 =	por !p2, p0  }
0x20: {  	[sflag:s8] =	ssyncset.s32 @!p0 $0xFFFFF086;
	s6 =	sadd.s32 @!p0 s3, s7;
	s7 =	simm.s32 @!p0 $0x108  }
0x21: {  	s3 =	sadd.s32 s3, s9;
	s6 =	sadd.s32 @!p0 $0x88, s6;
	s7 =	simm.s32 @p2 $0x1082  }
0x22: {  	[simem:s7], [sflag:s8] =	dma.local @!p0 [hbm:s6], $0xF7A  }
0x23: {  	s9 =	sor.u32 $0xD0000000, s2;
	s6 =	simm.s32 $0x108;
	_ =	swait.ge @!p0 [sflag:s8], $0x0  }
0x24: {  	s3 =	sadd.s32 $0x88, s3;
	s6 =	simm.s32 @!p1 $0x1082;
	[sflag:s4] =	ssyncset.s32 $0xFFFFF086  }
0x25: {  	[simem:s6], [sflag:s4] =	dma.local [hbm:s3], $0xF7A  }
0x26: {  	[smem:$0x3F9B] =	sst s1;
	(tag) =	ssettag s2;
	_ =	strace s9  }
0x27: {  	s1 =	sld [smem:$0x3FAB]  }
0x28: {  	s2 =	sld [smem:$0x3FAC]  }
0x29: {  	s4 =	sld [smem:$0x3FAE]  }
0x2a: {  	p0 =	seq.s32 s5, $0x0;
	s5 =	sld [smem:$0x3FAF]  }
0x2b: {  	s6 =	sld [smem:$0x3FB0]  }
0x2c: {  	s7 =	sld [smem:$0x3FB1]  }
0x2d: {  	s3 =	simm.s32 $0x108;
	s8 =	sld [smem:$0x3FB2]  }
0x2e: {  	s3 =	simm.s32 @!p0 $0x1082;
	s9 =	sld [smem:$0x3FB3]  }
0x2f: {  	lr =	sadd.s32 s0, s3;
	s0 =	sld [smem:$0x3FAA]  }
0x30: {  	s3 =	sld [smem:$0x3FAD]  }
0x31: {  	[smem:$0x3FB6] =	sst s10  }
0x32: {  	s10 =	sld [smem:$0x3FB4];
	_ =	sdelay $0x3  }
0x33: {  	p0 =	seq.s32 s10, $0x1;
	s10 =	sld [smem:$0x3FB6];
	_ =	sdelay $0x3  }
0x34: {  	[smem:$0x3FB6] =	sst s10  }
0x35: {  	s10 =	sld [smem:$0x3FB5];
	_ =	sdelay $0x3  }
0x36: {  	p1 =	seq.s32 s10, $0x1;
	s10 =	sld [smem:$0x3FB6];
	_ =	sdelay $0x3  }
0x37: {  	[smem:$0x3FB6] =	sst s10  }
0x38: {  	s10 =	sld [smem:$0x3FB7]  }
0x39: {  	_ = 	snop;
	(pc) =	sbr.ind lr, $3  }
0x3a: {  	_ = 	snop  }
0x3b: {  	_ = 	snop  }
0x3c: {  	p2 =	seq.s32 s10, $0x1;
	s10 =	sld [smem:$0x3FB6]  }
0x3d: {  	_ =	shalt  }
0x3e: {  	_ =	shalt  }
0x3f: {  	_ =	shalt  }
0x40: {  	_ =	shalt  }
0x41: {  	_ =	shalt  }
0x42: {  	_ =	shalt  }
0x43: {  	_ =	shalt  }
0x44: {  	_ =	shalt  }
0x45: {  	_ =	shalt  }
0x46: {  	_ =	shalt  }
0x47: {  	_ =	shalt  }
0x48: {  	_ =	shalt  }
0x49: {  	_ =	shalt  }
0x4a: {  	_ =	shalt  }
0x4b: {  	_ =	shalt  }
0x4c: {  	_ =	shalt  }
0x4d: {  	_ =	shalt  }
0x4e: {  	_ =	shalt  }
0x4f: {  	_ =	shalt  }
0x50: {  	_ =	shalt  }
0x51: {  	_ =	shalt  }
0x52: {  	_ =	shalt  }
0x53: {  	_ =	shalt  }
0x54: {  	_ =	shalt  }
0x55: {  	_ =	shalt  }
0x56: {  	_ =	shalt  }
0x57: {  	_ =	shalt  }
0x58: {  	_ =	shalt  }
0x59: {  	_ =	shalt  }
0x5a: {  	_ =	shalt  }
0x5b: {  	_ =	shalt  }
0x5c: {  	_ =	shalt  }
0x5d: {  	_ =	shalt  }
0x5e: {  	_ =	shalt  }
0x5f: {  	_ =	shalt  }
0x60: {  	_ =	shalt  }
0x61: {  	_ =	shalt  }
0x62: {  	_ =	shalt  }
0x63: {  	_ =	shalt  }
0x64: {  	_ =	shalt  }
0x65: {  	_ =	shalt  }
0x66: {  	_ =	shalt  }
0x67: {  	_ =	shalt  }
0x68: {  	_ =	shalt  }
0x69: {  	_ =	shalt  }
0x6a: {  	_ =	shalt  }
0x6b: {  	_ =	shalt  }
0x6c: {  	_ =	shalt  }
0x6d: {  	_ =	shalt  }
0x6e: {  	_ =	shalt  }
0x6f: {  	_ =	shalt  }
0x70: {  	_ =	shalt  }
0x71: {  	_ =	shalt  }
0x72: {  	_ =	shalt  }
0x73: {  	_ =	shalt  }
0x74: {  	_ =	shalt  }
0x75: {  	_ =	shalt  }
0x76: {  	_ =	shalt  }
0x77: {  	_ =	shalt  }
0x78: {  	_ =	shalt  }
0x79: {  	_ =	shalt  }
0x7a: {  	_ =	shalt  }
0x7b: {  	_ =	shalt  }
0x7c: {  	_ =	shalt  }
0x7d: {  	_ =	shalt  }
0x7e: {  	_ =	shalt  }
0x7f: {  	_ =	shalt  }
0x80: {  	_ =	shalt  }
0x81: {  	_ =	shalt  }
0x82: {  	_ =	shalt  }
0x83: {  	_ =	shalt  }
0x84: {  	_ =	shalt  }
0x85: {  	_ =	shalt  }
0x86: {  	_ =	shalt  }
0x87: {  	_ =	shalt  }
.Lfunc_end0:
.L_simem_size_0:
called_computation.2_lowered:
.L_overlay_start_0:
0x88: {  	s2 =	sld [smem:$0x3FD9]  }
0x89: {  	s3 =	sld [smem:$0x3FFE];
	_ =	sdelay $0x1  }
0x8a: {  	s1 =	srdreg.scid  }
0x8b: {  	s0 =	sand.u32 $0x1, s1  }
0x8c: {  	s17 =	sshll.u32 s0, $0xA;
	s2 =	sadd.s32 s3, s2  }
0x8d: {  	s2 =	sadd.s32 s2, s17  }
0x8e: {  	[smem:$0x3FC2] =	sst s2  }
0x8f: {  	_ = 	snop  }
0x90: {  	s2 =	sld [smem:$0x3FD0];
	(tm) =	ssettm $0x1  }
0x91: {  	s18 =	sld [smem:$0x3FFB];
	_ =	sdelay $0x3  }
0x92: {  	_ =	strace s18  }
0x93: {  	s3 =	sld [smem:$0x3FFC];
	_ =	sdelay $0x3  }
0x94: {  	_ =	strace s3  }
0x95: {  	s3 =	sld [smem:$0x3FFD];
	_ =	sdelay $0x3  }
0x96: {  	_ =	strace s3  }
0x97: {  	_ =	strace $0x8FFFFFFF  }
0x98: {  	s19 =	sld [smem:$0x3FDB];
	_ =	sdelay $0x1  }
0x99: {  	s4 =	simm.s32 $_scs_section_size  }
0x9a: {  	s5 =	simm.s32 $_size__tile_overlayer_lowered;
	s6 =	simm.s32 $_tile_overlayer_lowered  }
0x9b: {  	s22 =	simm.s32 $0x1BFF;
	s21 =	sshll.u32 s6, $0x1;
	s3 =	sadd.s32 s4, s19  }
0x9c: {  	s7 =	simm.s32 $0x0;
	s20 =	sshll.u32 s5, $0x1;
	s5 =	sadd.s32 s21, s3  }
0x9d: {  	[timem:s7], [sflag:s22] =	dma.local [hbm:s5], s20  }
0x9e: {  	_ =	swait.ge [sflag:s22], s20  }
0x9f: {  	s4 =	ssub.s32 $0x0, s20;
	[sflag:s22] =	ssyncset.done $0x0  }
0xa0: {  	[sflag:s22] =	ssyncadd.s32 s4;
	_ =	sdelay $0x1  }
0xa1: {  	s23 =	simm.s32 $0x1B8B  }
0xa2: {  	_ =	swait.ge [sflag:s23], $0x1  }
0xa3: {  	[sflag:s23] =	ssyncset.done $0x0  }
0xa4: {  	s25 =	simm.s32 $0x1B8E;
	s24 =	sld [smem:$0x3FFE];
	[sflag:s23] =	ssyncadd.s32 $0xFFFFFFFF  }
0xa5: {  	s26 =	simm.s32 $execute0_lowered;
	[smem:$0x3FD2] =	sst s25  }
0xa6: {  	s5 =	sshll.u32 s26, $0x1;
	_ =	strace $0x8000004C;
	[dreg:$0x1] =	wrdreg $0xFFFFFFFF  }
0xa7: {  	s28 =	simm.s32 $_size_execute0_lowered;
	s3 =	sadd.s32 s3, s5;
	[dreg:$0x0] =	wrdreg $0x0  }
0xa8: {  	s5 =	sshll.u32 s28, $0x1;
	[dreg:$0x2] =	wrdreg s3  }
0xa9: {  	[dreg:$0x3] =	wrdreg s5  }
0xaa: {  	[dreg:$0x4] =	wrdreg $0xC0  }
0xab: {  	_ =	task [dreg:s7], $0x5FFFF  }
0xac: {  	[dreg:$0x1] =	wrdreg $0xFFFFFFFF  }
0xad: {  	[dreg:$0x0] =	wrdreg $0x60  }
0xae: {  	[dreg:$0x2] =	wrdreg s24  }
0xaf: {  	[dreg:$0x3] =	wrdreg s2  }
0xb0: {  	[dreg:$0x4] =	wrdreg $0x4F000  }
0xb1: {  	[dreg:$0x5] =	wrdreg $0xB3000  }
0xb2: {  	[dreg:$0x6] =	wrdreg $0x9  }
0xb3: {  	_ =	task.clear_ibuf [dreg:s7], $0x7FFFF;
	_ =	strace $0x9000004C  }
0xb4: {  	s29 =	simm.s32 $0x9;
	_ =	strace $0x8000004E  }
0xb5: {  	_ =	swait.ge [sflag:s29], $0x1  }
0xb6: {  	[sflag:s29] =	ssyncadd.s32 $0xFFFFFFFF  }
0xb7: {  	_ =	strace $0x9000004E  }
0xb8: {  	_ =	sfence  }
0xb9: {  	s30 =	sld [smem:$0x0];
	_ =	sdelay $0x2  }
0xba: {  	s31 =	sshll.u32 s1, $0xD;
	s1 =	sshrl.u32 s1, $0x2  }
0xbb: {  	s3 =	sand.u32 $0x4000, s31;
	s1 =	sadd.s32 s1, s30  }
0xbc: {  	s0 =	sor.u32 s3, s0;
	s1 =	sshll.u32 s1, $0x11  }
0xbd: {  	s0 =	sor.u32 s1, s0  }
0xbe: {  	s0 =	sadd.s32 $0x8F2B, s0  }
0xbf: {  	[sflag:s0] =	ssyncadd.remote.s32 $0x1  }
0xc0: {  	_ =	sfence.sel $0xFFFF  }
0xc1: {  	[dreg:$0x0] =	wrdreg $0xFFFFFFFF;
	(pc) =	sbr.abs _section_cstart, $3  }
0xc2: {  	[dreg:$0x1] =	wrdreg $0xFFFFFFFF  }
0xc3: {  	_ =	task.clear_ibuf [dreg:s7], $0x2FFFF;
	_ =	strace $0x9FFFFFFF  }
0xc4: {  	(tm) =	ssettm $0x7FFFFFFF  }
0xc5: {  	_ =	shalt  }
tec
execute0_lowered:
.L_overlay_start_1:
0x0: {  	(tag) =	ssettag $0x1  }
0x1: {  	s0 =	rddreg [dreg:$0x0]  }
0x2: {  	s1 =	rddreg [dreg:$0x1]  }
0x3: {  	s2 =	rddreg [dreg:$0x2]  }
0x4: {  	s3 =	rddreg [dreg:$0x3];
	s12 =	stileid.u32  }
0x5: {  	s5 =	srdreg.scid;
	s6 =	simm.s32 $0x0;
	s14 =	simm.s32 $0x11  }
0x6: {  	s28 =	simm.s32 $0x1;
	s29 =	simm.s32 $0x2;
	s30 =	simm.s32 $0x3  }
0x7: {  	s31 =	simm.s32 $0x4;
	s13 =	simm.s32 $0xF;
	s4 =	smul.u32 $0x6400, s12  }
0x8: {  	s5 =	sand.u32 $0x1, s5;
	[smem:$0x7FF] =	sst s6;
	s8 =	sadd.s32 $0x1E00, s0  }
0x9: {  	s10 =	sshll.u32 s12, $0x1;
	s19 =	sshll.u32 s12, $0x6;
	s20 =	smul.u32 $0x61A8, s12  }
0xa: {  	p0 =	sgt.u32 s12, $0x1;
	s12 =	simm.s32 $0xE;
	s7 =	smul.u32 $0x64000, s5  }
0xb: {  	_ =	strace $0x8000004D;
	s9 =	ssub.s32 $0x2, s5;
	s5 =	sor.u32 s5, s10  }
0xc: {  	s15 =	sor.u32 $0x1C11, s19;
	s19 =	simm.s32 $0x114A8;
	s10 =	simm.s32 $0xC  }
0xd: {  	s16 =	sshrl.u32 s4, $0x3;
	s11 =	sshrl.u32 s9, $0x1;
	s18 =	smul.u32 $0x2700, s5  }
0xe: {  	s5 =	sshll.u32 s5, $0x4;
	s23 =	sshrl.u32 s20, $0x3;
	s24 =	sadd.s32 s20, s3  }
0xf: {  	s20 =	simm.s32 $0x128A8;
	[dreg:$0x6] =	wrdreg s15;
	s6 =	sadd.s32 s16, s0  }
0x10: {  	s7 =	sadd.s32 s4, s7;
	s17 =	ssub.s32 s9, s11;
	s4 =	sadd.s32 s4, s2  }
0x11: {  	s5 =	sadd.s32 s5, s8;
	s1 =	sadd.s32 s1, s23;
	s26 =	sshrl.u32 s24, $0x3  }
0x12: {  	s23 =	simm.s32 $0x164A8;
	s24 =	simm.s32 $0x178A8;
	s16 =	simm.s32 $0x7  }
0x13: {  	s11 =	simm.s32 $0xD;
	s7 =	sshrl.u32 s7, $0x3;
	s6 =	sadd.s32 $0x15800, s6  }
0x14: {  	s9 =	sshrl.u32 s18, $0x3;
	s22 =	sadd.s32 $0x9C00, s5;
	[dreg:$0xb] =	wrdreg s1  }
0x15: {  	s5 =	sadd.s32 $0x13840, s5;
	s25 =	smax.u32 s17, $0x1;
	[dreg:$0xf] =	wrdreg s26  }
0x16: {  	s18 =	simm.s32 $0x80;
	s26 =	simm.s32 $0x1A0A8;
	[dreg:$0x5] =	wrdreg s6  }
0x17: {  	s1 =	simm.s32 $0x5;
	s17 =	simm.s32 $0x10;
	[dreg:$0x9] =	wrdreg s22  }
0x18: {  	s0 =	sadd.s32 s7, s0;
	s21 =	sadd.s32 s8, s9;
	[dreg:$0xa] =	wrdreg s5  }
0x19: {  	[dreg:$0xd] =	wrdreg s25;
	s7 =	sshrl.u32 s4, $0x3;
	s22 =	simm.s32 $0x150A8  }
0x1a: {  	s25 =	simm.s32 $0x18CA8;
	s4 =	simm.s32 $0x8;
	[dreg:$0x7] =	wrdreg s21  }
0x1b: {  	s5 =	simm.s32 $0x9;
	s6 =	sadd.s32 $0x9C40, s21;
	[dreg:$0xe] =	wrdreg s7  }
0x1c: {  	s8 =	simm.s32 $0xA;
	s0 =	sadd.s32 $0x22000, s0;
	[dreg:$0x8] =	wrdreg s6  }
0x1d: {  	s9 =	simm.s32 $0xB;
	[dreg:$0xc] =	wrdreg s0;
	s6 =	simm.s32 $0x0  }
0x1e: {  	s21 =	simm.s32 $0x13CA8;
	s0 =	simm.s32 $0x6;
	[dreg:$0x10] =	wrdreg s6  }
.LBB2_1:
0x1f: {  	s6 =	rddreg [dreg:$0x5]  }
0x20: {  	[spmem:s7], [sflag:s15] =	dma.local [hbm:s6], $0xC80  }
0x21: {  	_ =	swait.ge [sflag:s14], $0xC80  }
0x22: {  	[sflag:s14] =	ssyncset.done $0x0  }
0x23: {  	s15 =	simm.s32 $0x0;
	s6 =	rddreg [dreg:$0x7];
	[sflag:s14] =	ssyncadd.s32 $0xFFFFF380  }
0x24: {  	[tilespmem:s15], [sflag:$0x11] =	stream.linear.gather [hbm4b:s6+s15], $0x2700, $0x38;
	[tilespmem:$0x1B4A8] =	vst v63  }
0x25: {  	_ =	swait.ge [sflag:s14], $0x2700  }
0x26: {  	[sflag:s14] =	ssyncset.done $0x0  }
0x27: {  	s6 =	simm.s32 $0x2700;
	s7 =	rddreg [dreg:$0x8];
	[sflag:s14] =	ssyncadd.s32 $0xFFFFD900  }
0x28: {  	[tilespmem:s6], [sflag:$0x11] =	stream.linear.gather [hbm4b:s7+s15], $0x2700, $0x38;
	[tilespmem:$0x1B4A8] =	vst v63  }
0x29: {  	_ =	swait.ge [sflag:s14], $0x2700  }
0x2a: {  	s6 =	simm.s32 @!p0 $0x0;
	[sflag:s14] =	ssyncset.done $0x0  }
0x2b: {  	s7 =	simm.s32 @!p0 $0x4E00;
	[sflag:s14] =	ssyncadd.s32 $0xFFFFD900;
	s14 =	rddreg [dreg:$0x9]  }
0x2c: {  	[tilespmem:s7], [sflag:$0x11] =	stream.linear.gather @!p0 [hbm4b:s14+s6], $0x80, $0x38;
	[tilespmem:$0x1B4A8] =	vst v63  }
0x2d: {  	s7 =	simm.s32 @!p0 $0x11  }
0x2e: {  	_ =	swait.ge @!p0 [sflag:s7], $0x80  }
0x2f: {  	s15 =	simm.s32 @!p0 $0x0;
	[sflag:s7] =	ssyncset.done @!p0 $0x0  }
0x30: {  	s14 =	simm.s32 @!p0 $0x4E80;
	s6 =	rddreg [dreg:$0xa];
	[sflag:s7] =	ssyncadd.s32 @!p0 $0xFFFFFF80  }
0x31: {  	[tilespmem:s14], [sflag:$0x11] =	stream.linear.gather @!p0 [hbm4b:s6+s15], $0x80, $0x38;
	[tilespmem:$0x1B4A8] =	vst v63  }
0x32: {  	_ =	swait.ge @!p0 [sflag:s7], $0x80  }
0x33: {  	s6 =	rddreg [dreg:$0x6]  }
0x34: {  	[sflag:s7] =	ssyncset.done @!p0 $0x0;
	s15 =	rddreg [dreg:$0xf]  }
0x35: {  	s14 =	simm.s32 $0x11;
	[sflag:s7] =	ssyncadd.s32 @!p0 $0xFFFFFF80;
	s7 =	rddreg [dreg:$0xb]  }
0x36: {  	[spmem:s15], [sflag:s6] =	dma.local [hbm:s7], $0xC35  }
0x37: {  	_ =	swait.ge [sflag:s14], $0xC35  }
0x38: {  	[sflag:s14] =	ssyncset.done $0x0  }
0x39: {  	[sflag:s14] =	ssyncadd.s32 $0xFFFFF3CB  }
0x3a: {  	s15 =	simm.s32 $0x0;
	[bflag:$0x0] =	sbarrier.arrive $0xFFFF  }
0x3b: {  	[tilespmem:s19], [sflag:$0x1] =	stream.indirect.gather [spmem:s3], $0x28, s15, s18, $0xb8;
	[tilespmem:$0x1B4A8] =	vst v63  }
0x3c: {  	s7 =	simm.s32 $0x80  }
0x3d: {  	[tilespmem:s20], [sflag:$0x2] =	stream.indirect.gather [spmem:s3], $0x28, s7, s18, $0xb8;
	[tilespmem:$0x1B4A8] =	vst v63  }
0x3e: {  	s14 =	simm.s32 $0x100  }
0x3f: {  	[tilespmem:s21], [sflag:$0x3] =	stream.indirect.gather [spmem:s3], $0x28, s14, s18, $0xb8;
	[tilespmem:$0x1B4A8] =	vst v63  }
0x40: {  	s15 =	simm.s32 $0x180  }
0x41: {  	[tilespmem:s22], [sflag:$0x4] =	stream.indirect.gather [spmem:s3], $0x28, s15, s18, $0xb8;
	[tilespmem:$0x1B4A8] =	vst v63  }
0x42: {  	s7 =	simm.s32 $0x200  }
0x43: {  	[tilespmem:s23], [sflag:$0x5] =	stream.indirect.gather [spmem:s3], $0x28, s7, s18, $0xb8;
	[tilespmem:$0x1B4A8] =	vst v63  }
0x44: {  	s14 =	simm.s32 $0x280  }
0x45: {  	[tilespmem:s24], [sflag:$0x6] =	stream.indirect.gather [spmem:s3], $0x28, s14, s18, $0xb8;
	[tilespmem:$0x1B4A8] =	vst v63  }
0x46: {  	s15 =	simm.s32 $0x300  }
0x47: {  	[tilespmem:s25], [sflag:$0x7] =	stream.indirect.gather [spmem:s3], $0x28, s15, s18, $0xb8;
	[tilespmem:$0x1B4A8] =	vst v63  }
0x48: {  	s7 =	simm.s32 $0x380  }
0x49: {  	[tilespmem:s26], [sflag:$0x8] =	stream.indirect.gather [spmem:s3], $0x28, s7, s18, $0xb8;
	[tilespmem:$0x1B4A8] =	vst v63  }
0x4a: {  	_ =	swait.ge [sflag:s28], $0x1400  }
0x4b: {  	[sflag:s28] =	ssyncset.done $0x0  }
0x4c: {  	s14 =	simm.s32 $0x2700;
	[sflag:s28] =	ssyncadd.s32 $0xFFFFEC00  }
0x4d: {  	[spmem:s2] =	stream.indirect.scatter.add.f32 [tilespmem:s19], [sflag:$0x9], $0x28, s14, s18, $0xb8;
	[tilespmem:$0x1B4A8] =	vst v63  }
0x4e: {  	_ =	swait.ge [sflag:s29], $0x1400  }
0x4f: {  	[sflag:s29] =	ssyncset.done $0x0  }
0x50: {  	s15 =	simm.s32 $0x2780;
	[sflag:s29] =	ssyncadd.s32 $0xFFFFEC00  }
0x51: {  	[spmem:s2] =	stream.indirect.scatter.add.f32 [tilespmem:s20], [sflag:$0xA], $0x28, s15, s18, $0xb8;
	[tilespmem:$0x1B4A8] =	vst v63  }
0x52: {  	_ =	swait.ge [sflag:s30], $0x1400  }
0x53: {  	[sflag:s30] =	ssyncset.done $0x0  }
0x54: {  	s7 =	simm.s32 $0x2800;
	[sflag:s30] =	ssyncadd.s32 $0xFFFFEC00  }
0x55: {  	[spmem:s2] =	stream.indirect.scatter.add.f32 [tilespmem:s21], [sflag:$0xB], $0x28, s7, s18, $0xb8;
	[tilespmem:$0x1B4A8] =	vst v63  }
0x56: {  	_ =	swait.ge [sflag:s31], $0x1400  }
0x57: {  	[sflag:s31] =	ssyncset.done $0x0  }
0x58: {  	s14 =	simm.s32 $0x2880;
	[sflag:s31] =	ssyncadd.s32 $0xFFFFEC00  }
0x59: {  	[spmem:s2] =	stream.indirect.scatter.add.f32 [tilespmem:s22], [sflag:$0xC], $0x28, s14, s18, $0xb8;
	[tilespmem:$0x1B4A8] =	vst v63  }
0x5a: {  	_ =	swait.ge [sflag:s1], $0x1400  }
0x5b: {  	[sflag:s1] =	ssyncset.done $0x0  }
0x5c: {  	s15 =	simm.s32 $0x2900;
	[sflag:s1] =	ssyncadd.s32 $0xFFFFEC00  }
0x5d: {  	[spmem:s2] =	stream.indirect.scatter.add.f32 [tilespmem:s23], [sflag:$0xD], $0x28, s15, s18, $0xb8;
	[tilespmem:$0x1B4A8] =	vst v63  }
0x5e: {  	_ =	swait.ge [sflag:s0], $0x1400  }
0x5f: {  	[sflag:s0] =	ssyncset.done $0x0  }
0x60: {  	s7 =	simm.s32 $0x2980;
	[sflag:s0] =	ssyncadd.s32 $0xFFFFEC00  }
0x61: {  	[spmem:s2] =	stream.indirect.scatter.add.f32 [tilespmem:s24], [sflag:$0xE], $0x28, s7, s18, $0xb8;
	[tilespmem:$0x1B4A8] =	vst v63  }
0x62: {  	_ =	swait.ge [sflag:s16], $0x1400  }
0x63: {  	[sflag:s16] =	ssyncset.done $0x0  }
0x64: {  	s14 =	simm.s32 $0x2A00;
	[sflag:s16] =	ssyncadd.s32 $0xFFFFEC00  }
0x65: {  	[spmem:s2] =	stream.indirect.scatter.add.f32 [tilespmem:s25], [sflag:$0xF], $0x28, s14, s18, $0xb8;
	[tilespmem:$0x1B4A8] =	vst v63  }
0x66: {  	_ =	swait.ge [sflag:s4], $0x1400  }
0x67: {  	[sflag:s4] =	ssyncset.done $0x0  }
0x68: {  	s15 =	simm.s32 $0x2A80;
	[sflag:s4] =	ssyncadd.s32 $0xFFFFEC00  }
0x69: {  	[spmem:s2] =	stream.indirect.scatter.add.f32 [tilespmem:s26], [sflag:$0x10], $0x28, s15, s18, $0xb8;
	[tilespmem:$0x1B4A8] =	vst v63  }
0x6a: {  	_ =	swait.ge [sflag:s5], $0x1400  }
0x6b: {  	[sflag:s5] =	ssyncset.done $0x0  }
0x6c: {  	[sflag:s5] =	ssyncadd.s32 $0xFFFFEC00  }
0x6d: {  	_ =	swait.ge [sflag:s8], $0x1400  }
0x6e: {  	[sflag:s8] =	ssyncset.done $0x0  }
0x6f: {  	[sflag:s8] =	ssyncadd.s32 $0xFFFFEC00  }
0x70: {  	_ =	swait.ge [sflag:s9], $0x1400  }
0x71: {  	[sflag:s9] =	ssyncset.done $0x0  }
0x72: {  	[sflag:s9] =	ssyncadd.s32 $0xFFFFEC00  }
0x73: {  	_ =	swait.ge [sflag:s10], $0x1400  }
0x74: {  	[sflag:s10] =	ssyncset.done $0x0  }
0x75: {  	[sflag:s10] =	ssyncadd.s32 $0xFFFFEC00  }
0x76: {  	_ =	swait.ge [sflag:s11], $0x1400  }
0x77: {  	[sflag:s11] =	ssyncset.done $0x0  }
0x78: {  	[sflag:s11] =	ssyncadd.s32 $0xFFFFEC00  }
0x79: {  	_ =	swait.ge [sflag:s12], $0x1400  }
0x7a: {  	[sflag:s12] =	ssyncset.done $0x0  }
0x7b: {  	[sflag:s12] =	ssyncadd.s32 $0xFFFFEC00  }
0x7c: {  	_ =	swait.ge [sflag:s13], $0x1400  }
0x7d: {  	[sflag:s13] =	ssyncset.done $0x0  }
0x7e: {  	[sflag:s13] =	ssyncadd.s32 $0xFFFFEC00  }
0x7f: {  	_ =	swait.ge [sflag:s17], $0x1400  }
0x80: {  	s6 =	simm.s32 $0x2000;
	s14 =	simm.s32 $0x1000;
	[sflag:s17] =	ssyncset.done $0x0  }
.LBB2_2:
0x81: {  	s15 =	sshra.s32 s14, $0x2  }
0x82: {  	[sflag:s17] =	ssyncadd.s32 $0xFFFFEC00;
	s14 =	smov.u32 s6;
	s7 =	sadd.s32 $0x1000, s6  }
0x83: {  	[tilespmem:s19], [sflag:$0x1] =	stream.indirect.gather [spmem:s3], $0x28, s15, s18, $0xb8;
	[tilespmem:$0x1B4A8] =	vst v63  }
0x84: {  	p1 =	sne.s32 s6, $0x8000;
	s6 =	sadd.s32 $0x80, s15  }
0x85: {  	[tilespmem:s20], [sflag:$0x2] =	stream.indirect.gather [spmem:s3], $0x28, s6, s18, $0xb8;
	[tilespmem:$0x1B4A8] =	vst v63  }
0x86: {  	s6 =	sadd.s32 $0x100, s15  }
0x87: {  	[tilespmem:s21], [sflag:$0x3] =	stream.indirect.gather [spmem:s3], $0x28, s6, s18, $0xb8;
	[tilespmem:$0x1B4A8] =	vst v63  }
0x88: {  	s6 =	sadd.s32 $0x180, s15  }
0x89: {  	[tilespmem:s22], [sflag:$0x4] =	stream.indirect.gather [spmem:s3], $0x28, s6, s18, $0xb8;
	[tilespmem:$0x1B4A8] =	vst v63  }
0x8a: {  	s6 =	sadd.s32 $0x200, s15  }
0x8b: {  	[tilespmem:s23], [sflag:$0x5] =	stream.indirect.gather [spmem:s3], $0x28, s6, s18, $0xb8;
	[tilespmem:$0x1B4A8] =	vst v63  }
0x8c: {  	s6 =	sadd.s32 $0x280, s15  }
0x8d: {  	[tilespmem:s24], [sflag:$0x6] =	stream.indirect.gather [spmem:s3], $0x28, s6, s18, $0xb8;
	[tilespmem:$0x1B4A8] =	vst v63  }
0x8e: {  	s6 =	sadd.s32 $0x300, s15  }
0x8f: {  	[tilespmem:s25], [sflag:$0x7] =	stream.indirect.gather [spmem:s3], $0x28, s6, s18, $0xb8;
	[tilespmem:$0x1B4A8] =	vst v63  }
0x90: {  	s6 =	sadd.s32 $0x380, s15  }
0x91: {  	[tilespmem:s26], [sflag:$0x8] =	stream.indirect.gather [spmem:s3], $0x28, s6, s18, $0xb8;
	[tilespmem:$0x1B4A8] =	vst v63  }
0x92: {  	_ =	swait.ge [sflag:s28], $0x1400  }
0x93: {  	[sflag:s28] =	ssyncset.done $0x0  }
0x94: {  	s6 =	sadd.s32 $0x2700, s15;
	[sflag:s28] =	ssyncadd.s32 $0xFFFFEC00  }
0x95: {  	[spmem:s2] =	stream.indirect.scatter.add.f32 [tilespmem:s19], [sflag:$0x9], $0x28, s6, s18, $0xb8;
	[tilespmem:$0x1B4A8] =	vst v63  }
0x96: {  	_ =	swait.ge [sflag:s29], $0x1400  }
0x97: {  	[sflag:s29] =	ssyncset.done $0x0  }
0x98: {  	s6 =	sadd.s32 $0x2780, s15;
	[sflag:s29] =	ssyncadd.s32 $0xFFFFEC00  }
0x99: {  	[spmem:s2] =	stream.indirect.scatter.add.f32 [tilespmem:s20], [sflag:$0xA], $0x28, s6, s18, $0xb8;
	[tilespmem:$0x1B4A8] =	vst v63  }
0x9a: {  	_ =	swait.ge [sflag:s30], $0x1400  }
0x9b: {  	[sflag:s30] =	ssyncset.done $0x0  }
0x9c: {  	s6 =	sadd.s32 $0x2800, s15;
	[sflag:s30] =	ssyncadd.s32 $0xFFFFEC00  }
0x9d: {  	[spmem:s2] =	stream.indirect.scatter.add.f32 [tilespmem:s21], [sflag:$0xB], $0x28, s6, s18, $0xb8;
	[tilespmem:$0x1B4A8] =	vst v63  }
0x9e: {  	_ =	swait.ge [sflag:s31], $0x1400  }
0x9f: {  	[sflag:s31] =	ssyncset.done $0x0  }
0xa0: {  	s6 =	sadd.s32 $0x2880, s15;
	[sflag:s31] =	ssyncadd.s32 $0xFFFFEC00  }
0xa1: {  	[spmem:s2] =	stream.indirect.scatter.add.f32 [tilespmem:s22], [sflag:$0xC], $0x28, s6, s18, $0xb8;
	[tilespmem:$0x1B4A8] =	vst v63  }
0xa2: {  	_ =	swait.ge [sflag:s1], $0x1400  }
0xa3: {  	[sflag:s1] =	ssyncset.done $0x0  }
0xa4: {  	s6 =	sadd.s32 $0x2900, s15;
	[sflag:s1] =	ssyncadd.s32 $0xFFFFEC00  }
0xa5: {  	[spmem:s2] =	stream.indirect.scatter.add.f32 [tilespmem:s23], [sflag:$0xD], $0x28, s6, s18, $0xb8;
	[tilespmem:$0x1B4A8] =	vst v63  }
0xa6: {  	_ =	swait.ge [sflag:s0], $0x1400  }
0xa7: {  	[sflag:s0] =	ssyncset.done $0x0  }
0xa8: {  	s6 =	sadd.s32 $0x2980, s15;
	[sflag:s0] =	ssyncadd.s32 $0xFFFFEC00  }
0xa9: {  	[spmem:s2] =	stream.indirect.scatter.add.f32 [tilespmem:s24], [sflag:$0xE], $0x28, s6, s18, $0xb8;
	[tilespmem:$0x1B4A8] =	vst v63  }
0xaa: {  	_ =	swait.ge [sflag:s16], $0x1400  }
0xab: {  	[sflag:s16] =	ssyncset.done $0x0  }
0xac: {  	s6 =	sadd.s32 $0x2A00, s15;
	[sflag:s16] =	ssyncadd.s32 $0xFFFFEC00  }
0xad: {  	[spmem:s2] =	stream.indirect.scatter.add.f32 [tilespmem:s25], [sflag:$0xF], $0x28, s6, s18, $0xb8;
	[tilespmem:$0x1B4A8] =	vst v63  }
0xae: {  	_ =	swait.ge [sflag:s4], $0x1400  }
0xaf: {  	[sflag:s4] =	ssyncset.done $0x0  }
0xb0: {  	s6 =	sadd.s32 $0x2A80, s15;
	[sflag:s4] =	ssyncadd.s32 $0xFFFFEC00  }
0xb1: {  	[spmem:s2] =	stream.indirect.scatter.add.f32 [tilespmem:s26], [sflag:$0x10], $0x28, s6, s18, $0xb8;
	[tilespmem:$0x1B4A8] =	vst v63  }
0xb2: {  	_ =	swait.ge [sflag:s5], $0x1400  }
0xb3: {  	[sflag:s5] =	ssyncset.done $0x0  }
0xb4: {  	[sflag:s5] =	ssyncadd.s32 $0xFFFFEC00  }
0xb5: {  	_ =	swait.ge [sflag:s8], $0x1400  }
0xb6: {  	[sflag:s8] =	ssyncset.done $0x0  }
0xb7: {  	[sflag:s8] =	ssyncadd.s32 $0xFFFFEC00  }
0xb8: {  	_ =	swait.ge [sflag:s9], $0x1400  }
0xb9: {  	[sflag:s9] =	ssyncset.done $0x0  }
0xba: {  	[sflag:s9] =	ssyncadd.s32 $0xFFFFEC00  }
0xbb: {  	_ =	swait.ge [sflag:s10], $0x1400  }
0xbc: {  	[sflag:s10] =	ssyncset.done $0x0  }
0xbd: {  	[sflag:s10] =	ssyncadd.s32 $0xFFFFEC00  }
0xbe: {  	_ =	swait.ge [sflag:s11], $0x1400  }
0xbf: {  	[sflag:s11] =	ssyncset.done $0x0  }
0xc0: {  	[sflag:s11] =	ssyncadd.s32 $0xFFFFEC00  }
0xc1: {  	_ =	swait.ge [sflag:s12], $0x1400  }
0xc2: {  	[sflag:s12] =	ssyncset.done $0x0  }
0xc3: {  	[sflag:s12] =	ssyncadd.s32 $0xFFFFEC00  }
.Ltmp0:
0xc4: {  	_ =	swait.ge [sflag:s13], $0x1400;
	(pc) =	sbr.rel @p1 .LBB2_2-.Ltmp0, $4  }
0xc5: {  	[sflag:s13] =	ssyncset.done $0x0  }
0xc6: {  	[sflag:s13] =	ssyncadd.s32 $0xFFFFEC00  }
0xc7: {  	_ =	swait.ge [sflag:s17], $0x1400  }
0xc8: {  	s6 =	smov.u32 s7;
	[sflag:s17] =	ssyncset.done $0x0  }
0xc9: {  	s6 =	sshra.s32 s14, $0x2;
	[sflag:s17] =	ssyncadd.s32 $0xFFFFEC00  }
0xca: {  	[tilespmem:s19], [sflag:$0x1] =	stream.indirect.gather [spmem:s3], $0x28, s6, s18, $0xb8;
	[tilespmem:$0x1B4A8] =	vst v63  }
0xcb: {  	s7 =	sadd.s32 $0x80, s6  }
0xcc: {  	[tilespmem:s20], [sflag:$0x2] =	stream.indirect.gather [spmem:s3], $0x28, s7, s18, $0xb8;
	[tilespmem:$0x1B4A8] =	vst v63  }
0xcd: {  	s15 =	sadd.s32 $0x100, s6  }
0xce: {  	[tilespmem:s21], [sflag:$0x3] =	stream.indirect.gather [spmem:s3], $0x28, s15, s18, $0xb8;
	[tilespmem:$0x1B4A8] =	vst v63  }
0xcf: {  	s14 =	sadd.s32 $0x180, s6  }
0xd0: {  	[tilespmem:s22], [sflag:$0x4] =	stream.indirect.gather [spmem:s3], $0x28, s14, s18, $0xb8;
	[tilespmem:$0x1B4A8] =	vst v63  }
0xd1: {  	s15 =	sadd.s32 $0x200, s6  }
0xd2: {  	[tilespmem:s23], [sflag:$0x5] =	stream.indirect.gather [spmem:s3], $0x28, s15, s18, $0xb8;
	[tilespmem:$0x1B4A8] =	vst v63  }
0xd3: {  	s14 =	sadd.s32 $0x280, s6  }
0xd4: {  	[tilespmem:s24], [sflag:$0x6] =	stream.indirect.gather [spmem:s3], $0x28, s14, s18, $0xb8;
	[tilespmem:$0x1B4A8] =	vst v63  }
0xd5: {  	s15 =	sadd.s32 $0x300, s6  }
0xd6: {  	[tilespmem:s25], [sflag:$0x7] =	stream.indirect.gather [spmem:s3], $0x28, s15, s18, $0xb8;
	[tilespmem:$0x1B4A8] =	vst v63  }
0xd7: {  	s14 =	sadd.s32 $0x380, s6  }
0xd8: {  	[tilespmem:s26], [sflag:$0x8] =	stream.indirect.gather [spmem:s3], $0x28, s14, s18, $0xb8;
	[tilespmem:$0x1B4A8] =	vst v63  }
0xd9: {  	_ =	swait.ge [sflag:s28], $0x1400  }
0xda: {  	[sflag:s28] =	ssyncset.done $0x0  }
0xdb: {  	s15 =	sadd.s32 $0x2700, s6;
	[sflag:s28] =	ssyncadd.s32 $0xFFFFEC00  }
0xdc: {  	[spmem:s2] =	stream.indirect.scatter.add.f32 [tilespmem:s19], [sflag:$0x9], $0x28, s15, s18, $0xb8;
	[tilespmem:$0x1B4A8] =	vst v63  }
0xdd: {  	_ =	swait.ge [sflag:s29], $0x1400  }
0xde: {  	[sflag:s29] =	ssyncset.done $0x0  }
0xdf: {  	s14 =	sadd.s32 $0x2780, s6;
	[sflag:s29] =	ssyncadd.s32 $0xFFFFEC00  }
0xe0: {  	[spmem:s2] =	stream.indirect.scatter.add.f32 [tilespmem:s20], [sflag:$0xA], $0x28, s14, s18, $0xb8;
	[tilespmem:$0x1B4A8] =	vst v63  }
0xe1: {  	_ =	swait.ge [sflag:s30], $0x1400  }
0xe2: {  	[sflag:s30] =	ssyncset.done $0x0  }
0xe3: {  	s15 =	sadd.s32 $0x2800, s6;
	[sflag:s30] =	ssyncadd.s32 $0xFFFFEC00  }
0xe4: {  	[spmem:s2] =	stream.indirect.scatter.add.f32 [tilespmem:s21], [sflag:$0xB], $0x28, s15, s18, $0xb8;
	[tilespmem:$0x1B4A8] =	vst v63  }
0xe5: {  	_ =	swait.ge [sflag:s31], $0x1400  }
0xe6: {  	[sflag:s31] =	ssyncset.done $0x0  }
0xe7: {  	s14 =	sadd.s32 $0x2880, s6;
	[sflag:s31] =	ssyncadd.s32 $0xFFFFEC00  }
0xe8: {  	[spmem:s2] =	stream.indirect.scatter.add.f32 [tilespmem:s22], [sflag:$0xC], $0x28, s14, s18, $0xb8;
	[tilespmem:$0x1B4A8] =	vst v63  }
0xe9: {  	_ =	swait.ge [sflag:s1], $0x1400  }
0xea: {  	[sflag:s1] =	ssyncset.done $0x0  }
0xeb: {  	s15 =	sadd.s32 $0x2900, s6;
	[sflag:s1] =	ssyncadd.s32 $0xFFFFEC00  }
0xec: {  	[spmem:s2] =	stream.indirect.scatter.add.f32 [tilespmem:s23], [sflag:$0xD], $0x28, s15, s18, $0xb8;
	[tilespmem:$0x1B4A8] =	vst v63  }
0xed: {  	_ =	swait.ge [sflag:s0], $0x1400  }
0xee: {  	[sflag:s0] =	ssyncset.done $0x0  }
0xef: {  	s14 =	sadd.s32 $0x2980, s6;
	[sflag:s0] =	ssyncadd.s32 $0xFFFFEC00  }
0xf0: {  	[spmem:s2] =	stream.indirect.scatter.add.f32 [tilespmem:s24], [sflag:$0xE], $0x28, s14, s18, $0xb8;
	[tilespmem:$0x1B4A8] =	vst v63  }
0xf1: {  	_ =	swait.ge [sflag:s16], $0x1400  }
0xf2: {  	[sflag:s16] =	ssyncset.done $0x0  }
0xf3: {  	s15 =	sadd.s32 $0x2A00, s6;
	[sflag:s16] =	ssyncadd.s32 $0xFFFFEC00  }
0xf4: {  	[spmem:s2] =	stream.indirect.scatter.add.f32 [tilespmem:s25], [sflag:$0xF], $0x28, s15, s18, $0xb8;
	[tilespmem:$0x1B4A8] =	vst v63  }
0xf5: {  	_ =	swait.ge [sflag:s4], $0x1400  }
0xf6: {  	[sflag:s4] =	ssyncset.done $0x0  }
0xf7: {  	s6 =	sadd.s32 $0x2A80, s6;
	[sflag:s4] =	ssyncadd.s32 $0xFFFFEC00  }
0xf8: {  	[spmem:s2] =	stream.indirect.scatter.add.f32 [tilespmem:s26], [sflag:$0x10], $0x28, s6, s18, $0xb8;
	[tilespmem:$0x1B4A8] =	vst v63  }
0xf9: {  	_ =	swait.ge [sflag:s5], $0x1400  }
0xfa: {  	[sflag:s5] =	ssyncset.done $0x0  }
0xfb: {  	[sflag:s5] =	ssyncadd.s32 $0xFFFFEC00  }
0xfc: {  	_ =	swait.ge [sflag:s8], $0x1400  }
0xfd: {  	[sflag:s8] =	ssyncset.done $0x0  }
0xfe: {  	[sflag:s8] =	ssyncadd.s32 $0xFFFFEC00  }
0xff: {  	_ =	swait.ge [sflag:s9], $0x1400  }
0x100: {  	[sflag:s9] =	ssyncset.done $0x0  }
0x101: {  	[sflag:s9] =	ssyncadd.s32 $0xFFFFEC00  }
0x102: {  	_ =	swait.ge [sflag:s10], $0x1400  }
0x103: {  	[sflag:s10] =	ssyncset.done $0x0  }
0x104: {  	[sflag:s10] =	ssyncadd.s32 $0xFFFFEC00  }
0x105: {  	_ =	swait.ge [sflag:s11], $0x1400  }
0x106: {  	[sflag:s11] =	ssyncset.done $0x0  }
0x107: {  	[sflag:s11] =	ssyncadd.s32 $0xFFFFEC00  }
0x108: {  	_ =	swait.ge [sflag:s12], $0x1400  }
0x109: {  	[sflag:s12] =	ssyncset.done $0x0  }
0x10a: {  	[sflag:s12] =	ssyncadd.s32 $0xFFFFEC00  }
0x10b: {  	_ =	swait.ge [sflag:s13], $0x1400  }
0x10c: {  	[sflag:s13] =	ssyncset.done $0x0  }
0x10d: {  	[sflag:s13] =	ssyncadd.s32 $0xFFFFEC00  }
0x10e: {  	_ =	swait.ge [sflag:s17], $0x1400  }
0x10f: {  	[sflag:s17] =	ssyncset.done $0x0  }
0x110: {  	s7 =	simm.s32 $0x2400;
	[sflag:s17] =	ssyncadd.s32 $0xFFFFEC00  }
0x111: {  	[tilespmem:s19], [sflag:$0x1] =	stream.indirect.gather [spmem:s3], $0x28, s7, s18, $0xb8;
	[tilespmem:$0x1B4A8] =	vst v63  }
0x112: {  	s14 =	simm.s32 $0x2480  }
0x113: {  	[tilespmem:s20], [sflag:$0x2] =	stream.indirect.gather [spmem:s3], $0x28, s14, s18, $0xb8;
	[tilespmem:$0x1B4A8] =	vst v63  }
0x114: {  	s15 =	simm.s32 $0x2500  }
0x115: {  	[tilespmem:s21], [sflag:$0x3] =	stream.indirect.gather [spmem:s3], $0x28, s15, s18, $0xb8;
	[tilespmem:$0x1B4A8] =	vst v63  }
0x116: {  	s7 =	simm.s32 $0x2580  }
0x117: {  	[tilespmem:s22], [sflag:$0x4] =	stream.indirect.gather [spmem:s3], $0x28, s7, s18, $0xb8;
	[tilespmem:$0x1B4A8] =	vst v63  }
0x118: {  	s14 =	simm.s32 $0x2600  }
0x119: {  	[tilespmem:s23], [sflag:$0x5] =	stream.indirect.gather [spmem:s3], $0x28, s14, s18, $0xb8;
	[tilespmem:$0x1B4A8] =	vst v63  }
0x11a: {  	s15 =	simm.s32 $0x2680  }
0x11b: {  	[tilespmem:s24], [sflag:$0x6] =	stream.indirect.gather [spmem:s3], $0x28, s15, s18, $0xb8;
	[tilespmem:$0x1B4A8] =	vst v63  }
0x11c: {  	_ =	swait.ge [sflag:s28], $0x1400  }
0x11d: {  	[sflag:s28] =	ssyncset.done $0x0  }
0x11e: {  	s7 =	simm.s32 $0x4B00;
	[sflag:s28] =	ssyncadd.s32 $0xFFFFEC00  }
0x11f: {  	[spmem:s2] =	stream.indirect.scatter.add.f32 [tilespmem:s19], [sflag:$0x9], $0x28, s7, s18, $0xb8;
	[tilespmem:$0x1B4A8] =	vst v63  }
0x120: {  	_ =	swait.ge [sflag:s29], $0x1400  }
0x121: {  	[sflag:s29] =	ssyncset.done $0x0  }
0x122: {  	s14 =	simm.s32 $0x4B80;
	[sflag:s29] =	ssyncadd.s32 $0xFFFFEC00  }
0x123: {  	[spmem:s2] =	stream.indirect.scatter.add.f32 [tilespmem:s20], [sflag:$0xA], $0x28, s14, s18, $0xb8;
	[tilespmem:$0x1B4A8] =	vst v63  }
0x124: {  	_ =	swait.ge [sflag:s30], $0x1400  }
0x125: {  	[sflag:s30] =	ssyncset.done $0x0  }
0x126: {  	s15 =	simm.s32 $0x4C00;
	[sflag:s30] =	ssyncadd.s32 $0xFFFFEC00  }
0x127: {  	[spmem:s2] =	stream.indirect.scatter.add.f32 [tilespmem:s21], [sflag:$0xB], $0x28, s15, s18, $0xb8;
	[tilespmem:$0x1B4A8] =	vst v63  }
0x128: {  	_ =	swait.ge [sflag:s31], $0x1400  }
0x129: {  	[sflag:s31] =	ssyncset.done $0x0  }
0x12a: {  	s7 =	simm.s32 $0x4C80;
	[sflag:s31] =	ssyncadd.s32 $0xFFFFEC00  }
0x12b: {  	[spmem:s2] =	stream.indirect.scatter.add.f32 [tilespmem:s22], [sflag:$0xC], $0x28, s7, s18, $0xb8;
	[tilespmem:$0x1B4A8] =	vst v63  }
0x12c: {  	_ =	swait.ge [sflag:s1], $0x1400  }
0x12d: {  	[sflag:s1] =	ssyncset.done $0x0  }
0x12e: {  	s14 =	simm.s32 $0x4D00;
	[sflag:s1] =	ssyncadd.s32 $0xFFFFEC00  }
0x12f: {  	[spmem:s2] =	stream.indirect.scatter.add.f32 [tilespmem:s23], [sflag:$0xD], $0x28, s14, s18, $0xb8;
	[tilespmem:$0x1B4A8] =	vst v63  }
0x130: {  	_ =	swait.ge [sflag:s0], $0x1400  }
0x131: {  	[sflag:s0] =	ssyncset.done $0x0  }
0x132: {  	s15 =	simm.s32 $0x4D80;
	[sflag:s0] =	ssyncadd.s32 $0xFFFFEC00  }
0x133: {  	[spmem:s2] =	stream.indirect.scatter.add.f32 [tilespmem:s24], [sflag:$0xE], $0x28, s15, s18, $0xb8;
	[tilespmem:$0x1B4A8] =	vst v63  }
0x134: {  	_ =	swait.ge [sflag:s5], $0x1400  }
0x135: {  	[sflag:s5] =	ssyncset.done $0x0  }
0x136: {  	[sflag:s5] =	ssyncadd.s32 $0xFFFFEC00  }
0x137: {  	_ =	swait.ge [sflag:s8], $0x1400  }
0x138: {  	[sflag:s8] =	ssyncset.done $0x0  }
0x139: {  	[sflag:s8] =	ssyncadd.s32 $0xFFFFEC00  }
0x13a: {  	_ =	swait.ge [sflag:s9], $0x1400  }
0x13b: {  	[sflag:s9] =	ssyncset.done $0x0  }
0x13c: {  	[sflag:s9] =	ssyncadd.s32 $0xFFFFEC00  }
0x13d: {  	_ =	swait.ge [sflag:s10], $0x1400  }
0x13e: {  	[sflag:s10] =	ssyncset.done $0x0  }
0x13f: {  	[sflag:s10] =	ssyncadd.s32 $0xFFFFEC00  }
0x140: {  	_ =	swait.ge [sflag:s11], $0x1400  }
0x141: {  	[sflag:s11] =	ssyncset.done $0x0  }
0x142: {  	[sflag:s11] =	ssyncadd.s32 $0xFFFFEC00  }
0x143: {  	_ =	swait.ge [sflag:s12], $0x1400  }
0x144: {  	s6 =	simm.s32 @!p0 $0x80;
	[sflag:s12] =	ssyncset.done $0x0  }
0x145: {  	s7 =	simm.s32 @!p0 $0x4E00;
	s14 =	simm.s32 @!p0 $0x114A8;
	[sflag:s12] =	ssyncadd.s32 $0xFFFFEC00  }
0x146: {  	[tilespmem:s14], [sflag:$0x1] =	stream.indirect.gather @!p0 [spmem:s3], $0x28, s7, s6, $0xb8;
	[tilespmem:$0x1B4A8] =	vst v63  }
0x147: {  	s7 =	simm.s32 @!p0 $0x1  }
0x148: {  	_ =	swait.ge @!p0 [sflag:s7], $0x1400  }
0x149: {  	[sflag:s7] =	ssyncset.done @!p0 $0x0  }
0x14a: {  	[sflag:s7] =	ssyncadd.s32 @!p0 $0xFFFFEC00;
	s7 =	simm.s32 @!p0 $0x4E80  }
0x14b: {  	[spmem:s2] =	stream.indirect.scatter.add.f32 @!p0 [tilespmem:s14], [sflag:$0x9], $0x28, s7, s6, $0xb8;
	[tilespmem:$0x1B4A8] =	vst v63  }
0x14c: {  	s6 =	simm.s32 @!p0 $0x9  }
0x14d: {  	_ =	swait.ge @!p0 [sflag:s6], $0x1400  }
0x14e: {  	[sflag:s6] =	ssyncset.done @!p0 $0x0  }
0x14f: {  	[sflag:s6] =	ssyncadd.s32 @!p0 $0xFFFFEC00  }
0x150: {  	[bflag:$0x0] =	sbarrier.arrive $0xFFFF  }
0x151: {  	s6 =	rddreg [dreg:$0x6]  }
0x152: {  	s15 =	rddreg [dreg:$0xc]  }
0x153: {  	s14 =	simm.s32 $0x11;
	s7 =	rddreg [dreg:$0xe]  }
0x154: {  	[hbm:s15], [sflag:s6] =	dma.local [spmem:s7], $0xC80  }
0x155: {  	_ =	swait.ge [sflag:s14], $0xC80  }
0x156: {  	s15 =	rddreg [dreg:$0x10]  }
0x157: {  	s6 =	rddreg [dreg:$0xd];
	s15 =	sadd.s32 $0x1, s15  }
0x158: {  	p1 =	sne.s32 s15, s6  }
.Ltmp1:
0x159: {  	_ = 	snop;
	(pc) =	sbr.rel @p1 .LBB2_1-.Ltmp1, $3  }
0x15a: {  	_ =	sdelay $0x1  }
0x15b: {  	[sflag:s14] =	ssyncset.done $0x0;
	[dreg:$0x10] =	wrdreg s15  }
0x15c: {  	[sflag:s14] =	ssyncadd.s32 $0xFFFFF380;
	s15 =	rddreg [dreg:$0x6]  }
0x15d: {  	_ =	sfence.sel $0x180000  }
0x15e: {  	[bflag:$0x0] =	sbarrier.arrive $0xFFFF  }
0x15f: {  	_ =	strace $0x9000004D  }
0x160: {  	s0 =	stileid.u32;
	[bflag:$0x2] =	sbarrier.arrive $0xFFFF  }
0x161: {  	p0 =	sne.s32 s0, $0x0;
	s0 =	rddreg [dreg:$0x4]  }
0x162: {  	s0 =	sadd.s32 @!p0 $0x100000, s0  }
0x163: {  	[sflag:s0] =	ssyncadd.tile.s32 @!p0 $0x1;
	_ =	shalt  }
.Lfunc_end2:
_tile_overlayer_lowered:
.L_overlay_start_2:
0x164: {  	(tag) =	ssettag $0x2  }
0x165: {  	s0 =	rddreg [dreg:$0x0];
	s2 =	stileid.u32  }
0x166: {  	s1 =	rddreg [dreg:$0x1];
	p0 =	sne.s32 s2, $0x0  }
0x167: {  	s3 =	rddreg [dreg:$0x2];
	[bflag:$0x3] =	sbarrier.arrive $0xFFFF;
	s2 =	simm.s32 @!p0 $0x1C11  }
0x168: {  	[timem:s3], [sflag:s2] =	dma.local @!p0 [hbm:s0], s1  }
0x169: {  	s0 =	simm.s32 @!p0 $0x11  }
0x16a: {  	_ =	swait.ge @!p0 [sflag:s0], s1  }
0x16b: {  	s1 =	ssub.s32 @!p0 $0x0, s1;
	[sflag:s0] =	ssyncset.done @!p0 $0x0  }
0x16c: {  	[sflag:s0] =	ssyncadd.s32 @!p0 s1  }
0x16d: {  	[bflag:$0x3] =	sbarrier.arrive $0xFFFF  }
0x16e: {  	_ =	shalt  }

// kernel: kernel.8.cloned.1.call-start
scs
__scs_entry_jumppad:
0x0: {  	(pc) =	sbr.rel $0x88, $3  }
0x1: {  	(tag) =	ssettag $0x0;
	lr =	simm.s32 $0x1  }
0x2: {  	[smem:$0x3F9B] =	sst lr;
	_ =	strace $0xD0000000  }
0x3: {  	_ = 	snop  }
0x4: {  	_ = 	snop  }
0x5: {  	_ = 	snop  }
0x6: {  	_ = 	snop  }
0x7: {  	_ = 	snop  }
__scs_overlays_trampoline_lowered:
0x8: {  	[smem:$0x3FAA] =	sst s0  }
0x9: {  	[smem:$0x3FAB] =	sst s1  }
0xa: {  	[smem:$0x3FAC] =	sst s2  }
0xb: {  	[smem:$0x3FAD] =	sst s3  }
0xc: {  	[smem:$0x3FAE] =	sst s4  }
0xd: {  	[smem:$0x3FAF] =	sst s5  }
0xe: {  	[smem:$0x3FB0] =	sst s6  }
0xf: {  	[smem:$0x3FB1] =	sst s7  }
0x10: {  	[smem:$0x3FB2] =	sst s8  }
0x11: {  	[smem:$0x3FB3] =	sst s9;
	s0 =	simm.s32 @!p0 $0x0  }
0x12: {  	s1 =	sld [smem:$0x3F99];
	s0 =	simm.s32 @p0 $0x1  }
0x13: {  	[smem:$0x3FB4] =	sst s0;
	s0 =	simm.s32 @!p1 $0x0  }
0x14: {  	s2 =	sld [smem:$0x3F98];
	s0 =	simm.s32 @p1 $0x1  }
0x15: {  	[smem:$0x3FB5] =	sst s0;
	s0 =	simm.s32 @!p2 $0x0  }
0x16: {  	s3 =	sld [smem:$0x3FDB];
	s0 =	simm.s32 @p2 $0x1  }
0x17: {  	s4 =	simm.s32 $0x1BF5;
	[smem:$0x3FB7] =	sst s0  }
0x18: {  	s0 =	sld [smem:$0x3F9A];
	_ =	swait.ge [sflag:s4], $0x0  }
0x19: {  	s7 =	sld [smem:$0x3F9B]  }
0x1a: {  	s8 =	sadd.s32 $0xFFFFE003, lr  }
0x1b: {  	s9 =	sadd.s32 $0xFFFFFEF7, lr;
	s5 =	simm.s32 $0xFFFFFFFF;
	p2 =	slt.u32 s8, $0xFFFFF086  }
0x1c: {  	p1 =	slt.u32 s9, $0xF7A;
	s5 =	simm.s32 @!p2 $0x0  }
0x1d: {  	s5 =	simm.s32 @p1 $0x1;
	p0 =	seq.s32 s7, s2  }
0x1e: {  	s7 =	smul.u32 @!p0 $0xF7A, s2;
	p2 =	seq.s32 @!p0 s5, $0x0  }
0x1f: {  	s9 =	smul.u32 $0xF7A, s1;
	s8 =	simm.s32 @!p0 $0x1BF5;
	p2 =	por !p2, p0  }
0x20: {  	[sflag:s8] =	ssyncset.s32 @!p0 $0xFFFFF086;
	s6 =	sadd.s32 @!p0 s3, s7;
	s7 =	simm.s32 @!p0 $0x108  }
0x21: {  	s3 =	sadd.s32 s3, s9;
	s6 =	sadd.s32 @!p0 $0x88, s6;
	s7 =	simm.s32 @p2 $0x1082  }
0x22: {  	[simem:s7], [sflag:s8] =	dma.local @!p0 [hbm:s6], $0xF7A  }
0x23: {  	s9 =	sor.u32 $0xD0000000, s2;
	s6 =	simm.s32 $0x108;
	_ =	swait.ge @!p0 [sflag:s8], $0x0  }
0x24: {  	s3 =	sadd.s32 $0x88, s3;
	s6 =	simm.s32 @!p1 $0x1082;
	[sflag:s4] =	ssyncset.s32 $0xFFFFF086  }
0x25: {  	[simem:s6], [sflag:s4] =	dma.local [hbm:s3], $0xF7A  }
0x26: {  	[smem:$0x3F9B] =	sst s1;
	(tag) =	ssettag s2;
	_ =	strace s9  }
0x27: {  	s1 =	sld [smem:$0x3FAB]  }
0x28: {  	s2 =	sld [smem:$0x3FAC]  }
0x29: {  	s4 =	sld [smem:$0x3FAE]  }
0x2a: {  	p0 =	seq.s32 s5, $0x0;
	s5 =	sld [smem:$0x3FAF]  }
0x2b: {  	s6 =	sld [smem:$0x3FB0]  }
0x2c: {  	s7 =	sld [smem:$0x3FB1]  }
0x2d: {  	s3 =	simm.s32 $0x108;
	s8 =	sld [smem:$0x3FB2]  }
0x2e: {  	s3 =	simm.s32 @!p0 $0x1082;
	s9 =	sld [smem:$0x3FB3]  }
0x2f: {  	lr =	sadd.s32 s0, s3;
	s0 =	sld [smem:$0x3FAA]  }
0x30: {  	s3 =	sld [smem:$0x3FAD]  }
0x31: {  	[smem:$0x3FB6] =	sst s10  }
0x32: {  	s10 =	sld [smem:$0x3FB4];
	_ =	sdelay $0x3  }
0x33: {  	p0 =	seq.s32 s10, $0x1;
	s10 =	sld [smem:$0x3FB6];
	_ =	sdelay $0x3  }
0x34: {  	[smem:$0x3FB6] =	sst s10  }
0x35: {  	s10 =	sld [smem:$0x3FB5];
	_ =	sdelay $0x3  }
0x36: {  	p1 =	seq.s32 s10, $0x1;
	s10 =	sld [smem:$0x3FB6];
	_ =	sdelay $0x3  }
0x37: {  	[smem:$0x3FB6] =	sst s10  }
0x38: {  	s10 =	sld [smem:$0x3FB7]  }
0x39: {  	_ = 	snop;
	(pc) =	sbr.ind lr, $3  }
0x3a: {  	_ = 	snop  }
0x3b: {  	_ = 	snop  }
0x3c: {  	p2 =	seq.s32 s10, $0x1;
	s10 =	sld [smem:$0x3FB6]  }
0x3d: {  	_ =	shalt  }
0x3e: {  	_ =	shalt  }
0x3f: {  	_ =	shalt  }
0x40: {  	_ =	shalt  }
0x41: {  	_ =	shalt  }
0x42: {  	_ =	shalt  }
0x43: {  	_ =	shalt  }
0x44: {  	_ =	shalt  }
0x45: {  	_ =	shalt  }
0x46: {  	_ =	shalt  }
0x47: {  	_ =	shalt  }
0x48: {  	_ =	shalt  }
0x49: {  	_ =	shalt  }
0x4a: {  	_ =	shalt  }
0x4b: {  	_ =	shalt  }
0x4c: {  	_ =	shalt  }
0x4d: {  	_ =	shalt  }
0x4e: {  	_ =	shalt  }
0x4f: {  	_ =	shalt  }
0x50: {  	_ =	shalt  }
0x51: {  	_ =	shalt  }
0x52: {  	_ =	shalt  }
0x53: {  	_ =	shalt  }
0x54: {  	_ =	shalt  }
0x55: {  	_ =	shalt  }
0x56: {  	_ =	shalt  }
0x57: {  	_ =	shalt  }
0x58: {  	_ =	shalt  }
0x59: {  	_ =	shalt  }
0x5a: {  	_ =	shalt  }
0x5b: {  	_ =	shalt  }
0x5c: {  	_ =	shalt  }
0x5d: {  	_ =	shalt  }
0x5e: {  	_ =	shalt  }
0x5f: {  	_ =	shalt  }
0x60: {  	_ =	shalt  }
0x61: {  	_ =	shalt  }
0x62: {  	_ =	shalt  }
0x63: {  	_ =	shalt  }
0x64: {  	_ =	shalt  }
0x65: {  	_ =	shalt  }
0x66: {  	_ =	shalt  }
0x67: {  	_ =	shalt  }
0x68: {  	_ =	shalt  }
0x69: {  	_ =	shalt  }
0x6a: {  	_ =	shalt  }
0x6b: {  	_ =	shalt  }
0x6c: {  	_ =	shalt  }
0x6d: {  	_ =	shalt  }
0x6e: {  	_ =	shalt  }
0x6f: {  	_ =	shalt  }
0x70: {  	_ =	shalt  }
0x71: {  	_ =	shalt  }
0x72: {  	_ =	shalt  }
0x73: {  	_ =	shalt  }
0x74: {  	_ =	shalt  }
0x75: {  	_ =	shalt  }
0x76: {  	_ =	shalt  }
0x77: {  	_ =	shalt  }
0x78: {  	_ =	shalt  }
0x79: {  	_ =	shalt  }
0x7a: {  	_ =	shalt  }
0x7b: {  	_ =	shalt  }
0x7c: {  	_ =	shalt  }
0x7d: {  	_ =	shalt  }
0x7e: {  	_ =	shalt  }
0x7f: {  	_ =	shalt  }
0x80: {  	_ =	shalt  }
0x81: {  	_ =	shalt  }
0x82: {  	_ =	shalt  }
0x83: {  	_ =	shalt  }
0x84: {  	_ =	shalt  }
0x85: {  	_ =	shalt  }
0x86: {  	_ =	shalt  }
0x87: {  	_ =	shalt  }
.Lfunc_end0:
.L_simem_size_0:
called_computation_lowered:
.L_overlay_start_0:
0x88: {  	s2 =	sld [smem:$0x3FD9]  }
0x89: {  	s3 =	sld [smem:$0x3FFE];
	_ =	sdelay $0x1  }
0x8a: {  	s1 =	srdreg.scid  }
0x8b: {  	s0 =	sand.u32 $0x1, s1  }
0x8c: {  	s17 =	sshll.u32 s0, $0xA;
	s2 =	sadd.s32 s3, s2  }
0x8d: {  	s2 =	sadd.s32 s2, s17  }
0x8e: {  	[smem:$0x3FC2] =	sst s2  }
0x8f: {  	_ = 	snop  }
0x90: {  	s2 =	sld [smem:$0x3FD0];
	(tm) =	ssettm $0x1  }
0x91: {  	s18 =	sld [smem:$0x3FFB];
	_ =	sdelay $0x3  }
0x92: {  	_ =	strace s18  }
0x93: {  	s3 =	sld [smem:$0x3FFC];
	_ =	sdelay $0x3  }
0x94: {  	_ =	strace s3  }
0x95: {  	s3 =	sld [smem:$0x3FFD];
	_ =	sdelay $0x3  }
0x96: {  	_ =	strace s3  }
0x97: {  	_ =	strace $0x8FFFFFFF  }
0x98: {  	s19 =	sld [smem:$0x3FDB];
	_ =	sdelay $0x1  }
0x99: {  	s4 =	simm.s32 $_scs_section_size  }
0x9a: {  	s5 =	simm.s32 $_size__tile_overlayer_lowered;
	s6 =	simm.s32 $_tile_overlayer_lowered  }
0x9b: {  	s22 =	simm.s32 $0x1BFF;
	s21 =	sshll.u32 s6, $0x1;
	s3 =	sadd.s32 s4, s19  }
0x9c: {  	s7 =	simm.s32 $0x0;
	s20 =	sshll.u32 s5, $0x1;
	s5 =	sadd.s32 s21, s3  }
0x9d: {  	[timem:s7], [sflag:s22] =	dma.local [hbm:s5], s20  }
0x9e: {  	_ =	swait.ge [sflag:s22], s20  }
0x9f: {  	s4 =	ssub.s32 $0x0, s20;
	[sflag:s22] =	ssyncset.done $0x0  }
0xa0: {  	[sflag:s22] =	ssyncadd.s32 s4;
	_ =	sdelay $0x1  }
0xa1: {  	s23 =	simm.s32 $0x1B8B  }
0xa2: {  	_ =	swait.ge [sflag:s23], $0x1  }
0xa3: {  	[sflag:s23] =	ssyncset.done $0x0  }
0xa4: {  	s25 =	simm.s32 $0x1B8E;
	s24 =	sld [smem:$0x3FFE];
	[sflag:s23] =	ssyncadd.s32 $0xFFFFFFFF  }
0xa5: {  	s26 =	simm.s32 $execute0_lowered;
	[smem:$0x3FD2] =	sst s25  }
0xa6: {  	s5 =	sshll.u32 s26, $0x1;
	_ =	strace $0x80000046;
	[dreg:$0x1] =	wrdreg $0xFFFFFFFF  }
0xa7: {  	s28 =	simm.s32 $_size_execute0_lowered;
	s3 =	sadd.s32 s3, s5;
	[dreg:$0x0] =	wrdreg $0x0  }
0xa8: {  	s5 =	sshll.u32 s28, $0x1;
	[dreg:$0x2] =	wrdreg s3  }
0xa9: {  	[dreg:$0x3] =	wrdreg s5  }
0xaa: {  	[dreg:$0x4] =	wrdreg $0xC0  }
0xab: {  	_ =	task [dreg:s7], $0x5FFFF  }
0xac: {  	[dreg:$0x1] =	wrdreg $0xFFFFFFFF  }
0xad: {  	[dreg:$0x0] =	wrdreg $0x60  }
0xae: {  	[dreg:$0x2] =	wrdreg s24  }
0xaf: {  	[dreg:$0x3] =	wrdreg s2  }
0xb0: {  	[dreg:$0x4] =	wrdreg $0x28000  }
0xb1: {  	[dreg:$0x5] =	wrdreg $0x9  }
0xb2: {  	_ =	task.clear_ibuf [dreg:s7], $0x6FFFF;
	_ =	strace $0x90000046  }
0xb3: {  	s29 =	simm.s32 $0x9;
	_ =	strace $0x80000048  }
0xb4: {  	_ =	swait.ge [sflag:s29], $0x1  }
0xb5: {  	[sflag:s29] =	ssyncadd.s32 $0xFFFFFFFF  }
0xb6: {  	_ =	strace $0x90000048  }
0xb7: {  	_ =	sfence  }
0xb8: {  	s30 =	sld [smem:$0x0];
	_ =	sdelay $0x2  }
0xb9: {  	s31 =	sshll.u32 s1, $0xD;
	s1 =	sshrl.u32 s1, $0x2  }
0xba: {  	s3 =	sand.u32 $0x4000, s31;
	s1 =	sadd.s32 s1, s30  }
0xbb: {  	s0 =	sor.u32 s3, s0;
	s1 =	sshll.u32 s1, $0x11  }
0xbc: {  	s0 =	sor.u32 s1, s0  }
0xbd: {  	s0 =	sadd.s32 $0x8F2B, s0  }
0xbe: {  	[sflag:s0] =	ssyncadd.remote.s32 $0x1  }
0xbf: {  	_ =	sfence.sel $0xFFFF  }
0xc0: {  	[dreg:$0x0] =	wrdreg $0xFFFFFFFF;
	(pc) =	sbr.abs _section_cstart, $3  }
0xc1: {  	[dreg:$0x1] =	wrdreg $0xFFFFFFFF  }
0xc2: {  	_ =	task.clear_ibuf [dreg:s7], $0x2FFFF;
	_ =	strace $0x9FFFFFFF  }
0xc3: {  	(tm) =	ssettm $0x7FFFFFFF  }
tec
execute0_lowered:
.L_overlay_start_1:
0x0: {  	(tag) =	ssettag $0x1  }
0x1: {  	s0 =	rddreg [dreg:$0x0]  }
0x2: {  	s1 =	rddreg [dreg:$0x1]  }
0x3: {  	s2 =	rddreg [dreg:$0x2]  }
0x4: {  	s3 =	simm.s32 $0x0;
	s14 =	stileid.u32;
	s4 =	srdreg.scid  }
0x5: {  	s15 =	simm.s32 $0x1;
	s16 =	simm.s32 $0x2;
	s17 =	simm.s32 $0x3  }
0x6: {  	s18 =	simm.s32 $0x4;
	s19 =	simm.s32 $0x5;
	s20 =	simm.s32 $0x6  }
0x7: {  	s21 =	simm.s32 $0x7;
	s22 =	simm.s32 $0x8;
	s28 =	simm.s32 $0x2600  }
0x8: {  	s29 =	simm.s32 $0x2680;
	s30 =	simm.s32 $0x0;
	[smem:$0x7FF] =	sst s3  }
0x9: {  	s7 =	smul.u32 $0x280, s14;
	s8 =	sadd.s32 $0x1E00, s0;
	s6 =	sand.u32 $0x1, s4  }
0xa: {  	s23 =	sshll.u32 s14, $0x1;
	s4 =	sadd.s32 $0x15E00, s0;
	s25 =	sshll.u32 s14, $0x6  }
0xb: {  	p0 =	sgt.u32 s14, $0x1;
	s14 =	simm.s32 $0x80;
	_ =	strace $0x80000047  }
0xc: {  	s9 =	ssub.s32 $0x2, s6;
	s10 =	sor.u32 s6, s23;
	s12 =	smul.u32 $0x2800, s6  }
0xd: {  	s6 =	sor.u32 $0x1C09, s25;
	s25 =	simm.s32 $0x2500;
	s5 =	sshrl.u32 s7, $0x3  }
0xe: {  	s24 =	sshrl.u32 s9, $0x1;
	s11 =	smul.u32 $0x2700, s10;
	s13 =	sadd.s32 s7, s2  }
0xf: {  	s10 =	sshll.u32 s10, $0x4;
	s5 =	sadd.s32 s5, s0;
	s0 =	ssub.s32 s9, s24  }
0x10: {  	s7 =	sadd.s32 s7, s12;
	s12 =	simm.s32 $0x9;
	s24 =	simm.s32 $0x2480  }
0x11: {  	s5 =	sadd.s32 $0x15800, s5;
	s26 =	sshrl.u32 s11, $0x3;
	s31 =	sshrl.u32 s7, $0x3  }
0x12: {  	s11 =	sshrl.u32 s13, $0x3;
	s13 =	simm.s32 $0x2780;
	s9 =	sadd.s32 s8, s26  }
0x13: {  	s8 =	sadd.s32 s10, s8;
	s10 =	smax.u32 s0, $0x1;
	s26 =	simm.s32 $0x2580  }
0x14: {  	s7 =	sadd.s32 $0x9C40, s9;
	s8 =	sadd.s32 $0x13840, s8;
	s9 =	sadd.s32 s1, s31  }
.LBB2_1:
0x15: {  	[spmem:s11], [sflag:s6] =	dma.local [hbm:s5], $0x50  }
0x16: {  	_ =	swait.ge [sflag:s12], $0x50  }
0x17: {  	[sflag:s12] =	ssyncset.done $0x0  }
0x18: {  	[sflag:s12] =	ssyncadd.s32 $0xFFFFFFB0  }
0x19: {  	[tilespmem:s13], [sflag:$0x9] =	stream.linear.gather [hbm4b:s4+s3], $0x80, $0x38;
	[tilespmem:$0x2A80] =	vst v63  }
0x1a: {  	_ =	swait.ge [sflag:s12], $0x80  }
0x1b: {  	[sflag:s12] =	ssyncset.done $0x0  }
0x1c: {  	[sflag:s12] =	ssyncadd.s32 $0xFFFFFF80  }
0x1d: {  	[tilespmem:s3], [sflag:$0x9] =	stream.linear.gather [hbm4b:s7+s3], $0x2700, $0x38;
	[tilespmem:$0x2A80] =	vst v63  }
0x1e: {  	_ =	swait.ge [sflag:s12], $0x2700  }
0x1f: {  	[sflag:s12] =	ssyncset.done $0x0  }
0x20: {  	s0 =	simm.s32 @!p0 $0x0;
	s1 =	simm.s32 @!p0 $0x2700;
	[sflag:s12] =	ssyncadd.s32 $0xFFFFD900  }
0x21: {  	[tilespmem:s1], [sflag:$0x9] =	stream.linear.gather @!p0 [hbm4b:s8+s0], $0x80, $0x38;
	[tilespmem:$0x2A80] =	vst v63  }
0x22: {  	s0 =	simm.s32 @!p0 $0x9  }
0x23: {  	_ =	swait.ge @!p0 [sflag:s0], $0x80  }
0x24: {  	[sflag:s0] =	ssyncset.done @!p0 $0x0  }
0x25: {  	[sflag:s0] =	ssyncadd.s32 @!p0 $0xFFFFFF80  }
0x26: {  	s1 =	simm.s32 $0x0;
	[bflag:$0x0] =	sbarrier.arrive $0xFFFF  }
0x27: {  	[spmem:s2] =	stream.indirect.scatter.add.f32 [tilespmem:s13], [sflag:$0x1], $0x1, s1, s14, $0xb8;
	[tilespmem:$0x2A80] =	vst v63  }
0x28: {  	s23 =	simm.s32 $0x80  }
0x29: {  	[spmem:s2] =	stream.indirect.scatter.add.f32 [tilespmem:s13], [sflag:$0x2], $0x1, s23, s14, $0xb8;
	[tilespmem:$0x2A80] =	vst v63  }
0x2a: {  	s1 =	simm.s32 $0x100  }
0x2b: {  	[spmem:s2] =	stream.indirect.scatter.add.f32 [tilespmem:s13], [sflag:$0x3], $0x1, s1, s14, $0xb8;
	[tilespmem:$0x2A80] =	vst v63  }
0x2c: {  	s23 =	simm.s32 $0x180  }
0x2d: {  	[spmem:s2] =	stream.indirect.scatter.add.f32 [tilespmem:s13], [sflag:$0x4], $0x1, s23, s14, $0xb8;
	[tilespmem:$0x2A80] =	vst v63  }
0x2e: {  	s1 =	simm.s32 $0x200  }
0x2f: {  	[spmem:s2] =	stream.indirect.scatter.add.f32 [tilespmem:s13], [sflag:$0x5], $0x1, s1, s14, $0xb8;
	[tilespmem:$0x2A80] =	vst v63  }
0x30: {  	s23 =	simm.s32 $0x280  }
0x31: {  	[spmem:s2] =	stream.indirect.scatter.add.f32 [tilespmem:s13], [sflag:$0x6], $0x1, s23, s14, $0xb8;
	[tilespmem:$0x2A80] =	vst v63  }
0x32: {  	s1 =	simm.s32 $0x300  }
0x33: {  	[spmem:s2] =	stream.indirect.scatter.add.f32 [tilespmem:s13], [sflag:$0x7], $0x1, s1, s14, $0xb8;
	[tilespmem:$0x2A80] =	vst v63  }
0x34: {  	s23 =	simm.s32 $0x380  }
0x35: {  	[spmem:s2] =	stream.indirect.scatter.add.f32 [tilespmem:s13], [sflag:$0x8], $0x1, s23, s14, $0xb8;
	[tilespmem:$0x2A80] =	vst v63  }
0x36: {  	_ =	swait.ge [sflag:s15], $0x80  }
0x37: {  	[sflag:s15] =	ssyncset.done $0x0  }
0x38: {  	[sflag:s15] =	ssyncadd.s32 $0xFFFFFF80  }
0x39: {  	_ =	swait.ge [sflag:s16], $0x80  }
0x3a: {  	[sflag:s16] =	ssyncset.done $0x0  }
0x3b: {  	[sflag:s16] =	ssyncadd.s32 $0xFFFFFF80  }
0x3c: {  	_ =	swait.ge [sflag:s17], $0x80  }
0x3d: {  	[sflag:s17] =	ssyncset.done $0x0  }
0x3e: {  	[sflag:s17] =	ssyncadd.s32 $0xFFFFFF80  }
0x3f: {  	_ =	swait.ge [sflag:s18], $0x80  }
0x40: {  	[sflag:s18] =	ssyncset.done $0x0  }
0x41: {  	[sflag:s18] =	ssyncadd.s32 $0xFFFFFF80  }
0x42: {  	_ =	swait.ge [sflag:s19], $0x80  }
0x43: {  	[sflag:s19] =	ssyncset.done $0x0  }
0x44: {  	[sflag:s19] =	ssyncadd.s32 $0xFFFFFF80  }
0x45: {  	_ =	swait.ge [sflag:s20], $0x80  }
0x46: {  	[sflag:s20] =	ssyncset.done $0x0  }
0x47: {  	[sflag:s20] =	ssyncadd.s32 $0xFFFFFF80  }
0x48: {  	_ =	swait.ge [sflag:s21], $0x80  }
0x49: {  	[sflag:s21] =	ssyncset.done $0x0  }
0x4a: {  	[sflag:s21] =	ssyncadd.s32 $0xFFFFFF80  }
0x4b: {  	_ =	swait.ge [sflag:s22], $0x80  }
0x4c: {  	s31 =	simm.s32 $0x1000;
	s0 =	simm.s32 $0x2000;
	[sflag:s22] =	ssyncset.done $0x0  }
.LBB2_2:
0x4d: {  	s23 =	sshra.s32 s31, $0x2  }
0x4e: {  	[sflag:s22] =	ssyncadd.s32 $0xFFFFFF80;
	s31 =	smov.u32 s0;
	s1 =	sadd.s32 $0x1000, s0  }
0x4f: {  	[spmem:s2] =	stream.indirect.scatter.add.f32 [tilespmem:s13], [sflag:$0x1], $0x1, s23, s14, $0xb8;
	[tilespmem:$0x2A80] =	vst v63  }
0x50: {  	p1 =	sne.s32 s0, $0x8000;
	s0 =	sadd.s32 $0x80, s23  }
0x51: {  	[spmem:s2] =	stream.indirect.scatter.add.f32 [tilespmem:s13], [sflag:$0x2], $0x1, s0, s14, $0xb8;
	[tilespmem:$0x2A80] =	vst v63  }
0x52: {  	s0 =	sadd.s32 $0x100, s23  }
0x53: {  	[spmem:s2] =	stream.indirect.scatter.add.f32 [tilespmem:s13], [sflag:$0x3], $0x1, s0, s14, $0xb8;
	[tilespmem:$0x2A80] =	vst v63  }
0x54: {  	s0 =	sadd.s32 $0x180, s23  }
0x55: {  	[spmem:s2] =	stream.indirect.scatter.add.f32 [tilespmem:s13], [sflag:$0x4], $0x1, s0, s14, $0xb8;
	[tilespmem:$0x2A80] =	vst v63  }
0x56: {  	s0 =	sadd.s32 $0x200, s23  }
0x57: {  	[spmem:s2] =	stream.indirect.scatter.add.f32 [tilespmem:s13], [sflag:$0x5], $0x1, s0, s14, $0xb8;
	[tilespmem:$0x2A80] =	vst v63  }
0x58: {  	s0 =	sadd.s32 $0x280, s23  }
0x59: {  	[spmem:s2] =	stream.indirect.scatter.add.f32 [tilespmem:s13], [sflag:$0x6], $0x1, s0, s14, $0xb8;
	[tilespmem:$0x2A80] =	vst v63  }
0x5a: {  	s0 =	sadd.s32 $0x300, s23  }
0x5b: {  	[spmem:s2] =	stream.indirect.scatter.add.f32 [tilespmem:s13], [sflag:$0x7], $0x1, s0, s14, $0xb8;
	[tilespmem:$0x2A80] =	vst v63  }
0x5c: {  	s0 =	sadd.s32 $0x380, s23  }
0x5d: {  	[spmem:s2] =	stream.indirect.scatter.add.f32 [tilespmem:s13], [sflag:$0x8], $0x1, s0, s14, $0xb8;
	[tilespmem:$0x2A80] =	vst v63  }
0x5e: {  	_ =	swait.ge [sflag:s15], $0x80  }
0x5f: {  	[sflag:s15] =	ssyncset.done $0x0  }
0x60: {  	[sflag:s15] =	ssyncadd.s32 $0xFFFFFF80  }
0x61: {  	_ =	swait.ge [sflag:s16], $0x80  }
0x62: {  	[sflag:s16] =	ssyncset.done $0x0  }
0x63: {  	[sflag:s16] =	ssyncadd.s32 $0xFFFFFF80  }
0x64: {  	_ =	swait.ge [sflag:s17], $0x80  }
0x65: {  	[sflag:s17] =	ssyncset.done $0x0  }
0x66: {  	[sflag:s17] =	ssyncadd.s32 $0xFFFFFF80  }
0x67: {  	_ =	swait.ge [sflag:s18], $0x80  }
0x68: {  	[sflag:s18] =	ssyncset.done $0x0  }
0x69: {  	[sflag:s18] =	ssyncadd.s32 $0xFFFFFF80  }
0x6a: {  	_ =	swait.ge [sflag:s19], $0x80  }
0x6b: {  	[sflag:s19] =	ssyncset.done $0x0  }
0x6c: {  	[sflag:s19] =	ssyncadd.s32 $0xFFFFFF80  }
0x6d: {  	_ =	swait.ge [sflag:s20], $0x80  }
0x6e: {  	[sflag:s20] =	ssyncset.done $0x0  }
0x6f: {  	[sflag:s20] =	ssyncadd.s32 $0xFFFFFF80  }
.Ltmp0:
0x70: {  	_ =	swait.ge [sflag:s21], $0x80;
	(pc) =	sbr.rel @p1 .LBB2_2-.Ltmp0, $4  }
0x71: {  	[sflag:s21] =	ssyncset.done $0x0  }
0x72: {  	[sflag:s21] =	ssyncadd.s32 $0xFFFFFF80  }
0x73: {  	_ =	swait.ge [sflag:s22], $0x80  }
0x74: {  	s0 =	smov.u32 s1;
	[sflag:s22] =	ssyncset.done $0x0  }
0x75: {  	s0 =	sshra.s32 s31, $0x2;
	[sflag:s22] =	ssyncadd.s32 $0xFFFFFF80  }
0x76: {  	[spmem:s2] =	stream.indirect.scatter.add.f32 [tilespmem:s13], [sflag:$0x1], $0x1, s0, s14, $0xb8;
	[tilespmem:$0x2A80] =	vst v63  }
0x77: {  	s1 =	sadd.s32 $0x80, s0  }
0x78: {  	[spmem:s2] =	stream.indirect.scatter.add.f32 [tilespmem:s13], [sflag:$0x2], $0x1, s1, s14, $0xb8;
	[tilespmem:$0x2A80] =	vst v63  }
0x79: {  	s23 =	sadd.s32 $0x100, s0  }
0x7a: {  	[spmem:s2] =	stream.indirect.scatter.add.f32 [tilespmem:s13], [sflag:$0x3], $0x1, s23, s14, $0xb8;
	[tilespmem:$0x2A80] =	vst v63  }
0x7b: {  	s31 =	sadd.s32 $0x180, s0  }
0x7c: {  	[spmem:s2] =	stream.indirect.scatter.add.f32 [tilespmem:s13], [sflag:$0x4], $0x1, s31, s14, $0xb8;
	[tilespmem:$0x2A80] =	vst v63  }
0x7d: {  	s23 =	sadd.s32 $0x200, s0  }
0x7e: {  	[spmem:s2] =	stream.indirect.scatter.add.f32 [tilespmem:s13], [sflag:$0x5], $0x1, s23, s14, $0xb8;
	[tilespmem:$0x2A80] =	vst v63  }
0x7f: {  	s31 =	sadd.s32 $0x280, s0  }
0x80: {  	[spmem:s2] =	stream.indirect.scatter.add.f32 [tilespmem:s13], [sflag:$0x6], $0x1, s31, s14, $0xb8;
	[tilespmem:$0x2A80] =	vst v63  }
0x81: {  	s23 =	sadd.s32 $0x300, s0  }
0x82: {  	[spmem:s2] =	stream.indirect.scatter.add.f32 [tilespmem:s13], [sflag:$0x7], $0x1, s23, s14, $0xb8;
	[tilespmem:$0x2A80] =	vst v63  }
0x83: {  	s0 =	sadd.s32 $0x380, s0  }
0x84: {  	[spmem:s2] =	stream.indirect.scatter.add.f32 [tilespmem:s13], [sflag:$0x8], $0x1, s0, s14, $0xb8;
	[tilespmem:$0x2A80] =	vst v63  }
0x85: {  	_ =	swait.ge [sflag:s15], $0x80  }
0x86: {  	[sflag:s15] =	ssyncset.done $0x0  }
0x87: {  	[sflag:s15] =	ssyncadd.s32 $0xFFFFFF80  }
0x88: {  	_ =	swait.ge [sflag:s16], $0x80  }
0x89: {  	[sflag:s16] =	ssyncset.done $0x0  }
0x8a: {  	[sflag:s16] =	ssyncadd.s32 $0xFFFFFF80  }
0x8b: {  	_ =	swait.ge [sflag:s17], $0x80  }
0x8c: {  	[sflag:s17] =	ssyncset.done $0x0  }
0x8d: {  	[sflag:s17] =	ssyncadd.s32 $0xFFFFFF80  }
0x8e: {  	_ =	swait.ge [sflag:s18], $0x80  }
0x8f: {  	[sflag:s18] =	ssyncset.done $0x0  }
0x90: {  	[sflag:s18] =	ssyncadd.s32 $0xFFFFFF80  }
0x91: {  	_ =	swait.ge [sflag:s19], $0x80  }
0x92: {  	[sflag:s19] =	ssyncset.done $0x0  }
0x93: {  	[sflag:s19] =	ssyncadd.s32 $0xFFFFFF80  }
0x94: {  	_ =	swait.ge [sflag:s20], $0x80  }
0x95: {  	[sflag:s20] =	ssyncset.done $0x0  }
0x96: {  	[sflag:s20] =	ssyncadd.s32 $0xFFFFFF80  }
0x97: {  	_ =	swait.ge [sflag:s21], $0x80  }
0x98: {  	[sflag:s21] =	ssyncset.done $0x0  }
0x99: {  	[sflag:s21] =	ssyncadd.s32 $0xFFFFFF80  }
0x9a: {  	_ =	swait.ge [sflag:s22], $0x80  }
0x9b: {  	[sflag:s22] =	ssyncset.done $0x0  }
0x9c: {  	s31 =	simm.s32 $0x2400;
	[sflag:s22] =	ssyncadd.s32 $0xFFFFFF80  }
0x9d: {  	[spmem:s2] =	stream.indirect.scatter.add.f32 [tilespmem:s13], [sflag:$0x1], $0x1, s31, s14, $0xb8;
	[tilespmem:$0x2A80] =	vst v63  }
0x9e: {  	_ = 	snop  }
0x9f: {  	[spmem:s2] =	stream.indirect.scatter.add.f32 [tilespmem:s13], [sflag:$0x2], $0x1, s24, s14, $0xb8;
	[tilespmem:$0x2A80] =	vst v63  }
0xa0: {  	_ = 	snop  }
0xa1: {  	[spmem:s2] =	stream.indirect.scatter.add.f32 [tilespmem:s13], [sflag:$0x3], $0x1, s25, s14, $0xb8;
	[tilespmem:$0x2A80] =	vst v63  }
0xa2: {  	_ = 	snop  }
0xa3: {  	[spmem:s2] =	stream.indirect.scatter.add.f32 [tilespmem:s13], [sflag:$0x4], $0x1, s26, s14, $0xb8;
	[tilespmem:$0x2A80] =	vst v63  }
0xa4: {  	_ = 	snop  }
0xa5: {  	[spmem:s2] =	stream.indirect.scatter.add.f32 [tilespmem:s13], [sflag:$0x5], $0x1, s28, s14, $0xb8;
	[tilespmem:$0x2A80] =	vst v63  }
0xa6: {  	_ = 	snop  }
0xa7: {  	[spmem:s2] =	stream.indirect.scatter.add.f32 [tilespmem:s13], [sflag:$0x6], $0x1, s29, s14, $0xb8;
	[tilespmem:$0x2A80] =	vst v63  }
0xa8: {  	_ =	swait.ge [sflag:s15], $0x80  }
0xa9: {  	[sflag:s15] =	ssyncset.done $0x0  }
0xaa: {  	[sflag:s15] =	ssyncadd.s32 $0xFFFFFF80  }
0xab: {  	_ =	swait.ge [sflag:s16], $0x80  }
0xac: {  	[sflag:s16] =	ssyncset.done $0x0  }
0xad: {  	[sflag:s16] =	ssyncadd.s32 $0xFFFFFF80  }
0xae: {  	_ =	swait.ge [sflag:s17], $0x80  }
0xaf: {  	[sflag:s17] =	ssyncset.done $0x0  }
0xb0: {  	[sflag:s17] =	ssyncadd.s32 $0xFFFFFF80  }
0xb1: {  	_ =	swait.ge [sflag:s18], $0x80  }
0xb2: {  	[sflag:s18] =	ssyncset.done $0x0  }
0xb3: {  	[sflag:s18] =	ssyncadd.s32 $0xFFFFFF80  }
0xb4: {  	_ =	swait.ge [sflag:s19], $0x80  }
0xb5: {  	[sflag:s19] =	ssyncset.done $0x0  }
0xb6: {  	[sflag:s19] =	ssyncadd.s32 $0xFFFFFF80  }
0xb7: {  	_ =	swait.ge [sflag:s20], $0x80  }
0xb8: {  	s1 =	simm.s32 @!p0 $0x2700;
	[sflag:s20] =	ssyncset.done $0x0  }
0xb9: {  	s23 =	simm.s32 @!p0 $0x2780;
	s0 =	simm.s32 @!p0 $0x80;
	[sflag:s20] =	ssyncadd.s32 $0xFFFFFF80  }
0xba: {  	[spmem:s2] =	stream.indirect.scatter.add.f32 @!p0 [tilespmem:s23], [sflag:$0x1], $0x1, s1, s0, $0xb8;
	[tilespmem:$0x2A80] =	vst v63  }
0xbb: {  	s0 =	simm.s32 @!p0 $0x1  }
0xbc: {  	_ =	swait.ge @!p0 [sflag:s0], $0x80  }
0xbd: {  	s30 =	sadd.s32 $0x1, s30;
	[sflag:s0] =	ssyncset.done @!p0 $0x0  }
0xbe: {  	p1 =	sne.s32 s30, s10;
	[sflag:s0] =	ssyncadd.s32 @!p0 $0xFFFFFF80  }
.Ltmp1:
0xbf: {  	[bflag:$0x0] =	sbarrier.arrive $0xFFFF;
	(pc) =	sbr.rel @p1 .LBB2_1-.Ltmp1, $4  }
0xc0: {  	[hbm:s9], [sflag:s6] =	dma.local [spmem:s11], $0x50  }
0xc1: {  	_ =	swait.ge [sflag:s12], $0x50  }
0xc2: {  	[sflag:s12] =	ssyncset.done $0x0  }
0xc3: {  	[sflag:s12] =	ssyncadd.s32 $0xFFFFFFB0  }
0xc4: {  	_ =	sfence.sel $0x180000  }
0xc5: {  	[bflag:$0x0] =	sbarrier.arrive $0xFFFF  }
0xc6: {  	_ =	strace $0x90000047  }
0xc7: {  	s0 =	stileid.u32;
	[bflag:$0x2] =	sbarrier.arrive $0xFFFF  }
0xc8: {  	p0 =	sne.s32 s0, $0x0;
	s0 =	rddreg [dreg:$0x3]  }
0xc9: {  	s0 =	sadd.s32 @!p0 $0x100000, s0  }
0xca: {  	[sflag:s0] =	ssyncadd.tile.s32 @!p0 $0x1;
	_ =	shalt  }
.Lfunc_end2:
_tile_overlayer_lowered:
.L_overlay_start_2:
0xcb: {  	(tag) =	ssettag $0x2  }
0xcc: {  	s0 =	rddreg [dreg:$0x0];
	s2 =	stileid.u32  }
0xcd: {  	s1 =	rddreg [dreg:$0x1];
	p0 =	sne.s32 s2, $0x0  }
0xce: {  	s3 =	rddreg [dreg:$0x2];
	[bflag:$0x3] =	sbarrier.arrive $0xFFFF;
	s2 =	simm.s32 @!p0 $0x1C09  }
0xcf: {  	[timem:s3], [sflag:s2] =	dma.local @!p0 [hbm:s0], s1  }
0xd0: {  	s0 =	simm.s32 @!p0 $0x9  }
0xd1: {  	_ =	swait.ge @!p0 [sflag:s0], s1  }
0xd2: {  	s1 =	ssub.s32 @!p0 $0x0, s1;
	[sflag:s0] =	ssyncset.done @!p0 $0x0  }
0xd3: {  	[sflag:s0] =	ssyncadd.s32 @!p0 s1  }
0xd4: {  	[bflag:$0x3] =	sbarrier.arrive $0xFFFF  }
0xd5: {  	_ =	shalt  }

</sc_bundles>
